<compile_context>
chip_gen: v7x
topology: tpu7x:2x2x1
jax: 0.10.2.dev20260603
libtpu: 0.0.44.dev20260713+nightly
codegen_flags: <defaults>
</compile_context>

<pallas_src>
import functools

import jax
import jax.numpy as jnp
from jax import lax
from jax.experimental import pallas as pl
from jax.experimental.pallas import tpu as pltpu
from jax.experimental.pallas import tpu_sc as plsc

VOCAB = 1000
BATCH = 1024
SEQ = 50
NUM_CORES = 2
NUM_SUBCORES = 16
NW = NUM_CORES * NUM_SUBCORES
NVT = 125
BIG = 29
CHUNK_W = 4 * 8 * 8 * 128
ROW_W = NVT * 8 * 8 * 128

_MESH = plsc.VectorSubcoreMesh(core_axis_name="c", subcore_axis_name="s")


@functools.partial(
    pl.kernel,
    out_type=jax.ShapeDtypeStruct((SEQ, ROW_W), jnp.float32),
    mesh=_MESH,
    compiler_params=pltpu.CompilerParams(
        use_tc_tiling_on_sc=False, needs_layout_passes=False
    ),
    scratch_types=[
        pltpu.VMEM((VOCAB, 33), jnp.float32),
        pltpu.VMEM((CHUNK_W,), jnp.float32),
        pltpu.VMEM((CHUNK_W,), jnp.float32),
        pltpu.VMEM((BATCH,), jnp.int32),
        pltpu.VMEM((BATCH,), jnp.int32),
        pltpu.SemaphoreType.DMA,
        pltpu.SemaphoreType.DMA,
        pltpu.SemaphoreType.DMA,
        pltpu.SemaphoreType.DMA,
    ],
)
def _gather_kernel(idxT_hbm, table_hbm, out_hbm, loc, chunk0, chunk1,
                   idx0, idx1, si0, si1, so0, so1):
    wid = lax.axis_index("s") * NUM_CORES + lax.axis_index("c")
    big = wid < BIG
    vt0 = jnp.where(big, 4 * wid, 3 * wid + BIG)
    col0 = vt0 * 8
    obase = vt0 * (8 * 8 * 128)

    chunks = (chunk0, chunk1)
    idxs = (idx0, idx1)
    isems = (si0, si1)
    osems = (so0, so1)

    pltpu.async_copy(idxT_hbm.at[0], idx0, si0)
    pltpu.async_copy(idxT_hbm.at[1], idx1, si1)

    @pl.when(big)
    def _():
        pltpu.sync_copy(table_hbm.at[:, pl.ds(col0, 32)], loc.at[:, pl.ds(0, 32)])

    @pl.when(jnp.logical_not(big))
    def _():
        pltpu.sync_copy(table_hbm.at[:, pl.ds(col0, 24)], loc.at[:, pl.ds(0, 24)])

    def start_out(ch, sem, s):
        @pl.when(big)
        def _():
            pltpu.async_copy(ch, out_hbm.at[s, pl.ds(obase, CHUNK_W)], sem)

        @pl.when(jnp.logical_not(big))
        def _():
            pltpu.async_copy(
                ch.at[pl.ds(0, 3 * 8192)],
                out_hbm.at[s, pl.ds(obase, 3 * 8192)],
                sem,
            )

    def wait_out(ch, sem, s):
        @pl.when(big)
        def _():
            pltpu.make_async_copy(
                ch, out_hbm.at[s, pl.ds(obase, CHUNK_W)], sem
            ).wait()

        @pl.when(jnp.logical_not(big))
        def _():
            pltpu.make_async_copy(
                ch.at[pl.ds(0, 3 * 8192)],
                out_hbm.at[s, pl.ds(obase, 3 * 8192)],
                sem,
            ).wait()

    @pl.loop(0, SEQ // 2)
    def souter(so):
        for sb in range(2):
            s = so * 2 + sb
            ch, iv = chunks[sb], idxs[sb]
            pltpu.make_async_copy(idxT_hbm.at[s], iv, isems[sb]).wait()

            @pl.when(so > 0)
            def _():
                wait_out(ch, osems[sb], s - 2)

            @plsc.parallel_loop(0, BATCH // 16, step=2)
            def b0loop(b0):
                for b1 in range(2):
                    bb = b0 + b1
                    rows = iv[pl.ds(bb * 16, 16)]
                    dyn = (bb // 8) * 1024 + (bb % 8) * 16
                    for k in range(32):
                        cols = jnp.full((16,), k, jnp.int32)
                        g = plsc.load_gather(loc, [rows, cols])
                        koff = (k // 8) * 8192 + (k % 8) * 128
                        ch[pl.ds(dyn + koff, 16)] = g

            @pl.when(s + 2 < SEQ)
            def _():
                pltpu.async_copy(idxT_hbm.at[s + 2], iv, isems[sb])

            start_out(ch, osems[sb], s)

    wait_out(chunk0, so0, SEQ - 2)
    wait_out(chunk1, so1, SEQ - 1)


def kernel(idx, table):
    idx_t = idx.astype(jnp.int32).T
    out = _gather_kernel(idx_t, table)
    return (
        out.reshape(SEQ, NVT, 8, 8, 128)
        .transpose(2, 4, 0, 1, 3)
        .reshape(BATCH, SEQ, VOCAB)
    )

# --- scband reference (transcript-rebuilt; emitter-appended) ---
"""Pipeline reference for scband-bigram-language-model-79370995630732 (READ-ONLY COPY).

The authoritative reference and input builder live on the scoring server;
editing this copy changes nothing except your own understanding.
"""

import jax, jax.numpy as jnp
import numpy as np

VOCAB_SIZE = 1000
BATCH = 1024
SEQ = 50

def setup_inputs(seed: int = 0) -> dict:
    key = jax.random.key(seed)
    k_idx, k_tab = jax.random.split(key)
    idx = jax.random.randint(k_idx, (BATCH, SEQ), 0, VOCAB_SIZE, dtype=jnp.int64 if jax.config.jax_enable_x64 else jnp.int32)
    # Keras Embedding default initializer is uniform(-0.05, 0.05)
    table = jax.random.uniform(k_tab, (VOCAB_SIZE, VOCAB_SIZE), dtype=jnp.float32, minval=-0.05, maxval=0.05)
    return {"idx": idx, "table": table}

def reference(idx, table):
    # logits = token_embedding_table(idx)
    logits = jnp.take(table, idx, axis=0)
    return logits

if __name__ == "__main__":
    import jax
    _d = setup_inputs()
    print(jax.jit(kernel)(*tuple(_d.values())))

</pallas_src>

<mosaic_0001>
#map = affine_map<(d0, d1) -> (0, 0)>
module attributes {stable_mosaic.version = 14 : i64} {
  func.func @_gather_kernel(%arg0: i32, %arg1: i32, %arg2: memref<50x1024xi32, #tpu.memory_space<hbm>>, %arg3: memref<1000x1000xf32, #tpu.memory_space<hbm>>, %arg4: memref<50x1024000xf32, #tpu.memory_space<hbm>>, %arg5: memref<1000x33xf32, #tpu.memory_space<vmem>>, %arg6: memref<32768xf32, #tpu.memory_space<vmem>>, %arg7: memref<32768xf32, #tpu.memory_space<vmem>>, %arg8: memref<1024xi32, #tpu.memory_space<vmem>>, %arg9: memref<1024xi32, #tpu.memory_space<vmem>>, %arg10: memref<!tpu.dma_semaphore, #tpu.memory_space<semaphore_mem>>, %arg11: memref<!tpu.dma_semaphore, #tpu.memory_space<semaphore_mem>>, %arg12: memref<!tpu.dma_semaphore, #tpu.memory_space<semaphore_mem>>, %arg13: memref<!tpu.dma_semaphore, #tpu.memory_space<semaphore_mem>>) attributes {dimension_semantics = [#tpu.dimension_semantics<core_parallel>, #tpu.dimension_semantics<subcore_parallel>], iteration_bounds = array<i64: 2, 16>, scalar_prefetch = 0 : i64, scratch_operands = 9 : i64, tpu.core_type = #tpu.core_type<sc_vector_subcore>, window_params = [{transform_indices = #map}, {transform_indices = #map}, {transform_indices = #map}]} {
    %mul3A = arith.constant 2 : i32
    %mul3A_0 = arith.muli %arg1, %mul3A : i32
    %add3A = arith.addi %mul3A_0, %arg0 : i32
    %lt3A = arith.constant 29 : i32
    %lt3A_1 = arith.cmpi slt, %add3A, %lt3A : i32
    %mul3A_2 = arith.constant 4 : i32
    %mul3A_3 = arith.muli %mul3A_2, %add3A : i32
    %mul3A_4 = arith.constant 3 : i32
    %mul3A_5 = arith.muli %mul3A_4, %add3A : i32
    %add3A_6 = arith.constant 29 : i32
    %add3A_7 = arith.addi %mul3A_5, %add3A_6 : i32
    %select_n3A = arith.select %lt3A_1, %mul3A_3, %add3A_7 : i32
    %mul3A_8 = arith.constant 8 : i32
    %mul3A_9 = arith.muli %select_n3A, %mul3A_8 : i32
    %mul3A_10 = arith.constant 8192 : i32
    %mul3A_11 = arith.muli %select_n3A, %mul3A_10 : i32
    %dma_start3A = arith.constant 0 : i32
    %dma_start3A_12 = arith.constant 0 : i32
    %dma_start3A_13 = tpu.memref_slice %arg2[%dma_start3A, %dma_start3A_12] : memref<50x1024xi32, #tpu.memory_space<hbm>> -> memref<1x1024xi32, #tpu.memory_space<hbm>>
    %dma_start3A_14 = tpu.memref_squeeze %dma_start3A_13 : memref<1x1024xi32, #tpu.memory_space<hbm>> -> memref<1024xi32, #tpu.memory_space<hbm>>
    %dma_start3A_15 = arith.constant 0 : i32
    %dma_start3A_16 = tpu.memref_slice %arg2[%dma_start3A, %dma_start3A_15] : memref<50x1024xi32, #tpu.memory_space<hbm>> -> memref<1x1024xi32, #tpu.memory_space<hbm>>
    %dma_start3A_17 = tpu.memref_squeeze %dma_start3A_16 : memref<1x1024xi32, #tpu.memory_space<hbm>> -> memref<1024xi32, #tpu.memory_space<hbm>>
    tpu.enqueue_dma source(%dma_start3A_17 : memref<1024xi32, #tpu.memory_space<hbm>>) target(%arg8 : memref<1024xi32, #tpu.memory_space<vmem>>) target_semaphore(%arg10 : memref<!tpu.dma_semaphore, #tpu.memory_space<semaphore_mem>>)
    %dma_start3A_18 = arith.constant 1 : i32
    %dma_start3A_19 = arith.constant 0 : i32
    %dma_start3A_20 = tpu.memref_slice %arg2[%dma_start3A_18, %dma_start3A_19] : memref<50x1024xi32, #tpu.memory_space<hbm>> -> memref<1x1024xi32, #tpu.memory_space<hbm>>
    %dma_start3A_21 = tpu.memref_squeeze %dma_start3A_20 : memref<1x1024xi32, #tpu.memory_space<hbm>> -> memref<1024xi32, #tpu.memory_space<hbm>>
    %dma_start3A_22 = arith.constant 0 : i32
    %dma_start3A_23 = tpu.memref_slice %arg2[%dma_start3A_18, %dma_start3A_22] : memref<50x1024xi32, #tpu.memory_space<hbm>> -> memref<1x1024xi32, #tpu.memory_space<hbm>>
    %dma_start3A_24 = tpu.memref_squeeze %dma_start3A_23 : memref<1x1024xi32, #tpu.memory_space<hbm>> -> memref<1024xi32, #tpu.memory_space<hbm>>
    tpu.enqueue_dma source(%dma_start3A_24 : memref<1024xi32, #tpu.memory_space<hbm>>) target(%arg9 : memref<1024xi32, #tpu.memory_space<vmem>>) target_semaphore(%arg11 : memref<!tpu.dma_semaphore, #tpu.memory_space<semaphore_mem>>)
    %convert_element_type3A = arith.extui %lt3A_1 : i1 to i32
    %cond3A = arith.constant 0 : i32
    %cond3A_25 = arith.cmpi ne, %convert_element_type3A, %cond3A : i32
    scf.if %cond3A_25 {
      "tpu.region"() ({
        %run_scoped3A = tpu.sem_alloc : memref<!tpu.dma_semaphore, #tpu.memory_space<semaphore_mem>>
        %dma_start3A_50 = arith.constant 0 : i32
        %dma_start3A_51 = arith.constant 0 : i32
        %dma_start3A_52 = tpu.memref_slice %arg5[%dma_start3A_50, %dma_start3A_51] : memref<1000x33xf32, #tpu.memory_space<vmem>> -> memref<1000x32xf32, #tpu.memory_space<vmem>>
        %dma_start3A_53 = arith.constant 0 : i32
        %dma_start3A_54 = tpu.memref_slice %arg3[%dma_start3A_53, %mul3A_9] : memref<1000x1000xf32, #tpu.memory_space<hbm>> -> memref<1000x32xf32, #tpu.memory_space<hbm>>
        %dma_start3A_55 = arith.constant 0 : i32
        %dma_start3A_56 = arith.constant 0 : i32
        %dma_start3A_57 = tpu.memref_slice %arg5[%dma_start3A_55, %dma_start3A_56] : memref<1000x33xf32, #tpu.memory_space<vmem>> -> memref<1000x32xf32, #tpu.memory_space<vmem>>
        %dma_start3A_58 = arith.constant 0 : i32
        %dma_start3A_59 = tpu.memref_slice %arg3[%dma_start3A_58, %mul3A_9] : memref<1000x1000xf32, #tpu.memory_space<hbm>> -> memref<1000x32xf32, #tpu.memory_space<hbm>>
        tpu.enqueue_dma source(%dma_start3A_59 : memref<1000x32xf32, #tpu.memory_space<hbm>>) target(%dma_start3A_57 : memref<1000x32xf32, #tpu.memory_space<vmem>>) target_semaphore(%run_scoped3A : memref<!tpu.dma_semaphore, #tpu.memory_space<semaphore_mem>>)
        %dma_wait3A = arith.constant 0 : i32
        %dma_wait3A_60 = arith.constant 0 : i32
        %dma_wait3A_61 = tpu.memref_slice %arg5[%dma_wait3A, %dma_wait3A_60] : memref<1000x33xf32, #tpu.memory_space<vmem>> -> memref<1000x32xf32, #tpu.memory_space<vmem>>
        %dma_wait3A_62 = arith.constant 0 : i32
        %dma_wait3A_63 = tpu.memref_slice %arg3[%dma_wait3A_62, %mul3A_9] : memref<1000x1000xf32, #tpu.memory_space<hbm>> -> memref<1000x32xf32, #tpu.memory_space<hbm>>
        %dma_wait3A_64 = arith.constant 0 : i32
        %dma_wait3A_65 = arith.constant 0 : i32
        %dma_wait3A_66 = tpu.memref_slice %arg5[%dma_wait3A_64, %dma_wait3A_65] : memref<1000x33xf32, #tpu.memory_space<vmem>> -> memref<1000x32xf32, #tpu.memory_space<vmem>>
        %dma_wait3A_67 = arith.constant 0 : i32
        %dma_wait3A_68 = tpu.memref_slice %arg3[%dma_wait3A_67, %mul3A_9] : memref<1000x1000xf32, #tpu.memory_space<hbm>> -> memref<1000x32xf32, #tpu.memory_space<hbm>>
        tpu.wait_dma2 semaphore(%run_scoped3A : memref<!tpu.dma_semaphore, #tpu.memory_space<semaphore_mem>>) src(%dma_wait3A_68 : memref<1000x32xf32, #tpu.memory_space<hbm>>) dst(%dma_wait3A_66 : memref<1000x32xf32, #tpu.memory_space<vmem>>)
        tpu.yield
      }) : () -> ()
    } else {
    }
    %not3A = arith.constant true
    %not3A_26 = arith.xori %lt3A_1, %not3A : i1
    %convert_element_type3A_27 = arith.extui %not3A_26 : i1 to i32
    %cond3A_28 = arith.constant 0 : i32
    %cond3A_29 = arith.cmpi ne, %convert_element_type3A_27, %cond3A_28 : i32
    scf.if %cond3A_29 {
      "tpu.region"() ({
        %run_scoped3A = tpu.sem_alloc : memref<!tpu.dma_semaphore, #tpu.memory_space<semaphore_mem>>
        %dma_start3A_50 = arith.constant 0 : i32
        %dma_start3A_51 = arith.constant 0 : i32
        %dma_start3A_52 = tpu.memref_slice %arg5[%dma_start3A_50, %dma_start3A_51] : memref<1000x33xf32, #tpu.memory_space<vmem>> -> memref<1000x24xf32, #tpu.memory_space<vmem>>
        %dma_start3A_53 = arith.constant 0 : i32
        %dma_start3A_54 = tpu.memref_slice %arg3[%dma_start3A_53, %mul3A_9] : memref<1000x1000xf32, #tpu.memory_space<hbm>> -> memref<1000x24xf32, #tpu.memory_space<hbm>>
        %dma_start3A_55 = arith.constant 0 : i32
        %dma_start3A_56 = arith.constant 0 : i32
        %dma_start3A_57 = tpu.memref_slice %arg5[%dma_start3A_55, %dma_start3A_56] : memref<1000x33xf32, #tpu.memory_space<vmem>> -> memref<1000x24xf32, #tpu.memory_space<vmem>>
        %dma_start3A_58 = arith.constant 0 : i32
        %dma_start3A_59 = tpu.memref_slice %arg3[%dma_start3A_58, %mul3A_9] : memref<1000x1000xf32, #tpu.memory_space<hbm>> -> memref<1000x24xf32, #tpu.memory_space<hbm>>
        tpu.enqueue_dma source(%dma_start3A_59 : memref<1000x24xf32, #tpu.memory_space<hbm>>) target(%dma_start3A_57 : memref<1000x24xf32, #tpu.memory_space<vmem>>) target_semaphore(%run_scoped3A : memref<!tpu.dma_semaphore, #tpu.memory_space<semaphore_mem>>)
        %dma_wait3A = arith.constant 0 : i32
        %dma_wait3A_60 = arith.constant 0 : i32
        %dma_wait3A_61 = tpu.memref_slice %arg5[%dma_wait3A, %dma_wait3A_60] : memref<1000x33xf32, #tpu.memory_space<vmem>> -> memref<1000x24xf32, #tpu.memory_space<vmem>>
        %dma_wait3A_62 = arith.constant 0 : i32
        %dma_wait3A_63 = tpu.memref_slice %arg3[%dma_wait3A_62, %mul3A_9] : memref<1000x1000xf32, #tpu.memory_space<hbm>> -> memref<1000x24xf32, #tpu.memory_space<hbm>>
        %dma_wait3A_64 = arith.constant 0 : i32
        %dma_wait3A_65 = arith.constant 0 : i32
        %dma_wait3A_66 = tpu.memref_slice %arg5[%dma_wait3A_64, %dma_wait3A_65] : memref<1000x33xf32, #tpu.memory_space<vmem>> -> memref<1000x24xf32, #tpu.memory_space<vmem>>
        %dma_wait3A_67 = arith.constant 0 : i32
        %dma_wait3A_68 = tpu.memref_slice %arg3[%dma_wait3A_67, %mul3A_9] : memref<1000x1000xf32, #tpu.memory_space<hbm>> -> memref<1000x24xf32, #tpu.memory_space<hbm>>
        tpu.wait_dma2 semaphore(%run_scoped3A : memref<!tpu.dma_semaphore, #tpu.memory_space<semaphore_mem>>) src(%dma_wait3A_68 : memref<1000x24xf32, #tpu.memory_space<hbm>>) dst(%dma_wait3A_66 : memref<1000x24xf32, #tpu.memory_space<vmem>>)
        tpu.yield
      }) : () -> ()
    } else {
    }
    %scan3A = arith.constant 0 : i32
    %scan3A_30 = arith.constant 25 : i32
    %scan3A_31 = arith.addi %scan3A, %scan3A_30 : i32
    %scan3A_32 = arith.constant 1 : i32
    scf.for %scan3A_50 = %scan3A to %scan3A_31 step %scan3A_32  : i32 {
      %mul3A_51 = arith.constant 1 : i32
      %mul3A_52 = arith.muli %scan3A_50, %mul3A_51 : i32
      %add3A_53 = arith.constant 0 : i32
      %add3A_54 = arith.addi %add3A_53, %mul3A_52 : i32
      %mul3A_55 = arith.constant 2 : i32
      %mul3A_56 = arith.muli %add3A_54, %mul3A_55 : i32
      %add3A_57 = arith.constant 0 : i32
      %add3A_58 = arith.addi %mul3A_56, %add3A_57 : i32
      %dma_wait3A = arith.constant 0 : i32
      %dma_wait3A_59 = tpu.memref_slice %arg2[%add3A_58, %dma_wait3A] : memref<50x1024xi32, #tpu.memory_space<hbm>> -> memref<1x1024xi32, #tpu.memory_space<hbm>>
      %dma_wait3A_60 = tpu.memref_squeeze %dma_wait3A_59 : memref<1x1024xi32, #tpu.memory_space<hbm>> -> memref<1024xi32, #tpu.memory_space<hbm>>
      %dma_wait3A_61 = arith.constant 0 : i32
      %dma_wait3A_62 = tpu.memref_slice %arg2[%add3A_58, %dma_wait3A_61] : memref<50x1024xi32, #tpu.memory_space<hbm>> -> memref<1x1024xi32, #tpu.memory_space<hbm>>
      %dma_wait3A_63 = tpu.memref_squeeze %dma_wait3A_62 : memref<1x1024xi32, #tpu.memory_space<hbm>> -> memref<1024xi32, #tpu.memory_space<hbm>>
      tpu.wait_dma2 semaphore(%arg10 : memref<!tpu.dma_semaphore, #tpu.memory_space<semaphore_mem>>) src(%dma_wait3A_63 : memref<1024xi32, #tpu.memory_space<hbm>>) dst(%arg8 : memref<1024xi32, #tpu.memory_space<vmem>>)
      %gt3A = arith.constant 0 : i32
      %gt3A_64 = arith.cmpi sgt, %add3A_54, %gt3A : i32
      %convert_element_type3A_65 = arith.extui %gt3A_64 : i1 to i32
      %cond3A_66 = arith.constant 0 : i32
      %cond3A_67 = arith.cmpi ne, %convert_element_type3A_65, %cond3A_66 : i32
      scf.if %cond3A_67 {
        %sub3A = arith.constant 2 : i32
        %sub3A_118 = arith.subi %add3A_58, %sub3A : i32
        %convert_element_type3A_119 = arith.extui %lt3A_1 : i1 to i32
        %cond3A_120 = arith.constant 0 : i32
        %cond3A_121 = arith.cmpi ne, %convert_element_type3A_119, %cond3A_120 : i32
        scf.if %cond3A_121 {
          %dma_wait3A_127 = tpu.memref_slice %arg4[%sub3A_118, %mul3A_11] : memref<50x1024000xf32, #tpu.memory_space<hbm>> -> memref<1x32768xf32, #tpu.memory_space<hbm>>
          %dma_wait3A_128 = tpu.memref_squeeze %dma_wait3A_127 : memref<1x32768xf32, #tpu.memory_space<hbm>> -> memref<32768xf32, #tpu.memory_space<hbm>>
          %dma_wait3A_129 = tpu.memref_slice %arg4[%sub3A_118, %mul3A_11] : memref<50x1024000xf32, #tpu.memory_space<hbm>> -> memref<1x32768xf32, #tpu.memory_space<hbm>>
          %dma_wait3A_130 = tpu.memref_squeeze %dma_wait3A_129 : memref<1x32768xf32, #tpu.memory_space<hbm>> -> memref<32768xf32, #tpu.memory_space<hbm>>
          tpu.wait_dma2 semaphore(%arg12 : memref<!tpu.dma_semaphore, #tpu.memory_space<semaphore_mem>>) src(%arg6 : memref<32768xf32, #tpu.memory_space<vmem>>) dst(%dma_wait3A_130 : memref<32768xf32, #tpu.memory_space<hbm>>)
        } else {
        }
        %not3A_122 = arith.constant true
        %not3A_123 = arith.xori %lt3A_1, %not3A_122 : i1
        %convert_element_type3A_124 = arith.extui %not3A_123 : i1 to i32
        %cond3A_125 = arith.constant 0 : i32
        %cond3A_126 = arith.cmpi ne, %convert_element_type3A_124, %cond3A_125 : i32
        scf.if %cond3A_126 {
          %dma_wait3A_127 = arith.constant 0 : i32
          %dma_wait3A_128 = tpu.memref_slice %arg6[%dma_wait3A_127] : memref<32768xf32, #tpu.memory_space<vmem>> -> memref<24576xf32, #tpu.memory_space<vmem>>
          %dma_wait3A_129 = tpu.memref_slice %arg4[%sub3A_118, %mul3A_11] : memref<50x1024000xf32, #tpu.memory_space<hbm>> -> memref<1x24576xf32, #tpu.memory_space<hbm>>
          %dma_wait3A_130 = tpu.memref_squeeze %dma_wait3A_129 : memref<1x24576xf32, #tpu.memory_space<hbm>> -> memref<24576xf32, #tpu.memory_space<hbm>>
          %dma_wait3A_131 = tpu.memref_slice %arg4[%sub3A_118, %mul3A_11] : memref<50x1024000xf32, #tpu.memory_space<hbm>> -> memref<1x24576xf32, #tpu.memory_space<hbm>>
          %dma_wait3A_132 = tpu.memref_squeeze %dma_wait3A_131 : memref<1x24576xf32, #tpu.memory_space<hbm>> -> memref<24576xf32, #tpu.memory_space<hbm>>
          %dma_wait3A_133 = arith.constant 0 : i32
          %dma_wait3A_134 = tpu.memref_slice %arg6[%dma_wait3A_133] : memref<32768xf32, #tpu.memory_space<vmem>> -> memref<24576xf32, #tpu.memory_space<vmem>>
          tpu.wait_dma2 semaphore(%arg12 : memref<!tpu.dma_semaphore, #tpu.memory_space<semaphore_mem>>) src(%dma_wait3A_134 : memref<24576xf32, #tpu.memory_space<vmem>>) dst(%dma_wait3A_132 : memref<24576xf32, #tpu.memory_space<hbm>>)
        } else {
        }
      } else {
      }
      %parallel_loop3A = arith.constant 0 : i32
      %parallel_loop3A_68 = arith.constant 64 : i32
      %parallel_loop3A_69 = arith.constant 2 : i32
      scf.for %parallel_loop3A_118 = %parallel_loop3A to %parallel_loop3A_68 step %parallel_loop3A_69  : i32 {
        %parallel_loop3A_119 = arith.constant 0 : i32
        %parallel_loop3A_120 = arith.addi %parallel_loop3A_118, %parallel_loop3A_119 : i32
        %parallel_loop3A_121 = arith.constant 16 : i32
        %parallel_loop3A_122 = arith.muli %parallel_loop3A_120, %parallel_loop3A_121 : i32
        %parallel_loop3A_123 = arith.index_cast %parallel_loop3A_122 : i32 to index
        %parallel_loop3A_124 = tpu.vector_load %arg8[%parallel_loop3A_123] {strides = array<i32>} : memref<1024xi32, #tpu.memory_space<vmem>>, vector<16xi32>,
        %parallel_loop3A_125 = arith.constant 8 : i32
        %parallel_loop3A_126 = arith.divsi %parallel_loop3A_120, %parallel_loop3A_125 : i32
        %parallel_loop3A_127 = arith.constant 0 : i32
        %parallel_loop3A_128 = arith.cmpi sgt, %parallel_loop3A_120, %parallel_loop3A_127 : i32
        %parallel_loop3A_129 = arith.extui %parallel_loop3A_128 : i1 to i32
        %parallel_loop3A_130 = arith.constant 0 : i32
        %parallel_loop3A_131 = arith.cmpi slt, %parallel_loop3A_120, %parallel_loop3A_130 : i32
        %parallel_loop3A_132 = arith.extui %parallel_loop3A_131 : i1 to i32
        %parallel_loop3A_133 = arith.subi %parallel_loop3A_129, %parallel_loop3A_132 : i32
        %parallel_loop3A_134 = arith.constant 0 : i32
        %parallel_loop3A_135 = arith.cmpi sgt, %parallel_loop3A_125, %parallel_loop3A_134 : i32
        %parallel_loop3A_136 = arith.extui %parallel_loop3A_135 : i1 to i32
        %parallel_loop3A_137 = arith.constant 0 : i32
        %parallel_loop3A_138 = arith.cmpi slt, %parallel_loop3A_125, %parallel_loop3A_137 : i32
        %parallel_loop3A_139 = arith.extui %parallel_loop3A_138 : i1 to i32
        %parallel_loop3A_140 = arith.subi %parallel_loop3A_136, %parallel_loop3A_139 : i32
        %parallel_loop3A_141 = arith.cmpi ne, %parallel_loop3A_133, %parallel_loop3A_140 : i32
        %parallel_loop3A_142 = arith.remsi %parallel_loop3A_120, %parallel_loop3A_125 : i32
        %parallel_loop3A_143 = arith.constant 0 : i32
        %parallel_loop3A_144 = arith.cmpi ne, %parallel_loop3A_142, %parallel_loop3A_143 : i32
        %parallel_loop3A_145 = arith.andi %parallel_loop3A_141, %parallel_loop3A_144 : i1
        %parallel_loop3A_146 = arith.constant 1 : i32
        %parallel_loop3A_147 = arith.subi %parallel_loop3A_126, %parallel_loop3A_146 : i32
        %parallel_loop3A_148 = arith.select %parallel_loop3A_145, %parallel_loop3A_147, %parallel_loop3A_126 : i32
        %parallel_loop3A_149 = arith.constant 1024 : i32
        %parallel_loop3A_150 = arith.muli %parallel_loop3A_148, %parallel_loop3A_149 : i32
        %parallel_loop3A_151 = arith.constant 8 : i32
        %parallel_loop3A_152 = arith.constant 0 : i32
        %parallel_loop3A_153 = arith.cmpi eq, %parallel_loop3A_151, %parallel_loop3A_152 : i32
        %parallel_loop3A_154 = arith.constant 1 : i32
        %parallel_loop3A_155 = arith.select %parallel_loop3A_153, %parallel_loop3A_154, %parallel_loop3A_151 : i32
        %parallel_loop3A_156 = arith.remsi %parallel_loop3A_120, %parallel_loop3A_155 : i32
        %parallel_loop3A_157 = arith.constant 0 : i32
        %parallel_loop3A_158 = arith.cmpi ne, %parallel_loop3A_156, %parallel_loop3A_157 : i32
        %parallel_loop3A_159 = arith.constant 0 : i32
        %parallel_loop3A_160 = arith.cmpi slt, %parallel_loop3A_156, %parallel_loop3A_159 : i32
        %parallel_loop3A_161 = arith.constant 0 : i32
        %parallel_loop3A_162 = arith.cmpi slt, %parallel_loop3A_155, %parallel_loop3A_161 : i32
        %parallel_loop3A_163 = arith.xori %parallel_loop3A_160, %parallel_loop3A_162 : i1
        %parallel_loop3A_164 = arith.andi %parallel_loop3A_163, %parallel_loop3A_158 : i1
        %parallel_loop3A_165 = arith.addi %parallel_loop3A_156, %parallel_loop3A_155 : i32
        %parallel_loop3A_166 = arith.select %parallel_loop3A_164, %parallel_loop3A_165, %parallel_loop3A_156 : i32
        %parallel_loop3A_167 = arith.constant 16 : i32
        %parallel_loop3A_168 = arith.muli %parallel_loop3A_166, %parallel_loop3A_167 : i32
        %parallel_loop3A_169 = arith.addi %parallel_loop3A_150, %parallel_loop3A_168 : i32
        %parallel_loop3A_170 = arith.constant 0 : i32
        %parallel_loop3A_171 = vector.broadcast %parallel_loop3A_170 : i32 to vector<16xi32>
        %parallel_loop3A_172 = tpu.vector_load_idx %arg5[%parallel_loop3A_124, %parallel_loop3A_171] : memref<1000x33xf32, #tpu.memory_space<vmem>>[vector<16xi32>, vector<16xi32>], vector<16xf32>,
        %parallel_loop3A_173 = arith.constant 0 : i32
        %parallel_loop3A_174 = arith.addi %parallel_loop3A_169, %parallel_loop3A_173 : i32
        %parallel_loop3A_175 = arith.index_cast %parallel_loop3A_174 : i32 to index
        %parallel_loop3A_176 = tpu.vector_load %arg6[%parallel_loop3A_175] {strides = array<i32>} : memref<32768xf32, #tpu.memory_space<vmem>>, vector<16xf32>,
        tpu.vector_store %arg6[%parallel_loop3A_175], %parallel_loop3A_172 {strides = array<i32>} : memref<32768xf32, #tpu.memory_space<vmem>>, vector<16xf32>,
        %parallel_loop3A_177 = arith.constant 1 : i32
        %parallel_loop3A_178 = vector.broadcast %parallel_loop3A_177 : i32 to vector<16xi32>
        %parallel_loop3A_179 = tpu.vector_load_idx %arg5[%parallel_loop3A_124, %parallel_loop3A_178] : memref<1000x33xf32, #tpu.memory_space<vmem>>[vector<16xi32>, vector<16xi32>], vector<16xf32>,
        %parallel_loop3A_180 = arith.constant 128 : i32
        %parallel_loop3A_181 = arith.addi %parallel_loop3A_169, %parallel_loop3A_180 : i32
        %parallel_loop3A_182 = arith.index_cast %parallel_loop3A_181 : i32 to index
        %parallel_loop3A_183 = tpu.vector_load %arg6[%parallel_loop3A_182] {strides = array<i32>} : memref<32768xf32, #tpu.memory_space<vmem>>, vector<16xf32>,
        tpu.vector_store %arg6[%parallel_loop3A_182], %parallel_loop3A_179 {strides = array<i32>} : memref<32768xf32, #tpu.memory_space<vmem>>, vector<16xf32>,
        %parallel_loop3A_184 = arith.constant 2 : i32
        %parallel_loop3A_185 = vector.broadcast %parallel_loop3A_184 : i32 to vector<16xi32>
        %parallel_loop3A_186 = tpu.vector_load_idx %arg5[%parallel_loop3A_124, %parallel_loop3A_185] : memref<1000x33xf32, #tpu.memory_space<vmem>>[vector<16xi32>, vector<16xi32>], vector<16xf32>,
        %parallel_loop3A_187 = arith.constant 256 : i32
        %parallel_loop3A_188 = arith.addi %parallel_loop3A_169, %parallel_loop3A_187 : i32
        %parallel_loop3A_189 = arith.index_cast %parallel_loop3A_188 : i32 to index
        %parallel_loop3A_190 = tpu.vector_load %arg6[%parallel_loop3A_189] {strides = array<i32>} : memref<32768xf32, #tpu.memory_space<vmem>>, vector<16xf32>,
        tpu.vector_store %arg6[%parallel_loop3A_189], %parallel_loop3A_186 {strides = array<i32>} : memref<32768xf32, #tpu.memory_space<vmem>>, vector<16xf32>,
        %parallel_loop3A_191 = arith.constant 3 : i32
        %parallel_loop3A_192 = vector.broadcast %parallel_loop3A_191 : i32 to vector<16xi32>
        %parallel_loop3A_193 = tpu.vector_load_idx %arg5[%parallel_loop3A_124, %parallel_loop3A_192] : memref<1000x33xf32, #tpu.memory_space<vmem>>[vector<16xi32>, vector<16xi32>], vector<16xf32>,
        %parallel_loop3A_194 = arith.constant 384 : i32
        %parallel_loop3A_195 = arith.addi %parallel_loop3A_169, %parallel_loop3A_194 : i32
        %parallel_loop3A_196 = arith.index_cast %parallel_loop3A_195 : i32 to index
        %parallel_loop3A_197 = tpu.vector_load %arg6[%parallel_loop3A_196] {strides = array<i32>} : memref<32768xf32, #tpu.memory_space<vmem>>, vector<16xf32>,
        tpu.vector_store %arg6[%parallel_loop3A_196], %parallel_loop3A_193 {strides = array<i32>} : memref<32768xf32, #tpu.memory_space<vmem>>, vector<16xf32>,
        %parallel_loop3A_198 = arith.constant 4 : i32
        %parallel_loop3A_199 = vector.broadcast %parallel_loop3A_198 : i32 to vector<16xi32>
        %parallel_loop3A_200 = tpu.vector_load_idx %arg5[%parallel_loop3A_124, %parallel_loop3A_199] : memref<1000x33xf32, #tpu.memory_space<vmem>>[vector<16xi32>, vector<16xi32>], vector<16xf32>,
        %parallel_loop3A_201 = arith.constant 512 : i32
        %parallel_loop3A_202 = arith.addi %parallel_loop3A_169, %parallel_loop3A_201 : i32
        %parallel_loop3A_203 = arith.index_cast %parallel_loop3A_202 : i32 to index
        %parallel_loop3A_204 = tpu.vector_load %arg6[%parallel_loop3A_203] {strides = array<i32>} : memref<32768xf32, #tpu.memory_space<vmem>>, vector<16xf32>,
        tpu.vector_store %arg6[%parallel_loop3A_203], %parallel_loop3A_200 {strides = array<i32>} : memref<32768xf32, #tpu.memory_space<vmem>>, vector<16xf32>,
        %parallel_loop3A_205 = arith.constant 5 : i32
        %parallel_loop3A_206 = vector.broadcast %parallel_loop3A_205 : i32 to vector<16xi32>
        %parallel_loop3A_207 = tpu.vector_load_idx %arg5[%parallel_loop3A_124, %parallel_loop3A_206] : memref<1000x33xf32, #tpu.memory_space<vmem>>[vector<16xi32>, vector<16xi32>], vector<16xf32>,
        %parallel_loop3A_208 = arith.constant 640 : i32
        %parallel_loop3A_209 = arith.addi %parallel_loop3A_169, %parallel_loop3A_208 : i32
        %parallel_loop3A_210 = arith.index_cast %parallel_loop3A_209 : i32 to index
        %parallel_loop3A_211 = tpu.vector_load %arg6[%parallel_loop3A_210] {strides = array<i32>} : memref<32768xf32, #tpu.memory_space<vmem>>, vector<16xf32>,
        tpu.vector_store %arg6[%parallel_loop3A_210], %parallel_loop3A_207 {strides = array<i32>} : memref<32768xf32, #tpu.memory_space<vmem>>, vector<16xf32>,
        %parallel_loop3A_212 = arith.constant 6 : i32
        %parallel_loop3A_213 = vector.broadcast %parallel_loop3A_212 : i32 to vector<16xi32>
        %parallel_loop3A_214 = tpu.vector_load_idx %arg5[%parallel_loop3A_124, %parallel_loop3A_213] : memref<1000x33xf32, #tpu.memory_space<vmem>>[vector<16xi32>, vector<16xi32>], vector<16xf32>,
        %parallel_loop3A_215 = arith.constant 768 : i32
        %parallel_loop3A_216 = arith.addi %parallel_loop3A_169, %parallel_loop3A_215 : i32
        %parallel_loop3A_217 = arith.index_cast %parallel_loop3A_216 : i32 to index
        %parallel_loop3A_218 = tpu.vector_load %arg6[%parallel_loop3A_217] {strides = array<i32>} : memref<32768xf32, #tpu.memory_space<vmem>>, vector<16xf32>,
        tpu.vector_store %arg6[%parallel_loop3A_217], %parallel_loop3A_214 {strides = array<i32>} : memref<32768xf32, #tpu.memory_space<vmem>>, vector<16xf32>,
        %parallel_loop3A_219 = arith.constant 7 : i32
        %parallel_loop3A_220 = vector.broadcast %parallel_loop3A_219 : i32 to vector<16xi32>
        %parallel_loop3A_221 = tpu.vector_load_idx %arg5[%parallel_loop3A_124, %parallel_loop3A_220] : memref<1000x33xf32, #tpu.memory_space<vmem>>[vector<16xi32>, vector<16xi32>], vector<16xf32>,
        %parallel_loop3A_222 = arith.constant 896 : i32
        %parallel_loop3A_223 = arith.addi %parallel_loop3A_169, %parallel_loop3A_222 : i32
        %parallel_loop3A_224 = arith.index_cast %parallel_loop3A_223 : i32 to index
        %parallel_loop3A_225 = tpu.vector_load %arg6[%parallel_loop3A_224] {strides = array<i32>} : memref<32768xf32, #tpu.memory_space<vmem>>, vector<16xf32>,
        tpu.vector_store %arg6[%parallel_loop3A_224], %parallel_loop3A_221 {strides = array<i32>} : memref<32768xf32, #tpu.memory_space<vmem>>, vector<16xf32>,
        %parallel_loop3A_226 = arith.constant 8 : i32
        %parallel_loop3A_227 = vector.broadcast %parallel_loop3A_226 : i32 to vector<16xi32>
        %parallel_loop3A_228 = tpu.vector_load_idx %arg5[%parallel_loop3A_124, %parallel_loop3A_227] : memref<1000x33xf32, #tpu.memory_space<vmem>>[vector<16xi32>, vector<16xi32>], vector<16xf32>,
        %parallel_loop3A_229 = arith.constant 8192 : i32
        %parallel_loop3A_230 = arith.addi %parallel_loop3A_169, %parallel_loop3A_229 : i32
        %parallel_loop3A_231 = arith.index_cast %parallel_loop3A_230 : i32 to index
        %parallel_loop3A_232 = tpu.vector_load %arg6[%parallel_loop3A_231] {strides = array<i32>} : memref<32768xf32, #tpu.memory_space<vmem>>, vector<16xf32>,
        tpu.vector_store %arg6[%parallel_loop3A_231], %parallel_loop3A_228 {strides = array<i32>} : memref<32768xf32, #tpu.memory_space<vmem>>, vector<16xf32>,
        %parallel_loop3A_233 = arith.constant 9 : i32
        %parallel_loop3A_234 = vector.broadcast %parallel_loop3A_233 : i32 to vector<16xi32>
        %parallel_loop3A_235 = tpu.vector_load_idx %arg5[%parallel_loop3A_124, %parallel_loop3A_234] : memref<1000x33xf32, #tpu.memory_space<vmem>>[vector<16xi32>, vector<16xi32>], vector<16xf32>,
        %parallel_loop3A_236 = arith.constant 8320 : i32
        %parallel_loop3A_237 = arith.addi %parallel_loop3A_169, %parallel_loop3A_236 : i32
        %parallel_loop3A_238 = arith.index_cast %parallel_loop3A_237 : i32 to index
        %parallel_loop3A_239 = tpu.vector_load %arg6[%parallel_loop3A_238] {strides = array<i32>} : memref<32768xf32, #tpu.memory_space<vmem>>, vector<16xf32>,
        tpu.vector_store %arg6[%parallel_loop3A_238], %parallel_loop3A_235 {strides = array<i32>} : memref<32768xf32, #tpu.memory_space<vmem>>, vector<16xf32>,
        %parallel_loop3A_240 = arith.constant 10 : i32
        %parallel_loop3A_241 = vector.broadcast %parallel_loop3A_240 : i32 to vector<16xi32>
        %parallel_loop3A_242 = tpu.vector_load_idx %arg5[%parallel_loop3A_124, %parallel_loop3A_241] : memref<1000x33xf32, #tpu.memory_space<vmem>>[vector<16xi32>, vector<16xi32>], vector<16xf32>,
        %parallel_loop3A_243 = arith.constant 8448 : i32
        %parallel_loop3A_244 = arith.addi %parallel_loop3A_169, %parallel_loop3A_243 : i32
        %parallel_loop3A_245 = arith.index_cast %parallel_loop3A_244 : i32 to index
        %parallel_loop3A_246 = tpu.vector_load %arg6[%parallel_loop3A_245] {strides = array<i32>} : memref<32768xf32, #tpu.memory_space<vmem>>, vector<16xf32>,
        tpu.vector_store %arg6[%parallel_loop3A_245], %parallel_loop3A_242 {strides = array<i32>} : memref<32768xf32, #tpu.memory_space<vmem>>, vector<16xf32>,
        %parallel_loop3A_247 = arith.constant 11 : i32
        %parallel_loop3A_248 = vector.broadcast %parallel_loop3A_247 : i32 to vector<16xi32>
        %parallel_loop3A_249 = tpu.vector_load_idx %arg5[%parallel_loop3A_124, %parallel_loop3A_248] : memref<1000x33xf32, #tpu.memory_space<vmem>>[vector<16xi32>, vector<16xi32>], vector<16xf32>,
        %parallel_loop3A_250 = arith.constant 8576 : i32
        %parallel_loop3A_251 = arith.addi %parallel_loop3A_169, %parallel_loop3A_250 : i32
        %parallel_loop3A_252 = arith.index_cast %parallel_loop3A_251 : i32 to index
        %parallel_loop3A_253 = tpu.vector_load %arg6[%parallel_loop3A_252] {strides = array<i32>} : memref<32768xf32, #tpu.memory_space<vmem>>, vector<16xf32>,
        tpu.vector_store %arg6[%parallel_loop3A_252], %parallel_loop3A_249 {strides = array<i32>} : memref<32768xf32, #tpu.memory_space<vmem>>, vector<16xf32>,
        %parallel_loop3A_254 = arith.constant 12 : i32
        %parallel_loop3A_255 = vector.broadcast %parallel_loop3A_254 : i32 to vector<16xi32>
        %parallel_loop3A_256 = tpu.vector_load_idx %arg5[%parallel_loop3A_124, %parallel_loop3A_255] : memref<1000x33xf32, #tpu.memory_space<vmem>>[vector<16xi32>, vector<16xi32>], vector<16xf32>,
        %parallel_loop3A_257 = arith.constant 8704 : i32
        %parallel_loop3A_258 = arith.addi %parallel_loop3A_169, %parallel_loop3A_257 : i32
        %parallel_loop3A_259 = arith.index_cast %parallel_loop3A_258 : i32 to index
        %parallel_loop3A_260 = tpu.vector_load %arg6[%parallel_loop3A_259] {strides = array<i32>} : memref<32768xf32, #tpu.memory_space<vmem>>, vector<16xf32>,
        tpu.vector_store %arg6[%parallel_loop3A_259], %parallel_loop3A_256 {strides = array<i32>} : memref<32768xf32, #tpu.memory_space<vmem>>, vector<16xf32>,
        %parallel_loop3A_261 = arith.constant 13 : i32
        %parallel_loop3A_262 = vector.broadcast %parallel_loop3A_261 : i32 to vector<16xi32>
        %parallel_loop3A_263 = tpu.vector_load_idx %arg5[%parallel_loop3A_124, %parallel_loop3A_262] : memref<1000x33xf32, #tpu.memory_space<vmem>>[vector<16xi32>, vector<16xi32>], vector<16xf32>,
        %parallel_loop3A_264 = arith.constant 8832 : i32
        %parallel_loop3A_265 = arith.addi %parallel_loop3A_169, %parallel_loop3A_264 : i32
        %parallel_loop3A_266 = arith.index_cast %parallel_loop3A_265 : i32 to index
        %parallel_loop3A_267 = tpu.vector_load %arg6[%parallel_loop3A_266] {strides = array<i32>} : memref<32768xf32, #tpu.memory_space<vmem>>, vector<16xf32>,
        tpu.vector_store %arg6[%parallel_loop3A_266], %parallel_loop3A_263 {strides = array<i32>} : memref<32768xf32, #tpu.memory_space<vmem>>, vector<16xf32>,
        %parallel_loop3A_268 = arith.constant 14 : i32
        %parallel_loop3A_269 = vector.broadcast %parallel_loop3A_268 : i32 to vector<16xi32>
        %parallel_loop3A_270 = tpu.vector_load_idx %arg5[%parallel_loop3A_124, %parallel_loop3A_269] : memref<1000x33xf32, #tpu.memory_space<vmem>>[vector<16xi32>, vector<16xi32>], vector<16xf32>,
        %parallel_loop3A_271 = arith.constant 8960 : i32
        %parallel_loop3A_272 = arith.addi %parallel_loop3A_169, %parallel_loop3A_271 : i32
        %parallel_loop3A_273 = arith.index_cast %parallel_loop3A_272 : i32 to index
        %parallel_loop3A_274 = tpu.vector_load %arg6[%parallel_loop3A_273] {strides = array<i32>} : memref<32768xf32, #tpu.memory_space<vmem>>, vector<16xf32>,
        tpu.vector_store %arg6[%parallel_loop3A_273], %parallel_loop3A_270 {strides = array<i32>} : memref<32768xf32, #tpu.memory_space<vmem>>, vector<16xf32>,
        %parallel_loop3A_275 = arith.constant 15 : i32
        %parallel_loop3A_276 = vector.broadcast %parallel_loop3A_275 : i32 to vector<16xi32>
        %parallel_loop3A_277 = tpu.vector_load_idx %arg5[%parallel_loop3A_124, %parallel_loop3A_276] : memref<1000x33xf32, #tpu.memory_space<vmem>>[vector<16xi32>, vector<16xi32>], vector<16xf32>,
        %parallel_loop3A_278 = arith.constant 9088 : i32
        %parallel_loop3A_279 = arith.addi %parallel_loop3A_169, %parallel_loop3A_278 : i32
        %parallel_loop3A_280 = arith.index_cast %parallel_loop3A_279 : i32 to index
        %parallel_loop3A_281 = tpu.vector_load %arg6[%parallel_loop3A_280] {strides = array<i32>} : memref<32768xf32, #tpu.memory_space<vmem>>, vector<16xf32>,
        tpu.vector_store %arg6[%parallel_loop3A_280], %parallel_loop3A_277 {strides = array<i32>} : memref<32768xf32, #tpu.memory_space<vmem>>, vector<16xf32>,
        %parallel_loop3A_282 = arith.constant 16 : i32
        %parallel_loop3A_283 = vector.broadcast %parallel_loop3A_282 : i32 to vector<16xi32>
        %parallel_loop3A_284 = tpu.vector_load_idx %arg5[%parallel_loop3A_124, %parallel_loop3A_283] : memref<1000x33xf32, #tpu.memory_space<vmem>>[vector<16xi32>, vector<16xi32>], vector<16xf32>,
        %parallel_loop3A_285 = arith.constant 16384 : i32
        %parallel_loop3A_286 = arith.addi %parallel_loop3A_169, %parallel_loop3A_285 : i32
        %parallel_loop3A_287 = arith.index_cast %parallel_loop3A_286 : i32 to index
        %parallel_loop3A_288 = tpu.vector_load %arg6[%parallel_loop3A_287] {strides = array<i32>} : memref<32768xf32, #tpu.memory_space<vmem>>, vector<16xf32>,
        tpu.vector_store %arg6[%parallel_loop3A_287], %parallel_loop3A_284 {strides = array<i32>} : memref<32768xf32, #tpu.memory_space<vmem>>, vector<16xf32>,
        %parallel_loop3A_289 = arith.constant 17 : i32
        %parallel_loop3A_290 = vector.broadcast %parallel_loop3A_289 : i32 to vector<16xi32>
        %parallel_loop3A_291 = tpu.vector_load_idx %arg5[%parallel_loop3A_124, %parallel_loop3A_290] : memref<1000x33xf32, #tpu.memory_space<vmem>>[vector<16xi32>, vector<16xi32>], vector<16xf32>,
        %parallel_loop3A_292 = arith.constant 16512 : i32
        %parallel_loop3A_293 = arith.addi %parallel_loop3A_169, %parallel_loop3A_292 : i32
        %parallel_loop3A_294 = arith.index_cast %parallel_loop3A_293 : i32 to index
        %parallel_loop3A_295 = tpu.vector_load %arg6[%parallel_loop3A_294] {strides = array<i32>} : memref<32768xf32, #tpu.memory_space<vmem>>, vector<16xf32>,
        tpu.vector_store %arg6[%parallel_loop3A_294], %parallel_loop3A_291 {strides = array<i32>} : memref<32768xf32, #tpu.memory_space<vmem>>, vector<16xf32>,
        %parallel_loop3A_296 = arith.constant 18 : i32
        %parallel_loop3A_297 = vector.broadcast %parallel_loop3A_296 : i32 to vector<16xi32>
        %parallel_loop3A_298 = tpu.vector_load_idx %arg5[%parallel_loop3A_124, %parallel_loop3A_297] : memref<1000x33xf32, #tpu.memory_space<vmem>>[vector<16xi32>, vector<16xi32>], vector<16xf32>,
        %parallel_loop3A_299 = arith.constant 16640 : i32
        %parallel_loop3A_300 = arith.addi %parallel_loop3A_169, %parallel_loop3A_299 : i32
        %parallel_loop3A_301 = arith.index_cast %parallel_loop3A_300 : i32 to index
        %parallel_loop3A_302 = tpu.vector_load %arg6[%parallel_loop3A_301] {strides = array<i32>} : memref<32768xf32, #tpu.memory_space<vmem>>, vector<16xf32>,
        tpu.vector_store %arg6[%parallel_loop3A_301], %parallel_loop3A_298 {strides = array<i32>} : memref<32768xf32, #tpu.memory_space<vmem>>, vector<16xf32>,
        %parallel_loop3A_303 = arith.constant 19 : i32
        %parallel_loop3A_304 = vector.broadcast %parallel_loop3A_303 : i32 to vector<16xi32>
        %parallel_loop3A_305 = tpu.vector_load_idx %arg5[%parallel_loop3A_124, %parallel_loop3A_304] : memref<1000x33xf32, #tpu.memory_space<vmem>>[vector<16xi32>, vector<16xi32>], vector<16xf32>,
        %parallel_loop3A_306 = arith.constant 16768 : i32
        %parallel_loop3A_307 = arith.addi %parallel_loop3A_169, %parallel_loop3A_306 : i32
        %parallel_loop3A_308 = arith.index_cast %parallel_loop3A_307 : i32 to index
        %parallel_loop3A_309 = tpu.vector_load %arg6[%parallel_loop3A_308] {strides = array<i32>} : memref<32768xf32, #tpu.memory_space<vmem>>, vector<16xf32>,
        tpu.vector_store %arg6[%parallel_loop3A_308], %parallel_loop3A_305 {strides = array<i32>} : memref<32768xf32, #tpu.memory_space<vmem>>, vector<16xf32>,
        %parallel_loop3A_310 = arith.constant 20 : i32
        %parallel_loop3A_311 = vector.broadcast %parallel_loop3A_310 : i32 to vector<16xi32>
        %parallel_loop3A_312 = tpu.vector_load_idx %arg5[%parallel_loop3A_124, %parallel_loop3A_311] : memref<1000x33xf32, #tpu.memory_space<vmem>>[vector<16xi32>, vector<16xi32>], vector<16xf32>,
        %parallel_loop3A_313 = arith.constant 16896 : i32
        %parallel_loop3A_314 = arith.addi %parallel_loop3A_169, %parallel_loop3A_313 : i32
        %parallel_loop3A_315 = arith.index_cast %parallel_loop3A_314 : i32 to index
        %parallel_loop3A_316 = tpu.vector_load %arg6[%parallel_loop3A_315] {strides = array<i32>} : memref<32768xf32, #tpu.memory_space<vmem>>, vector<16xf32>,
        tpu.vector_store %arg6[%parallel_loop3A_315], %parallel_loop3A_312 {strides = array<i32>} : memref<32768xf32, #tpu.memory_space<vmem>>, vector<16xf32>,
        %parallel_loop3A_317 = arith.constant 21 : i32
        %parallel_loop3A_318 = vector.broadcast %parallel_loop3A_317 : i32 to vector<16xi32>
        %parallel_loop3A_319 = tpu.vector_load_idx %arg5[%parallel_loop3A_124, %parallel_loop3A_318] : memref<1000x33xf32, #tpu.memory_space<vmem>>[vector<16xi32>, vector<16xi32>], vector<16xf32>,
        %parallel_loop3A_320 = arith.constant 17024 : i32
        %parallel_loop3A_321 = arith.addi %parallel_loop3A_169, %parallel_loop3A_320 : i32
        %parallel_loop3A_322 = arith.index_cast %parallel_loop3A_321 : i32 to index
        %parallel_loop3A_323 = tpu.vector_load %arg6[%parallel_loop3A_322] {strides = array<i32>} : memref<32768xf32, #tpu.memory_space<vmem>>, vector<16xf32>,
        tpu.vector_store %arg6[%parallel_loop3A_322], %parallel_loop3A_319 {strides = array<i32>} : memref<32768xf32, #tpu.memory_space<vmem>>, vector<16xf32>,
        %parallel_loop3A_324 = arith.constant 22 : i32
        %parallel_loop3A_325 = vector.broadcast %parallel_loop3A_324 : i32 to vector<16xi32>
        %parallel_loop3A_326 = tpu.vector_load_idx %arg5[%parallel_loop3A_124, %parallel_loop3A_325] : memref<1000x33xf32, #tpu.memory_space<vmem>>[vector<16xi32>, vector<16xi32>], vector<16xf32>,
        %parallel_loop3A_327 = arith.constant 17152 : i32
        %parallel_loop3A_328 = arith.addi %parallel_loop3A_169, %parallel_loop3A_327 : i32
        %parallel_loop3A_329 = arith.index_cast %parallel_loop3A_328 : i32 to index
        %parallel_loop3A_330 = tpu.vector_load %arg6[%parallel_loop3A_329] {strides = array<i32>} : memref<32768xf32, #tpu.memory_space<vmem>>, vector<16xf32>,
        tpu.vector_store %arg6[%parallel_loop3A_329], %parallel_loop3A_326 {strides = array<i32>} : memref<32768xf32, #tpu.memory_space<vmem>>, vector<16xf32>,
        %parallel_loop3A_331 = arith.constant 23 : i32
        %parallel_loop3A_332 = vector.broadcast %parallel_loop3A_331 : i32 to vector<16xi32>
        %parallel_loop3A_333 = tpu.vector_load_idx %arg5[%parallel_loop3A_124, %parallel_loop3A_332] : memref<1000x33xf32, #tpu.memory_space<vmem>>[vector<16xi32>, vector<16xi32>], vector<16xf32>,
        %parallel_loop3A_334 = arith.constant 17280 : i32
        %parallel_loop3A_335 = arith.addi %parallel_loop3A_169, %parallel_loop3A_334 : i32
        %parallel_loop3A_336 = arith.index_cast %parallel_loop3A_335 : i32 to index
        %parallel_loop3A_337 = tpu.vector_load %arg6[%parallel_loop3A_336] {strides = array<i32>} : memref<32768xf32, #tpu.memory_space<vmem>>, vector<16xf32>,
        tpu.vector_store %arg6[%parallel_loop3A_336], %parallel_loop3A_333 {strides = array<i32>} : memref<32768xf32, #tpu.memory_space<vmem>>, vector<16xf32>,
        %parallel_loop3A_338 = arith.constant 24 : i32
        %parallel_loop3A_339 = vector.broadcast %parallel_loop3A_338 : i32 to vector<16xi32>
        %parallel_loop3A_340 = tpu.vector_load_idx %arg5[%parallel_loop3A_124, %parallel_loop3A_339] : memref<1000x33xf32, #tpu.memory_space<vmem>>[vector<16xi32>, vector<16xi32>], vector<16xf32>,
        %parallel_loop3A_341 = arith.constant 24576 : i32
        %parallel_loop3A_342 = arith.addi %parallel_loop3A_169, %parallel_loop3A_341 : i32
        %parallel_loop3A_343 = arith.index_cast %parallel_loop3A_342 : i32 to index
        %parallel_loop3A_344 = tpu.vector_load %arg6[%parallel_loop3A_343] {strides = array<i32>} : memref<32768xf32, #tpu.memory_space<vmem>>, vector<16xf32>,
        tpu.vector_store %arg6[%parallel_loop3A_343], %parallel_loop3A_340 {strides = array<i32>} : memref<32768xf32, #tpu.memory_space<vmem>>, vector<16xf32>,
        %parallel_loop3A_345 = arith.constant 25 : i32
        %parallel_loop3A_346 = vector.broadcast %parallel_loop3A_345 : i32 to vector<16xi32>
        %parallel_loop3A_347 = tpu.vector_load_idx %arg5[%parallel_loop3A_124, %parallel_loop3A_346] : memref<1000x33xf32, #tpu.memory_space<vmem>>[vector<16xi32>, vector<16xi32>], vector<16xf32>,
        %parallel_loop3A_348 = arith.constant 24704 : i32
        %parallel_loop3A_349 = arith.addi %parallel_loop3A_169, %parallel_loop3A_348 : i32
        %parallel_loop3A_350 = arith.index_cast %parallel_loop3A_349 : i32 to index
        %parallel_loop3A_351 = tpu.vector_load %arg6[%parallel_loop3A_350] {strides = array<i32>} : memref<32768xf32, #tpu.memory_space<vmem>>, vector<16xf32>,
        tpu.vector_store %arg6[%parallel_loop3A_350], %parallel_loop3A_347 {strides = array<i32>} : memref<32768xf32, #tpu.memory_space<vmem>>, vector<16xf32>,
        %parallel_loop3A_352 = arith.constant 26 : i32
        %parallel_loop3A_353 = vector.broadcast %parallel_loop3A_352 : i32 to vector<16xi32>
        %parallel_loop3A_354 = tpu.vector_load_idx %arg5[%parallel_loop3A_124, %parallel_loop3A_353] : memref<1000x33xf32, #tpu.memory_space<vmem>>[vector<16xi32>, vector<16xi32>], vector<16xf32>,
        %parallel_loop3A_355 = arith.constant 24832 : i32
        %parallel_loop3A_356 = arith.addi %parallel_loop3A_169, %parallel_loop3A_355 : i32
        %parallel_loop3A_357 = arith.index_cast %parallel_loop3A_356 : i32 to index
        %parallel_loop3A_358 = tpu.vector_load %arg6[%parallel_loop3A_357] {strides = array<i32>} : memref<32768xf32, #tpu.memory_space<vmem>>, vector<16xf32>,
        tpu.vector_store %arg6[%parallel_loop3A_357], %parallel_loop3A_354 {strides = array<i32>} : memref<32768xf32, #tpu.memory_space<vmem>>, vector<16xf32>,
        %parallel_loop3A_359 = arith.constant 27 : i32
        %parallel_loop3A_360 = vector.broadcast %parallel_loop3A_359 : i32 to vector<16xi32>
        %parallel_loop3A_361 = tpu.vector_load_idx %arg5[%parallel_loop3A_124, %parallel_loop3A_360] : memref<1000x33xf32, #tpu.memory_space<vmem>>[vector<16xi32>, vector<16xi32>], vector<16xf32>,
        %parallel_loop3A_362 = arith.constant 24960 : i32
        %parallel_loop3A_363 = arith.addi %parallel_loop3A_169, %parallel_loop3A_362 : i32
        %parallel_loop3A_364 = arith.index_cast %parallel_loop3A_363 : i32 to index
        %parallel_loop3A_365 = tpu.vector_load %arg6[%parallel_loop3A_364] {strides = array<i32>} : memref<32768xf32, #tpu.memory_space<vmem>>, vector<16xf32>,
        tpu.vector_store %arg6[%parallel_loop3A_364], %parallel_loop3A_361 {strides = array<i32>} : memref<32768xf32, #tpu.memory_space<vmem>>, vector<16xf32>,
        %parallel_loop3A_366 = arith.constant 28 : i32
        %parallel_loop3A_367 = vector.broadcast %parallel_loop3A_366 : i32 to vector<16xi32>
        %parallel_loop3A_368 = tpu.vector_load_idx %arg5[%parallel_loop3A_124, %parallel_loop3A_367] : memref<1000x33xf32, #tpu.memory_space<vmem>>[vector<16xi32>, vector<16xi32>], vector<16xf32>,
        %parallel_loop3A_369 = arith.constant 25088 : i32
        %parallel_loop3A_370 = arith.addi %parallel_loop3A_169, %parallel_loop3A_369 : i32
        %parallel_loop3A_371 = arith.index_cast %parallel_loop3A_370 : i32 to index
        %parallel_loop3A_372 = tpu.vector_load %arg6[%parallel_loop3A_371] {strides = array<i32>} : memref<32768xf32, #tpu.memory_space<vmem>>, vector<16xf32>,
        tpu.vector_store %arg6[%parallel_loop3A_371], %parallel_loop3A_368 {strides = array<i32>} : memref<32768xf32, #tpu.memory_space<vmem>>, vector<16xf32>,
        %parallel_loop3A_373 = arith.constant 29 : i32
        %parallel_loop3A_374 = vector.broadcast %parallel_loop3A_373 : i32 to vector<16xi32>
        %parallel_loop3A_375 = tpu.vector_load_idx %arg5[%parallel_loop3A_124, %parallel_loop3A_374] : memref<1000x33xf32, #tpu.memory_space<vmem>>[vector<16xi32>, vector<16xi32>], vector<16xf32>,
        %parallel_loop3A_376 = arith.constant 25216 : i32
        %parallel_loop3A_377 = arith.addi %parallel_loop3A_169, %parallel_loop3A_376 : i32
        %parallel_loop3A_378 = arith.index_cast %parallel_loop3A_377 : i32 to index
        %parallel_loop3A_379 = tpu.vector_load %arg6[%parallel_loop3A_378] {strides = array<i32>} : memref<32768xf32, #tpu.memory_space<vmem>>, vector<16xf32>,
        tpu.vector_store %arg6[%parallel_loop3A_378], %parallel_loop3A_375 {strides = array<i32>} : memref<32768xf32, #tpu.memory_space<vmem>>, vector<16xf32>,
        %parallel_loop3A_380 = arith.constant 30 : i32
        %parallel_loop3A_381 = vector.broadcast %parallel_loop3A_380 : i32 to vector<16xi32>
        %parallel_loop3A_382 = tpu.vector_load_idx %arg5[%parallel_loop3A_124, %parallel_loop3A_381] : memref<1000x33xf32, #tpu.memory_space<vmem>>[vector<16xi32>, vector<16xi32>], vector<16xf32>,
        %parallel_loop3A_383 = arith.constant 25344 : i32
        %parallel_loop3A_384 = arith.addi %parallel_loop3A_169, %parallel_loop3A_383 : i32
        %parallel_loop3A_385 = arith.index_cast %parallel_loop3A_384 : i32 to index
        %parallel_loop3A_386 = tpu.vector_load %arg6[%parallel_loop3A_385] {strides = array<i32>} : memref<32768xf32, #tpu.memory_space<vmem>>, vector<16xf32>,
        tpu.vector_store %arg6[%parallel_loop3A_385], %parallel_loop3A_382 {strides = array<i32>} : memref<32768xf32, #tpu.memory_space<vmem>>, vector<16xf32>,
        %parallel_loop3A_387 = arith.constant 31 : i32
        %parallel_loop3A_388 = vector.broadcast %parallel_loop3A_387 : i32 to vector<16xi32>
        %parallel_loop3A_389 = tpu.vector_load_idx %arg5[%parallel_loop3A_124, %parallel_loop3A_388] : memref<1000x33xf32, #tpu.memory_space<vmem>>[vector<16xi32>, vector<16xi32>], vector<16xf32>,
        %parallel_loop3A_390 = arith.constant 25472 : i32
        %parallel_loop3A_391 = arith.addi %parallel_loop3A_169, %parallel_loop3A_390 : i32
        %parallel_loop3A_392 = arith.index_cast %parallel_loop3A_391 : i32 to index
        %parallel_loop3A_393 = tpu.vector_load %arg6[%parallel_loop3A_392] {strides = array<i32>} : memref<32768xf32, #tpu.memory_space<vmem>>, vector<16xf32>,
        tpu.vector_store %arg6[%parallel_loop3A_392], %parallel_loop3A_389 {strides = array<i32>} : memref<32768xf32, #tpu.memory_space<vmem>>, vector<16xf32>,
        %parallel_loop3A_394 = arith.constant 1 : i32
        %parallel_loop3A_395 = arith.addi %parallel_loop3A_118, %parallel_loop3A_394 : i32
        %parallel_loop3A_396 = arith.constant 16 : i32
        %parallel_loop3A_397 = arith.muli %parallel_loop3A_395, %parallel_loop3A_396 : i32
        %parallel_loop3A_398 = arith.index_cast %parallel_loop3A_397 : i32 to index
        %parallel_loop3A_399 = tpu.vector_load %arg8[%parallel_loop3A_398] {strides = array<i32>} : memref<1024xi32, #tpu.memory_space<vmem>>, vector<16xi32>,
        %parallel_loop3A_400 = arith.constant 8 : i32
        %parallel_loop3A_401 = arith.divsi %parallel_loop3A_395, %parallel_loop3A_400 : i32
        %parallel_loop3A_402 = arith.constant 0 : i32
        %parallel_loop3A_403 = arith.cmpi sgt, %parallel_loop3A_395, %parallel_loop3A_402 : i32
        %parallel_loop3A_404 = arith.extui %parallel_loop3A_403 : i1 to i32
        %parallel_loop3A_405 = arith.constant 0 : i32
        %parallel_loop3A_406 = arith.cmpi slt, %parallel_loop3A_395, %parallel_loop3A_405 : i32
        %parallel_loop3A_407 = arith.extui %parallel_loop3A_406 : i1 to i32
        %parallel_loop3A_408 = arith.subi %parallel_loop3A_404, %parallel_loop3A_407 : i32
        %parallel_loop3A_409 = arith.constant 0 : i32
        %parallel_loop3A_410 = arith.cmpi sgt, %parallel_loop3A_400, %parallel_loop3A_409 : i32
        %parallel_loop3A_411 = arith.extui %parallel_loop3A_410 : i1 to i32
        %parallel_loop3A_412 = arith.constant 0 : i32
        %parallel_loop3A_413 = arith.cmpi slt, %parallel_loop3A_400, %parallel_loop3A_412 : i32
        %parallel_loop3A_414 = arith.extui %parallel_loop3A_413 : i1 to i32
        %parallel_loop3A_415 = arith.subi %parallel_loop3A_411, %parallel_loop3A_414 : i32
        %parallel_loop3A_416 = arith.cmpi ne, %parallel_loop3A_408, %parallel_loop3A_415 : i32
        %parallel_loop3A_417 = arith.remsi %parallel_loop3A_395, %parallel_loop3A_400 : i32
        %parallel_loop3A_418 = arith.constant 0 : i32
        %parallel_loop3A_419 = arith.cmpi ne, %parallel_loop3A_417, %parallel_loop3A_418 : i32
        %parallel_loop3A_420 = arith.andi %parallel_loop3A_416, %parallel_loop3A_419 : i1
        %parallel_loop3A_421 = arith.constant 1 : i32
        %parallel_loop3A_422 = arith.subi %parallel_loop3A_401, %parallel_loop3A_421 : i32
        %parallel_loop3A_423 = arith.select %parallel_loop3A_420, %parallel_loop3A_422, %parallel_loop3A_401 : i32
        %parallel_loop3A_424 = arith.constant 1024 : i32
        %parallel_loop3A_425 = arith.muli %parallel_loop3A_423, %parallel_loop3A_424 : i32
        %parallel_loop3A_426 = arith.constant 8 : i32
        %parallel_loop3A_427 = arith.constant 0 : i32
        %parallel_loop3A_428 = arith.cmpi eq, %parallel_loop3A_426, %parallel_loop3A_427 : i32
        %parallel_loop3A_429 = arith.constant 1 : i32
        %parallel_loop3A_430 = arith.select %parallel_loop3A_428, %parallel_loop3A_429, %parallel_loop3A_426 : i32
        %parallel_loop3A_431 = arith.remsi %parallel_loop3A_395, %parallel_loop3A_430 : i32
        %parallel_loop3A_432 = arith.constant 0 : i32
        %parallel_loop3A_433 = arith.cmpi ne, %parallel_loop3A_431, %parallel_loop3A_432 : i32
        %parallel_loop3A_434 = arith.constant 0 : i32
        %parallel_loop3A_435 = arith.cmpi slt, %parallel_loop3A_431, %parallel_loop3A_434 : i32
        %parallel_loop3A_436 = arith.constant 0 : i32
        %parallel_loop3A_437 = arith.cmpi slt, %parallel_loop3A_430, %parallel_loop3A_436 : i32
        %parallel_loop3A_438 = arith.xori %parallel_loop3A_435, %parallel_loop3A_437 : i1
        %parallel_loop3A_439 = arith.andi %parallel_loop3A_438, %parallel_loop3A_433 : i1
        %parallel_loop3A_440 = arith.addi %parallel_loop3A_431, %parallel_loop3A_430 : i32
        %parallel_loop3A_441 = arith.select %parallel_loop3A_439, %parallel_loop3A_440, %parallel_loop3A_431 : i32
        %parallel_loop3A_442 = arith.constant 16 : i32
        %parallel_loop3A_443 = arith.muli %parallel_loop3A_441, %parallel_loop3A_442 : i32
        %parallel_loop3A_444 = arith.addi %parallel_loop3A_425, %parallel_loop3A_443 : i32
        %parallel_loop3A_445 = arith.constant 0 : i32
        %parallel_loop3A_446 = vector.broadcast %parallel_loop3A_445 : i32 to vector<16xi32>
        %parallel_loop3A_447 = tpu.vector_load_idx %arg5[%parallel_loop3A_399, %parallel_loop3A_446] : memref<1000x33xf32, #tpu.memory_space<vmem>>[vector<16xi32>, vector<16xi32>], vector<16xf32>,
        %parallel_loop3A_448 = arith.constant 0 : i32
        %parallel_loop3A_449 = arith.addi %parallel_loop3A_444, %parallel_loop3A_448 : i32
        %parallel_loop3A_450 = arith.index_cast %parallel_loop3A_449 : i32 to index
        %parallel_loop3A_451 = tpu.vector_load %arg6[%parallel_loop3A_450] {strides = array<i32>} : memref<32768xf32, #tpu.memory_space<vmem>>, vector<16xf32>,
        tpu.vector_store %arg6[%parallel_loop3A_450], %parallel_loop3A_447 {strides = array<i32>} : memref<32768xf32, #tpu.memory_space<vmem>>, vector<16xf32>,
        %parallel_loop3A_452 = arith.constant 1 : i32
        %parallel_loop3A_453 = vector.broadcast %parallel_loop3A_452 : i32 to vector<16xi32>
        %parallel_loop3A_454 = tpu.vector_load_idx %arg5[%parallel_loop3A_399, %parallel_loop3A_453] : memref<1000x33xf32, #tpu.memory_space<vmem>>[vector<16xi32>, vector<16xi32>], vector<16xf32>,
        %parallel_loop3A_455 = arith.constant 128 : i32
        %parallel_loop3A_456 = arith.addi %parallel_loop3A_444, %parallel_loop3A_455 : i32
        %parallel_loop3A_457 = arith.index_cast %parallel_loop3A_456 : i32 to index
        %parallel_loop3A_458 = tpu.vector_load %arg6[%parallel_loop3A_457] {strides = array<i32>} : memref<32768xf32, #tpu.memory_space<vmem>>, vector<16xf32>,
        tpu.vector_store %arg6[%parallel_loop3A_457], %parallel_loop3A_454 {strides = array<i32>} : memref<32768xf32, #tpu.memory_space<vmem>>, vector<16xf32>,
        %parallel_loop3A_459 = arith.constant 2 : i32
        %parallel_loop3A_460 = vector.broadcast %parallel_loop3A_459 : i32 to vector<16xi32>
        %parallel_loop3A_461 = tpu.vector_load_idx %arg5[%parallel_loop3A_399, %parallel_loop3A_460] : memref<1000x33xf32, #tpu.memory_space<vmem>>[vector<16xi32>, vector<16xi32>], vector<16xf32>,
        %parallel_loop3A_462 = arith.constant 256 : i32
        %parallel_loop3A_463 = arith.addi %parallel_loop3A_444, %parallel_loop3A_462 : i32
        %parallel_loop3A_464 = arith.index_cast %parallel_loop3A_463 : i32 to index
        %parallel_loop3A_465 = tpu.vector_load %arg6[%parallel_loop3A_464] {strides = array<i32>} : memref<32768xf32, #tpu.memory_space<vmem>>, vector<16xf32>,
        tpu.vector_store %arg6[%parallel_loop3A_464], %parallel_loop3A_461 {strides = array<i32>} : memref<32768xf32, #tpu.memory_space<vmem>>, vector<16xf32>,
        %parallel_loop3A_466 = arith.constant 3 : i32
        %parallel_loop3A_467 = vector.broadcast %parallel_loop3A_466 : i32 to vector<16xi32>
        %parallel_loop3A_468 = tpu.vector_load_idx %arg5[%parallel_loop3A_399, %parallel_loop3A_467] : memref<1000x33xf32, #tpu.memory_space<vmem>>[vector<16xi32>, vector<16xi32>], vector<16xf32>,
        %parallel_loop3A_469 = arith.constant 384 : i32
        %parallel_loop3A_470 = arith.addi %parallel_loop3A_444, %parallel_loop3A_469 : i32
        %parallel_loop3A_471 = arith.index_cast %parallel_loop3A_470 : i32 to index
        %parallel_loop3A_472 = tpu.vector_load %arg6[%parallel_loop3A_471] {strides = array<i32>} : memref<32768xf32, #tpu.memory_space<vmem>>, vector<16xf32>,
        tpu.vector_store %arg6[%parallel_loop3A_471], %parallel_loop3A_468 {strides = array<i32>} : memref<32768xf32, #tpu.memory_space<vmem>>, vector<16xf32>,
        %parallel_loop3A_473 = arith.constant 4 : i32
        %parallel_loop3A_474 = vector.broadcast %parallel_loop3A_473 : i32 to vector<16xi32>
        %parallel_loop3A_475 = tpu.vector_load_idx %arg5[%parallel_loop3A_399, %parallel_loop3A_474] : memref<1000x33xf32, #tpu.memory_space<vmem>>[vector<16xi32>, vector<16xi32>], vector<16xf32>,
        %parallel_loop3A_476 = arith.constant 512 : i32
        %parallel_loop3A_477 = arith.addi %parallel_loop3A_444, %parallel_loop3A_476 : i32
        %parallel_loop3A_478 = arith.index_cast %parallel_loop3A_477 : i32 to index
        %parallel_loop3A_479 = tpu.vector_load %arg6[%parallel_loop3A_478] {strides = array<i32>} : memref<32768xf32, #tpu.memory_space<vmem>>, vector<16xf32>,
        tpu.vector_store %arg6[%parallel_loop3A_478], %parallel_loop3A_475 {strides = array<i32>} : memref<32768xf32, #tpu.memory_space<vmem>>, vector<16xf32>,
        %parallel_loop3A_480 = arith.constant 5 : i32
        %parallel_loop3A_481 = vector.broadcast %parallel_loop3A_480 : i32 to vector<16xi32>
        %parallel_loop3A_482 = tpu.vector_load_idx %arg5[%parallel_loop3A_399, %parallel_loop3A_481] : memref<1000x33xf32, #tpu.memory_space<vmem>>[vector<16xi32>, vector<16xi32>], vector<16xf32>,
        %parallel_loop3A_483 = arith.constant 640 : i32
        %parallel_loop3A_484 = arith.addi %parallel_loop3A_444, %parallel_loop3A_483 : i32
        %parallel_loop3A_485 = arith.index_cast %parallel_loop3A_484 : i32 to index
        %parallel_loop3A_486 = tpu.vector_load %arg6[%parallel_loop3A_485] {strides = array<i32>} : memref<32768xf32, #tpu.memory_space<vmem>>, vector<16xf32>,
        tpu.vector_store %arg6[%parallel_loop3A_485], %parallel_loop3A_482 {strides = array<i32>} : memref<32768xf32, #tpu.memory_space<vmem>>, vector<16xf32>,
        %parallel_loop3A_487 = arith.constant 6 : i32
        %parallel_loop3A_488 = vector.broadcast %parallel_loop3A_487 : i32 to vector<16xi32>
        %parallel_loop3A_489 = tpu.vector_load_idx %arg5[%parallel_loop3A_399, %parallel_loop3A_488] : memref<1000x33xf32, #tpu.memory_space<vmem>>[vector<16xi32>, vector<16xi32>], vector<16xf32>,
        %parallel_loop3A_490 = arith.constant 768 : i32
        %parallel_loop3A_491 = arith.addi %parallel_loop3A_444, %parallel_loop3A_490 : i32
        %parallel_loop3A_492 = arith.index_cast %parallel_loop3A_491 : i32 to index
        %parallel_loop3A_493 = tpu.vector_load %arg6[%parallel_loop3A_492] {strides = array<i32>} : memref<32768xf32, #tpu.memory_space<vmem>>, vector<16xf32>,
        tpu.vector_store %arg6[%parallel_loop3A_492], %parallel_loop3A_489 {strides = array<i32>} : memref<32768xf32, #tpu.memory_space<vmem>>, vector<16xf32>,
        %parallel_loop3A_494 = arith.constant 7 : i32
        %parallel_loop3A_495 = vector.broadcast %parallel_loop3A_494 : i32 to vector<16xi32>
        %parallel_loop3A_496 = tpu.vector_load_idx %arg5[%parallel_loop3A_399, %parallel_loop3A_495] : memref<1000x33xf32, #tpu.memory_space<vmem>>[vector<16xi32>, vector<16xi32>], vector<16xf32>,
        %parallel_loop3A_497 = arith.constant 896 : i32
        %parallel_loop3A_498 = arith.addi %parallel_loop3A_444, %parallel_loop3A_497 : i32
        %parallel_loop3A_499 = arith.index_cast %parallel_loop3A_498 : i32 to index
        %parallel_loop3A_500 = tpu.vector_load %arg6[%parallel_loop3A_499] {strides = array<i32>} : memref<32768xf32, #tpu.memory_space<vmem>>, vector<16xf32>,
        tpu.vector_store %arg6[%parallel_loop3A_499], %parallel_loop3A_496 {strides = array<i32>} : memref<32768xf32, #tpu.memory_space<vmem>>, vector<16xf32>,
        %parallel_loop3A_501 = arith.constant 8 : i32
        %parallel_loop3A_502 = vector.broadcast %parallel_loop3A_501 : i32 to vector<16xi32>
        %parallel_loop3A_503 = tpu.vector_load_idx %arg5[%parallel_loop3A_399, %parallel_loop3A_502] : memref<1000x33xf32, #tpu.memory_space<vmem>>[vector<16xi32>, vector<16xi32>], vector<16xf32>,
        %parallel_loop3A_504 = arith.constant 8192 : i32
        %parallel_loop3A_505 = arith.addi %parallel_loop3A_444, %parallel_loop3A_504 : i32
        %parallel_loop3A_506 = arith.index_cast %parallel_loop3A_505 : i32 to index
        %parallel_loop3A_507 = tpu.vector_load %arg6[%parallel_loop3A_506] {strides = array<i32>} : memref<32768xf32, #tpu.memory_space<vmem>>, vector<16xf32>,
        tpu.vector_store %arg6[%parallel_loop3A_506], %parallel_loop3A_503 {strides = array<i32>} : memref<32768xf32, #tpu.memory_space<vmem>>, vector<16xf32>,
        %parallel_loop3A_508 = arith.constant 9 : i32
        %parallel_loop3A_509 = vector.broadcast %parallel_loop3A_508 : i32 to vector<16xi32>
        %parallel_loop3A_510 = tpu.vector_load_idx %arg5[%parallel_loop3A_399, %parallel_loop3A_509] : memref<1000x33xf32, #tpu.memory_space<vmem>>[vector<16xi32>, vector<16xi32>], vector<16xf32>,
        %parallel_loop3A_511 = arith.constant 8320 : i32
        %parallel_loop3A_512 = arith.addi %parallel_loop3A_444, %parallel_loop3A_511 : i32
        %parallel_loop3A_513 = arith.index_cast %parallel_loop3A_512 : i32 to index
        %parallel_loop3A_514 = tpu.vector_load %arg6[%parallel_loop3A_513] {strides = array<i32>} : memref<32768xf32, #tpu.memory_space<vmem>>, vector<16xf32>,
        tpu.vector_store %arg6[%parallel_loop3A_513], %parallel_loop3A_510 {strides = array<i32>} : memref<32768xf32, #tpu.memory_space<vmem>>, vector<16xf32>,
        %parallel_loop3A_515 = arith.constant 10 : i32
        %parallel_loop3A_516 = vector.broadcast %parallel_loop3A_515 : i32 to vector<16xi32>
        %parallel_loop3A_517 = tpu.vector_load_idx %arg5[%parallel_loop3A_399, %parallel_loop3A_516] : memref<1000x33xf32, #tpu.memory_space<vmem>>[vector<16xi32>, vector<16xi32>], vector<16xf32>,
        %parallel_loop3A_518 = arith.constant 8448 : i32
        %parallel_loop3A_519 = arith.addi %parallel_loop3A_444, %parallel_loop3A_518 : i32
        %parallel_loop3A_520 = arith.index_cast %parallel_loop3A_519 : i32 to index
        %parallel_loop3A_521 = tpu.vector_load %arg6[%parallel_loop3A_520] {strides = array<i32>} : memref<32768xf32, #tpu.memory_space<vmem>>, vector<16xf32>,
        tpu.vector_store %arg6[%parallel_loop3A_520], %parallel_loop3A_517 {strides = array<i32>} : memref<32768xf32, #tpu.memory_space<vmem>>, vector<16xf32>,
        %parallel_loop3A_522 = arith.constant 11 : i32
        %parallel_loop3A_523 = vector.broadcast %parallel_loop3A_522 : i32 to vector<16xi32>
        %parallel_loop3A_524 = tpu.vector_load_idx %arg5[%parallel_loop3A_399, %parallel_loop3A_523] : memref<1000x33xf32, #tpu.memory_space<vmem>>[vector<16xi32>, vector<16xi32>], vector<16xf32>,
        %parallel_loop3A_525 = arith.constant 8576 : i32
        %parallel_loop3A_526 = arith.addi %parallel_loop3A_444, %parallel_loop3A_525 : i32
        %parallel_loop3A_527 = arith.index_cast %parallel_loop3A_526 : i32 to index
        %parallel_loop3A_528 = tpu.vector_load %arg6[%parallel_loop3A_527] {strides = array<i32>} : memref<32768xf32, #tpu.memory_space<vmem>>, vector<16xf32>,
        tpu.vector_store %arg6[%parallel_loop3A_527], %parallel_loop3A_524 {strides = array<i32>} : memref<32768xf32, #tpu.memory_space<vmem>>, vector<16xf32>,
        %parallel_loop3A_529 = arith.constant 12 : i32
        %parallel_loop3A_530 = vector.broadcast %parallel_loop3A_529 : i32 to vector<16xi32>
        %parallel_loop3A_531 = tpu.vector_load_idx %arg5[%parallel_loop3A_399, %parallel_loop3A_530] : memref<1000x33xf32, #tpu.memory_space<vmem>>[vector<16xi32>, vector<16xi32>], vector<16xf32>,
        %parallel_loop3A_532 = arith.constant 8704 : i32
        %parallel_loop3A_533 = arith.addi %parallel_loop3A_444, %parallel_loop3A_532 : i32
        %parallel_loop3A_534 = arith.index_cast %parallel_loop3A_533 : i32 to index
        %parallel_loop3A_535 = tpu.vector_load %arg6[%parallel_loop3A_534] {strides = array<i32>} : memref<32768xf32, #tpu.memory_space<vmem>>, vector<16xf32>,
        tpu.vector_store %arg6[%parallel_loop3A_534], %parallel_loop3A_531 {strides = array<i32>} : memref<32768xf32, #tpu.memory_space<vmem>>, vector<16xf32>,
        %parallel_loop3A_536 = arith.constant 13 : i32
        %parallel_loop3A_537 = vector.broadcast %parallel_loop3A_536 : i32 to vector<16xi32>
        %parallel_loop3A_538 = tpu.vector_load_idx %arg5[%parallel_loop3A_399, %parallel_loop3A_537] : memref<1000x33xf32, #tpu.memory_space<vmem>>[vector<16xi32>, vector<16xi32>], vector<16xf32>,
        %parallel_loop3A_539 = arith.constant 8832 : i32
        %parallel_loop3A_540 = arith.addi %parallel_loop3A_444, %parallel_loop3A_539 : i32
        %parallel_loop3A_541 = arith.index_cast %parallel_loop3A_540 : i32 to index
        %parallel_loop3A_542 = tpu.vector_load %arg6[%parallel_loop3A_541] {strides = array<i32>} : memref<32768xf32, #tpu.memory_space<vmem>>, vector<16xf32>,
        tpu.vector_store %arg6[%parallel_loop3A_541], %parallel_loop3A_538 {strides = array<i32>} : memref<32768xf32, #tpu.memory_space<vmem>>, vector<16xf32>,
        %parallel_loop3A_543 = arith.constant 14 : i32
        %parallel_loop3A_544 = vector.broadcast %parallel_loop3A_543 : i32 to vector<16xi32>
        %parallel_loop3A_545 = tpu.vector_load_idx %arg5[%parallel_loop3A_399, %parallel_loop3A_544] : memref<1000x33xf32, #tpu.memory_space<vmem>>[vector<16xi32>, vector<16xi32>], vector<16xf32>,
        %parallel_loop3A_546 = arith.constant 8960 : i32
        %parallel_loop3A_547 = arith.addi %parallel_loop3A_444, %parallel_loop3A_546 : i32
        %parallel_loop3A_548 = arith.index_cast %parallel_loop3A_547 : i32 to index
        %parallel_loop3A_549 = tpu.vector_load %arg6[%parallel_loop3A_548] {strides = array<i32>} : memref<32768xf32, #tpu.memory_space<vmem>>, vector<16xf32>,
        tpu.vector_store %arg6[%parallel_loop3A_548], %parallel_loop3A_545 {strides = array<i32>} : memref<32768xf32, #tpu.memory_space<vmem>>, vector<16xf32>,
        %parallel_loop3A_550 = arith.constant 15 : i32
        %parallel_loop3A_551 = vector.broadcast %parallel_loop3A_550 : i32 to vector<16xi32>
        %parallel_loop3A_552 = tpu.vector_load_idx %arg5[%parallel_loop3A_399, %parallel_loop3A_551] : memref<1000x33xf32, #tpu.memory_space<vmem>>[vector<16xi32>, vector<16xi32>], vector<16xf32>,
        %parallel_loop3A_553 = arith.constant 9088 : i32
        %parallel_loop3A_554 = arith.addi %parallel_loop3A_444, %parallel_loop3A_553 : i32
        %parallel_loop3A_555 = arith.index_cast %parallel_loop3A_554 : i32 to index
        %parallel_loop3A_556 = tpu.vector_load %arg6[%parallel_loop3A_555] {strides = array<i32>} : memref<32768xf32, #tpu.memory_space<vmem>>, vector<16xf32>,
        tpu.vector_store %arg6[%parallel_loop3A_555], %parallel_loop3A_552 {strides = array<i32>} : memref<32768xf32, #tpu.memory_space<vmem>>, vector<16xf32>,
        %parallel_loop3A_557 = arith.constant 16 : i32
        %parallel_loop3A_558 = vector.broadcast %parallel_loop3A_557 : i32 to vector<16xi32>
        %parallel_loop3A_559 = tpu.vector_load_idx %arg5[%parallel_loop3A_399, %parallel_loop3A_558] : memref<1000x33xf32, #tpu.memory_space<vmem>>[vector<16xi32>, vector<16xi32>], vector<16xf32>,
        %parallel_loop3A_560 = arith.constant 16384 : i32
        %parallel_loop3A_561 = arith.addi %parallel_loop3A_444, %parallel_loop3A_560 : i32
        %parallel_loop3A_562 = arith.index_cast %parallel_loop3A_561 : i32 to index
        %parallel_loop3A_563 = tpu.vector_load %arg6[%parallel_loop3A_562] {strides = array<i32>} : memref<32768xf32, #tpu.memory_space<vmem>>, vector<16xf32>,
        tpu.vector_store %arg6[%parallel_loop3A_562], %parallel_loop3A_559 {strides = array<i32>} : memref<32768xf32, #tpu.memory_space<vmem>>, vector<16xf32>,
        %parallel_loop3A_564 = arith.constant 17 : i32
        %parallel_loop3A_565 = vector.broadcast %parallel_loop3A_564 : i32 to vector<16xi32>
        %parallel_loop3A_566 = tpu.vector_load_idx %arg5[%parallel_loop3A_399, %parallel_loop3A_565] : memref<1000x33xf32, #tpu.memory_space<vmem>>[vector<16xi32>, vector<16xi32>], vector<16xf32>,
        %parallel_loop3A_567 = arith.constant 16512 : i32
        %parallel_loop3A_568 = arith.addi %parallel_loop3A_444, %parallel_loop3A_567 : i32
        %parallel_loop3A_569 = arith.index_cast %parallel_loop3A_568 : i32 to index
        %parallel_loop3A_570 = tpu.vector_load %arg6[%parallel_loop3A_569] {strides = array<i32>} : memref<32768xf32, #tpu.memory_space<vmem>>, vector<16xf32>,
        tpu.vector_store %arg6[%parallel_loop3A_569], %parallel_loop3A_566 {strides = array<i32>} : memref<32768xf32, #tpu.memory_space<vmem>>, vector<16xf32>,
        %parallel_loop3A_571 = arith.constant 18 : i32
        %parallel_loop3A_572 = vector.broadcast %parallel_loop3A_571 : i32 to vector<16xi32>
        %parallel_loop3A_573 = tpu.vector_load_idx %arg5[%parallel_loop3A_399, %parallel_loop3A_572] : memref<1000x33xf32, #tpu.memory_space<vmem>>[vector<16xi32>, vector<16xi32>], vector<16xf32>,
        %parallel_loop3A_574 = arith.constant 16640 : i32
        %parallel_loop3A_575 = arith.addi %parallel_loop3A_444, %parallel_loop3A_574 : i32
        %parallel_loop3A_576 = arith.index_cast %parallel_loop3A_575 : i32 to index
        %parallel_loop3A_577 = tpu.vector_load %arg6[%parallel_loop3A_576] {strides = array<i32>} : memref<32768xf32, #tpu.memory_space<vmem>>, vector<16xf32>,
        tpu.vector_store %arg6[%parallel_loop3A_576], %parallel_loop3A_573 {strides = array<i32>} : memref<32768xf32, #tpu.memory_space<vmem>>, vector<16xf32>,
        %parallel_loop3A_578 = arith.constant 19 : i32
        %parallel_loop3A_579 = vector.broadcast %parallel_loop3A_578 : i32 to vector<16xi32>
        %parallel_loop3A_580 = tpu.vector_load_idx %arg5[%parallel_loop3A_399, %parallel_loop3A_579] : memref<1000x33xf32, #tpu.memory_space<vmem>>[vector<16xi32>, vector<16xi32>], vector<16xf32>,
        %parallel_loop3A_581 = arith.constant 16768 : i32
        %parallel_loop3A_582 = arith.addi %parallel_loop3A_444, %parallel_loop3A_581 : i32
        %parallel_loop3A_583 = arith.index_cast %parallel_loop3A_582 : i32 to index
        %parallel_loop3A_584 = tpu.vector_load %arg6[%parallel_loop3A_583] {strides = array<i32>} : memref<32768xf32, #tpu.memory_space<vmem>>, vector<16xf32>,
        tpu.vector_store %arg6[%parallel_loop3A_583], %parallel_loop3A_580 {strides = array<i32>} : memref<32768xf32, #tpu.memory_space<vmem>>, vector<16xf32>,
        %parallel_loop3A_585 = arith.constant 20 : i32
        %parallel_loop3A_586 = vector.broadcast %parallel_loop3A_585 : i32 to vector<16xi32>
        %parallel_loop3A_587 = tpu.vector_load_idx %arg5[%parallel_loop3A_399, %parallel_loop3A_586] : memref<1000x33xf32, #tpu.memory_space<vmem>>[vector<16xi32>, vector<16xi32>], vector<16xf32>,
        %parallel_loop3A_588 = arith.constant 16896 : i32
        %parallel_loop3A_589 = arith.addi %parallel_loop3A_444, %parallel_loop3A_588 : i32
        %parallel_loop3A_590 = arith.index_cast %parallel_loop3A_589 : i32 to index
        %parallel_loop3A_591 = tpu.vector_load %arg6[%parallel_loop3A_590] {strides = array<i32>} : memref<32768xf32, #tpu.memory_space<vmem>>, vector<16xf32>,
        tpu.vector_store %arg6[%parallel_loop3A_590], %parallel_loop3A_587 {strides = array<i32>} : memref<32768xf32, #tpu.memory_space<vmem>>, vector<16xf32>,
        %parallel_loop3A_592 = arith.constant 21 : i32
        %parallel_loop3A_593 = vector.broadcast %parallel_loop3A_592 : i32 to vector<16xi32>
        %parallel_loop3A_594 = tpu.vector_load_idx %arg5[%parallel_loop3A_399, %parallel_loop3A_593] : memref<1000x33xf32, #tpu.memory_space<vmem>>[vector<16xi32>, vector<16xi32>], vector<16xf32>,
        %parallel_loop3A_595 = arith.constant 17024 : i32
        %parallel_loop3A_596 = arith.addi %parallel_loop3A_444, %parallel_loop3A_595 : i32
        %parallel_loop3A_597 = arith.index_cast %parallel_loop3A_596 : i32 to index
        %parallel_loop3A_598 = tpu.vector_load %arg6[%parallel_loop3A_597] {strides = array<i32>} : memref<32768xf32, #tpu.memory_space<vmem>>, vector<16xf32>,
        tpu.vector_store %arg6[%parallel_loop3A_597], %parallel_loop3A_594 {strides = array<i32>} : memref<32768xf32, #tpu.memory_space<vmem>>, vector<16xf32>,
        %parallel_loop3A_599 = arith.constant 22 : i32
        %parallel_loop3A_600 = vector.broadcast %parallel_loop3A_599 : i32 to vector<16xi32>
        %parallel_loop3A_601 = tpu.vector_load_idx %arg5[%parallel_loop3A_399, %parallel_loop3A_600] : memref<1000x33xf32, #tpu.memory_space<vmem>>[vector<16xi32>, vector<16xi32>], vector<16xf32>,
        %parallel_loop3A_602 = arith.constant 17152 : i32
        %parallel_loop3A_603 = arith.addi %parallel_loop3A_444, %parallel_loop3A_602 : i32
        %parallel_loop3A_604 = arith.index_cast %parallel_loop3A_603 : i32 to index
        %parallel_loop3A_605 = tpu.vector_load %arg6[%parallel_loop3A_604] {strides = array<i32>} : memref<32768xf32, #tpu.memory_space<vmem>>, vector<16xf32>,
        tpu.vector_store %arg6[%parallel_loop3A_604], %parallel_loop3A_601 {strides = array<i32>} : memref<32768xf32, #tpu.memory_space<vmem>>, vector<16xf32>,
        %parallel_loop3A_606 = arith.constant 23 : i32
        %parallel_loop3A_607 = vector.broadcast %parallel_loop3A_606 : i32 to vector<16xi32>
        %parallel_loop3A_608 = tpu.vector_load_idx %arg5[%parallel_loop3A_399, %parallel_loop3A_607] : memref<1000x33xf32, #tpu.memory_space<vmem>>[vector<16xi32>, vector<16xi32>], vector<16xf32>,
        %parallel_loop3A_609 = arith.constant 17280 : i32
        %parallel_loop3A_610 = arith.addi %parallel_loop3A_444, %parallel_loop3A_609 : i32
        %parallel_loop3A_611 = arith.index_cast %parallel_loop3A_610 : i32 to index
        %parallel_loop3A_612 = tpu.vector_load %arg6[%parallel_loop3A_611] {strides = array<i32>} : memref<32768xf32, #tpu.memory_space<vmem>>, vector<16xf32>,
        tpu.vector_store %arg6[%parallel_loop3A_611], %parallel_loop3A_608 {strides = array<i32>} : memref<32768xf32, #tpu.memory_space<vmem>>, vector<16xf32>,
        %parallel_loop3A_613 = arith.constant 24 : i32
        %parallel_loop3A_614 = vector.broadcast %parallel_loop3A_613 : i32 to vector<16xi32>
        %parallel_loop3A_615 = tpu.vector_load_idx %arg5[%parallel_loop3A_399, %parallel_loop3A_614] : memref<1000x33xf32, #tpu.memory_space<vmem>>[vector<16xi32>, vector<16xi32>], vector<16xf32>,
        %parallel_loop3A_616 = arith.constant 24576 : i32
        %parallel_loop3A_617 = arith.addi %parallel_loop3A_444, %parallel_loop3A_616 : i32
        %parallel_loop3A_618 = arith.index_cast %parallel_loop3A_617 : i32 to index
        %parallel_loop3A_619 = tpu.vector_load %arg6[%parallel_loop3A_618] {strides = array<i32>} : memref<32768xf32, #tpu.memory_space<vmem>>, vector<16xf32>,
        tpu.vector_store %arg6[%parallel_loop3A_618], %parallel_loop3A_615 {strides = array<i32>} : memref<32768xf32, #tpu.memory_space<vmem>>, vector<16xf32>,
        %parallel_loop3A_620 = arith.constant 25 : i32
        %parallel_loop3A_621 = vector.broadcast %parallel_loop3A_620 : i32 to vector<16xi32>
        %parallel_loop3A_622 = tpu.vector_load_idx %arg5[%parallel_loop3A_399, %parallel_loop3A_621] : memref<1000x33xf32, #tpu.memory_space<vmem>>[vector<16xi32>, vector<16xi32>], vector<16xf32>,
        %parallel_loop3A_623 = arith.constant 24704 : i32
        %parallel_loop3A_624 = arith.addi %parallel_loop3A_444, %parallel_loop3A_623 : i32
        %parallel_loop3A_625 = arith.index_cast %parallel_loop3A_624 : i32 to index
        %parallel_loop3A_626 = tpu.vector_load %arg6[%parallel_loop3A_625] {strides = array<i32>} : memref<32768xf32, #tpu.memory_space<vmem>>, vector<16xf32>,
        tpu.vector_store %arg6[%parallel_loop3A_625], %parallel_loop3A_622 {strides = array<i32>} : memref<32768xf32, #tpu.memory_space<vmem>>, vector<16xf32>,
        %parallel_loop3A_627 = arith.constant 26 : i32
        %parallel_loop3A_628 = vector.broadcast %parallel_loop3A_627 : i32 to vector<16xi32>
        %parallel_loop3A_629 = tpu.vector_load_idx %arg5[%parallel_loop3A_399, %parallel_loop3A_628] : memref<1000x33xf32, #tpu.memory_space<vmem>>[vector<16xi32>, vector<16xi32>], vector<16xf32>,
        %parallel_loop3A_630 = arith.constant 24832 : i32
        %parallel_loop3A_631 = arith.addi %parallel_loop3A_444, %parallel_loop3A_630 : i32
        %parallel_loop3A_632 = arith.index_cast %parallel_loop3A_631 : i32 to index
        %parallel_loop3A_633 = tpu.vector_load %arg6[%parallel_loop3A_632] {strides = array<i32>} : memref<32768xf32, #tpu.memory_space<vmem>>, vector<16xf32>,
        tpu.vector_store %arg6[%parallel_loop3A_632], %parallel_loop3A_629 {strides = array<i32>} : memref<32768xf32, #tpu.memory_space<vmem>>, vector<16xf32>,
        %parallel_loop3A_634 = arith.constant 27 : i32
        %parallel_loop3A_635 = vector.broadcast %parallel_loop3A_634 : i32 to vector<16xi32>
        %parallel_loop3A_636 = tpu.vector_load_idx %arg5[%parallel_loop3A_399, %parallel_loop3A_635] : memref<1000x33xf32, #tpu.memory_space<vmem>>[vector<16xi32>, vector<16xi32>], vector<16xf32>,
        %parallel_loop3A_637 = arith.constant 24960 : i32
        %parallel_loop3A_638 = arith.addi %parallel_loop3A_444, %parallel_loop3A_637 : i32
        %parallel_loop3A_639 = arith.index_cast %parallel_loop3A_638 : i32 to index
        %parallel_loop3A_640 = tpu.vector_load %arg6[%parallel_loop3A_639] {strides = array<i32>} : memref<32768xf32, #tpu.memory_space<vmem>>, vector<16xf32>,
        tpu.vector_store %arg6[%parallel_loop3A_639], %parallel_loop3A_636 {strides = array<i32>} : memref<32768xf32, #tpu.memory_space<vmem>>, vector<16xf32>,
        %parallel_loop3A_641 = arith.constant 28 : i32
        %parallel_loop3A_642 = vector.broadcast %parallel_loop3A_641 : i32 to vector<16xi32>
        %parallel_loop3A_643 = tpu.vector_load_idx %arg5[%parallel_loop3A_399, %parallel_loop3A_642] : memref<1000x33xf32, #tpu.memory_space<vmem>>[vector<16xi32>, vector<16xi32>], vector<16xf32>,
        %parallel_loop3A_644 = arith.constant 25088 : i32
        %parallel_loop3A_645 = arith.addi %parallel_loop3A_444, %parallel_loop3A_644 : i32
        %parallel_loop3A_646 = arith.index_cast %parallel_loop3A_645 : i32 to index
        %parallel_loop3A_647 = tpu.vector_load %arg6[%parallel_loop3A_646] {strides = array<i32>} : memref<32768xf32, #tpu.memory_space<vmem>>, vector<16xf32>,
        tpu.vector_store %arg6[%parallel_loop3A_646], %parallel_loop3A_643 {strides = array<i32>} : memref<32768xf32, #tpu.memory_space<vmem>>, vector<16xf32>,
        %parallel_loop3A_648 = arith.constant 29 : i32
        %parallel_loop3A_649 = vector.broadcast %parallel_loop3A_648 : i32 to vector<16xi32>
        %parallel_loop3A_650 = tpu.vector_load_idx %arg5[%parallel_loop3A_399, %parallel_loop3A_649] : memref<1000x33xf32, #tpu.memory_space<vmem>>[vector<16xi32>, vector<16xi32>], vector<16xf32>,
        %parallel_loop3A_651 = arith.constant 25216 : i32
        %parallel_loop3A_652 = arith.addi %parallel_loop3A_444, %parallel_loop3A_651 : i32
        %parallel_loop3A_653 = arith.index_cast %parallel_loop3A_652 : i32 to index
        %parallel_loop3A_654 = tpu.vector_load %arg6[%parallel_loop3A_653] {strides = array<i32>} : memref<32768xf32, #tpu.memory_space<vmem>>, vector<16xf32>,
        tpu.vector_store %arg6[%parallel_loop3A_653], %parallel_loop3A_650 {strides = array<i32>} : memref<32768xf32, #tpu.memory_space<vmem>>, vector<16xf32>,
        %parallel_loop3A_655 = arith.constant 30 : i32
        %parallel_loop3A_656 = vector.broadcast %parallel_loop3A_655 : i32 to vector<16xi32>
        %parallel_loop3A_657 = tpu.vector_load_idx %arg5[%parallel_loop3A_399, %parallel_loop3A_656] : memref<1000x33xf32, #tpu.memory_space<vmem>>[vector<16xi32>, vector<16xi32>], vector<16xf32>,
        %parallel_loop3A_658 = arith.constant 25344 : i32
        %parallel_loop3A_659 = arith.addi %parallel_loop3A_444, %parallel_loop3A_658 : i32
        %parallel_loop3A_660 = arith.index_cast %parallel_loop3A_659 : i32 to index
        %parallel_loop3A_661 = tpu.vector_load %arg6[%parallel_loop3A_660] {strides = array<i32>} : memref<32768xf32, #tpu.memory_space<vmem>>, vector<16xf32>,
        tpu.vector_store %arg6[%parallel_loop3A_660], %parallel_loop3A_657 {strides = array<i32>} : memref<32768xf32, #tpu.memory_space<vmem>>, vector<16xf32>,
        %parallel_loop3A_662 = arith.constant 31 : i32
        %parallel_loop3A_663 = vector.broadcast %parallel_loop3A_662 : i32 to vector<16xi32>
        %parallel_loop3A_664 = tpu.vector_load_idx %arg5[%parallel_loop3A_399, %parallel_loop3A_663] : memref<1000x33xf32, #tpu.memory_space<vmem>>[vector<16xi32>, vector<16xi32>], vector<16xf32>,
        %parallel_loop3A_665 = arith.constant 25472 : i32
        %parallel_loop3A_666 = arith.addi %parallel_loop3A_444, %parallel_loop3A_665 : i32
        %parallel_loop3A_667 = arith.index_cast %parallel_loop3A_666 : i32 to index
        %parallel_loop3A_668 = tpu.vector_load %arg6[%parallel_loop3A_667] {strides = array<i32>} : memref<32768xf32, #tpu.memory_space<vmem>>, vector<16xf32>,
        tpu.vector_store %arg6[%parallel_loop3A_667], %parallel_loop3A_664 {strides = array<i32>} : memref<32768xf32, #tpu.memory_space<vmem>>, vector<16xf32>,
      } {sc.loop_unroll_factor = 1 : i64, sc.parallel_access}
      %add3A_70 = arith.constant 2 : i32
      %add3A_71 = arith.addi %add3A_58, %add3A_70 : i32
      %lt3A_72 = arith.constant 50 : i32
      %lt3A_73 = arith.cmpi slt, %add3A_71, %lt3A_72 : i32
      %convert_element_type3A_74 = arith.extui %lt3A_73 : i1 to i32
      %cond3A_75 = arith.constant 0 : i32
      %cond3A_76 = arith.cmpi ne, %convert_element_type3A_74, %cond3A_75 : i32
      scf.if %cond3A_76 {
        %add3A_118 = arith.constant 2 : i32
        %add3A_119 = arith.addi %add3A_58, %add3A_118 : i32
        %dma_start3A_120 = arith.constant 0 : i32
        %dma_start3A_121 = tpu.memref_slice %arg2[%add3A_119, %dma_start3A_120] : memref<50x1024xi32, #tpu.memory_space<hbm>> -> memref<1x1024xi32, #tpu.memory_space<hbm>>
        %dma_start3A_122 = tpu.memref_squeeze %dma_start3A_121 : memref<1x1024xi32, #tpu.memory_space<hbm>> -> memref<1024xi32, #tpu.memory_space<hbm>>
        %dma_start3A_123 = arith.constant 0 : i32
        %dma_start3A_124 = tpu.memref_slice %arg2[%add3A_119, %dma_start3A_123] : memref<50x1024xi32, #tpu.memory_space<hbm>> -> memref<1x1024xi32, #tpu.memory_space<hbm>>
        %dma_start3A_125 = tpu.memref_squeeze %dma_start3A_124 : memref<1x1024xi32, #tpu.memory_space<hbm>> -> memref<1024xi32, #tpu.memory_space<hbm>>
        tpu.enqueue_dma source(%dma_start3A_125 : memref<1024xi32, #tpu.memory_space<hbm>>) target(%arg8 : memref<1024xi32, #tpu.memory_space<vmem>>) target_semaphore(%arg10 : memref<!tpu.dma_semaphore, #tpu.memory_space<semaphore_mem>>)
      } else {
      }
      %convert_element_type3A_77 = arith.extui %lt3A_1 : i1 to i32
      %cond3A_78 = arith.constant 0 : i32
      %cond3A_79 = arith.cmpi ne, %convert_element_type3A_77, %cond3A_78 : i32
      scf.if %cond3A_79 {
        %dma_start3A_118 = tpu.memref_slice %arg4[%add3A_58, %mul3A_11] : memref<50x1024000xf32, #tpu.memory_space<hbm>> -> memref<1x32768xf32, #tpu.memory_space<hbm>>
        %dma_start3A_119 = tpu.memref_squeeze %dma_start3A_118 : memref<1x32768xf32, #tpu.memory_space<hbm>> -> memref<32768xf32, #tpu.memory_space<hbm>>
        %dma_start3A_120 = tpu.memref_slice %arg4[%add3A_58, %mul3A_11] : memref<50x1024000xf32, #tpu.memory_space<hbm>> -> memref<1x32768xf32, #tpu.memory_space<hbm>>
        %dma_start3A_121 = tpu.memref_squeeze %dma_start3A_120 : memref<1x32768xf32, #tpu.memory_space<hbm>> -> memref<32768xf32, #tpu.memory_space<hbm>>
        tpu.enqueue_dma source(%arg6 : memref<32768xf32, #tpu.memory_space<vmem>>) target(%dma_start3A_121 : memref<32768xf32, #tpu.memory_space<hbm>>) target_semaphore(%arg12 : memref<!tpu.dma_semaphore, #tpu.memory_space<semaphore_mem>>)
      } else {
      }
      %not3A_80 = arith.constant true
      %not3A_81 = arith.xori %lt3A_1, %not3A_80 : i1
      %convert_element_type3A_82 = arith.extui %not3A_81 : i1 to i32
      %cond3A_83 = arith.constant 0 : i32
      %cond3A_84 = arith.cmpi ne, %convert_element_type3A_82, %cond3A_83 : i32
      scf.if %cond3A_84 {
        %dma_start3A_118 = arith.constant 0 : i32
        %dma_start3A_119 = tpu.memref_slice %arg6[%dma_start3A_118] : memref<32768xf32, #tpu.memory_space<vmem>> -> memref<24576xf32, #tpu.memory_space<vmem>>
        %dma_start3A_120 = tpu.memref_slice %arg4[%add3A_58, %mul3A_11] : memref<50x1024000xf32, #tpu.memory_space<hbm>> -> memref<1x24576xf32, #tpu.memory_space<hbm>>
        %dma_start3A_121 = tpu.memref_squeeze %dma_start3A_120 : memref<1x24576xf32, #tpu.memory_space<hbm>> -> memref<24576xf32, #tpu.memory_space<hbm>>
        %dma_start3A_122 = tpu.memref_slice %arg4[%add3A_58, %mul3A_11] : memref<50x1024000xf32, #tpu.memory_space<hbm>> -> memref<1x24576xf32, #tpu.memory_space<hbm>>
        %dma_start3A_123 = tpu.memref_squeeze %dma_start3A_122 : memref<1x24576xf32, #tpu.memory_space<hbm>> -> memref<24576xf32, #tpu.memory_space<hbm>>
        %dma_start3A_124 = arith.constant 0 : i32
        %dma_start3A_125 = tpu.memref_slice %arg6[%dma_start3A_124] : memref<32768xf32, #tpu.memory_space<vmem>> -> memref<24576xf32, #tpu.memory_space<vmem>>
        tpu.enqueue_dma source(%dma_start3A_125 : memref<24576xf32, #tpu.memory_space<vmem>>) target(%dma_start3A_123 : memref<24576xf32, #tpu.memory_space<hbm>>) target_semaphore(%arg12 : memref<!tpu.dma_semaphore, #tpu.memory_space<semaphore_mem>>)
      } else {
      }
      %mul3A_85 = arith.constant 2 : i32
      %mul3A_86 = arith.muli %add3A_54, %mul3A_85 : i32
      %add3A_87 = arith.constant 1 : i32
      %add3A_88 = arith.addi %mul3A_86, %add3A_87 : i32
      %dma_wait3A_89 = arith.constant 0 : i32
      %dma_wait3A_90 = tpu.memref_slice %arg2[%add3A_88, %dma_wait3A_89] : memref<50x1024xi32, #tpu.memory_space<hbm>> -> memref<1x1024xi32, #tpu.memory_space<hbm>>
      %dma_wait3A_91 = tpu.memref_squeeze %dma_wait3A_90 : memref<1x1024xi32, #tpu.memory_space<hbm>> -> memref<1024xi32, #tpu.memory_space<hbm>>
      %dma_wait3A_92 = arith.constant 0 : i32
      %dma_wait3A_93 = tpu.memref_slice %arg2[%add3A_88, %dma_wait3A_92] : memref<50x1024xi32, #tpu.memory_space<hbm>> -> memref<1x1024xi32, #tpu.memory_space<hbm>>
      %dma_wait3A_94 = tpu.memref_squeeze %dma_wait3A_93 : memref<1x1024xi32, #tpu.memory_space<hbm>> -> memref<1024xi32, #tpu.memory_space<hbm>>
      tpu.wait_dma2 semaphore(%arg11 : memref<!tpu.dma_semaphore, #tpu.memory_space<semaphore_mem>>) src(%dma_wait3A_94 : memref<1024xi32, #tpu.memory_space<hbm>>) dst(%arg9 : memref<1024xi32, #tpu.memory_space<vmem>>)
      %gt3A_95 = arith.constant 0 : i32
      %gt3A_96 = arith.cmpi sgt, %add3A_54, %gt3A_95 : i32
      %convert_element_type3A_97 = arith.extui %gt3A_96 : i1 to i32
      %cond3A_98 = arith.constant 0 : i32
      %cond3A_99 = arith.cmpi ne, %convert_element_type3A_97, %cond3A_98 : i32
      scf.if %cond3A_99 {
        %sub3A = arith.constant 2 : i32
        %sub3A_118 = arith.subi %add3A_88, %sub3A : i32
        %convert_element_type3A_119 = arith.extui %lt3A_1 : i1 to i32
        %cond3A_120 = arith.constant 0 : i32
        %cond3A_121 = arith.cmpi ne, %convert_element_type3A_119, %cond3A_120 : i32
        scf.if %cond3A_121 {
          %dma_wait3A_127 = tpu.memref_slice %arg4[%sub3A_118, %mul3A_11] : memref<50x1024000xf32, #tpu.memory_space<hbm>> -> memref<1x32768xf32, #tpu.memory_space<hbm>>
          %dma_wait3A_128 = tpu.memref_squeeze %dma_wait3A_127 : memref<1x32768xf32, #tpu.memory_space<hbm>> -> memref<32768xf32, #tpu.memory_space<hbm>>
          %dma_wait3A_129 = tpu.memref_slice %arg4[%sub3A_118, %mul3A_11] : memref<50x1024000xf32, #tpu.memory_space<hbm>> -> memref<1x32768xf32, #tpu.memory_space<hbm>>
          %dma_wait3A_130 = tpu.memref_squeeze %dma_wait3A_129 : memref<1x32768xf32, #tpu.memory_space<hbm>> -> memref<32768xf32, #tpu.memory_space<hbm>>
          tpu.wait_dma2 semaphore(%arg13 : memref<!tpu.dma_semaphore, #tpu.memory_space<semaphore_mem>>) src(%arg7 : memref<32768xf32, #tpu.memory_space<vmem>>) dst(%dma_wait3A_130 : memref<32768xf32, #tpu.memory_space<hbm>>)
        } else {
        }
        %not3A_122 = arith.constant true
        %not3A_123 = arith.xori %lt3A_1, %not3A_122 : i1
        %convert_element_type3A_124 = arith.extui %not3A_123 : i1 to i32
        %cond3A_125 = arith.constant 0 : i32
        %cond3A_126 = arith.cmpi ne, %convert_element_type3A_124, %cond3A_125 : i32
        scf.if %cond3A_126 {
          %dma_wait3A_127 = arith.constant 0 : i32
          %dma_wait3A_128 = tpu.memref_slice %arg7[%dma_wait3A_127] : memref<32768xf32, #tpu.memory_space<vmem>> -> memref<24576xf32, #tpu.memory_space<vmem>>
          %dma_wait3A_129 = tpu.memref_slice %arg4[%sub3A_118, %mul3A_11] : memref<50x1024000xf32, #tpu.memory_space<hbm>> -> memref<1x24576xf32, #tpu.memory_space<hbm>>
          %dma_wait3A_130 = tpu.memref_squeeze %dma_wait3A_129 : memref<1x24576xf32, #tpu.memory_space<hbm>> -> memref<24576xf32, #tpu.memory_space<hbm>>
          %dma_wait3A_131 = tpu.memref_slice %arg4[%sub3A_118, %mul3A_11] : memref<50x1024000xf32, #tpu.memory_space<hbm>> -> memref<1x24576xf32, #tpu.memory_space<hbm>>
          %dma_wait3A_132 = tpu.memref_squeeze %dma_wait3A_131 : memref<1x24576xf32, #tpu.memory_space<hbm>> -> memref<24576xf32, #tpu.memory_space<hbm>>
          %dma_wait3A_133 = arith.constant 0 : i32
          %dma_wait3A_134 = tpu.memref_slice %arg7[%dma_wait3A_133] : memref<32768xf32, #tpu.memory_space<vmem>> -> memref<24576xf32, #tpu.memory_space<vmem>>
          tpu.wait_dma2 semaphore(%arg13 : memref<!tpu.dma_semaphore, #tpu.memory_space<semaphore_mem>>) src(%dma_wait3A_134 : memref<24576xf32, #tpu.memory_space<vmem>>) dst(%dma_wait3A_132 : memref<24576xf32, #tpu.memory_space<hbm>>)
        } else {
        }
      } else {
      }
      %parallel_loop3A_100 = arith.constant 0 : i32
      %parallel_loop3A_101 = arith.constant 64 : i32
      %parallel_loop3A_102 = arith.constant 2 : i32
      scf.for %parallel_loop3A_118 = %parallel_loop3A_100 to %parallel_loop3A_101 step %parallel_loop3A_102  : i32 {
        %parallel_loop3A_119 = arith.constant 0 : i32
        %parallel_loop3A_120 = arith.addi %parallel_loop3A_118, %parallel_loop3A_119 : i32
        %parallel_loop3A_121 = arith.constant 16 : i32
        %parallel_loop3A_122 = arith.muli %parallel_loop3A_120, %parallel_loop3A_121 : i32
        %parallel_loop3A_123 = arith.index_cast %parallel_loop3A_122 : i32 to index
        %parallel_loop3A_124 = tpu.vector_load %arg9[%parallel_loop3A_123] {strides = array<i32>} : memref<1024xi32, #tpu.memory_space<vmem>>, vector<16xi32>,
        %parallel_loop3A_125 = arith.constant 8 : i32
        %parallel_loop3A_126 = arith.divsi %parallel_loop3A_120, %parallel_loop3A_125 : i32
        %parallel_loop3A_127 = arith.constant 0 : i32
        %parallel_loop3A_128 = arith.cmpi sgt, %parallel_loop3A_120, %parallel_loop3A_127 : i32
        %parallel_loop3A_129 = arith.extui %parallel_loop3A_128 : i1 to i32
        %parallel_loop3A_130 = arith.constant 0 : i32
        %parallel_loop3A_131 = arith.cmpi slt, %parallel_loop3A_120, %parallel_loop3A_130 : i32
        %parallel_loop3A_132 = arith.extui %parallel_loop3A_131 : i1 to i32
        %parallel_loop3A_133 = arith.subi %parallel_loop3A_129, %parallel_loop3A_132 : i32
        %parallel_loop3A_134 = arith.constant 0 : i32
        %parallel_loop3A_135 = arith.cmpi sgt, %parallel_loop3A_125, %parallel_loop3A_134 : i32
        %parallel_loop3A_136 = arith.extui %parallel_loop3A_135 : i1 to i32
        %parallel_loop3A_137 = arith.constant 0 : i32
        %parallel_loop3A_138 = arith.cmpi slt, %parallel_loop3A_125, %parallel_loop3A_137 : i32
        %parallel_loop3A_139 = arith.extui %parallel_loop3A_138 : i1 to i32
        %parallel_loop3A_140 = arith.subi %parallel_loop3A_136, %parallel_loop3A_139 : i32
        %parallel_loop3A_141 = arith.cmpi ne, %parallel_loop3A_133, %parallel_loop3A_140 : i32
        %parallel_loop3A_142 = arith.remsi %parallel_loop3A_120, %parallel_loop3A_125 : i32
        %parallel_loop3A_143 = arith.constant 0 : i32
        %parallel_loop3A_144 = arith.cmpi ne, %parallel_loop3A_142, %parallel_loop3A_143 : i32
        %parallel_loop3A_145 = arith.andi %parallel_loop3A_141, %parallel_loop3A_144 : i1
        %parallel_loop3A_146 = arith.constant 1 : i32
        %parallel_loop3A_147 = arith.subi %parallel_loop3A_126, %parallel_loop3A_146 : i32
        %parallel_loop3A_148 = arith.select %parallel_loop3A_145, %parallel_loop3A_147, %parallel_loop3A_126 : i32
        %parallel_loop3A_149 = arith.constant 1024 : i32
        %parallel_loop3A_150 = arith.muli %parallel_loop3A_148, %parallel_loop3A_149 : i32
        %parallel_loop3A_151 = arith.constant 8 : i32
        %parallel_loop3A_152 = arith.constant 0 : i32
        %parallel_loop3A_153 = arith.cmpi eq, %parallel_loop3A_151, %parallel_loop3A_152 : i32
        %parallel_loop3A_154 = arith.constant 1 : i32
        %parallel_loop3A_155 = arith.select %parallel_loop3A_153, %parallel_loop3A_154, %parallel_loop3A_151 : i32
        %parallel_loop3A_156 = arith.remsi %parallel_loop3A_120, %parallel_loop3A_155 : i32
        %parallel_loop3A_157 = arith.constant 0 : i32
        %parallel_loop3A_158 = arith.cmpi ne, %parallel_loop3A_156, %parallel_loop3A_157 : i32
        %parallel_loop3A_159 = arith.constant 0 : i32
        %parallel_loop3A_160 = arith.cmpi slt, %parallel_loop3A_156, %parallel_loop3A_159 : i32
        %parallel_loop3A_161 = arith.constant 0 : i32
        %parallel_loop3A_162 = arith.cmpi slt, %parallel_loop3A_155, %parallel_loop3A_161 : i32
        %parallel_loop3A_163 = arith.xori %parallel_loop3A_160, %parallel_loop3A_162 : i1
        %parallel_loop3A_164 = arith.andi %parallel_loop3A_163, %parallel_loop3A_158 : i1
        %parallel_loop3A_165 = arith.addi %parallel_loop3A_156, %parallel_loop3A_155 : i32
        %parallel_loop3A_166 = arith.select %parallel_loop3A_164, %parallel_loop3A_165, %parallel_loop3A_156 : i32
        %parallel_loop3A_167 = arith.constant 16 : i32
        %parallel_loop3A_168 = arith.muli %parallel_loop3A_166, %parallel_loop3A_167 : i32
        %parallel_loop3A_169 = arith.addi %parallel_loop3A_150, %parallel_loop3A_168 : i32
        %parallel_loop3A_170 = arith.constant 0 : i32
        %parallel_loop3A_171 = vector.broadcast %parallel_loop3A_170 : i32 to vector<16xi32>
        %parallel_loop3A_172 = tpu.vector_load_idx %arg5[%parallel_loop3A_124, %parallel_loop3A_171] : memref<1000x33xf32, #tpu.memory_space<vmem>>[vector<16xi32>, vector<16xi32>], vector<16xf32>,
        %parallel_loop3A_173 = arith.constant 0 : i32
        %parallel_loop3A_174 = arith.addi %parallel_loop3A_169, %parallel_loop3A_173 : i32
        %parallel_loop3A_175 = arith.index_cast %parallel_loop3A_174 : i32 to index
        %parallel_loop3A_176 = tpu.vector_load %arg7[%parallel_loop3A_175] {strides = array<i32>} : memref<32768xf32, #tpu.memory_space<vmem>>, vector<16xf32>,
        tpu.vector_store %arg7[%parallel_loop3A_175], %parallel_loop3A_172 {strides = array<i32>} : memref<32768xf32, #tpu.memory_space<vmem>>, vector<16xf32>,
        %parallel_loop3A_177 = arith.constant 1 : i32
        %parallel_loop3A_178 = vector.broadcast %parallel_loop3A_177 : i32 to vector<16xi32>
        %parallel_loop3A_179 = tpu.vector_load_idx %arg5[%parallel_loop3A_124, %parallel_loop3A_178] : memref<1000x33xf32, #tpu.memory_space<vmem>>[vector<16xi32>, vector<16xi32>], vector<16xf32>,
        %parallel_loop3A_180 = arith.constant 128 : i32
        %parallel_loop3A_181 = arith.addi %parallel_loop3A_169, %parallel_loop3A_180 : i32
        %parallel_loop3A_182 = arith.index_cast %parallel_loop3A_181 : i32 to index
        %parallel_loop3A_183 = tpu.vector_load %arg7[%parallel_loop3A_182] {strides = array<i32>} : memref<32768xf32, #tpu.memory_space<vmem>>, vector<16xf32>,
        tpu.vector_store %arg7[%parallel_loop3A_182], %parallel_loop3A_179 {strides = array<i32>} : memref<32768xf32, #tpu.memory_space<vmem>>, vector<16xf32>,
        %parallel_loop3A_184 = arith.constant 2 : i32
        %parallel_loop3A_185 = vector.broadcast %parallel_loop3A_184 : i32 to vector<16xi32>
        %parallel_loop3A_186 = tpu.vector_load_idx %arg5[%parallel_loop3A_124, %parallel_loop3A_185] : memref<1000x33xf32, #tpu.memory_space<vmem>>[vector<16xi32>, vector<16xi32>], vector<16xf32>,
        %parallel_loop3A_187 = arith.constant 256 : i32
        %parallel_loop3A_188 = arith.addi %parallel_loop3A_169, %parallel_loop3A_187 : i32
        %parallel_loop3A_189 = arith.index_cast %parallel_loop3A_188 : i32 to index
        %parallel_loop3A_190 = tpu.vector_load %arg7[%parallel_loop3A_189] {strides = array<i32>} : memref<32768xf32, #tpu.memory_space<vmem>>, vector<16xf32>,
        tpu.vector_store %arg7[%parallel_loop3A_189], %parallel_loop3A_186 {strides = array<i32>} : memref<32768xf32, #tpu.memory_space<vmem>>, vector<16xf32>,
        %parallel_loop3A_191 = arith.constant 3 : i32
        %parallel_loop3A_192 = vector.broadcast %parallel_loop3A_191 : i32 to vector<16xi32>
        %parallel_loop3A_193 = tpu.vector_load_idx %arg5[%parallel_loop3A_124, %parallel_loop3A_192] : memref<1000x33xf32, #tpu.memory_space<vmem>>[vector<16xi32>, vector<16xi32>], vector<16xf32>,
        %parallel_loop3A_194 = arith.constant 384 : i32
        %parallel_loop3A_195 = arith.addi %parallel_loop3A_169, %parallel_loop3A_194 : i32
        %parallel_loop3A_196 = arith.index_cast %parallel_loop3A_195 : i32 to index
        %parallel_loop3A_197 = tpu.vector_load %arg7[%parallel_loop3A_196] {strides = array<i32>} : memref<32768xf32, #tpu.memory_space<vmem>>, vector<16xf32>,
        tpu.vector_store %arg7[%parallel_loop3A_196], %parallel_loop3A_193 {strides = array<i32>} : memref<32768xf32, #tpu.memory_space<vmem>>, vector<16xf32>,
        %parallel_loop3A_198 = arith.constant 4 : i32
        %parallel_loop3A_199 = vector.broadcast %parallel_loop3A_198 : i32 to vector<16xi32>
        %parallel_loop3A_200 = tpu.vector_load_idx %arg5[%parallel_loop3A_124, %parallel_loop3A_199] : memref<1000x33xf32, #tpu.memory_space<vmem>>[vector<16xi32>, vector<16xi32>], vector<16xf32>,
        %parallel_loop3A_201 = arith.constant 512 : i32
        %parallel_loop3A_202 = arith.addi %parallel_loop3A_169, %parallel_loop3A_201 : i32
        %parallel_loop3A_203 = arith.index_cast %parallel_loop3A_202 : i32 to index
        %parallel_loop3A_204 = tpu.vector_load %arg7[%parallel_loop3A_203] {strides = array<i32>} : memref<32768xf32, #tpu.memory_space<vmem>>, vector<16xf32>,
        tpu.vector_store %arg7[%parallel_loop3A_203], %parallel_loop3A_200 {strides = array<i32>} : memref<32768xf32, #tpu.memory_space<vmem>>, vector<16xf32>,
        %parallel_loop3A_205 = arith.constant 5 : i32
        %parallel_loop3A_206 = vector.broadcast %parallel_loop3A_205 : i32 to vector<16xi32>
        %parallel_loop3A_207 = tpu.vector_load_idx %arg5[%parallel_loop3A_124, %parallel_loop3A_206] : memref<1000x33xf32, #tpu.memory_space<vmem>>[vector<16xi32>, vector<16xi32>], vector<16xf32>,
        %parallel_loop3A_208 = arith.constant 640 : i32
        %parallel_loop3A_209 = arith.addi %parallel_loop3A_169, %parallel_loop3A_208 : i32
        %parallel_loop3A_210 = arith.index_cast %parallel_loop3A_209 : i32 to index
        %parallel_loop3A_211 = tpu.vector_load %arg7[%parallel_loop3A_210] {strides = array<i32>} : memref<32768xf32, #tpu.memory_space<vmem>>, vector<16xf32>,
        tpu.vector_store %arg7[%parallel_loop3A_210], %parallel_loop3A_207 {strides = array<i32>} : memref<32768xf32, #tpu.memory_space<vmem>>, vector<16xf32>,
        %parallel_loop3A_212 = arith.constant 6 : i32
        %parallel_loop3A_213 = vector.broadcast %parallel_loop3A_212 : i32 to vector<16xi32>
        %parallel_loop3A_214 = tpu.vector_load_idx %arg5[%parallel_loop3A_124, %parallel_loop3A_213] : memref<1000x33xf32, #tpu.memory_space<vmem>>[vector<16xi32>, vector<16xi32>], vector<16xf32>,
        %parallel_loop3A_215 = arith.constant 768 : i32
        %parallel_loop3A_216 = arith.addi %parallel_loop3A_169, %parallel_loop3A_215 : i32
        %parallel_loop3A_217 = arith.index_cast %parallel_loop3A_216 : i32 to index
        %parallel_loop3A_218 = tpu.vector_load %arg7[%parallel_loop3A_217] {strides = array<i32>} : memref<32768xf32, #tpu.memory_space<vmem>>, vector<16xf32>,
        tpu.vector_store %arg7[%parallel_loop3A_217], %parallel_loop3A_214 {strides = array<i32>} : memref<32768xf32, #tpu.memory_space<vmem>>, vector<16xf32>,
        %parallel_loop3A_219 = arith.constant 7 : i32
        %parallel_loop3A_220 = vector.broadcast %parallel_loop3A_219 : i32 to vector<16xi32>
        %parallel_loop3A_221 = tpu.vector_load_idx %arg5[%parallel_loop3A_124, %parallel_loop3A_220] : memref<1000x33xf32, #tpu.memory_space<vmem>>[vector<16xi32>, vector<16xi32>], vector<16xf32>,
        %parallel_loop3A_222 = arith.constant 896 : i32
        %parallel_loop3A_223 = arith.addi %parallel_loop3A_169, %parallel_loop3A_222 : i32
        %parallel_loop3A_224 = arith.index_cast %parallel_loop3A_223 : i32 to index
        %parallel_loop3A_225 = tpu.vector_load %arg7[%parallel_loop3A_224] {strides = array<i32>} : memref<32768xf32, #tpu.memory_space<vmem>>, vector<16xf32>,
        tpu.vector_store %arg7[%parallel_loop3A_224], %parallel_loop3A_221 {strides = array<i32>} : memref<32768xf32, #tpu.memory_space<vmem>>, vector<16xf32>,
        %parallel_loop3A_226 = arith.constant 8 : i32
        %parallel_loop3A_227 = vector.broadcast %parallel_loop3A_226 : i32 to vector<16xi32>
        %parallel_loop3A_228 = tpu.vector_load_idx %arg5[%parallel_loop3A_124, %parallel_loop3A_227] : memref<1000x33xf32, #tpu.memory_space<vmem>>[vector<16xi32>, vector<16xi32>], vector<16xf32>,
        %parallel_loop3A_229 = arith.constant 8192 : i32
        %parallel_loop3A_230 = arith.addi %parallel_loop3A_169, %parallel_loop3A_229 : i32
        %parallel_loop3A_231 = arith.index_cast %parallel_loop3A_230 : i32 to index
        %parallel_loop3A_232 = tpu.vector_load %arg7[%parallel_loop3A_231] {strides = array<i32>} : memref<32768xf32, #tpu.memory_space<vmem>>, vector<16xf32>,
        tpu.vector_store %arg7[%parallel_loop3A_231], %parallel_loop3A_228 {strides = array<i32>} : memref<32768xf32, #tpu.memory_space<vmem>>, vector<16xf32>,
        %parallel_loop3A_233 = arith.constant 9 : i32
        %parallel_loop3A_234 = vector.broadcast %parallel_loop3A_233 : i32 to vector<16xi32>
        %parallel_loop3A_235 = tpu.vector_load_idx %arg5[%parallel_loop3A_124, %parallel_loop3A_234] : memref<1000x33xf32, #tpu.memory_space<vmem>>[vector<16xi32>, vector<16xi32>], vector<16xf32>,
        %parallel_loop3A_236 = arith.constant 8320 : i32
        %parallel_loop3A_237 = arith.addi %parallel_loop3A_169, %parallel_loop3A_236 : i32
        %parallel_loop3A_238 = arith.index_cast %parallel_loop3A_237 : i32 to index
        %parallel_loop3A_239 = tpu.vector_load %arg7[%parallel_loop3A_238] {strides = array<i32>} : memref<32768xf32, #tpu.memory_space<vmem>>, vector<16xf32>,
        tpu.vector_store %arg7[%parallel_loop3A_238], %parallel_loop3A_235 {strides = array<i32>} : memref<32768xf32, #tpu.memory_space<vmem>>, vector<16xf32>,
        %parallel_loop3A_240 = arith.constant 10 : i32
        %parallel_loop3A_241 = vector.broadcast %parallel_loop3A_240 : i32 to vector<16xi32>
        %parallel_loop3A_242 = tpu.vector_load_idx %arg5[%parallel_loop3A_124, %parallel_loop3A_241] : memref<1000x33xf32, #tpu.memory_space<vmem>>[vector<16xi32>, vector<16xi32>], vector<16xf32>,
        %parallel_loop3A_243 = arith.constant 8448 : i32
        %parallel_loop3A_244 = arith.addi %parallel_loop3A_169, %parallel_loop3A_243 : i32
        %parallel_loop3A_245 = arith.index_cast %parallel_loop3A_244 : i32 to index
        %parallel_loop3A_246 = tpu.vector_load %arg7[%parallel_loop3A_245] {strides = array<i32>} : memref<32768xf32, #tpu.memory_space<vmem>>, vector<16xf32>,
        tpu.vector_store %arg7[%parallel_loop3A_245], %parallel_loop3A_242 {strides = array<i32>} : memref<32768xf32, #tpu.memory_space<vmem>>, vector<16xf32>,
        %parallel_loop3A_247 = arith.constant 11 : i32
        %parallel_loop3A_248 = vector.broadcast %parallel_loop3A_247 : i32 to vector<16xi32>
        %parallel_loop3A_249 = tpu.vector_load_idx %arg5[%parallel_loop3A_124, %parallel_loop3A_248] : memref<1000x33xf32, #tpu.memory_space<vmem>>[vector<16xi32>, vector<16xi32>], vector<16xf32>,
        %parallel_loop3A_250 = arith.constant 8576 : i32
        %parallel_loop3A_251 = arith.addi %parallel_loop3A_169, %parallel_loop3A_250 : i32
        %parallel_loop3A_252 = arith.index_cast %parallel_loop3A_251 : i32 to index
        %parallel_loop3A_253 = tpu.vector_load %arg7[%parallel_loop3A_252] {strides = array<i32>} : memref<32768xf32, #tpu.memory_space<vmem>>, vector<16xf32>,
        tpu.vector_store %arg7[%parallel_loop3A_252], %parallel_loop3A_249 {strides = array<i32>} : memref<32768xf32, #tpu.memory_space<vmem>>, vector<16xf32>,
        %parallel_loop3A_254 = arith.constant 12 : i32
        %parallel_loop3A_255 = vector.broadcast %parallel_loop3A_254 : i32 to vector<16xi32>
        %parallel_loop3A_256 = tpu.vector_load_idx %arg5[%parallel_loop3A_124, %parallel_loop3A_255] : memref<1000x33xf32, #tpu.memory_space<vmem>>[vector<16xi32>, vector<16xi32>], vector<16xf32>,
        %parallel_loop3A_257 = arith.constant 8704 : i32
        %parallel_loop3A_258 = arith.addi %parallel_loop3A_169, %parallel_loop3A_257 : i32
        %parallel_loop3A_259 = arith.index_cast %parallel_loop3A_258 : i32 to index
        %parallel_loop3A_260 = tpu.vector_load %arg7[%parallel_loop3A_259] {strides = array<i32>} : memref<32768xf32, #tpu.memory_space<vmem>>, vector<16xf32>,
        tpu.vector_store %arg7[%parallel_loop3A_259], %parallel_loop3A_256 {strides = array<i32>} : memref<32768xf32, #tpu.memory_space<vmem>>, vector<16xf32>,
        %parallel_loop3A_261 = arith.constant 13 : i32
        %parallel_loop3A_262 = vector.broadcast %parallel_loop3A_261 : i32 to vector<16xi32>
        %parallel_loop3A_263 = tpu.vector_load_idx %arg5[%parallel_loop3A_124, %parallel_loop3A_262] : memref<1000x33xf32, #tpu.memory_space<vmem>>[vector<16xi32>, vector<16xi32>], vector<16xf32>,
        %parallel_loop3A_264 = arith.constant 8832 : i32
        %parallel_loop3A_265 = arith.addi %parallel_loop3A_169, %parallel_loop3A_264 : i32
        %parallel_loop3A_266 = arith.index_cast %parallel_loop3A_265 : i32 to index
        %parallel_loop3A_267 = tpu.vector_load %arg7[%parallel_loop3A_266] {strides = array<i32>} : memref<32768xf32, #tpu.memory_space<vmem>>, vector<16xf32>,
        tpu.vector_store %arg7[%parallel_loop3A_266], %parallel_loop3A_263 {strides = array<i32>} : memref<32768xf32, #tpu.memory_space<vmem>>, vector<16xf32>,
        %parallel_loop3A_268 = arith.constant 14 : i32
        %parallel_loop3A_269 = vector.broadcast %parallel_loop3A_268 : i32 to vector<16xi32>
        %parallel_loop3A_270 = tpu.vector_load_idx %arg5[%parallel_loop3A_124, %parallel_loop3A_269] : memref<1000x33xf32, #tpu.memory_space<vmem>>[vector<16xi32>, vector<16xi32>], vector<16xf32>,
        %parallel_loop3A_271 = arith.constant 8960 : i32
        %parallel_loop3A_272 = arith.addi %parallel_loop3A_169, %parallel_loop3A_271 : i32
        %parallel_loop3A_273 = arith.index_cast %parallel_loop3A_272 : i32 to index
        %parallel_loop3A_274 = tpu.vector_load %arg7[%parallel_loop3A_273] {strides = array<i32>} : memref<32768xf32, #tpu.memory_space<vmem>>, vector<16xf32>,
        tpu.vector_store %arg7[%parallel_loop3A_273], %parallel_loop3A_270 {strides = array<i32>} : memref<32768xf32, #tpu.memory_space<vmem>>, vector<16xf32>,
        %parallel_loop3A_275 = arith.constant 15 : i32
        %parallel_loop3A_276 = vector.broadcast %parallel_loop3A_275 : i32 to vector<16xi32>
        %parallel_loop3A_277 = tpu.vector_load_idx %arg5[%parallel_loop3A_124, %parallel_loop3A_276] : memref<1000x33xf32, #tpu.memory_space<vmem>>[vector<16xi32>, vector<16xi32>], vector<16xf32>,
        %parallel_loop3A_278 = arith.constant 9088 : i32
        %parallel_loop3A_279 = arith.addi %parallel_loop3A_169, %parallel_loop3A_278 : i32
        %parallel_loop3A_280 = arith.index_cast %parallel_loop3A_279 : i32 to index
        %parallel_loop3A_281 = tpu.vector_load %arg7[%parallel_loop3A_280] {strides = array<i32>} : memref<32768xf32, #tpu.memory_space<vmem>>, vector<16xf32>,
        tpu.vector_store %arg7[%parallel_loop3A_280], %parallel_loop3A_277 {strides = array<i32>} : memref<32768xf32, #tpu.memory_space<vmem>>, vector<16xf32>,
        %parallel_loop3A_282 = arith.constant 16 : i32
        %parallel_loop3A_283 = vector.broadcast %parallel_loop3A_282 : i32 to vector<16xi32>
        %parallel_loop3A_284 = tpu.vector_load_idx %arg5[%parallel_loop3A_124, %parallel_loop3A_283] : memref<1000x33xf32, #tpu.memory_space<vmem>>[vector<16xi32>, vector<16xi32>], vector<16xf32>,
        %parallel_loop3A_285 = arith.constant 16384 : i32
        %parallel_loop3A_286 = arith.addi %parallel_loop3A_169, %parallel_loop3A_285 : i32
        %parallel_loop3A_287 = arith.index_cast %parallel_loop3A_286 : i32 to index
        %parallel_loop3A_288 = tpu.vector_load %arg7[%parallel_loop3A_287] {strides = array<i32>} : memref<32768xf32, #tpu.memory_space<vmem>>, vector<16xf32>,
        tpu.vector_store %arg7[%parallel_loop3A_287], %parallel_loop3A_284 {strides = array<i32>} : memref<32768xf32, #tpu.memory_space<vmem>>, vector<16xf32>,
        %parallel_loop3A_289 = arith.constant 17 : i32
        %parallel_loop3A_290 = vector.broadcast %parallel_loop3A_289 : i32 to vector<16xi32>
        %parallel_loop3A_291 = tpu.vector_load_idx %arg5[%parallel_loop3A_124, %parallel_loop3A_290] : memref<1000x33xf32, #tpu.memory_space<vmem>>[vector<16xi32>, vector<16xi32>], vector<16xf32>,
        %parallel_loop3A_292 = arith.constant 16512 : i32
        %parallel_loop3A_293 = arith.addi %parallel_loop3A_169, %parallel_loop3A_292 : i32
        %parallel_loop3A_294 = arith.index_cast %parallel_loop3A_293 : i32 to index
        %parallel_loop3A_295 = tpu.vector_load %arg7[%parallel_loop3A_294] {strides = array<i32>} : memref<32768xf32, #tpu.memory_space<vmem>>, vector<16xf32>,
        tpu.vector_store %arg7[%parallel_loop3A_294], %parallel_loop3A_291 {strides = array<i32>} : memref<32768xf32, #tpu.memory_space<vmem>>, vector<16xf32>,
        %parallel_loop3A_296 = arith.constant 18 : i32
        %parallel_loop3A_297 = vector.broadcast %parallel_loop3A_296 : i32 to vector<16xi32>
        %parallel_loop3A_298 = tpu.vector_load_idx %arg5[%parallel_loop3A_124, %parallel_loop3A_297] : memref<1000x33xf32, #tpu.memory_space<vmem>>[vector<16xi32>, vector<16xi32>], vector<16xf32>,
        %parallel_loop3A_299 = arith.constant 16640 : i32
        %parallel_loop3A_300 = arith.addi %parallel_loop3A_169, %parallel_loop3A_299 : i32
        %parallel_loop3A_301 = arith.index_cast %parallel_loop3A_300 : i32 to index
        %parallel_loop3A_302 = tpu.vector_load %arg7[%parallel_loop3A_301] {strides = array<i32>} : memref<32768xf32, #tpu.memory_space<vmem>>, vector<16xf32>,
        tpu.vector_store %arg7[%parallel_loop3A_301], %parallel_loop3A_298 {strides = array<i32>} : memref<32768xf32, #tpu.memory_space<vmem>>, vector<16xf32>,
        %parallel_loop3A_303 = arith.constant 19 : i32
        %parallel_loop3A_304 = vector.broadcast %parallel_loop3A_303 : i32 to vector<16xi32>
        %parallel_loop3A_305 = tpu.vector_load_idx %arg5[%parallel_loop3A_124, %parallel_loop3A_304] : memref<1000x33xf32, #tpu.memory_space<vmem>>[vector<16xi32>, vector<16xi32>], vector<16xf32>,
        %parallel_loop3A_306 = arith.constant 16768 : i32
        %parallel_loop3A_307 = arith.addi %parallel_loop3A_169, %parallel_loop3A_306 : i32
        %parallel_loop3A_308 = arith.index_cast %parallel_loop3A_307 : i32 to index
        %parallel_loop3A_309 = tpu.vector_load %arg7[%parallel_loop3A_308] {strides = array<i32>} : memref<32768xf32, #tpu.memory_space<vmem>>, vector<16xf32>,
        tpu.vector_store %arg7[%parallel_loop3A_308], %parallel_loop3A_305 {strides = array<i32>} : memref<32768xf32, #tpu.memory_space<vmem>>, vector<16xf32>,
        %parallel_loop3A_310 = arith.constant 20 : i32
        %parallel_loop3A_311 = vector.broadcast %parallel_loop3A_310 : i32 to vector<16xi32>
        %parallel_loop3A_312 = tpu.vector_load_idx %arg5[%parallel_loop3A_124, %parallel_loop3A_311] : memref<1000x33xf32, #tpu.memory_space<vmem>>[vector<16xi32>, vector<16xi32>], vector<16xf32>,
        %parallel_loop3A_313 = arith.constant 16896 : i32
        %parallel_loop3A_314 = arith.addi %parallel_loop3A_169, %parallel_loop3A_313 : i32
        %parallel_loop3A_315 = arith.index_cast %parallel_loop3A_314 : i32 to index
        %parallel_loop3A_316 = tpu.vector_load %arg7[%parallel_loop3A_315] {strides = array<i32>} : memref<32768xf32, #tpu.memory_space<vmem>>, vector<16xf32>,
        tpu.vector_store %arg7[%parallel_loop3A_315], %parallel_loop3A_312 {strides = array<i32>} : memref<32768xf32, #tpu.memory_space<vmem>>, vector<16xf32>,
        %parallel_loop3A_317 = arith.constant 21 : i32
        %parallel_loop3A_318 = vector.broadcast %parallel_loop3A_317 : i32 to vector<16xi32>
        %parallel_loop3A_319 = tpu.vector_load_idx %arg5[%parallel_loop3A_124, %parallel_loop3A_318] : memref<1000x33xf32, #tpu.memory_space<vmem>>[vector<16xi32>, vector<16xi32>], vector<16xf32>,
        %parallel_loop3A_320 = arith.constant 17024 : i32
        %parallel_loop3A_321 = arith.addi %parallel_loop3A_169, %parallel_loop3A_320 : i32
        %parallel_loop3A_322 = arith.index_cast %parallel_loop3A_321 : i32 to index
        %parallel_loop3A_323 = tpu.vector_load %arg7[%parallel_loop3A_322] {strides = array<i32>} : memref<32768xf32, #tpu.memory_space<vmem>>, vector<16xf32>,
        tpu.vector_store %arg7[%parallel_loop3A_322], %parallel_loop3A_319 {strides = array<i32>} : memref<32768xf32, #tpu.memory_space<vmem>>, vector<16xf32>,
        %parallel_loop3A_324 = arith.constant 22 : i32
        %parallel_loop3A_325 = vector.broadcast %parallel_loop3A_324 : i32 to vector<16xi32>
        %parallel_loop3A_326 = tpu.vector_load_idx %arg5[%parallel_loop3A_124, %parallel_loop3A_325] : memref<1000x33xf32, #tpu.memory_space<vmem>>[vector<16xi32>, vector<16xi32>], vector<16xf32>,
        %parallel_loop3A_327 = arith.constant 17152 : i32
        %parallel_loop3A_328 = arith.addi %parallel_loop3A_169, %parallel_loop3A_327 : i32
        %parallel_loop3A_329 = arith.index_cast %parallel_loop3A_328 : i32 to index
        %parallel_loop3A_330 = tpu.vector_load %arg7[%parallel_loop3A_329] {strides = array<i32>} : memref<32768xf32, #tpu.memory_space<vmem>>, vector<16xf32>,
        tpu.vector_store %arg7[%parallel_loop3A_329], %parallel_loop3A_326 {strides = array<i32>} : memref<32768xf32, #tpu.memory_space<vmem>>, vector<16xf32>,
        %parallel_loop3A_331 = arith.constant 23 : i32
        %parallel_loop3A_332 = vector.broadcast %parallel_loop3A_331 : i32 to vector<16xi32>
        %parallel_loop3A_333 = tpu.vector_load_idx %arg5[%parallel_loop3A_124, %parallel_loop3A_332] : memref<1000x33xf32, #tpu.memory_space<vmem>>[vector<16xi32>, vector<16xi32>], vector<16xf32>,
        %parallel_loop3A_334 = arith.constant 17280 : i32
        %parallel_loop3A_335 = arith.addi %parallel_loop3A_169, %parallel_loop3A_334 : i32
        %parallel_loop3A_336 = arith.index_cast %parallel_loop3A_335 : i32 to index
        %parallel_loop3A_337 = tpu.vector_load %arg7[%parallel_loop3A_336] {strides = array<i32>} : memref<32768xf32, #tpu.memory_space<vmem>>, vector<16xf32>,
        tpu.vector_store %arg7[%parallel_loop3A_336], %parallel_loop3A_333 {strides = array<i32>} : memref<32768xf32, #tpu.memory_space<vmem>>, vector<16xf32>,
        %parallel_loop3A_338 = arith.constant 24 : i32
        %parallel_loop3A_339 = vector.broadcast %parallel_loop3A_338 : i32 to vector<16xi32>
        %parallel_loop3A_340 = tpu.vector_load_idx %arg5[%parallel_loop3A_124, %parallel_loop3A_339] : memref<1000x33xf32, #tpu.memory_space<vmem>>[vector<16xi32>, vector<16xi32>], vector<16xf32>,
        %parallel_loop3A_341 = arith.constant 24576 : i32
        %parallel_loop3A_342 = arith.addi %parallel_loop3A_169, %parallel_loop3A_341 : i32
        %parallel_loop3A_343 = arith.index_cast %parallel_loop3A_342 : i32 to index
        %parallel_loop3A_344 = tpu.vector_load %arg7[%parallel_loop3A_343] {strides = array<i32>} : memref<32768xf32, #tpu.memory_space<vmem>>, vector<16xf32>,
        tpu.vector_store %arg7[%parallel_loop3A_343], %parallel_loop3A_340 {strides = array<i32>} : memref<32768xf32, #tpu.memory_space<vmem>>, vector<16xf32>,
        %parallel_loop3A_345 = arith.constant 25 : i32
        %parallel_loop3A_346 = vector.broadcast %parallel_loop3A_345 : i32 to vector<16xi32>
        %parallel_loop3A_347 = tpu.vector_load_idx %arg5[%parallel_loop3A_124, %parallel_loop3A_346] : memref<1000x33xf32, #tpu.memory_space<vmem>>[vector<16xi32>, vector<16xi32>], vector<16xf32>,
        %parallel_loop3A_348 = arith.constant 24704 : i32
        %parallel_loop3A_349 = arith.addi %parallel_loop3A_169, %parallel_loop3A_348 : i32
        %parallel_loop3A_350 = arith.index_cast %parallel_loop3A_349 : i32 to index
        %parallel_loop3A_351 = tpu.vector_load %arg7[%parallel_loop3A_350] {strides = array<i32>} : memref<32768xf32, #tpu.memory_space<vmem>>, vector<16xf32>,
        tpu.vector_store %arg7[%parallel_loop3A_350], %parallel_loop3A_347 {strides = array<i32>} : memref<32768xf32, #tpu.memory_space<vmem>>, vector<16xf32>,
        %parallel_loop3A_352 = arith.constant 26 : i32
        %parallel_loop3A_353 = vector.broadcast %parallel_loop3A_352 : i32 to vector<16xi32>
        %parallel_loop3A_354 = tpu.vector_load_idx %arg5[%parallel_loop3A_124, %parallel_loop3A_353] : memref<1000x33xf32, #tpu.memory_space<vmem>>[vector<16xi32>, vector<16xi32>], vector<16xf32>,
        %parallel_loop3A_355 = arith.constant 24832 : i32
        %parallel_loop3A_356 = arith.addi %parallel_loop3A_169, %parallel_loop3A_355 : i32
        %parallel_loop3A_357 = arith.index_cast %parallel_loop3A_356 : i32 to index
        %parallel_loop3A_358 = tpu.vector_load %arg7[%parallel_loop3A_357] {strides = array<i32>} : memref<32768xf32, #tpu.memory_space<vmem>>, vector<16xf32>,
        tpu.vector_store %arg7[%parallel_loop3A_357], %parallel_loop3A_354 {strides = array<i32>} : memref<32768xf32, #tpu.memory_space<vmem>>, vector<16xf32>,
        %parallel_loop3A_359 = arith.constant 27 : i32
        %parallel_loop3A_360 = vector.broadcast %parallel_loop3A_359 : i32 to vector<16xi32>
        %parallel_loop3A_361 = tpu.vector_load_idx %arg5[%parallel_loop3A_124, %parallel_loop3A_360] : memref<1000x33xf32, #tpu.memory_space<vmem>>[vector<16xi32>, vector<16xi32>], vector<16xf32>,
        %parallel_loop3A_362 = arith.constant 24960 : i32
        %parallel_loop3A_363 = arith.addi %parallel_loop3A_169, %parallel_loop3A_362 : i32
        %parallel_loop3A_364 = arith.index_cast %parallel_loop3A_363 : i32 to index
        %parallel_loop3A_365 = tpu.vector_load %arg7[%parallel_loop3A_364] {strides = array<i32>} : memref<32768xf32, #tpu.memory_space<vmem>>, vector<16xf32>,
        tpu.vector_store %arg7[%parallel_loop3A_364], %parallel_loop3A_361 {strides = array<i32>} : memref<32768xf32, #tpu.memory_space<vmem>>, vector<16xf32>,
        %parallel_loop3A_366 = arith.constant 28 : i32
        %parallel_loop3A_367 = vector.broadcast %parallel_loop3A_366 : i32 to vector<16xi32>
        %parallel_loop3A_368 = tpu.vector_load_idx %arg5[%parallel_loop3A_124, %parallel_loop3A_367] : memref<1000x33xf32, #tpu.memory_space<vmem>>[vector<16xi32>, vector<16xi32>], vector<16xf32>,
        %parallel_loop3A_369 = arith.constant 25088 : i32
        %parallel_loop3A_370 = arith.addi %parallel_loop3A_169, %parallel_loop3A_369 : i32
        %parallel_loop3A_371 = arith.index_cast %parallel_loop3A_370 : i32 to index
        %parallel_loop3A_372 = tpu.vector_load %arg7[%parallel_loop3A_371] {strides = array<i32>} : memref<32768xf32, #tpu.memory_space<vmem>>, vector<16xf32>,
        tpu.vector_store %arg7[%parallel_loop3A_371], %parallel_loop3A_368 {strides = array<i32>} : memref<32768xf32, #tpu.memory_space<vmem>>, vector<16xf32>,
        %parallel_loop3A_373 = arith.constant 29 : i32
        %parallel_loop3A_374 = vector.broadcast %parallel_loop3A_373 : i32 to vector<16xi32>
        %parallel_loop3A_375 = tpu.vector_load_idx %arg5[%parallel_loop3A_124, %parallel_loop3A_374] : memref<1000x33xf32, #tpu.memory_space<vmem>>[vector<16xi32>, vector<16xi32>], vector<16xf32>,
        %parallel_loop3A_376 = arith.constant 25216 : i32
        %parallel_loop3A_377 = arith.addi %parallel_loop3A_169, %parallel_loop3A_376 : i32
        %parallel_loop3A_378 = arith.index_cast %parallel_loop3A_377 : i32 to index
        %parallel_loop3A_379 = tpu.vector_load %arg7[%parallel_loop3A_378] {strides = array<i32>} : memref<32768xf32, #tpu.memory_space<vmem>>, vector<16xf32>,
        tpu.vector_store %arg7[%parallel_loop3A_378], %parallel_loop3A_375 {strides = array<i32>} : memref<32768xf32, #tpu.memory_space<vmem>>, vector<16xf32>,
        %parallel_loop3A_380 = arith.constant 30 : i32
        %parallel_loop3A_381 = vector.broadcast %parallel_loop3A_380 : i32 to vector<16xi32>
        %parallel_loop3A_382 = tpu.vector_load_idx %arg5[%parallel_loop3A_124, %parallel_loop3A_381] : memref<1000x33xf32, #tpu.memory_space<vmem>>[vector<16xi32>, vector<16xi32>], vector<16xf32>,
        %parallel_loop3A_383 = arith.constant 25344 : i32
        %parallel_loop3A_384 = arith.addi %parallel_loop3A_169, %parallel_loop3A_383 : i32
        %parallel_loop3A_385 = arith.index_cast %parallel_loop3A_384 : i32 to index
        %parallel_loop3A_386 = tpu.vector_load %arg7[%parallel_loop3A_385] {strides = array<i32>} : memref<32768xf32, #tpu.memory_space<vmem>>, vector<16xf32>,
        tpu.vector_store %arg7[%parallel_loop3A_385], %parallel_loop3A_382 {strides = array<i32>} : memref<32768xf32, #tpu.memory_space<vmem>>, vector<16xf32>,
        %parallel_loop3A_387 = arith.constant 31 : i32
        %parallel_loop3A_388 = vector.broadcast %parallel_loop3A_387 : i32 to vector<16xi32>
        %parallel_loop3A_389 = tpu.vector_load_idx %arg5[%parallel_loop3A_124, %parallel_loop3A_388] : memref<1000x33xf32, #tpu.memory_space<vmem>>[vector<16xi32>, vector<16xi32>], vector<16xf32>,
        %parallel_loop3A_390 = arith.constant 25472 : i32
        %parallel_loop3A_391 = arith.addi %parallel_loop3A_169, %parallel_loop3A_390 : i32
        %parallel_loop3A_392 = arith.index_cast %parallel_loop3A_391 : i32 to index
        %parallel_loop3A_393 = tpu.vector_load %arg7[%parallel_loop3A_392] {strides = array<i32>} : memref<32768xf32, #tpu.memory_space<vmem>>, vector<16xf32>,
        tpu.vector_store %arg7[%parallel_loop3A_392], %parallel_loop3A_389 {strides = array<i32>} : memref<32768xf32, #tpu.memory_space<vmem>>, vector<16xf32>,
        %parallel_loop3A_394 = arith.constant 1 : i32
        %parallel_loop3A_395 = arith.addi %parallel_loop3A_118, %parallel_loop3A_394 : i32
        %parallel_loop3A_396 = arith.constant 16 : i32
        %parallel_loop3A_397 = arith.muli %parallel_loop3A_395, %parallel_loop3A_396 : i32
        %parallel_loop3A_398 = arith.index_cast %parallel_loop3A_397 : i32 to index
        %parallel_loop3A_399 = tpu.vector_load %arg9[%parallel_loop3A_398] {strides = array<i32>} : memref<1024xi32, #tpu.memory_space<vmem>>, vector<16xi32>,
        %parallel_loop3A_400 = arith.constant 8 : i32
        %parallel_loop3A_401 = arith.divsi %parallel_loop3A_395, %parallel_loop3A_400 : i32
        %parallel_loop3A_402 = arith.constant 0 : i32
        %parallel_loop3A_403 = arith.cmpi sgt, %parallel_loop3A_395, %parallel_loop3A_402 : i32
        %parallel_loop3A_404 = arith.extui %parallel_loop3A_403 : i1 to i32
        %parallel_loop3A_405 = arith.constant 0 : i32
        %parallel_loop3A_406 = arith.cmpi slt, %parallel_loop3A_395, %parallel_loop3A_405 : i32
        %parallel_loop3A_407 = arith.extui %parallel_loop3A_406 : i1 to i32
        %parallel_loop3A_408 = arith.subi %parallel_loop3A_404, %parallel_loop3A_407 : i32
        %parallel_loop3A_409 = arith.constant 0 : i32
        %parallel_loop3A_410 = arith.cmpi sgt, %parallel_loop3A_400, %parallel_loop3A_409 : i32
        %parallel_loop3A_411 = arith.extui %parallel_loop3A_410 : i1 to i32
        %parallel_loop3A_412 = arith.constant 0 : i32
        %parallel_loop3A_413 = arith.cmpi slt, %parallel_loop3A_400, %parallel_loop3A_412 : i32
        %parallel_loop3A_414 = arith.extui %parallel_loop3A_413 : i1 to i32
        %parallel_loop3A_415 = arith.subi %parallel_loop3A_411, %parallel_loop3A_414 : i32
        %parallel_loop3A_416 = arith.cmpi ne, %parallel_loop3A_408, %parallel_loop3A_415 : i32
        %parallel_loop3A_417 = arith.remsi %parallel_loop3A_395, %parallel_loop3A_400 : i32
        %parallel_loop3A_418 = arith.constant 0 : i32
        %parallel_loop3A_419 = arith.cmpi ne, %parallel_loop3A_417, %parallel_loop3A_418 : i32
        %parallel_loop3A_420 = arith.andi %parallel_loop3A_416, %parallel_loop3A_419 : i1
        %parallel_loop3A_421 = arith.constant 1 : i32
        %parallel_loop3A_422 = arith.subi %parallel_loop3A_401, %parallel_loop3A_421 : i32
        %parallel_loop3A_423 = arith.select %parallel_loop3A_420, %parallel_loop3A_422, %parallel_loop3A_401 : i32
        %parallel_loop3A_424 = arith.constant 1024 : i32
        %parallel_loop3A_425 = arith.muli %parallel_loop3A_423, %parallel_loop3A_424 : i32
        %parallel_loop3A_426 = arith.constant 8 : i32
        %parallel_loop3A_427 = arith.constant 0 : i32
        %parallel_loop3A_428 = arith.cmpi eq, %parallel_loop3A_426, %parallel_loop3A_427 : i32
        %parallel_loop3A_429 = arith.constant 1 : i32
        %parallel_loop3A_430 = arith.select %parallel_loop3A_428, %parallel_loop3A_429, %parallel_loop3A_426 : i32
        %parallel_loop3A_431 = arith.remsi %parallel_loop3A_395, %parallel_loop3A_430 : i32
        %parallel_loop3A_432 = arith.constant 0 : i32
        %parallel_loop3A_433 = arith.cmpi ne, %parallel_loop3A_431, %parallel_loop3A_432 : i32
        %parallel_loop3A_434 = arith.constant 0 : i32
        %parallel_loop3A_435 = arith.cmpi slt, %parallel_loop3A_431, %parallel_loop3A_434 : i32
        %parallel_loop3A_436 = arith.constant 0 : i32
        %parallel_loop3A_437 = arith.cmpi slt, %parallel_loop3A_430, %parallel_loop3A_436 : i32
        %parallel_loop3A_438 = arith.xori %parallel_loop3A_435, %parallel_loop3A_437 : i1
        %parallel_loop3A_439 = arith.andi %parallel_loop3A_438, %parallel_loop3A_433 : i1
        %parallel_loop3A_440 = arith.addi %parallel_loop3A_431, %parallel_loop3A_430 : i32
        %parallel_loop3A_441 = arith.select %parallel_loop3A_439, %parallel_loop3A_440, %parallel_loop3A_431 : i32
        %parallel_loop3A_442 = arith.constant 16 : i32
        %parallel_loop3A_443 = arith.muli %parallel_loop3A_441, %parallel_loop3A_442 : i32
        %parallel_loop3A_444 = arith.addi %parallel_loop3A_425, %parallel_loop3A_443 : i32
        %parallel_loop3A_445 = arith.constant 0 : i32
        %parallel_loop3A_446 = vector.broadcast %parallel_loop3A_445 : i32 to vector<16xi32>
        %parallel_loop3A_447 = tpu.vector_load_idx %arg5[%parallel_loop3A_399, %parallel_loop3A_446] : memref<1000x33xf32, #tpu.memory_space<vmem>>[vector<16xi32>, vector<16xi32>], vector<16xf32>,
        %parallel_loop3A_448 = arith.constant 0 : i32
        %parallel_loop3A_449 = arith.addi %parallel_loop3A_444, %parallel_loop3A_448 : i32
        %parallel_loop3A_450 = arith.index_cast %parallel_loop3A_449 : i32 to index
        %parallel_loop3A_451 = tpu.vector_load %arg7[%parallel_loop3A_450] {strides = array<i32>} : memref<32768xf32, #tpu.memory_space<vmem>>, vector<16xf32>,
        tpu.vector_store %arg7[%parallel_loop3A_450], %parallel_loop3A_447 {strides = array<i32>} : memref<32768xf32, #tpu.memory_space<vmem>>, vector<16xf32>,
        %parallel_loop3A_452 = arith.constant 1 : i32
        %parallel_loop3A_453 = vector.broadcast %parallel_loop3A_452 : i32 to vector<16xi32>
        %parallel_loop3A_454 = tpu.vector_load_idx %arg5[%parallel_loop3A_399, %parallel_loop3A_453] : memref<1000x33xf32, #tpu.memory_space<vmem>>[vector<16xi32>, vector<16xi32>], vector<16xf32>,
        %parallel_loop3A_455 = arith.constant 128 : i32
        %parallel_loop3A_456 = arith.addi %parallel_loop3A_444, %parallel_loop3A_455 : i32
        %parallel_loop3A_457 = arith.index_cast %parallel_loop3A_456 : i32 to index
        %parallel_loop3A_458 = tpu.vector_load %arg7[%parallel_loop3A_457] {strides = array<i32>} : memref<32768xf32, #tpu.memory_space<vmem>>, vector<16xf32>,
        tpu.vector_store %arg7[%parallel_loop3A_457], %parallel_loop3A_454 {strides = array<i32>} : memref<32768xf32, #tpu.memory_space<vmem>>, vector<16xf32>,
        %parallel_loop3A_459 = arith.constant 2 : i32
        %parallel_loop3A_460 = vector.broadcast %parallel_loop3A_459 : i32 to vector<16xi32>
        %parallel_loop3A_461 = tpu.vector_load_idx %arg5[%parallel_loop3A_399, %parallel_loop3A_460] : memref<1000x33xf32, #tpu.memory_space<vmem>>[vector<16xi32>, vector<16xi32>], vector<16xf32>,
        %parallel_loop3A_462 = arith.constant 256 : i32
        %parallel_loop3A_463 = arith.addi %parallel_loop3A_444, %parallel_loop3A_462 : i32
        %parallel_loop3A_464 = arith.index_cast %parallel_loop3A_463 : i32 to index
        %parallel_loop3A_465 = tpu.vector_load %arg7[%parallel_loop3A_464] {strides = array<i32>} : memref<32768xf32, #tpu.memory_space<vmem>>, vector<16xf32>,
        tpu.vector_store %arg7[%parallel_loop3A_464], %parallel_loop3A_461 {strides = array<i32>} : memref<32768xf32, #tpu.memory_space<vmem>>, vector<16xf32>,
        %parallel_loop3A_466 = arith.constant 3 : i32
        %parallel_loop3A_467 = vector.broadcast %parallel_loop3A_466 : i32 to vector<16xi32>
        %parallel_loop3A_468 = tpu.vector_load_idx %arg5[%parallel_loop3A_399, %parallel_loop3A_467] : memref<1000x33xf32, #tpu.memory_space<vmem>>[vector<16xi32>, vector<16xi32>], vector<16xf32>,
        %parallel_loop3A_469 = arith.constant 384 : i32
        %parallel_loop3A_470 = arith.addi %parallel_loop3A_444, %parallel_loop3A_469 : i32
        %parallel_loop3A_471 = arith.index_cast %parallel_loop3A_470 : i32 to index
        %parallel_loop3A_472 = tpu.vector_load %arg7[%parallel_loop3A_471] {strides = array<i32>} : memref<32768xf32, #tpu.memory_space<vmem>>, vector<16xf32>,
        tpu.vector_store %arg7[%parallel_loop3A_471], %parallel_loop3A_468 {strides = array<i32>} : memref<32768xf32, #tpu.memory_space<vmem>>, vector<16xf32>,
        %parallel_loop3A_473 = arith.constant 4 : i32
        %parallel_loop3A_474 = vector.broadcast %parallel_loop3A_473 : i32 to vector<16xi32>
        %parallel_loop3A_475 = tpu.vector_load_idx %arg5[%parallel_loop3A_399, %parallel_loop3A_474] : memref<1000x33xf32, #tpu.memory_space<vmem>>[vector<16xi32>, vector<16xi32>], vector<16xf32>,
        %parallel_loop3A_476 = arith.constant 512 : i32
        %parallel_loop3A_477 = arith.addi %parallel_loop3A_444, %parallel_loop3A_476 : i32
        %parallel_loop3A_478 = arith.index_cast %parallel_loop3A_477 : i32 to index
        %parallel_loop3A_479 = tpu.vector_load %arg7[%parallel_loop3A_478] {strides = array<i32>} : memref<32768xf32, #tpu.memory_space<vmem>>, vector<16xf32>,
        tpu.vector_store %arg7[%parallel_loop3A_478], %parallel_loop3A_475 {strides = array<i32>} : memref<32768xf32, #tpu.memory_space<vmem>>, vector<16xf32>,
        %parallel_loop3A_480 = arith.constant 5 : i32
        %parallel_loop3A_481 = vector.broadcast %parallel_loop3A_480 : i32 to vector<16xi32>
        %parallel_loop3A_482 = tpu.vector_load_idx %arg5[%parallel_loop3A_399, %parallel_loop3A_481] : memref<1000x33xf32, #tpu.memory_space<vmem>>[vector<16xi32>, vector<16xi32>], vector<16xf32>,
        %parallel_loop3A_483 = arith.constant 640 : i32
        %parallel_loop3A_484 = arith.addi %parallel_loop3A_444, %parallel_loop3A_483 : i32
        %parallel_loop3A_485 = arith.index_cast %parallel_loop3A_484 : i32 to index
        %parallel_loop3A_486 = tpu.vector_load %arg7[%parallel_loop3A_485] {strides = array<i32>} : memref<32768xf32, #tpu.memory_space<vmem>>, vector<16xf32>,
        tpu.vector_store %arg7[%parallel_loop3A_485], %parallel_loop3A_482 {strides = array<i32>} : memref<32768xf32, #tpu.memory_space<vmem>>, vector<16xf32>,
        %parallel_loop3A_487 = arith.constant 6 : i32
        %parallel_loop3A_488 = vector.broadcast %parallel_loop3A_487 : i32 to vector<16xi32>
        %parallel_loop3A_489 = tpu.vector_load_idx %arg5[%parallel_loop3A_399, %parallel_loop3A_488] : memref<1000x33xf32, #tpu.memory_space<vmem>>[vector<16xi32>, vector<16xi32>], vector<16xf32>,
        %parallel_loop3A_490 = arith.constant 768 : i32
        %parallel_loop3A_491 = arith.addi %parallel_loop3A_444, %parallel_loop3A_490 : i32
        %parallel_loop3A_492 = arith.index_cast %parallel_loop3A_491 : i32 to index
        %parallel_loop3A_493 = tpu.vector_load %arg7[%parallel_loop3A_492] {strides = array<i32>} : memref<32768xf32, #tpu.memory_space<vmem>>, vector<16xf32>,
        tpu.vector_store %arg7[%parallel_loop3A_492], %parallel_loop3A_489 {strides = array<i32>} : memref<32768xf32, #tpu.memory_space<vmem>>, vector<16xf32>,
        %parallel_loop3A_494 = arith.constant 7 : i32
        %parallel_loop3A_495 = vector.broadcast %parallel_loop3A_494 : i32 to vector<16xi32>
        %parallel_loop3A_496 = tpu.vector_load_idx %arg5[%parallel_loop3A_399, %parallel_loop3A_495] : memref<1000x33xf32, #tpu.memory_space<vmem>>[vector<16xi32>, vector<16xi32>], vector<16xf32>,
        %parallel_loop3A_497 = arith.constant 896 : i32
        %parallel_loop3A_498 = arith.addi %parallel_loop3A_444, %parallel_loop3A_497 : i32
        %parallel_loop3A_499 = arith.index_cast %parallel_loop3A_498 : i32 to index
        %parallel_loop3A_500 = tpu.vector_load %arg7[%parallel_loop3A_499] {strides = array<i32>} : memref<32768xf32, #tpu.memory_space<vmem>>, vector<16xf32>,
        tpu.vector_store %arg7[%parallel_loop3A_499], %parallel_loop3A_496 {strides = array<i32>} : memref<32768xf32, #tpu.memory_space<vmem>>, vector<16xf32>,
        %parallel_loop3A_501 = arith.constant 8 : i32
        %parallel_loop3A_502 = vector.broadcast %parallel_loop3A_501 : i32 to vector<16xi32>
        %parallel_loop3A_503 = tpu.vector_load_idx %arg5[%parallel_loop3A_399, %parallel_loop3A_502] : memref<1000x33xf32, #tpu.memory_space<vmem>>[vector<16xi32>, vector<16xi32>], vector<16xf32>,
        %parallel_loop3A_504 = arith.constant 8192 : i32
        %parallel_loop3A_505 = arith.addi %parallel_loop3A_444, %parallel_loop3A_504 : i32
        %parallel_loop3A_506 = arith.index_cast %parallel_loop3A_505 : i32 to index
        %parallel_loop3A_507 = tpu.vector_load %arg7[%parallel_loop3A_506] {strides = array<i32>} : memref<32768xf32, #tpu.memory_space<vmem>>, vector<16xf32>,
        tpu.vector_store %arg7[%parallel_loop3A_506], %parallel_loop3A_503 {strides = array<i32>} : memref<32768xf32, #tpu.memory_space<vmem>>, vector<16xf32>,
        %parallel_loop3A_508 = arith.constant 9 : i32
        %parallel_loop3A_509 = vector.broadcast %parallel_loop3A_508 : i32 to vector<16xi32>
        %parallel_loop3A_510 = tpu.vector_load_idx %arg5[%parallel_loop3A_399, %parallel_loop3A_509] : memref<1000x33xf32, #tpu.memory_space<vmem>>[vector<16xi32>, vector<16xi32>], vector<16xf32>,
        %parallel_loop3A_511 = arith.constant 8320 : i32
        %parallel_loop3A_512 = arith.addi %parallel_loop3A_444, %parallel_loop3A_511 : i32
        %parallel_loop3A_513 = arith.index_cast %parallel_loop3A_512 : i32 to index
        %parallel_loop3A_514 = tpu.vector_load %arg7[%parallel_loop3A_513] {strides = array<i32>} : memref<32768xf32, #tpu.memory_space<vmem>>, vector<16xf32>,
        tpu.vector_store %arg7[%parallel_loop3A_513], %parallel_loop3A_510 {strides = array<i32>} : memref<32768xf32, #tpu.memory_space<vmem>>, vector<16xf32>,
        %parallel_loop3A_515 = arith.constant 10 : i32
        %parallel_loop3A_516 = vector.broadcast %parallel_loop3A_515 : i32 to vector<16xi32>
        %parallel_loop3A_517 = tpu.vector_load_idx %arg5[%parallel_loop3A_399, %parallel_loop3A_516] : memref<1000x33xf32, #tpu.memory_space<vmem>>[vector<16xi32>, vector<16xi32>], vector<16xf32>,
        %parallel_loop3A_518 = arith.constant 8448 : i32
        %parallel_loop3A_519 = arith.addi %parallel_loop3A_444, %parallel_loop3A_518 : i32
        %parallel_loop3A_520 = arith.index_cast %parallel_loop3A_519 : i32 to index
        %parallel_loop3A_521 = tpu.vector_load %arg7[%parallel_loop3A_520] {strides = array<i32>} : memref<32768xf32, #tpu.memory_space<vmem>>, vector<16xf32>,
        tpu.vector_store %arg7[%parallel_loop3A_520], %parallel_loop3A_517 {strides = array<i32>} : memref<32768xf32, #tpu.memory_space<vmem>>, vector<16xf32>,
        %parallel_loop3A_522 = arith.constant 11 : i32
        %parallel_loop3A_523 = vector.broadcast %parallel_loop3A_522 : i32 to vector<16xi32>
        %parallel_loop3A_524 = tpu.vector_load_idx %arg5[%parallel_loop3A_399, %parallel_loop3A_523] : memref<1000x33xf32, #tpu.memory_space<vmem>>[vector<16xi32>, vector<16xi32>], vector<16xf32>,
        %parallel_loop3A_525 = arith.constant 8576 : i32
        %parallel_loop3A_526 = arith.addi %parallel_loop3A_444, %parallel_loop3A_525 : i32
        %parallel_loop3A_527 = arith.index_cast %parallel_loop3A_526 : i32 to index
        %parallel_loop3A_528 = tpu.vector_load %arg7[%parallel_loop3A_527] {strides = array<i32>} : memref<32768xf32, #tpu.memory_space<vmem>>, vector<16xf32>,
        tpu.vector_store %arg7[%parallel_loop3A_527], %parallel_loop3A_524 {strides = array<i32>} : memref<32768xf32, #tpu.memory_space<vmem>>, vector<16xf32>,
        %parallel_loop3A_529 = arith.constant 12 : i32
        %parallel_loop3A_530 = vector.broadcast %parallel_loop3A_529 : i32 to vector<16xi32>
        %parallel_loop3A_531 = tpu.vector_load_idx %arg5[%parallel_loop3A_399, %parallel_loop3A_530] : memref<1000x33xf32, #tpu.memory_space<vmem>>[vector<16xi32>, vector<16xi32>], vector<16xf32>,
        %parallel_loop3A_532 = arith.constant 8704 : i32
        %parallel_loop3A_533 = arith.addi %parallel_loop3A_444, %parallel_loop3A_532 : i32
        %parallel_loop3A_534 = arith.index_cast %parallel_loop3A_533 : i32 to index
        %parallel_loop3A_535 = tpu.vector_load %arg7[%parallel_loop3A_534] {strides = array<i32>} : memref<32768xf32, #tpu.memory_space<vmem>>, vector<16xf32>,
        tpu.vector_store %arg7[%parallel_loop3A_534], %parallel_loop3A_531 {strides = array<i32>} : memref<32768xf32, #tpu.memory_space<vmem>>, vector<16xf32>,
        %parallel_loop3A_536 = arith.constant 13 : i32
        %parallel_loop3A_537 = vector.broadcast %parallel_loop3A_536 : i32 to vector<16xi32>
        %parallel_loop3A_538 = tpu.vector_load_idx %arg5[%parallel_loop3A_399, %parallel_loop3A_537] : memref<1000x33xf32, #tpu.memory_space<vmem>>[vector<16xi32>, vector<16xi32>], vector<16xf32>,
        %parallel_loop3A_539 = arith.constant 8832 : i32
        %parallel_loop3A_540 = arith.addi %parallel_loop3A_444, %parallel_loop3A_539 : i32
        %parallel_loop3A_541 = arith.index_cast %parallel_loop3A_540 : i32 to index
        %parallel_loop3A_542 = tpu.vector_load %arg7[%parallel_loop3A_541] {strides = array<i32>} : memref<32768xf32, #tpu.memory_space<vmem>>, vector<16xf32>,
        tpu.vector_store %arg7[%parallel_loop3A_541], %parallel_loop3A_538 {strides = array<i32>} : memref<32768xf32, #tpu.memory_space<vmem>>, vector<16xf32>,
        %parallel_loop3A_543 = arith.constant 14 : i32
        %parallel_loop3A_544 = vector.broadcast %parallel_loop3A_543 : i32 to vector<16xi32>
        %parallel_loop3A_545 = tpu.vector_load_idx %arg5[%parallel_loop3A_399, %parallel_loop3A_544] : memref<1000x33xf32, #tpu.memory_space<vmem>>[vector<16xi32>, vector<16xi32>], vector<16xf32>,
        %parallel_loop3A_546 = arith.constant 8960 : i32
        %parallel_loop3A_547 = arith.addi %parallel_loop3A_444, %parallel_loop3A_546 : i32
        %parallel_loop3A_548 = arith.index_cast %parallel_loop3A_547 : i32 to index
        %parallel_loop3A_549 = tpu.vector_load %arg7[%parallel_loop3A_548] {strides = array<i32>} : memref<32768xf32, #tpu.memory_space<vmem>>, vector<16xf32>,
        tpu.vector_store %arg7[%parallel_loop3A_548], %parallel_loop3A_545 {strides = array<i32>} : memref<32768xf32, #tpu.memory_space<vmem>>, vector<16xf32>,
        %parallel_loop3A_550 = arith.constant 15 : i32
        %parallel_loop3A_551 = vector.broadcast %parallel_loop3A_550 : i32 to vector<16xi32>
        %parallel_loop3A_552 = tpu.vector_load_idx %arg5[%parallel_loop3A_399, %parallel_loop3A_551] : memref<1000x33xf32, #tpu.memory_space<vmem>>[vector<16xi32>, vector<16xi32>], vector<16xf32>,
        %parallel_loop3A_553 = arith.constant 9088 : i32
        %parallel_loop3A_554 = arith.addi %parallel_loop3A_444, %parallel_loop3A_553 : i32
        %parallel_loop3A_555 = arith.index_cast %parallel_loop3A_554 : i32 to index
        %parallel_loop3A_556 = tpu.vector_load %arg7[%parallel_loop3A_555] {strides = array<i32>} : memref<32768xf32, #tpu.memory_space<vmem>>, vector<16xf32>,
        tpu.vector_store %arg7[%parallel_loop3A_555], %parallel_loop3A_552 {strides = array<i32>} : memref<32768xf32, #tpu.memory_space<vmem>>, vector<16xf32>,
        %parallel_loop3A_557 = arith.constant 16 : i32
        %parallel_loop3A_558 = vector.broadcast %parallel_loop3A_557 : i32 to vector<16xi32>
        %parallel_loop3A_559 = tpu.vector_load_idx %arg5[%parallel_loop3A_399, %parallel_loop3A_558] : memref<1000x33xf32, #tpu.memory_space<vmem>>[vector<16xi32>, vector<16xi32>], vector<16xf32>,
        %parallel_loop3A_560 = arith.constant 16384 : i32
        %parallel_loop3A_561 = arith.addi %parallel_loop3A_444, %parallel_loop3A_560 : i32
        %parallel_loop3A_562 = arith.index_cast %parallel_loop3A_561 : i32 to index
        %parallel_loop3A_563 = tpu.vector_load %arg7[%parallel_loop3A_562] {strides = array<i32>} : memref<32768xf32, #tpu.memory_space<vmem>>, vector<16xf32>,
        tpu.vector_store %arg7[%parallel_loop3A_562], %parallel_loop3A_559 {strides = array<i32>} : memref<32768xf32, #tpu.memory_space<vmem>>, vector<16xf32>,
        %parallel_loop3A_564 = arith.constant 17 : i32
        %parallel_loop3A_565 = vector.broadcast %parallel_loop3A_564 : i32 to vector<16xi32>
        %parallel_loop3A_566 = tpu.vector_load_idx %arg5[%parallel_loop3A_399, %parallel_loop3A_565] : memref<1000x33xf32, #tpu.memory_space<vmem>>[vector<16xi32>, vector<16xi32>], vector<16xf32>,
        %parallel_loop3A_567 = arith.constant 16512 : i32
        %parallel_loop3A_568 = arith.addi %parallel_loop3A_444, %parallel_loop3A_567 : i32
        %parallel_loop3A_569 = arith.index_cast %parallel_loop3A_568 : i32 to index
        %parallel_loop3A_570 = tpu.vector_load %arg7[%parallel_loop3A_569] {strides = array<i32>} : memref<32768xf32, #tpu.memory_space<vmem>>, vector<16xf32>,
        tpu.vector_store %arg7[%parallel_loop3A_569], %parallel_loop3A_566 {strides = array<i32>} : memref<32768xf32, #tpu.memory_space<vmem>>, vector<16xf32>,
        %parallel_loop3A_571 = arith.constant 18 : i32
        %parallel_loop3A_572 = vector.broadcast %parallel_loop3A_571 : i32 to vector<16xi32>
        %parallel_loop3A_573 = tpu.vector_load_idx %arg5[%parallel_loop3A_399, %parallel_loop3A_572] : memref<1000x33xf32, #tpu.memory_space<vmem>>[vector<16xi32>, vector<16xi32>], vector<16xf32>,
        %parallel_loop3A_574 = arith.constant 16640 : i32
        %parallel_loop3A_575 = arith.addi %parallel_loop3A_444, %parallel_loop3A_574 : i32
        %parallel_loop3A_576 = arith.index_cast %parallel_loop3A_575 : i32 to index
        %parallel_loop3A_577 = tpu.vector_load %arg7[%parallel_loop3A_576] {strides = array<i32>} : memref<32768xf32, #tpu.memory_space<vmem>>, vector<16xf32>,
        tpu.vector_store %arg7[%parallel_loop3A_576], %parallel_loop3A_573 {strides = array<i32>} : memref<32768xf32, #tpu.memory_space<vmem>>, vector<16xf32>,
        %parallel_loop3A_578 = arith.constant 19 : i32
        %parallel_loop3A_579 = vector.broadcast %parallel_loop3A_578 : i32 to vector<16xi32>
        %parallel_loop3A_580 = tpu.vector_load_idx %arg5[%parallel_loop3A_399, %parallel_loop3A_579] : memref<1000x33xf32, #tpu.memory_space<vmem>>[vector<16xi32>, vector<16xi32>], vector<16xf32>,
        %parallel_loop3A_581 = arith.constant 16768 : i32
        %parallel_loop3A_582 = arith.addi %parallel_loop3A_444, %parallel_loop3A_581 : i32
        %parallel_loop3A_583 = arith.index_cast %parallel_loop3A_582 : i32 to index
        %parallel_loop3A_584 = tpu.vector_load %arg7[%parallel_loop3A_583] {strides = array<i32>} : memref<32768xf32, #tpu.memory_space<vmem>>, vector<16xf32>,
        tpu.vector_store %arg7[%parallel_loop3A_583], %parallel_loop3A_580 {strides = array<i32>} : memref<32768xf32, #tpu.memory_space<vmem>>, vector<16xf32>,
        %parallel_loop3A_585 = arith.constant 20 : i32
        %parallel_loop3A_586 = vector.broadcast %parallel_loop3A_585 : i32 to vector<16xi32>
        %parallel_loop3A_587 = tpu.vector_load_idx %arg5[%parallel_loop3A_399, %parallel_loop3A_586] : memref<1000x33xf32, #tpu.memory_space<vmem>>[vector<16xi32>, vector<16xi32>], vector<16xf32>,
        %parallel_loop3A_588 = arith.constant 16896 : i32
        %parallel_loop3A_589 = arith.addi %parallel_loop3A_444, %parallel_loop3A_588 : i32
        %parallel_loop3A_590 = arith.index_cast %parallel_loop3A_589 : i32 to index
        %parallel_loop3A_591 = tpu.vector_load %arg7[%parallel_loop3A_590] {strides = array<i32>} : memref<32768xf32, #tpu.memory_space<vmem>>, vector<16xf32>,
        tpu.vector_store %arg7[%parallel_loop3A_590], %parallel_loop3A_587 {strides = array<i32>} : memref<32768xf32, #tpu.memory_space<vmem>>, vector<16xf32>,
        %parallel_loop3A_592 = arith.constant 21 : i32
        %parallel_loop3A_593 = vector.broadcast %parallel_loop3A_592 : i32 to vector<16xi32>
        %parallel_loop3A_594 = tpu.vector_load_idx %arg5[%parallel_loop3A_399, %parallel_loop3A_593] : memref<1000x33xf32, #tpu.memory_space<vmem>>[vector<16xi32>, vector<16xi32>], vector<16xf32>,
        %parallel_loop3A_595 = arith.constant 17024 : i32
        %parallel_loop3A_596 = arith.addi %parallel_loop3A_444, %parallel_loop3A_595 : i32
        %parallel_loop3A_597 = arith.index_cast %parallel_loop3A_596 : i32 to index
        %parallel_loop3A_598 = tpu.vector_load %arg7[%parallel_loop3A_597] {strides = array<i32>} : memref<32768xf32, #tpu.memory_space<vmem>>, vector<16xf32>,
        tpu.vector_store %arg7[%parallel_loop3A_597], %parallel_loop3A_594 {strides = array<i32>} : memref<32768xf32, #tpu.memory_space<vmem>>, vector<16xf32>,
        %parallel_loop3A_599 = arith.constant 22 : i32
        %parallel_loop3A_600 = vector.broadcast %parallel_loop3A_599 : i32 to vector<16xi32>
        %parallel_loop3A_601 = tpu.vector_load_idx %arg5[%parallel_loop3A_399, %parallel_loop3A_600] : memref<1000x33xf32, #tpu.memory_space<vmem>>[vector<16xi32>, vector<16xi32>], vector<16xf32>,
        %parallel_loop3A_602 = arith.constant 17152 : i32
        %parallel_loop3A_603 = arith.addi %parallel_loop3A_444, %parallel_loop3A_602 : i32
        %parallel_loop3A_604 = arith.index_cast %parallel_loop3A_603 : i32 to index
        %parallel_loop3A_605 = tpu.vector_load %arg7[%parallel_loop3A_604] {strides = array<i32>} : memref<32768xf32, #tpu.memory_space<vmem>>, vector<16xf32>,
        tpu.vector_store %arg7[%parallel_loop3A_604], %parallel_loop3A_601 {strides = array<i32>} : memref<32768xf32, #tpu.memory_space<vmem>>, vector<16xf32>,
        %parallel_loop3A_606 = arith.constant 23 : i32
        %parallel_loop3A_607 = vector.broadcast %parallel_loop3A_606 : i32 to vector<16xi32>
        %parallel_loop3A_608 = tpu.vector_load_idx %arg5[%parallel_loop3A_399, %parallel_loop3A_607] : memref<1000x33xf32, #tpu.memory_space<vmem>>[vector<16xi32>, vector<16xi32>], vector<16xf32>,
        %parallel_loop3A_609 = arith.constant 17280 : i32
        %parallel_loop3A_610 = arith.addi %parallel_loop3A_444, %parallel_loop3A_609 : i32
        %parallel_loop3A_611 = arith.index_cast %parallel_loop3A_610 : i32 to index
        %parallel_loop3A_612 = tpu.vector_load %arg7[%parallel_loop3A_611] {strides = array<i32>} : memref<32768xf32, #tpu.memory_space<vmem>>, vector<16xf32>,
        tpu.vector_store %arg7[%parallel_loop3A_611], %parallel_loop3A_608 {strides = array<i32>} : memref<32768xf32, #tpu.memory_space<vmem>>, vector<16xf32>,
        %parallel_loop3A_613 = arith.constant 24 : i32
        %parallel_loop3A_614 = vector.broadcast %parallel_loop3A_613 : i32 to vector<16xi32>
        %parallel_loop3A_615 = tpu.vector_load_idx %arg5[%parallel_loop3A_399, %parallel_loop3A_614] : memref<1000x33xf32, #tpu.memory_space<vmem>>[vector<16xi32>, vector<16xi32>], vector<16xf32>,
        %parallel_loop3A_616 = arith.constant 24576 : i32
        %parallel_loop3A_617 = arith.addi %parallel_loop3A_444, %parallel_loop3A_616 : i32
        %parallel_loop3A_618 = arith.index_cast %parallel_loop3A_617 : i32 to index
        %parallel_loop3A_619 = tpu.vector_load %arg7[%parallel_loop3A_618] {strides = array<i32>} : memref<32768xf32, #tpu.memory_space<vmem>>, vector<16xf32>,
        tpu.vector_store %arg7[%parallel_loop3A_618], %parallel_loop3A_615 {strides = array<i32>} : memref<32768xf32, #tpu.memory_space<vmem>>, vector<16xf32>,
        %parallel_loop3A_620 = arith.constant 25 : i32
        %parallel_loop3A_621 = vector.broadcast %parallel_loop3A_620 : i32 to vector<16xi32>
        %parallel_loop3A_622 = tpu.vector_load_idx %arg5[%parallel_loop3A_399, %parallel_loop3A_621] : memref<1000x33xf32, #tpu.memory_space<vmem>>[vector<16xi32>, vector<16xi32>], vector<16xf32>,
        %parallel_loop3A_623 = arith.constant 24704 : i32
        %parallel_loop3A_624 = arith.addi %parallel_loop3A_444, %parallel_loop3A_623 : i32
        %parallel_loop3A_625 = arith.index_cast %parallel_loop3A_624 : i32 to index
        %parallel_loop3A_626 = tpu.vector_load %arg7[%parallel_loop3A_625] {strides = array<i32>} : memref<32768xf32, #tpu.memory_space<vmem>>, vector<16xf32>,
        tpu.vector_store %arg7[%parallel_loop3A_625], %parallel_loop3A_622 {strides = array<i32>} : memref<32768xf32, #tpu.memory_space<vmem>>, vector<16xf32>,
        %parallel_loop3A_627 = arith.constant 26 : i32
        %parallel_loop3A_628 = vector.broadcast %parallel_loop3A_627 : i32 to vector<16xi32>
        %parallel_loop3A_629 = tpu.vector_load_idx %arg5[%parallel_loop3A_399, %parallel_loop3A_628] : memref<1000x33xf32, #tpu.memory_space<vmem>>[vector<16xi32>, vector<16xi32>], vector<16xf32>,
        %parallel_loop3A_630 = arith.constant 24832 : i32
        %parallel_loop3A_631 = arith.addi %parallel_loop3A_444, %parallel_loop3A_630 : i32
        %parallel_loop3A_632 = arith.index_cast %parallel_loop3A_631 : i32 to index
        %parallel_loop3A_633 = tpu.vector_load %arg7[%parallel_loop3A_632] {strides = array<i32>} : memref<32768xf32, #tpu.memory_space<vmem>>, vector<16xf32>,
        tpu.vector_store %arg7[%parallel_loop3A_632], %parallel_loop3A_629 {strides = array<i32>} : memref<32768xf32, #tpu.memory_space<vmem>>, vector<16xf32>,
        %parallel_loop3A_634 = arith.constant 27 : i32
        %parallel_loop3A_635 = vector.broadcast %parallel_loop3A_634 : i32 to vector<16xi32>
        %parallel_loop3A_636 = tpu.vector_load_idx %arg5[%parallel_loop3A_399, %parallel_loop3A_635] : memref<1000x33xf32, #tpu.memory_space<vmem>>[vector<16xi32>, vector<16xi32>], vector<16xf32>,
        %parallel_loop3A_637 = arith.constant 24960 : i32
        %parallel_loop3A_638 = arith.addi %parallel_loop3A_444, %parallel_loop3A_637 : i32
        %parallel_loop3A_639 = arith.index_cast %parallel_loop3A_638 : i32 to index
        %parallel_loop3A_640 = tpu.vector_load %arg7[%parallel_loop3A_639] {strides = array<i32>} : memref<32768xf32, #tpu.memory_space<vmem>>, vector<16xf32>,
        tpu.vector_store %arg7[%parallel_loop3A_639], %parallel_loop3A_636 {strides = array<i32>} : memref<32768xf32, #tpu.memory_space<vmem>>, vector<16xf32>,
        %parallel_loop3A_641 = arith.constant 28 : i32
        %parallel_loop3A_642 = vector.broadcast %parallel_loop3A_641 : i32 to vector<16xi32>
        %parallel_loop3A_643 = tpu.vector_load_idx %arg5[%parallel_loop3A_399, %parallel_loop3A_642] : memref<1000x33xf32, #tpu.memory_space<vmem>>[vector<16xi32>, vector<16xi32>], vector<16xf32>,
        %parallel_loop3A_644 = arith.constant 25088 : i32
        %parallel_loop3A_645 = arith.addi %parallel_loop3A_444, %parallel_loop3A_644 : i32
        %parallel_loop3A_646 = arith.index_cast %parallel_loop3A_645 : i32 to index
        %parallel_loop3A_647 = tpu.vector_load %arg7[%parallel_loop3A_646] {strides = array<i32>} : memref<32768xf32, #tpu.memory_space<vmem>>, vector<16xf32>,
        tpu.vector_store %arg7[%parallel_loop3A_646], %parallel_loop3A_643 {strides = array<i32>} : memref<32768xf32, #tpu.memory_space<vmem>>, vector<16xf32>,
        %parallel_loop3A_648 = arith.constant 29 : i32
        %parallel_loop3A_649 = vector.broadcast %parallel_loop3A_648 : i32 to vector<16xi32>
        %parallel_loop3A_650 = tpu.vector_load_idx %arg5[%parallel_loop3A_399, %parallel_loop3A_649] : memref<1000x33xf32, #tpu.memory_space<vmem>>[vector<16xi32>, vector<16xi32>], vector<16xf32>,
        %parallel_loop3A_651 = arith.constant 25216 : i32
        %parallel_loop3A_652 = arith.addi %parallel_loop3A_444, %parallel_loop3A_651 : i32
        %parallel_loop3A_653 = arith.index_cast %parallel_loop3A_652 : i32 to index
        %parallel_loop3A_654 = tpu.vector_load %arg7[%parallel_loop3A_653] {strides = array<i32>} : memref<32768xf32, #tpu.memory_space<vmem>>, vector<16xf32>,
        tpu.vector_store %arg7[%parallel_loop3A_653], %parallel_loop3A_650 {strides = array<i32>} : memref<32768xf32, #tpu.memory_space<vmem>>, vector<16xf32>,
        %parallel_loop3A_655 = arith.constant 30 : i32
        %parallel_loop3A_656 = vector.broadcast %parallel_loop3A_655 : i32 to vector<16xi32>
        %parallel_loop3A_657 = tpu.vector_load_idx %arg5[%parallel_loop3A_399, %parallel_loop3A_656] : memref<1000x33xf32, #tpu.memory_space<vmem>>[vector<16xi32>, vector<16xi32>], vector<16xf32>,
        %parallel_loop3A_658 = arith.constant 25344 : i32
        %parallel_loop3A_659 = arith.addi %parallel_loop3A_444, %parallel_loop3A_658 : i32
        %parallel_loop3A_660 = arith.index_cast %parallel_loop3A_659 : i32 to index
        %parallel_loop3A_661 = tpu.vector_load %arg7[%parallel_loop3A_660] {strides = array<i32>} : memref<32768xf32, #tpu.memory_space<vmem>>, vector<16xf32>,
        tpu.vector_store %arg7[%parallel_loop3A_660], %parallel_loop3A_657 {strides = array<i32>} : memref<32768xf32, #tpu.memory_space<vmem>>, vector<16xf32>,
        %parallel_loop3A_662 = arith.constant 31 : i32
        %parallel_loop3A_663 = vector.broadcast %parallel_loop3A_662 : i32 to vector<16xi32>
        %parallel_loop3A_664 = tpu.vector_load_idx %arg5[%parallel_loop3A_399, %parallel_loop3A_663] : memref<1000x33xf32, #tpu.memory_space<vmem>>[vector<16xi32>, vector<16xi32>], vector<16xf32>,
        %parallel_loop3A_665 = arith.constant 25472 : i32
        %parallel_loop3A_666 = arith.addi %parallel_loop3A_444, %parallel_loop3A_665 : i32
        %parallel_loop3A_667 = arith.index_cast %parallel_loop3A_666 : i32 to index
        %parallel_loop3A_668 = tpu.vector_load %arg7[%parallel_loop3A_667] {strides = array<i32>} : memref<32768xf32, #tpu.memory_space<vmem>>, vector<16xf32>,
        tpu.vector_store %arg7[%parallel_loop3A_667], %parallel_loop3A_664 {strides = array<i32>} : memref<32768xf32, #tpu.memory_space<vmem>>, vector<16xf32>,
      } {sc.loop_unroll_factor = 1 : i64, sc.parallel_access}
      %add3A_103 = arith.constant 2 : i32
      %add3A_104 = arith.addi %add3A_88, %add3A_103 : i32
      %lt3A_105 = arith.constant 50 : i32
      %lt3A_106 = arith.cmpi slt, %add3A_104, %lt3A_105 : i32
      %convert_element_type3A_107 = arith.extui %lt3A_106 : i1 to i32
      %cond3A_108 = arith.constant 0 : i32
      %cond3A_109 = arith.cmpi ne, %convert_element_type3A_107, %cond3A_108 : i32
      scf.if %cond3A_109 {
        %add3A_118 = arith.constant 2 : i32
        %add3A_119 = arith.addi %add3A_88, %add3A_118 : i32
        %dma_start3A_120 = arith.constant 0 : i32
        %dma_start3A_121 = tpu.memref_slice %arg2[%add3A_119, %dma_start3A_120] : memref<50x1024xi32, #tpu.memory_space<hbm>> -> memref<1x1024xi32, #tpu.memory_space<hbm>>
        %dma_start3A_122 = tpu.memref_squeeze %dma_start3A_121 : memref<1x1024xi32, #tpu.memory_space<hbm>> -> memref<1024xi32, #tpu.memory_space<hbm>>
        %dma_start3A_123 = arith.constant 0 : i32
        %dma_start3A_124 = tpu.memref_slice %arg2[%add3A_119, %dma_start3A_123] : memref<50x1024xi32, #tpu.memory_space<hbm>> -> memref<1x1024xi32, #tpu.memory_space<hbm>>
        %dma_start3A_125 = tpu.memref_squeeze %dma_start3A_124 : memref<1x1024xi32, #tpu.memory_space<hbm>> -> memref<1024xi32, #tpu.memory_space<hbm>>
        tpu.enqueue_dma source(%dma_start3A_125 : memref<1024xi32, #tpu.memory_space<hbm>>) target(%arg9 : memref<1024xi32, #tpu.memory_space<vmem>>) target_semaphore(%arg11 : memref<!tpu.dma_semaphore, #tpu.memory_space<semaphore_mem>>)
      } else {
      }
      %convert_element_type3A_110 = arith.extui %lt3A_1 : i1 to i32
      %cond3A_111 = arith.constant 0 : i32
      %cond3A_112 = arith.cmpi ne, %convert_element_type3A_110, %cond3A_111 : i32
      scf.if %cond3A_112 {
        %dma_start3A_118 = tpu.memref_slice %arg4[%add3A_88, %mul3A_11] : memref<50x1024000xf32, #tpu.memory_space<hbm>> -> memref<1x32768xf32, #tpu.memory_space<hbm>>
        %dma_start3A_119 = tpu.memref_squeeze %dma_start3A_118 : memref<1x32768xf32, #tpu.memory_space<hbm>> -> memref<32768xf32, #tpu.memory_space<hbm>>
        %dma_start3A_120 = tpu.memref_slice %arg4[%add3A_88, %mul3A_11] : memref<50x1024000xf32, #tpu.memory_space<hbm>> -> memref<1x32768xf32, #tpu.memory_space<hbm>>
        %dma_start3A_121 = tpu.memref_squeeze %dma_start3A_120 : memref<1x32768xf32, #tpu.memory_space<hbm>> -> memref<32768xf32, #tpu.memory_space<hbm>>
        tpu.enqueue_dma source(%arg7 : memref<32768xf32, #tpu.memory_space<vmem>>) target(%dma_start3A_121 : memref<32768xf32, #tpu.memory_space<hbm>>) target_semaphore(%arg13 : memref<!tpu.dma_semaphore, #tpu.memory_space<semaphore_mem>>)
      } else {
      }
      %not3A_113 = arith.constant true
      %not3A_114 = arith.xori %lt3A_1, %not3A_113 : i1
      %convert_element_type3A_115 = arith.extui %not3A_114 : i1 to i32
      %cond3A_116 = arith.constant 0 : i32
      %cond3A_117 = arith.cmpi ne, %convert_element_type3A_115, %cond3A_116 : i32
      scf.if %cond3A_117 {
        %dma_start3A_118 = arith.constant 0 : i32
        %dma_start3A_119 = tpu.memref_slice %arg7[%dma_start3A_118] : memref<32768xf32, #tpu.memory_space<vmem>> -> memref<24576xf32, #tpu.memory_space<vmem>>
        %dma_start3A_120 = tpu.memref_slice %arg4[%add3A_88, %mul3A_11] : memref<50x1024000xf32, #tpu.memory_space<hbm>> -> memref<1x24576xf32, #tpu.memory_space<hbm>>
        %dma_start3A_121 = tpu.memref_squeeze %dma_start3A_120 : memref<1x24576xf32, #tpu.memory_space<hbm>> -> memref<24576xf32, #tpu.memory_space<hbm>>
        %dma_start3A_122 = tpu.memref_slice %arg4[%add3A_88, %mul3A_11] : memref<50x1024000xf32, #tpu.memory_space<hbm>> -> memref<1x24576xf32, #tpu.memory_space<hbm>>
        %dma_start3A_123 = tpu.memref_squeeze %dma_start3A_122 : memref<1x24576xf32, #tpu.memory_space<hbm>> -> memref<24576xf32, #tpu.memory_space<hbm>>
        %dma_start3A_124 = arith.constant 0 : i32
        %dma_start3A_125 = tpu.memref_slice %arg7[%dma_start3A_124] : memref<32768xf32, #tpu.memory_space<vmem>> -> memref<24576xf32, #tpu.memory_space<vmem>>
        tpu.enqueue_dma source(%dma_start3A_125 : memref<24576xf32, #tpu.memory_space<vmem>>) target(%dma_start3A_123 : memref<24576xf32, #tpu.memory_space<hbm>>) target_semaphore(%arg13 : memref<!tpu.dma_semaphore, #tpu.memory_space<semaphore_mem>>)
      } else {
      }
    }
    %scan3A_33 = arith.constant 25 : i32
    %convert_element_type3A_34 = arith.extui %lt3A_1 : i1 to i32
    %cond3A_35 = arith.constant 0 : i32
    %cond3A_36 = arith.cmpi ne, %convert_element_type3A_34, %cond3A_35 : i32
    scf.if %cond3A_36 {
      %dma_wait3A = arith.constant 48 : i32
      %dma_wait3A_50 = tpu.memref_slice %arg4[%dma_wait3A, %mul3A_11] : memref<50x1024000xf32, #tpu.memory_space<hbm>> -> memref<1x32768xf32, #tpu.memory_space<hbm>>
      %dma_wait3A_51 = tpu.memref_squeeze %dma_wait3A_50 : memref<1x32768xf32, #tpu.memory_space<hbm>> -> memref<32768xf32, #tpu.memory_space<hbm>>
      %dma_wait3A_52 = tpu.memref_slice %arg4[%dma_wait3A, %mul3A_11] : memref<50x1024000xf32, #tpu.memory_space<hbm>> -> memref<1x32768xf32, #tpu.memory_space<hbm>>
      %dma_wait3A_53 = tpu.memref_squeeze %dma_wait3A_52 : memref<1x32768xf32, #tpu.memory_space<hbm>> -> memref<32768xf32, #tpu.memory_space<hbm>>
      tpu.wait_dma2 semaphore(%arg12 : memref<!tpu.dma_semaphore, #tpu.memory_space<semaphore_mem>>) src(%arg6 : memref<32768xf32, #tpu.memory_space<vmem>>) dst(%dma_wait3A_53 : memref<32768xf32, #tpu.memory_space<hbm>>)
    } else {
    }
    %not3A_37 = arith.constant true
    %not3A_38 = arith.xori %lt3A_1, %not3A_37 : i1
    %convert_element_type3A_39 = arith.extui %not3A_38 : i1 to i32
    %cond3A_40 = arith.constant 0 : i32
    %cond3A_41 = arith.cmpi ne, %convert_element_type3A_39, %cond3A_40 : i32
    scf.if %cond3A_41 {
      %dma_wait3A = arith.constant 48 : i32
      %dma_wait3A_50 = arith.constant 0 : i32
      %dma_wait3A_51 = tpu.memref_slice %arg6[%dma_wait3A_50] : memref<32768xf32, #tpu.memory_space<vmem>> -> memref<24576xf32, #tpu.memory_space<vmem>>
      %dma_wait3A_52 = tpu.memref_slice %arg4[%dma_wait3A, %mul3A_11] : memref<50x1024000xf32, #tpu.memory_space<hbm>> -> memref<1x24576xf32, #tpu.memory_space<hbm>>
      %dma_wait3A_53 = tpu.memref_squeeze %dma_wait3A_52 : memref<1x24576xf32, #tpu.memory_space<hbm>> -> memref<24576xf32, #tpu.memory_space<hbm>>
      %dma_wait3A_54 = tpu.memref_slice %arg4[%dma_wait3A, %mul3A_11] : memref<50x1024000xf32, #tpu.memory_space<hbm>> -> memref<1x24576xf32, #tpu.memory_space<hbm>>
      %dma_wait3A_55 = tpu.memref_squeeze %dma_wait3A_54 : memref<1x24576xf32, #tpu.memory_space<hbm>> -> memref<24576xf32, #tpu.memory_space<hbm>>
      %dma_wait3A_56 = arith.constant 0 : i32
      %dma_wait3A_57 = tpu.memref_slice %arg6[%dma_wait3A_56] : memref<32768xf32, #tpu.memory_space<vmem>> -> memref<24576xf32, #tpu.memory_space<vmem>>
      tpu.wait_dma2 semaphore(%arg12 : memref<!tpu.dma_semaphore, #tpu.memory_space<semaphore_mem>>) src(%dma_wait3A_57 : memref<24576xf32, #tpu.memory_space<vmem>>) dst(%dma_wait3A_55 : memref<24576xf32, #tpu.memory_space<hbm>>)
    } else {
    }
    %convert_element_type3A_42 = arith.extui %lt3A_1 : i1 to i32
    %cond3A_43 = arith.constant 0 : i32
    %cond3A_44 = arith.cmpi ne, %convert_element_type3A_42, %cond3A_43 : i32
    scf.if %cond3A_44 {
      %dma_wait3A = arith.constant 49 : i32
      %dma_wait3A_50 = tpu.memref_slice %arg4[%dma_wait3A, %mul3A_11] : memref<50x1024000xf32, #tpu.memory_space<hbm>> -> memref<1x32768xf32, #tpu.memory_space<hbm>>
      %dma_wait3A_51 = tpu.memref_squeeze %dma_wait3A_50 : memref<1x32768xf32, #tpu.memory_space<hbm>> -> memref<32768xf32, #tpu.memory_space<hbm>>
      %dma_wait3A_52 = tpu.memref_slice %arg4[%dma_wait3A, %mul3A_11] : memref<50x1024000xf32, #tpu.memory_space<hbm>> -> memref<1x32768xf32, #tpu.memory_space<hbm>>
      %dma_wait3A_53 = tpu.memref_squeeze %dma_wait3A_52 : memref<1x32768xf32, #tpu.memory_space<hbm>> -> memref<32768xf32, #tpu.memory_space<hbm>>
      tpu.wait_dma2 semaphore(%arg13 : memref<!tpu.dma_semaphore, #tpu.memory_space<semaphore_mem>>) src(%arg7 : memref<32768xf32, #tpu.memory_space<vmem>>) dst(%dma_wait3A_53 : memref<32768xf32, #tpu.memory_space<hbm>>)
    } else {
    }
    %not3A_45 = arith.constant true
    %not3A_46 = arith.xori %lt3A_1, %not3A_45 : i1
    %convert_element_type3A_47 = arith.extui %not3A_46 : i1 to i32
    %cond3A_48 = arith.constant 0 : i32
    %cond3A_49 = arith.cmpi ne, %convert_element_type3A_47, %cond3A_48 : i32
    scf.if %cond3A_49 {
      %dma_wait3A = arith.constant 49 : i32
      %dma_wait3A_50 = arith.constant 0 : i32
      %dma_wait3A_51 = tpu.memref_slice %arg7[%dma_wait3A_50] : memref<32768xf32, #tpu.memory_space<vmem>> -> memref<24576xf32, #tpu.memory_space<vmem>>
      %dma_wait3A_52 = tpu.memref_slice %arg4[%dma_wait3A, %mul3A_11] : memref<50x1024000xf32, #tpu.memory_space<hbm>> -> memref<1x24576xf32, #tpu.memory_space<hbm>>
      %dma_wait3A_53 = tpu.memref_squeeze %dma_wait3A_52 : memref<1x24576xf32, #tpu.memory_space<hbm>> -> memref<24576xf32, #tpu.memory_space<hbm>>
      %dma_wait3A_54 = tpu.memref_slice %arg4[%dma_wait3A, %mul3A_11] : memref<50x1024000xf32, #tpu.memory_space<hbm>> -> memref<1x24576xf32, #tpu.memory_space<hbm>>
      %dma_wait3A_55 = tpu.memref_squeeze %dma_wait3A_54 : memref<1x24576xf32, #tpu.memory_space<hbm>> -> memref<24576xf32, #tpu.memory_space<hbm>>
      %dma_wait3A_56 = arith.constant 0 : i32
      %dma_wait3A_57 = tpu.memref_slice %arg7[%dma_wait3A_56] : memref<32768xf32, #tpu.memory_space<vmem>> -> memref<24576xf32, #tpu.memory_space<vmem>>
      tpu.wait_dma2 semaphore(%arg13 : memref<!tpu.dma_semaphore, #tpu.memory_space<semaphore_mem>>) src(%dma_wait3A_57 : memref<24576xf32, #tpu.memory_space<vmem>>) dst(%dma_wait3A_55 : memref<24576xf32, #tpu.memory_space<hbm>>)
    } else {
    }
    return
  }
}

</mosaic_0001>

<sc_bundles>
// kernel: kernel.3.cloned.1.call-start
scs
__scs_entry_jumppad:
0x0: {  	(pc) =	sbr.rel $0x88, $3  }
0x1: {  	(tag) =	ssettag $0x0;
	lr =	simm.s32 $0x1  }
0x2: {  	[smem:$0x3F9F] =	sst lr;
	_ =	strace $0xD0000000  }
0x3: {  	_ = 	snop  }
0x4: {  	_ = 	snop  }
0x5: {  	_ = 	snop  }
0x6: {  	_ = 	snop  }
0x7: {  	_ = 	snop  }
__scs_overlays_trampoline_lowered:
0x8: {  	[smem:$0x3FAE] =	sst s0  }
0x9: {  	[smem:$0x3FAF] =	sst s1  }
0xa: {  	[smem:$0x3FB0] =	sst s2  }
0xb: {  	[smem:$0x3FB1] =	sst s3  }
0xc: {  	[smem:$0x3FB2] =	sst s4  }
0xd: {  	[smem:$0x3FB3] =	sst s5  }
0xe: {  	[smem:$0x3FB4] =	sst s6  }
0xf: {  	[smem:$0x3FB5] =	sst s7  }
0x10: {  	[smem:$0x3FB6] =	sst s8  }
0x11: {  	[smem:$0x3FB7] =	sst s9;
	s0 =	simm.s32 @!p0 $0x0  }
0x12: {  	s1 =	sld [smem:$0x3F9D];
	s0 =	simm.s32 @p0 $0x1  }
0x13: {  	[smem:$0x3FB8] =	sst s0;
	s0 =	simm.s32 @!p1 $0x0  }
0x14: {  	s2 =	sld [smem:$0x3F9C];
	s0 =	simm.s32 @p1 $0x1  }
0x15: {  	[smem:$0x3FB9] =	sst s0;
	s0 =	simm.s32 @!p2 $0x0  }
0x16: {  	s3 =	sld [smem:$0x3FDB];
	s0 =	simm.s32 @p2 $0x1  }
0x17: {  	s4 =	simm.s32 $0x1BF5;
	[smem:$0x3FBB] =	sst s0  }
0x18: {  	s0 =	sld [smem:$0x3F9E];
	_ =	swait.ge [sflag:s4], $0x0  }
0x19: {  	s7 =	sld [smem:$0x3F9F]  }
0x1a: {  	s8 =	sadd.s32 $0xFFFFE003, lr  }
0x1b: {  	s9 =	sadd.s32 $0xFFFFFEF7, lr;
	s5 =	simm.s32 $0xFFFFFFFF;
	p2 =	slt.u32 s8, $0xFFFFF086  }
0x1c: {  	p1 =	slt.u32 s9, $0xF7A;
	s5 =	simm.s32 @!p2 $0x0  }
0x1d: {  	s5 =	simm.s32 @p1 $0x1;
	p0 =	seq.s32 s7, s2  }
0x1e: {  	s7 =	smul.u32 @!p0 $0xF7A, s2;
	p2 =	seq.s32 @!p0 s5, $0x0  }
0x1f: {  	s9 =	smul.u32 $0xF7A, s1;
	s8 =	simm.s32 @!p0 $0x1BF5;
	p2 =	por !p2, p0  }
0x20: {  	[sflag:s8] =	ssyncset.s32 @!p0 $0xFFFFF086;
	s6 =	sadd.s32 @!p0 s3, s7;
	s7 =	simm.s32 @!p0 $0x108  }
0x21: {  	s3 =	sadd.s32 s3, s9;
	s6 =	sadd.s32 @!p0 $0x88, s6;
	s7 =	simm.s32 @p2 $0x1082  }
0x22: {  	[simem:s7], [sflag:s8] =	dma.local @!p0 [hbm:s6], $0xF7A  }
0x23: {  	s9 =	sor.u32 $0xD0000000, s2;
	s6 =	simm.s32 $0x108;
	_ =	swait.ge @!p0 [sflag:s8], $0x0  }
0x24: {  	s3 =	sadd.s32 $0x88, s3;
	s6 =	simm.s32 @!p1 $0x1082;
	[sflag:s4] =	ssyncset.s32 $0xFFFFF086  }
0x25: {  	[simem:s6], [sflag:s4] =	dma.local [hbm:s3], $0xF7A  }
0x26: {  	[smem:$0x3F9F] =	sst s1;
	(tag) =	ssettag s2;
	_ =	strace s9  }
0x27: {  	s1 =	sld [smem:$0x3FAF]  }
0x28: {  	s2 =	sld [smem:$0x3FB0]  }
0x29: {  	s4 =	sld [smem:$0x3FB2]  }
0x2a: {  	p0 =	seq.s32 s5, $0x0;
	s5 =	sld [smem:$0x3FB3]  }
0x2b: {  	s6 =	sld [smem:$0x3FB4]  }
0x2c: {  	s7 =	sld [smem:$0x3FB5]  }
0x2d: {  	s3 =	simm.s32 $0x108;
	s8 =	sld [smem:$0x3FB6]  }
0x2e: {  	s3 =	simm.s32 @!p0 $0x1082;
	s9 =	sld [smem:$0x3FB7]  }
0x2f: {  	lr =	sadd.s32 s0, s3;
	s0 =	sld [smem:$0x3FAE]  }
0x30: {  	s3 =	sld [smem:$0x3FB1]  }
0x31: {  	[smem:$0x3FBA] =	sst s10  }
0x32: {  	s10 =	sld [smem:$0x3FB8];
	_ =	sdelay $0x3  }
0x33: {  	p0 =	seq.s32 s10, $0x1;
	s10 =	sld [smem:$0x3FBA];
	_ =	sdelay $0x3  }
0x34: {  	[smem:$0x3FBA] =	sst s10  }
0x35: {  	s10 =	sld [smem:$0x3FB9];
	_ =	sdelay $0x3  }
0x36: {  	p1 =	seq.s32 s10, $0x1;
	s10 =	sld [smem:$0x3FBA];
	_ =	sdelay $0x3  }
0x37: {  	[smem:$0x3FBA] =	sst s10  }
0x38: {  	s10 =	sld [smem:$0x3FBB]  }
0x39: {  	_ = 	snop;
	(pc) =	sbr.ind lr, $3  }
0x3a: {  	_ = 	snop  }
0x3b: {  	_ = 	snop  }
0x3c: {  	p2 =	seq.s32 s10, $0x1;
	s10 =	sld [smem:$0x3FBA]  }
0x3d: {  	_ =	shalt  }
0x3e: {  	_ =	shalt  }
0x3f: {  	_ =	shalt  }
0x40: {  	_ =	shalt  }
0x41: {  	_ =	shalt  }
0x42: {  	_ =	shalt  }
0x43: {  	_ =	shalt  }
0x44: {  	_ =	shalt  }
0x45: {  	_ =	shalt  }
0x46: {  	_ =	shalt  }
0x47: {  	_ =	shalt  }
0x48: {  	_ =	shalt  }
0x49: {  	_ =	shalt  }
0x4a: {  	_ =	shalt  }
0x4b: {  	_ =	shalt  }
0x4c: {  	_ =	shalt  }
0x4d: {  	_ =	shalt  }
0x4e: {  	_ =	shalt  }
0x4f: {  	_ =	shalt  }
0x50: {  	_ =	shalt  }
0x51: {  	_ =	shalt  }
0x52: {  	_ =	shalt  }
0x53: {  	_ =	shalt  }
0x54: {  	_ =	shalt  }
0x55: {  	_ =	shalt  }
0x56: {  	_ =	shalt  }
0x57: {  	_ =	shalt  }
0x58: {  	_ =	shalt  }
0x59: {  	_ =	shalt  }
0x5a: {  	_ =	shalt  }
0x5b: {  	_ =	shalt  }
0x5c: {  	_ =	shalt  }
0x5d: {  	_ =	shalt  }
0x5e: {  	_ =	shalt  }
0x5f: {  	_ =	shalt  }
0x60: {  	_ =	shalt  }
0x61: {  	_ =	shalt  }
0x62: {  	_ =	shalt  }
0x63: {  	_ =	shalt  }
0x64: {  	_ =	shalt  }
0x65: {  	_ =	shalt  }
0x66: {  	_ =	shalt  }
0x67: {  	_ =	shalt  }
0x68: {  	_ =	shalt  }
0x69: {  	_ =	shalt  }
0x6a: {  	_ =	shalt  }
0x6b: {  	_ =	shalt  }
0x6c: {  	_ =	shalt  }
0x6d: {  	_ =	shalt  }
0x6e: {  	_ =	shalt  }
0x6f: {  	_ =	shalt  }
0x70: {  	_ =	shalt  }
0x71: {  	_ =	shalt  }
0x72: {  	_ =	shalt  }
0x73: {  	_ =	shalt  }
0x74: {  	_ =	shalt  }
0x75: {  	_ =	shalt  }
0x76: {  	_ =	shalt  }
0x77: {  	_ =	shalt  }
0x78: {  	_ =	shalt  }
0x79: {  	_ =	shalt  }
0x7a: {  	_ =	shalt  }
0x7b: {  	_ =	shalt  }
0x7c: {  	_ =	shalt  }
0x7d: {  	_ =	shalt  }
0x7e: {  	_ =	shalt  }
0x7f: {  	_ =	shalt  }
0x80: {  	_ =	shalt  }
0x81: {  	_ =	shalt  }
0x82: {  	_ =	shalt  }
0x83: {  	_ =	shalt  }
0x84: {  	_ =	shalt  }
0x85: {  	_ =	shalt  }
0x86: {  	_ =	shalt  }
0x87: {  	_ =	shalt  }
.Lfunc_end0:
.L_simem_size_0:
called_computation_lowered:
.L_overlay_start_0:
0x88: {  	s2 =	sld [smem:$0x3FD9]  }
0x89: {  	s3 =	sld [smem:$0x3FFE];
	_ =	sdelay $0x1  }
0x8a: {  	s1 =	srdreg.scid  }
0x8b: {  	s0 =	sand.u32 $0x1, s1  }
0x8c: {  	s17 =	sshll.u32 s0, $0xA;
	s2 =	sadd.s32 s3, s2  }
0x8d: {  	s2 =	sadd.s32 s2, s17  }
0x8e: {  	[smem:$0x3FC6] =	sst s2  }
0x8f: {  	_ = 	snop  }
0x90: {  	s2 =	sld [smem:$0x3FD0];
	(tm) =	ssettm $0x1  }
0x91: {  	s18 =	sld [smem:$0x3FFB];
	_ =	sdelay $0x3  }
0x92: {  	_ =	strace s18  }
0x93: {  	s3 =	sld [smem:$0x3FFC];
	_ =	sdelay $0x3  }
0x94: {  	_ =	strace s3  }
0x95: {  	s3 =	sld [smem:$0x3FFD];
	_ =	sdelay $0x3  }
0x96: {  	_ =	strace s3  }
0x97: {  	_ =	strace $0x8FFFFFFF  }
0x98: {  	s19 =	sld [smem:$0x3FDB];
	_ =	sdelay $0x1  }
0x99: {  	s4 =	simm.s32 $_scs_section_size  }
0x9a: {  	s5 =	simm.s32 $_size__tile_overlayer_lowered;
	s6 =	simm.s32 $_tile_overlayer_lowered  }
0x9b: {  	s22 =	simm.s32 $0x1BFF;
	s21 =	sshll.u32 s6, $0x1;
	s3 =	sadd.s32 s4, s19  }
0x9c: {  	s7 =	simm.s32 $0x0;
	s20 =	sshll.u32 s5, $0x1;
	s5 =	sadd.s32 s21, s3  }
0x9d: {  	[timem:s7], [sflag:s22] =	dma.local [hbm:s5], s20  }
0x9e: {  	_ =	swait.ge [sflag:s22], s20  }
0x9f: {  	s4 =	ssub.s32 $0x0, s20;
	[sflag:s22] =	ssyncset.done $0x0  }
0xa0: {  	[sflag:s22] =	ssyncadd.s32 s4;
	_ =	sdelay $0x1  }
0xa1: {  	s23 =	simm.s32 $0x1B8B  }
0xa2: {  	_ =	swait.ge [sflag:s23], $0x1  }
0xa3: {  	[sflag:s23] =	ssyncset.done $0x0  }
0xa4: {  	s25 =	simm.s32 $0x1B8E;
	s24 =	sld [smem:$0x3FFE];
	[sflag:s23] =	ssyncadd.s32 $0xFFFFFFFF  }
0xa5: {  	s26 =	simm.s32 $execute0_lowered;
	[smem:$0x3FD2] =	sst s25  }
0xa6: {  	s5 =	sshll.u32 s26, $0x1;
	_ =	strace $0x80000046;
	[dreg:$0x1] =	wrdreg $0xFFFFFFFF  }
0xa7: {  	s28 =	simm.s32 $_size_execute0_lowered;
	s3 =	sadd.s32 s3, s5;
	[dreg:$0x0] =	wrdreg $0x0  }
0xa8: {  	s5 =	sshll.u32 s28, $0x1;
	[dreg:$0x2] =	wrdreg s3  }
0xa9: {  	[dreg:$0x3] =	wrdreg s5  }
0xaa: {  	[dreg:$0x4] =	wrdreg $0xC0  }
0xab: {  	_ =	task [dreg:s7], $0x5FFFF  }
0xac: {  	[dreg:$0x1] =	wrdreg $0xFFFFFFFF  }
0xad: {  	[dreg:$0x0] =	wrdreg $0x60  }
0xae: {  	[dreg:$0x2] =	wrdreg s24  }
0xaf: {  	[dreg:$0x3] =	wrdreg s2  }
0xb0: {  	[dreg:$0x4] =	wrdreg $0x9  }
0xb1: {  	_ =	task.clear_ibuf [dreg:s7], $0x5FFFF;
	_ =	strace $0x90000046  }
0xb2: {  	s29 =	simm.s32 $0x9;
	_ =	strace $0x80000048  }
0xb3: {  	_ =	swait.ge [sflag:s29], $0x1  }
0xb4: {  	[sflag:s29] =	ssyncadd.s32 $0xFFFFFFFF  }
0xb5: {  	_ =	strace $0x90000048  }
0xb6: {  	_ =	sfence  }
0xb7: {  	s30 =	sld [smem:$0x0];
	_ =	sdelay $0x2  }
0xb8: {  	s31 =	sshll.u32 s1, $0xD;
	s1 =	sshrl.u32 s1, $0x2  }
0xb9: {  	s3 =	sand.u32 $0x4000, s31;
	s1 =	sadd.s32 s1, s30  }
0xba: {  	s0 =	sor.u32 s3, s0;
	s1 =	sshll.u32 s1, $0x11  }
0xbb: {  	s0 =	sor.u32 s1, s0  }
0xbc: {  	s0 =	sadd.s32 $0x8F2B, s0  }
0xbd: {  	[sflag:s0] =	ssyncadd.remote.s32 $0x1  }
0xbe: {  	_ =	sfence.sel $0xFFFF  }
0xbf: {  	[dreg:$0x0] =	wrdreg $0xFFFFFFFF;
	(pc) =	sbr.abs _section_cstart, $3  }
0xc0: {  	[dreg:$0x1] =	wrdreg $0xFFFFFFFF  }
0xc1: {  	_ =	task.clear_ibuf [dreg:s7], $0x2FFFF;
	_ =	strace $0x9FFFFFFF  }
0xc2: {  	(tm) =	ssettm $0x7FFFFFFF  }
0xc3: {  	_ =	shalt  }
tec
execute0_lowered:
.L_overlay_start_1:
0x0: {  	(tag) =	ssettag $0x1  }
0x1: {  	s0 =	rddreg [dreg:$0x0]  }
0x2: {  	s11 =	rddreg [dreg:$0x1];
	s1 =	srdreg.scid  }
0x3: {  	s2 =	stileid.u32;
	s3 =	simm.s32 $0x0;
	s17 =	simm.s32 $0x1  }
0x4: {  	s18 =	simm.s32 $0x2;
	s1 =	sand.u32 $0x1, s1;
	s2 =	sshll.u32 s2, $0x1  }
0x5: {  	[smem:$0x7FF] =	sst s3;
	s4 =	sadd.s32 $0x400, s0;
	s7 =	sadd.s32 $0x1E00, s0  }
0x6: {  	s28 =	sadd.s32 $0x480, s0;
	_ =	strace $0x80000047;
	[dreg:$0x4] =	wrdreg s4  }
0x7: {  	s29 =	sadd.s32 $0x500, s0;
	s0 =	sadd.s32 $0x580, s0;
	[dreg:$0x6] =	wrdreg s28  }
0x8: {  	s10 =	sor.u32 s1, s2;
	s1 =	ssub.s32 $0x2, s1;
	[dreg:$0x7] =	wrdreg s29  }
0x9: {  	[dreg:$0x8] =	wrdreg s0;
	s2 =	smul.u32 $0x3, s10;
	s25 =	sshll.u32 s10, $0x2  }
0xa: {  	s5 =	sshrl.u32 s1, $0x1;
	p0 =	sgt.u32 s10, $0x1C;
	s6 =	smov.u32 s25  }
.Ltmp0:
0xb: {  	s1 =	ssub.s32 s1, s5;
	s2 =	sadd.s32 $0x1D, s2;
	(pc) =	sbr.rel .LBB2_1-.Ltmp0, $4  }
0xc: {  	[dreg:$0x3] =	wrdreg s10;
	s30 =	smax.u32 s1, $0x1;
	s6 =	smov.u32 @p0 s2  }
0xd: {  	p1 =	slt.u32 s10, $0x1D;
	[dreg:$0x9] =	wrdreg s30;
	s26 =	sshll.u32 s6, $0xD  }
0xe: {  	s9 =	sadd.s32 s7, s25;
	[dreg:$0x5] =	wrdreg s26;
	s31 =	sadd.s32 $0xFA000, s26  }
0xf: {  	s1 =	simm.s32 $0x0;
	s8 =	sadd.s32 s7, s2;
	[dreg:$0xa] =	wrdreg s31  }
.LBB2_17:
0x10: {  	s0 =	simm.s32 $0x3  }
0x11: {  	_ =	swait.ge [sflag:s0], $0x8000  }
0x12: {  	[sflag:s0] =	ssyncset.done $0x0  }
0x13: {  	s31 =	simm.s32 $0x4;
	[sflag:s0] =	ssyncadd.s32 $0xFFFF8000  }
0x14: {  	_ =	swait.ge [sflag:s31], $0x8000  }
0x15: {  	[sflag:s31] =	ssyncset.done $0x0  }
0x16: {  	s1 =	rddreg [dreg:$0xb];
	[sflag:s31] =	ssyncadd.s32 $0xFFFF8000  }
.LBB2_18:
0x17: {  	s1 =	sadd.s32 $0x1, s1;
	s0 =	rddreg [dreg:$0x9]  }
0x18: {  	p2 =	sne.s32 s1, s0  }
.Ltmp1:
0x19: {  	_ = 	snop;
	(pc) =	sbr.rel @!p2 .LBB2_19-.Ltmp1, $1  }
0x1a: {  	_ =	sdelay $0x3  }
.LBB2_1:
0x1b: {  	[dreg:$0xb] =	wrdreg s1  }
.Ltmp2:
0x1c: {  	s0 =	rddreg [dreg:$0x4];
	(pc) =	sbr.rel @!p0 .LBB2_2-.Ltmp2, $4  }
0x1d: {  	s29 =	simm.s32 $0x19C40;
	s30 =	rddreg [dreg:$0x6]  }
0x1e: {  	[tilespmem:s29], [sflag:$0x1] =	stream.linear.gather [hbm4b:s0+s3], $0x400, $0x38;
	[tilespmem:$0x1A440] =	vst v63  }
0x1f: {  	s31 =	simm.s32 $0x1A040;
	s1 =	simm.s32 $0x7D;
	s0 =	simm.s32 $0x0  }
0x20: {  	[tilespmem:s31], [sflag:$0x2] =	stream.linear.gather [hbm4b:s30+s3], $0x400, $0x38;
	[tilespmem:$0x1A440] =	vst v63  }
0x21: {  	s4 =	sadd.s32 $0x0, s8;
	s2 =	simm.s32 $0x28  }
.LBB2_6:
0x22: {  	[tilespmem:s0], [sflag:$0x5] =	stream.linear.gather [hbm4b:s4+s3], $0x18, $0x38;
	[tilespmem:$0x1A440] =	vst v63  }
0x23: {  	s4 =	smov.u32 s1;
	s0 =	smov.u32 s2;
	p2 =	sne.s32 s1, $0x1E7CB  }
.Ltmp3:
0x24: {  	s1 =	sadd.s32 $0x7D, s1;
	(pc) =	sbr.rel @p2 .LBB2_6-.Ltmp3, $2  }
0x25: {  	_ =	sdelay $0x2  }
0x26: {  	s2 =	sadd.s32 $0x28, s2;
	s4 =	sadd.s32 s4, s8  }
0x27: {  	[tilespmem:s0], [sflag:$0x5] =	stream.linear.gather [hbm4b:s4+s3], $0x18, $0x38;
	[tilespmem:$0x1A440] =	vst v63  }
.Ltmp4:
0x28: {  	_ = 	snop;
	(pc) =	sbr.rel .LBB2_8-.Ltmp4, $4  }
0x29: {  	s31 =	simm.s32 $0x5  }
0x2a: {  	_ =	swait.ge [sflag:s31], $0x5DC0  }
0x2b: {  	[sflag:s31] =	ssyncset.done $0x0  }
0x2c: {  	[sflag:s31] =	ssyncadd.s32 $0xFFFFA240  }
.LBB2_2:
0x2d: {  	s4 =	sadd.s32 $0x0, s9;
	s2 =	simm.s32 $0x28  }
.LBB2_3:
0x2e: {  	[tilespmem:s0], [sflag:$0x5] =	stream.linear.gather [hbm4b:s4+s3], $0x20, $0x38;
	[tilespmem:$0x1A440] =	vst v63  }
0x2f: {  	s4 =	smov.u32 s1;
	s0 =	smov.u32 s2;
	p2 =	sne.s32 s1, $0x1E7CB  }
.Ltmp5:
0x30: {  	s1 =	sadd.s32 $0x7D, s1;
	(pc) =	sbr.rel @p2 .LBB2_3-.Ltmp5, $2  }
0x31: {  	_ =	sdelay $0x2  }
0x32: {  	s2 =	sadd.s32 $0x28, s2;
	s4 =	sadd.s32 s4, s9  }
0x33: {  	[tilespmem:s0], [sflag:$0x5] =	stream.linear.gather [hbm4b:s4+s3], $0x20, $0x38;
	[tilespmem:$0x1A440] =	vst v63  }
0x34: {  	s31 =	simm.s32 $0x5  }
0x35: {  	_ =	swait.ge [sflag:s31], $0x7D00  }
0x36: {  	[sflag:s31] =	ssyncset.done $0x0  }
0x37: {  	[sflag:s31] =	ssyncadd.s32 $0xFFFF8300  }
.LBB2_8:
.Ltmp6:
0x38: {  	(pc) =	sbr.rel .LBB2_9-.Ltmp6, $2  }
0x39: {  	_ =	sdelay $0x2  }
0x3a: {  	s24 =	simm.s32 $0x0  }
.LBB2_16:
0x3b: {  	p2 =	sne.s32 s24, $0x19  }
.Ltmp7:
0x3c: {  	_ = 	snop;
	(pc) =	sbr.rel @!p2 .LBB2_17-.Ltmp7, $2  }
0x3d: {  	_ =	sdelay $0x2  }
0x3e: {  	[hbm4b:s0+s3] =	stream.linear.scatter [tilespmem:s1], [sflag:$0x4], $0x8000, $0x38;
	[tilespmem:$0x1A440] =	vst v63  }
.LBB2_9:
0x3f: {  	_ =	swait.ge [sflag:s17], $0x400  }
0x40: {  	p2 =	seq.s32 s24, $0x0;
	s0 =	rddreg [dreg:$0x3]  }
0x41: {  	p4 =	sgt.u32 @!p2 s0, $0x1C  }
0x42: {  	[sflag:s17] =	ssyncset.done $0x0;
	p3 =	por !p4, p2  }
0x43: {  	[sflag:s17] =	ssyncadd.s32 $0xFFFFFC00;
	s0 =	simm.s32 @!p3 $0x3  }
0x44: {  	_ =	swait.ge @!p3 [sflag:s0], $0x6000  }
0x45: {  	p4 =	por p4, p2;
	[sflag:s0] =	ssyncset.done @!p3 $0x0  }
0x46: {  	[sflag:s0] =	ssyncadd.s32 @!p3 $0xFFFFA000;
	s0 =	simm.s32 @!p4 $0x3  }
0x47: {  	_ =	swait.ge @!p4 [sflag:s0], $0x8000  }
0x48: {  	[sflag:s0] =	ssyncset.done @!p4 $0x0  }
0x49: {  	s1 =	simm.s32 $0x19C50;
	[sflag:s0] =	ssyncadd.s32 @!p4 $0xFFFF8000  }
0x4a: {  	v0 =	vld [tilespmem:s1+$0xFFFFFFF0];
	_ =	sdelay $0x4  }
0x4b: {  	v1 =	vmul.u32 $0x28, v0;
	_ =	sdelay $0x5  }
0x4c: {  	v0 =	vld.idx.msk [tilespmem:v1+s3+$0x0], $0xffff  }
0x4d: {  	s20 =	simm.s32 $0x0;
	v2 =	vor.u32 $0x1, v1  }
0x4e: {  	s2 =	simm.s32 $0x0;
	s0 =	sand.u32 $0x1C00, s20  }
0x4f: {  	s2 =	sand.u32 $0x60, s2;
	s0 =	sadd.s32 $0x9C40, s0  }
0x50: {  	s4 =	sadd.s32 s2, s0  }
0x51: {  	[tilespmem:s4+$0x0] =	vst v0  }
0x52: {  	v0 =	vld.idx.msk [tilespmem:v2+s3+$0x0], $0xffff  }
0x53: {  	v2 =	vor.u32 $0x2, v1;
	_ =	sdelay $0x3  }
0x54: {  	[tilespmem:s4+$0x80] =	vst v0  }
0x55: {  	v0 =	vld.idx.msk [tilespmem:v2+s3+$0x0], $0xffff  }
0x56: {  	v2 =	vor.u32 $0x3, v1;
	_ =	sdelay $0x3  }
0x57: {  	[tilespmem:s4+$0x100] =	vst v0  }
0x58: {  	v0 =	vld.idx.msk [tilespmem:v2+s3+$0x0], $0xffff  }
0x59: {  	v2 =	vor.u32 $0x4, v1;
	_ =	sdelay $0x3  }
0x5a: {  	[tilespmem:s4+$0x180] =	vst v0  }
0x5b: {  	v0 =	vld.idx.msk [tilespmem:v2+s3+$0x0], $0xffff  }
0x5c: {  	v2 =	vor.u32 $0x5, v1;
	_ =	sdelay $0x3  }
0x5d: {  	[tilespmem:s4+$0x200] =	vst v0  }
0x5e: {  	v0 =	vld.idx.msk [tilespmem:v2+s3+$0x0], $0xffff  }
0x5f: {  	v2 =	vor.u32 $0x6, v1;
	_ =	sdelay $0x3  }
0x60: {  	[tilespmem:s4+$0x280] =	vst v0  }
0x61: {  	v0 =	vld.idx.msk [tilespmem:v2+s3+$0x0], $0xffff  }
0x62: {  	v2 =	vor.u32 $0x7, v1;
	_ =	sdelay $0x3  }
0x63: {  	[tilespmem:s4+$0x300] =	vst v0  }
0x64: {  	v0 =	vld.idx.msk [tilespmem:v2+s3+$0x0], $0xffff  }
0x65: {  	v2 =	vadd.s32 $0x8, v1;
	_ =	sdelay $0x2  }
0x66: {  	s5 =	simm.s32 $0x19C70  }
0x67: {  	v3 =	vld [tilespmem:s5+$0xFFFFFFF0];
	[tilespmem:s4+$0x380] =	vst v0  }
0x68: {  	v2 =	vld.idx.msk [tilespmem:v2+s3+$0x0], $0xffff  }
0x69: {  	v4 =	vadd.s32 $0x9, v1;
	_ =	sdelay $0x2  }
0x6a: {  	v0 =	vmul.u32 $0x28, v3  }
0x6b: {  	[tilespmem:s4+$0x2000] =	vst v2  }
0x6c: {  	v2 =	vld.idx.msk [tilespmem:v4+s3+$0x0], $0xffff  }
0x6d: {  	v3 =	vadd.s32 $0xA, v1;
	_ =	sdelay $0x2  }
0x6e: {  	v4 =	vld.idx.msk [tilespmem:v0+s3+$0x0], $0xffff  }
0x6f: {  	s21 =	simm.s32 $0x100;
	v5 =	vor.u32 $0x1, v0;
	[tilespmem:s4+$0x2080] =	vst v2  }
0x70: {  	s6 =	simm.s32 $0x20;
	s2 =	sand.u32 $0x1C00, s21;
	v2 =	vld.idx.msk [tilespmem:v3+s3+$0x0], $0xffff  }
0x71: {  	s6 =	sand.u32 $0x60, s6;
	s2 =	sadd.s32 $0x9C40, s2;
	v3 =	vadd.s32 $0xB, v1  }
0x72: {  	s7 =	sadd.s32 s6, s2  }
0x73: {  	[tilespmem:s7+$0x0] =	vst v4  }
0x74: {  	v4 =	vld.idx.msk [tilespmem:v5+s3+$0x0], $0xffff  }
0x75: {  	v5 =	vor.u32 $0x2, v0;
	[tilespmem:s4+$0x2100] =	vst v2  }
0x76: {  	v2 =	vld.idx.msk [tilespmem:v3+s3+$0x0], $0xffff  }
0x77: {  	v3 =	vadd.s32 $0xC, v1;
	_ =	sdelay $0x1  }
0x78: {  	[tilespmem:s7+$0x80] =	vst v4  }
0x79: {  	v4 =	vld.idx.msk [tilespmem:v5+s3+$0x0], $0xffff  }
0x7a: {  	v5 =	vor.u32 $0x3, v0;
	[tilespmem:s4+$0x2180] =	vst v2  }
0x7b: {  	v2 =	vld.idx.msk [tilespmem:v3+s3+$0x0], $0xffff  }
0x7c: {  	v3 =	vadd.s32 $0xD, v1;
	_ =	sdelay $0x1  }
0x7d: {  	[tilespmem:s7+$0x100] =	vst v4  }
0x7e: {  	v4 =	vld.idx.msk [tilespmem:v5+s3+$0x0], $0xffff  }
0x7f: {  	v5 =	vor.u32 $0x4, v0;
	[tilespmem:s4+$0x2200] =	vst v2  }
0x80: {  	v2 =	vld.idx.msk [tilespmem:v3+s3+$0x0], $0xffff  }
0x81: {  	v3 =	vadd.s32 $0xE, v1;
	_ =	sdelay $0x1  }
0x82: {  	[tilespmem:s7+$0x180] =	vst v4  }
0x83: {  	v4 =	vld.idx.msk [tilespmem:v5+s3+$0x0], $0xffff  }
0x84: {  	v5 =	vor.u32 $0x5, v0;
	[tilespmem:s4+$0x2280] =	vst v2  }
0x85: {  	v2 =	vld.idx.msk [tilespmem:v3+s3+$0x0], $0xffff  }
0x86: {  	v3 =	vadd.s32 $0xF, v1;
	_ =	sdelay $0x1  }
0x87: {  	[tilespmem:s7+$0x200] =	vst v4  }
0x88: {  	v4 =	vld.idx.msk [tilespmem:v5+s3+$0x0], $0xffff  }
0x89: {  	v5 =	vor.u32 $0x6, v0;
	[tilespmem:s4+$0x2300] =	vst v2  }
0x8a: {  	v2 =	vld.idx.msk [tilespmem:v3+s3+$0x0], $0xffff  }
0x8b: {  	v3 =	vadd.s32 $0x10, v1;
	_ =	sdelay $0x1  }
0x8c: {  	[tilespmem:s7+$0x280] =	vst v4  }
0x8d: {  	v4 =	vld.idx.msk [tilespmem:v5+s3+$0x0], $0xffff  }
0x8e: {  	v5 =	vor.u32 $0x7, v0;
	[tilespmem:s4+$0x2380] =	vst v2  }
0x8f: {  	v2 =	vld.idx.msk [tilespmem:v3+s3+$0x0], $0xffff  }
0x90: {  	v3 =	vadd.s32 $0x11, v1;
	_ =	sdelay $0x1  }
0x91: {  	[tilespmem:s7+$0x300] =	vst v4  }
0x92: {  	s19 =	simm.s32 $0x19C90;
	v4 =	vld.idx.msk [tilespmem:v5+s3+$0x0], $0xffff  }
0x93: {  	v6 =	vadd.s32 $0x8, v0;
	v5 =	vld [tilespmem:s19+$0xFFFFFFF0];
	[tilespmem:s4+$0x4000] =	vst v2  }
0x94: {  	v3 =	vld.idx.msk [tilespmem:v3+s3+$0x0], $0xffff  }
0x95: {  	v7 =	vadd.s32 $0x12, v1;
	_ =	sdelay $0x1  }
0x96: {  	[tilespmem:s7+$0x380] =	vst v4  }
0x97: {  	v4 =	vld.idx.msk [tilespmem:v6+s3+$0x0], $0xffff  }
0x98: {  	v2 =	vmul.u32 $0x28, v5;
	v5 =	vadd.s32 $0x9, v0;
	[tilespmem:s4+$0x4080] =	vst v3  }
0x99: {  	v3 =	vld.idx.msk [tilespmem:v7+s3+$0x0], $0xffff  }
0x9a: {  	v6 =	vadd.s32 $0x13, v1;
	_ =	sdelay $0x1  }
0x9b: {  	[tilespmem:s7+$0x2000] =	vst v4  }
0x9c: {  	v4 =	vld.idx.msk [tilespmem:v5+s3+$0x0], $0xffff  }
0x9d: {  	v5 =	vld.idx.msk [tilespmem:v2+s3+$0x0], $0xffff;
	v7 =	vadd.s32 $0xA, v0;
	[tilespmem:s4+$0x4100] =	vst v3  }
0x9e: {  	s22 =	simm.s32 $0x200;
	v3 =	vor.u32 $0x1, v2;
	v6 =	vld.idx.msk [tilespmem:v6+s3+$0x0], $0xffff  }
0x9f: {  	s10 =	simm.s32 $0x40;
	s6 =	sand.u32 $0x1C00, s22;
	v8 =	vadd.s32 $0x14, v1  }
0xa0: {  	s10 =	sand.u32 $0x60, s10;
	s16 =	sadd.s32 $0x9C40, s6  }
0xa1: {  	s21 =	sadd.s32 s10, s16;
	[tilespmem:s7+$0x2080] =	vst v4  }
0xa2: {  	[tilespmem:s21+$0x0] =	vst v5;
	v4 =	vld.idx.msk [tilespmem:v7+s3+$0x0], $0xffff  }
0xa3: {  	v5 =	vadd.s32 $0xB, v0;
	v3 =	vld.idx.msk [tilespmem:v3+s3+$0x0], $0xffff;
	[tilespmem:s4+$0x4180] =	vst v6  }
0xa4: {  	v6 =	vor.u32 $0x2, v2;
	v7 =	vld.idx.msk [tilespmem:v8+s3+$0x0], $0xffff  }
0xa5: {  	v8 =	vadd.s32 $0x15, v1;
	_ =	sdelay $0x1  }
0xa6: {  	[tilespmem:s7+$0x2100] =	vst v4  }
0xa7: {  	[tilespmem:s21+$0x80] =	vst v3;
	v3 =	vld.idx.msk [tilespmem:v5+s3+$0x0], $0xffff  }
0xa8: {  	v5 =	vadd.s32 $0xC, v0;
	v4 =	vld.idx.msk [tilespmem:v6+s3+$0x0], $0xffff;
	[tilespmem:s4+$0x4200] =	vst v7  }
0xa9: {  	v6 =	vor.u32 $0x3, v2;
	v7 =	vld.idx.msk [tilespmem:v8+s3+$0x0], $0xffff  }
0xaa: {  	v8 =	vadd.s32 $0x16, v1;
	_ =	sdelay $0x1  }
0xab: {  	[tilespmem:s7+$0x2180] =	vst v3  }
0xac: {  	[tilespmem:s21+$0x100] =	vst v4;
	v3 =	vld.idx.msk [tilespmem:v5+s3+$0x0], $0xffff  }
0xad: {  	v5 =	vadd.s32 $0xD, v0;
	v4 =	vld.idx.msk [tilespmem:v6+s3+$0x0], $0xffff;
	[tilespmem:s4+$0x4280] =	vst v7  }
0xae: {  	v6 =	vor.u32 $0x4, v2;
	v7 =	vld.idx.msk [tilespmem:v8+s3+$0x0], $0xffff  }
0xaf: {  	v8 =	vadd.s32 $0x17, v1;
	_ =	sdelay $0x1  }
0xb0: {  	[tilespmem:s7+$0x2200] =	vst v3  }
0xb1: {  	[tilespmem:s21+$0x180] =	vst v4;
	v3 =	vld.idx.msk [tilespmem:v5+s3+$0x0], $0xffff  }
0xb2: {  	v5 =	vadd.s32 $0xE, v0;
	v4 =	vld.idx.msk [tilespmem:v6+s3+$0x0], $0xffff;
	[tilespmem:s4+$0x4300] =	vst v7  }
0xb3: {  	v6 =	vor.u32 $0x5, v2;
	v7 =	vld.idx.msk [tilespmem:v8+s3+$0x0], $0xffff  }
0xb4: {  	v8 =	vadd.s32 $0x18, v1;
	_ =	sdelay $0x1  }
0xb5: {  	[tilespmem:s7+$0x2280] =	vst v3  }
0xb6: {  	[tilespmem:s21+$0x200] =	vst v4;
	v3 =	vld.idx.msk [tilespmem:v5+s3+$0x0], $0xffff  }
0xb7: {  	v5 =	vadd.s32 $0xF, v0;
	v4 =	vld.idx.msk [tilespmem:v6+s3+$0x0], $0xffff;
	[tilespmem:s4+$0x4380] =	vst v7  }
0xb8: {  	v6 =	vor.u32 $0x6, v2;
	v7 =	vld.idx.msk [tilespmem:v8+s3+$0x0], $0xffff  }
0xb9: {  	v8 =	vadd.s32 $0x19, v1;
	_ =	sdelay $0x1  }
0xba: {  	[tilespmem:s7+$0x2300] =	vst v3  }
0xbb: {  	[tilespmem:s21+$0x280] =	vst v4;
	v3 =	vld.idx.msk [tilespmem:v5+s3+$0x0], $0xffff  }
0xbc: {  	v5 =	vadd.s32 $0x10, v0;
	v4 =	vld.idx.msk [tilespmem:v6+s3+$0x0], $0xffff;
	[tilespmem:s4+$0x6000] =	vst v7  }
0xbd: {  	v6 =	vor.u32 $0x7, v2;
	v7 =	vld.idx.msk [tilespmem:v8+s3+$0x0], $0xffff  }
0xbe: {  	v8 =	vadd.s32 $0x1A, v1;
	_ =	sdelay $0x1  }
0xbf: {  	[tilespmem:s7+$0x2380] =	vst v3  }
0xc0: {  	[tilespmem:s21+$0x300] =	vst v4;
	v3 =	vld.idx.msk [tilespmem:v5+s3+$0x0], $0xffff  }
0xc1: {  	v5 =	vadd.s32 $0x11, v0;
	v4 =	vld.idx.msk [tilespmem:v6+s3+$0x0], $0xffff;
	[tilespmem:s4+$0x6080] =	vst v7  }
0xc2: {  	v6 =	vadd.s32 $0x8, v2;
	v7 =	vld.idx.msk [tilespmem:v8+s3+$0x0], $0xffff  }
0xc3: {  	v8 =	vadd.s32 $0x1B, v1  }
0xc4: {  	s12 =	simm.s32 $0x19CB0  }
0xc5: {  	v9 =	vld [tilespmem:s12+$0xFFFFFFF0];
	[tilespmem:s7+$0x4000] =	vst v3  }
0xc6: {  	[tilespmem:s21+$0x380] =	vst v4;
	v3 =	vld.idx.msk [tilespmem:v5+s3+$0x0], $0xffff  }
0xc7: {  	v5 =	vadd.s32 $0x12, v0;
	v4 =	vld.idx.msk [tilespmem:v6+s3+$0x0], $0xffff;
	[tilespmem:s4+$0x6100] =	vst v7  }
0xc8: {  	v7 =	vld.idx.msk [tilespmem:v8+s3+$0x0], $0xffff;
	v8 =	vadd.s32 $0x9, v2  }
0xc9: {  	v10 =	vadd.s32 $0x1C, v1;
	_ =	sdelay $0x1  }
0xca: {  	v6 =	vmul.u32 $0x28, v9;
	[tilespmem:s7+$0x4080] =	vst v3  }
0xcb: {  	[tilespmem:s21+$0x2000] =	vst v4;
	v3 =	vld.idx.msk [tilespmem:v5+s3+$0x0], $0xffff  }
0xcc: {  	v4 =	vadd.s32 $0x13, v0;
	v5 =	vld.idx.msk [tilespmem:v8+s3+$0x0], $0xffff;
	[tilespmem:s4+$0x6180] =	vst v7  }
0xcd: {  	v8 =	vadd.s32 $0xA, v2;
	v7 =	vld.idx.msk [tilespmem:v10+s3+$0x0], $0xffff  }
0xce: {  	v9 =	vadd.s32 $0x1D, v1;
	_ =	sdelay $0x1  }
0xcf: {  	v10 =	vld.idx.msk [tilespmem:v6+s3+$0x0], $0xffff;
	[tilespmem:s7+$0x4100] =	vst v3  }
0xd0: {  	s23 =	simm.s32 $0x300;
	v3 =	vor.u32 $0x1, v6;
	v4 =	vld.idx.msk [tilespmem:v4+s3+$0x0], $0xffff;
	[tilespmem:s21+$0x2080] =	vst v5  }
0xd1: {  	s25 =	simm.s32 $0x60;
	s6 =	sand.u32 $0x1C00, s23;
	v5 =	vadd.s32 $0x14, v0;
	v8 =	vld.idx.msk [tilespmem:v8+s3+$0x0], $0xffff;
	[tilespmem:s4+$0x6200] =	vst v7  }
0xd2: {  	s10 =	sand.u32 $0x60, s25;
	s29 =	sadd.s32 $0x9C40, s6;
	v7 =	vld.idx.msk [tilespmem:v9+s3+$0x0], $0xffff;
	v9 =	vadd.s32 $0xB, v2  }
0xd3: {  	s20 =	sadd.s32 s10, s29;
	v11 =	vadd.s32 $0x1E, v1  }
0xd4: {  	[tilespmem:s20+$0x0] =	vst v10  }
0xd5: {  	v3 =	vld.idx.msk [tilespmem:v3+s3+$0x0], $0xffff;
	[tilespmem:s7+$0x4180] =	vst v4  }
0xd6: {  	v4 =	vor.u32 $0x2, v6;
	v5 =	vld.idx.msk [tilespmem:v5+s3+$0x0], $0xffff;
	[tilespmem:s21+$0x2100] =	vst v8  }
0xd7: {  	v8 =	vadd.s32 $0x15, v0;
	v9 =	vld.idx.msk [tilespmem:v9+s3+$0x0], $0xffff;
	[tilespmem:s4+$0x6280] =	vst v7  }
0xd8: {  	v10 =	vadd.s32 $0xC, v2;
	v7 =	vld.idx.msk [tilespmem:v11+s3+$0x0], $0xffff  }
0xd9: {  	v1 =	vadd.s32 $0x1F, v1  }
0xda: {  	[tilespmem:s20+$0x80] =	vst v3  }
0xdb: {  	v3 =	vld.idx.msk [tilespmem:v4+s3+$0x0], $0xffff;
	[tilespmem:s7+$0x4200] =	vst v5  }
0xdc: {  	v4 =	vor.u32 $0x3, v6;
	v5 =	vld.idx.msk [tilespmem:v8+s3+$0x0], $0xffff;
	[tilespmem:s21+$0x2180] =	vst v9  }
0xdd: {  	v8 =	vadd.s32 $0x16, v0;
	v9 =	vld.idx.msk [tilespmem:v10+s3+$0x0], $0xffff;
	[tilespmem:s4+$0x6300] =	vst v7  }
0xde: {  	v7 =	vadd.s32 $0xD, v2;
	v1 =	vld.idx.msk [tilespmem:v1+s3+$0x0], $0xffff;
	_ =	sdelay $0x1  }
0xdf: {  	[tilespmem:s20+$0x100] =	vst v3  }
0xe0: {  	v3 =	vld.idx.msk [tilespmem:v4+s3+$0x0], $0xffff;
	[tilespmem:s7+$0x4280] =	vst v5  }
0xe1: {  	v4 =	vor.u32 $0x4, v6;
	v5 =	vld.idx.msk [tilespmem:v8+s3+$0x0], $0xffff;
	[tilespmem:s21+$0x2200] =	vst v9  }
0xe2: {  	v8 =	vadd.s32 $0x17, v0;
	v7 =	vld.idx.msk [tilespmem:v7+s3+$0x0], $0xffff;
	[tilespmem:s4+$0x6380] =	vst v1  }
0xe3: {  	v1 =	vld [tilespmem:s1+$0x0]  }
0xe4: {  	v9 =	vadd.s32 $0xE, v2  }
0xe5: {  	[tilespmem:s20+$0x180] =	vst v3  }
0xe6: {  	v3 =	vld.idx.msk [tilespmem:v4+s3+$0x0], $0xffff;
	[tilespmem:s7+$0x4300] =	vst v5  }
0xe7: {  	v4 =	vor.u32 $0x5, v6;
	v5 =	vld.idx.msk [tilespmem:v8+s3+$0x0], $0xffff  }
0xe8: {  	[tilespmem:s21+$0x2280] =	vst v7;
	v7 =	vadd.s32 $0x18, v0;
	v1 =	vmul.u32 $0x28, v1  }
0xe9: {  	v8 =	vld.idx.msk [tilespmem:v9+s3+$0x0], $0xffff  }
0xea: {  	v9 =	vadd.s32 $0xF, v2  }
0xeb: {  	[tilespmem:s20+$0x200] =	vst v3  }
0xec: {  	v3 =	vld.idx.msk [tilespmem:v4+s3+$0x0], $0xffff;
	[tilespmem:s7+$0x4380] =	vst v5  }
0xed: {  	v4 =	vor.u32 $0x6, v6;
	v5 =	vld.idx.msk [tilespmem:v7+s3+$0x0], $0xffff  }
0xee: {  	[tilespmem:s21+$0x2300] =	vst v8;
	v8 =	vadd.s32 $0x19, v0;
	v7 =	vld.idx.msk [tilespmem:v1+s3+$0x0], $0xffff  }
0xef: {  	v10 =	vor.u32 $0x1, v1;
	v9 =	vld.idx.msk [tilespmem:v9+s3+$0x0], $0xffff  }
0xf0: {  	s26 =	simm.s32 $0x10;
	v11 =	vadd.s32 $0x10, v2  }
0xf1: {  	s1 =	sand.u32 $0x70, s26;
	[tilespmem:s20+$0x280] =	vst v3  }
0xf2: {  	s26 =	sadd.s32 s1, s0;
	v3 =	vld.idx.msk [tilespmem:v4+s3+$0x0], $0xffff;
	[tilespmem:s7+$0x6000] =	vst v5  }
0xf3: {  	v4 =	vor.u32 $0x7, v6;
	v5 =	vld.idx.msk [tilespmem:v8+s3+$0x0], $0xffff;
	[tilespmem:s26+$0x0] =	vst v7  }
0xf4: {  	v8 =	vadd.s32 $0x1A, v0;
	[tilespmem:s21+$0x2380] =	vst v9;
	v7 =	vld.idx.msk [tilespmem:v10+s3+$0x0], $0xffff  }
0xf5: {  	v9 =	vld.idx.msk [tilespmem:v11+s3+$0x0], $0xffff;
	v10 =	vor.u32 $0x2, v1  }
0xf6: {  	v11 =	vadd.s32 $0x11, v2  }
0xf7: {  	[tilespmem:s20+$0x300] =	vst v3  }
0xf8: {  	v3 =	vld.idx.msk [tilespmem:v4+s3+$0x0], $0xffff;
	[tilespmem:s7+$0x6080] =	vst v5  }
0xf9: {  	v4 =	vadd.s32 $0x8, v6;
	v5 =	vld.idx.msk [tilespmem:v8+s3+$0x0], $0xffff;
	[tilespmem:s26+$0x80] =	vst v7  }
0xfa: {  	v8 =	vadd.s32 $0x1B, v0;
	[tilespmem:s21+$0x4000] =	vst v9;
	v7 =	vld.idx.msk [tilespmem:v10+s3+$0x0], $0xffff  }
0xfb: {  	v9 =	vld.idx.msk [tilespmem:v11+s3+$0x0], $0xffff;
	v10 =	vor.u32 $0x3, v1  }
0xfc: {  	s0 =	simm.s32 $0x19CD0;
	v11 =	vadd.s32 $0x12, v2  }
0xfd: {  	v12 =	vld [tilespmem:s0+$0xFFFFFFF0];
	[tilespmem:s20+$0x380] =	vst v3  }
0xfe: {  	v4 =	vld.idx.msk [tilespmem:v4+s3+$0x0], $0xffff;
	[tilespmem:s7+$0x6100] =	vst v5  }
0xff: {  	v5 =	vld.idx.msk [tilespmem:v8+s3+$0x0], $0xffff;
	[tilespmem:s26+$0x100] =	vst v7;
	v7 =	vadd.s32 $0x9, v6  }
0x100: {  	[tilespmem:s21+$0x4080] =	vst v9;
	v9 =	vadd.s32 $0x1C, v0;
	v8 =	vld.idx.msk [tilespmem:v10+s3+$0x0], $0xffff  }
0x101: {  	v10 =	vld.idx.msk [tilespmem:v11+s3+$0x0], $0xffff;
	v11 =	vor.u32 $0x4, v1  }
0x102: {  	v3 =	vmul.u32 $0x28, v12;
	v12 =	vadd.s32 $0x13, v2  }
0x103: {  	[tilespmem:s20+$0x2000] =	vst v4  }
0x104: {  	[tilespmem:s7+$0x6180] =	vst v5;
	v4 =	vld.idx.msk [tilespmem:v7+s3+$0x0], $0xffff  }
0x105: {  	v5 =	vld.idx.msk [tilespmem:v9+s3+$0x0], $0xffff;
	v7 =	vadd.s32 $0xA, v6;
	[tilespmem:s26+$0x180] =	vst v8  }
0x106: {  	v9 =	vadd.s32 $0x1D, v0;
	[tilespmem:s21+$0x4100] =	vst v10;
	v8 =	vld.idx.msk [tilespmem:v11+s3+$0x0], $0xffff  }
0x107: {  	v10 =	vld.idx.msk [tilespmem:v12+s3+$0x0], $0xffff;
	v11 =	vor.u32 $0x5, v1  }
0x108: {  	v13 =	vadd.s32 $0x14, v2;
	v12 =	vld.idx.msk [tilespmem:v3+s3+$0x0], $0xffff  }
0x109: {  	s4 =	simm.s32 $0x400;
	v14 =	vor.u32 $0x1, v3;
	[tilespmem:s20+$0x2080] =	vst v4  }
0x10a: {  	s6 =	simm.s32 $0x80;
	s1 =	sand.u32 $0x1C00, s4;
	[tilespmem:s7+$0x6200] =	vst v5;
	v4 =	vld.idx.msk [tilespmem:v7+s3+$0x0], $0xffff  }
0x10b: {  	s4 =	sand.u32 $0x60, s6;
	s1 =	sadd.s32 $0x9C40, s1;
	v5 =	vld.idx.msk [tilespmem:v9+s3+$0x0], $0xffff;
	v7 =	vadd.s32 $0xB, v6;
	[tilespmem:s26+$0x200] =	vst v8  }
0x10c: {  	s14 =	sadd.s32 s4, s1;
	v9 =	vadd.s32 $0x1E, v0;
	[tilespmem:s21+$0x4180] =	vst v10;
	v8 =	vld.idx.msk [tilespmem:v11+s3+$0x0], $0xffff  }
0x10d: {  	[tilespmem:s14+$0x0] =	vst v12;
	v10 =	vld.idx.msk [tilespmem:v13+s3+$0x0], $0xffff;
	v11 =	vor.u32 $0x6, v1  }
0x10e: {  	v12 =	vld.idx.msk [tilespmem:v14+s3+$0x0], $0xffff;
	v13 =	vadd.s32 $0x15, v2  }
0x10f: {  	v14 =	vor.u32 $0x2, v3;
	[tilespmem:s20+$0x2100] =	vst v4  }
0x110: {  	[tilespmem:s7+$0x6280] =	vst v5;
	v4 =	vld.idx.msk [tilespmem:v7+s3+$0x0], $0xffff  }
0x111: {  	v5 =	vld.idx.msk [tilespmem:v9+s3+$0x0], $0xffff;
	v7 =	vadd.s32 $0xC, v6;
	[tilespmem:s26+$0x280] =	vst v8  }
0x112: {  	v0 =	vadd.s32 $0x1F, v0;
	[tilespmem:s21+$0x4200] =	vst v10;
	v8 =	vld.idx.msk [tilespmem:v11+s3+$0x0], $0xffff  }
0x113: {  	[tilespmem:s14+$0x80] =	vst v12;
	v10 =	vor.u32 $0x7, v1;
	v9 =	vld.idx.msk [tilespmem:v13+s3+$0x0], $0xffff  }
0x114: {  	v12 =	vadd.s32 $0x16, v2;
	v11 =	vld.idx.msk [tilespmem:v14+s3+$0x0], $0xffff  }
0x115: {  	v13 =	vor.u32 $0x3, v3;
	[tilespmem:s20+$0x2180] =	vst v4  }
0x116: {  	[tilespmem:s7+$0x6300] =	vst v5;
	v4 =	vld.idx.msk [tilespmem:v7+s3+$0x0], $0xffff  }
0x117: {  	v5 =	vadd.s32 $0xD, v6;
	v0 =	vld.idx.msk [tilespmem:v0+s3+$0x0], $0xffff;
	[tilespmem:s26+$0x300] =	vst v8  }
0x118: {  	[tilespmem:s21+$0x4280] =	vst v9;
	v7 =	vld.idx.msk [tilespmem:v10+s3+$0x0], $0xffff  }
0x119: {  	[tilespmem:s14+$0x100] =	vst v11;
	v9 =	vadd.s32 $0x8, v1;
	v8 =	vld.idx.msk [tilespmem:v12+s3+$0x0], $0xffff  }
0x11a: {  	v11 =	vadd.s32 $0x17, v2;
	v10 =	vld.idx.msk [tilespmem:v13+s3+$0x0], $0xffff  }
0x11b: {  	v12 =	vor.u32 $0x4, v3;
	[tilespmem:s20+$0x2200] =	vst v4  }
0x11c: {  	[tilespmem:s7+$0x6380] =	vst v0;
	v4 =	vld.idx.msk [tilespmem:v5+s3+$0x0], $0xffff  }
0x11d: {  	v0 =	vld [tilespmem:s5+$0x0];
	[tilespmem:s26+$0x380] =	vst v7  }
0x11e: {  	v5 =	vadd.s32 $0xE, v6;
	[tilespmem:s21+$0x4300] =	vst v8;
	v7 =	vld.idx.msk [tilespmem:v9+s3+$0x0], $0xffff  }
0x11f: {  	[tilespmem:s14+$0x180] =	vst v10;
	v8 =	vld.idx.msk [tilespmem:v11+s3+$0x0], $0xffff;
	v9 =	vadd.s32 $0x9, v1  }
0x120: {  	v10 =	vld.idx.msk [tilespmem:v12+s3+$0x0], $0xffff;
	v11 =	vadd.s32 $0x18, v2  }
0x121: {  	v12 =	vor.u32 $0x5, v3  }
0x122: {  	[tilespmem:s20+$0x2280] =	vst v4;
	v0 =	vmul.u32 $0x28, v0  }
0x123: {  	v4 =	vld.idx.msk [tilespmem:v5+s3+$0x0], $0xffff;
	[tilespmem:s26+$0x2000] =	vst v7  }
0x124: {  	v5 =	vadd.s32 $0xF, v6;
	[tilespmem:s21+$0x4380] =	vst v8;
	v7 =	vld.idx.msk [tilespmem:v9+s3+$0x0], $0xffff  }
0x125: {  	[tilespmem:s14+$0x200] =	vst v10;
	v8 =	vld.idx.msk [tilespmem:v11+s3+$0x0], $0xffff;
	v9 =	vadd.s32 $0xA, v1  }
0x126: {  	v10 =	vld.idx.msk [tilespmem:v12+s3+$0x0], $0xffff;
	v11 =	vadd.s32 $0x19, v2  }
0x127: {  	v12 =	vor.u32 $0x6, v3  }
0x128: {  	v13 =	vld.idx.msk [tilespmem:v0+s3+$0x0], $0xffff;
	[tilespmem:s20+$0x2300] =	vst v4  }
0x129: {  	v4 =	vld.idx.msk [tilespmem:v5+s3+$0x0], $0xffff;
	v5 =	vor.u32 $0x1, v0;
	[tilespmem:s26+$0x2080] =	vst v7  }
0x12a: {  	s7 =	simm.s32 $0x30;
	v7 =	vadd.s32 $0x10, v6;
	[tilespmem:s21+$0x6000] =	vst v8;
	v9 =	vld.idx.msk [tilespmem:v9+s3+$0x0], $0xffff  }
0x12b: {  	s4 =	sand.u32 $0x70, s7;
	[tilespmem:s14+$0x280] =	vst v10;
	v10 =	vadd.s32 $0xB, v1;
	v8 =	vld.idx.msk [tilespmem:v11+s3+$0x0], $0xffff  }
0x12c: {  	s25 =	sadd.s32 s4, s2;
	v11 =	vld.idx.msk [tilespmem:v12+s3+$0x0], $0xffff;
	v12 =	vadd.s32 $0x1A, v2  }
0x12d: {  	v14 =	vor.u32 $0x7, v3;
	[tilespmem:s25+$0x0] =	vst v13  }
0x12e: {  	v5 =	vld.idx.msk [tilespmem:v5+s3+$0x0], $0xffff;
	[tilespmem:s20+$0x2380] =	vst v4  }
0x12f: {  	v4 =	vld.idx.msk [tilespmem:v7+s3+$0x0], $0xffff;
	v7 =	vor.u32 $0x2, v0;
	[tilespmem:s26+$0x2100] =	vst v9  }
0x130: {  	v9 =	vadd.s32 $0x11, v6;
	[tilespmem:s21+$0x6080] =	vst v8;
	v10 =	vld.idx.msk [tilespmem:v10+s3+$0x0], $0xffff  }
0x131: {  	[tilespmem:s14+$0x300] =	vst v11;
	v11 =	vadd.s32 $0xC, v1;
	v8 =	vld.idx.msk [tilespmem:v12+s3+$0x0], $0xffff  }
0x132: {  	s15 =	simm.s32 $0x19CF0;
	v13 =	vadd.s32 $0x1B, v2;
	v12 =	vld.idx.msk [tilespmem:v14+s3+$0x0], $0xffff  }
0x133: {  	v15 =	vadd.s32 $0x8, v3;
	v14 =	vld [tilespmem:s15+$0xFFFFFFF0];
	[tilespmem:s25+$0x80] =	vst v5  }
0x134: {  	v5 =	vld.idx.msk [tilespmem:v7+s3+$0x0], $0xffff;
	[tilespmem:s20+$0x4000] =	vst v4  }
0x135: {  	v7 =	vld.idx.msk [tilespmem:v9+s3+$0x0], $0xffff;
	v9 =	vor.u32 $0x3, v0;
	[tilespmem:s26+$0x2180] =	vst v10  }
0x136: {  	v10 =	vadd.s32 $0x12, v6;
	[tilespmem:s21+$0x6100] =	vst v8;
	v11 =	vld.idx.msk [tilespmem:v11+s3+$0x0], $0xffff  }
0x137: {  	[tilespmem:s14+$0x380] =	vst v12;
	v12 =	vadd.s32 $0xD, v1;
	v8 =	vld.idx.msk [tilespmem:v13+s3+$0x0], $0xffff  }
0x138: {  	v13 =	vld.idx.msk [tilespmem:v15+s3+$0x0], $0xffff;
	v15 =	vadd.s32 $0x1C, v2  }
0x139: {  	v4 =	vmul.u32 $0x28, v14;
	[tilespmem:s25+$0x100] =	vst v5;
	v5 =	vadd.s32 $0x9, v3  }
0x13a: {  	v9 =	vld.idx.msk [tilespmem:v9+s3+$0x0], $0xffff;
	[tilespmem:s20+$0x4080] =	vst v7  }
0x13b: {  	v7 =	vld.idx.msk [tilespmem:v10+s3+$0x0], $0xffff;
	v10 =	vor.u32 $0x4, v0;
	[tilespmem:s26+$0x2200] =	vst v11  }
0x13c: {  	v11 =	vadd.s32 $0x13, v6;
	[tilespmem:s21+$0x6180] =	vst v8;
	v12 =	vld.idx.msk [tilespmem:v12+s3+$0x0], $0xffff  }
0x13d: {  	[tilespmem:s14+$0x2000] =	vst v13;
	v13 =	vadd.s32 $0xE, v1;
	v8 =	vld.idx.msk [tilespmem:v15+s3+$0x0], $0xffff  }
0x13e: {  	v14 =	vadd.s32 $0x1D, v2;
	v5 =	vld.idx.msk [tilespmem:v5+s3+$0x0], $0xffff  }
0x13f: {  	v15 =	vld.idx.msk [tilespmem:v4+s3+$0x0], $0xffff;
	[tilespmem:s25+$0x180] =	vst v9;
	v9 =	vadd.s32 $0xA, v3  }
0x140: {  	s10 =	simm.s32 $0x500;
	v16 =	vor.u32 $0x1, v4;
	v10 =	vld.idx.msk [tilespmem:v10+s3+$0x0], $0xffff;
	[tilespmem:s20+$0x4100] =	vst v7  }
0x141: {  	s13 =	simm.s32 $0xA0;
	s2 =	sand.u32 $0x1C00, s10;
	v7 =	vld.idx.msk [tilespmem:v11+s3+$0x0], $0xffff;
	v11 =	vor.u32 $0x5, v0;
	[tilespmem:s26+$0x2280] =	vst v12  }
0x142: {  	s4 =	sand.u32 $0x60, s13;
	s5 =	sadd.s32 $0x9C40, s2;
	v12 =	vadd.s32 $0x14, v6;
	[tilespmem:s21+$0x6200] =	vst v8;
	v13 =	vld.idx.msk [tilespmem:v13+s3+$0x0], $0xffff  }
0x143: {  	s7 =	sadd.s32 s4, s5;
	v8 =	vadd.s32 $0xF, v1;
	[tilespmem:s14+$0x2080] =	vst v5;
	v5 =	vld.idx.msk [tilespmem:v14+s3+$0x0], $0xffff  }
0x144: {  	[tilespmem:s7+$0x0] =	vst v15;
	v14 =	vadd.s32 $0x1E, v2;
	v9 =	vld.idx.msk [tilespmem:v9+s3+$0x0], $0xffff  }
0x145: {  	v15 =	vld.idx.msk [tilespmem:v16+s3+$0x0], $0xffff;
	[tilespmem:s25+$0x200] =	vst v10;
	v10 =	vadd.s32 $0xB, v3  }
0x146: {  	v16 =	vor.u32 $0x2, v4;
	v11 =	vld.idx.msk [tilespmem:v11+s3+$0x0], $0xffff;
	[tilespmem:s20+$0x4180] =	vst v7  }
0x147: {  	v7 =	vld.idx.msk [tilespmem:v12+s3+$0x0], $0xffff;
	v12 =	vor.u32 $0x6, v0;
	[tilespmem:s26+$0x2300] =	vst v13  }
0x148: {  	v13 =	vadd.s32 $0x15, v6;
	[tilespmem:s21+$0x6280] =	vst v5;
	v8 =	vld.idx.msk [tilespmem:v8+s3+$0x0], $0xffff  }
0x149: {  	[tilespmem:s14+$0x2100] =	vst v9;
	v5 =	vld.idx.msk [tilespmem:v14+s3+$0x0], $0xffff;
	v9 =	vadd.s32 $0x10, v1  }
0x14a: {  	v2 =	vadd.s32 $0x1F, v2;
	[tilespmem:s7+$0x80] =	vst v15;
	v10 =	vld.idx.msk [tilespmem:v10+s3+$0x0], $0xffff  }
0x14b: {  	v14 =	vld.idx.msk [tilespmem:v16+s3+$0x0], $0xffff;
	[tilespmem:s25+$0x280] =	vst v11;
	v11 =	vadd.s32 $0xC, v3  }
0x14c: {  	v15 =	vor.u32 $0x3, v4;
	v12 =	vld.idx.msk [tilespmem:v12+s3+$0x0], $0xffff;
	[tilespmem:s20+$0x4200] =	vst v7  }
0x14d: {  	v7 =	vld.idx.msk [tilespmem:v13+s3+$0x0], $0xffff;
	v13 =	vor.u32 $0x7, v0;
	[tilespmem:s26+$0x2380] =	vst v8  }
0x14e: {  	v8 =	vadd.s32 $0x16, v6;
	[tilespmem:s21+$0x6300] =	vst v5;
	v9 =	vld.idx.msk [tilespmem:v9+s3+$0x0], $0xffff  }
0x14f: {  	v5 =	vadd.s32 $0x11, v1;
	[tilespmem:s14+$0x2180] =	vst v10;
	v2 =	vld.idx.msk [tilespmem:v2+s3+$0x0], $0xffff  }
0x150: {  	[tilespmem:s7+$0x100] =	vst v14;
	v10 =	vld.idx.msk [tilespmem:v11+s3+$0x0], $0xffff  }
0x151: {  	v11 =	vld.idx.msk [tilespmem:v15+s3+$0x0], $0xffff;
	[tilespmem:s25+$0x300] =	vst v12;
	v12 =	vadd.s32 $0xD, v3  }
0x152: {  	v14 =	vor.u32 $0x4, v4;
	v13 =	vld.idx.msk [tilespmem:v13+s3+$0x0], $0xffff;
	[tilespmem:s20+$0x4280] =	vst v7  }
0x153: {  	v7 =	vld.idx.msk [tilespmem:v8+s3+$0x0], $0xffff;
	v8 =	vadd.s32 $0x8, v0;
	[tilespmem:s26+$0x4000] =	vst v9  }
0x154: {  	v9 =	vadd.s32 $0x17, v6;
	[tilespmem:s21+$0x6380] =	vst v2;
	v5 =	vld.idx.msk [tilespmem:v5+s3+$0x0], $0xffff  }
0x155: {  	[tilespmem:s14+$0x2200] =	vst v10;
	v2 =	vld [tilespmem:s19+$0x0]  }
0x156: {  	[tilespmem:s7+$0x180] =	vst v11;
	v11 =	vadd.s32 $0x12, v1;
	v10 =	vld.idx.msk [tilespmem:v12+s3+$0x0], $0xffff  }
0x157: {  	v12 =	vld.idx.msk [tilespmem:v14+s3+$0x0], $0xffff;
	[tilespmem:s25+$0x380] =	vst v13;
	v13 =	vadd.s32 $0xE, v3  }
0x158: {  	v14 =	vor.u32 $0x5, v4;
	v8 =	vld.idx.msk [tilespmem:v8+s3+$0x0], $0xffff;
	[tilespmem:s20+$0x4300] =	vst v7  }
0x159: {  	s30 =	simm.s32 $0x19D10;
	v7 =	vld.idx.msk [tilespmem:v9+s3+$0x0], $0xffff;
	v9 =	vadd.s32 $0x9, v0  }
0x15a: {  	v15 =	vld [tilespmem:s30+$0xFFFFFFF0];
	[tilespmem:s26+$0x4080] =	vst v5;
	v5 =	vadd.s32 $0x18, v6;
	v2 =	vmul.u32 $0x28, v2  }
0x15b: {  	[tilespmem:s14+$0x2280] =	vst v10;
	v10 =	vld.idx.msk [tilespmem:v11+s3+$0x0], $0xffff  }
0x15c: {  	[tilespmem:s7+$0x200] =	vst v12;
	v12 =	vadd.s32 $0x13, v1;
	v11 =	vld.idx.msk [tilespmem:v13+s3+$0x0], $0xffff  }
0x15d: {  	v13 =	vld.idx.msk [tilespmem:v14+s3+$0x0], $0xffff;
	[tilespmem:s25+$0x2000] =	vst v8;
	v8 =	vadd.s32 $0xF, v3  }
0x15e: {  	v14 =	vor.u32 $0x6, v4;
	v9 =	vld.idx.msk [tilespmem:v9+s3+$0x0], $0xffff;
	[tilespmem:s20+$0x4380] =	vst v7  }
0x15f: {  	v7 =	vadd.s32 $0xA, v0;
	v5 =	vld.idx.msk [tilespmem:v5+s3+$0x0], $0xffff  }
0x160: {  	v16 =	vld.idx.msk [tilespmem:v2+s3+$0x0], $0xffff;
	[tilespmem:s26+$0x4100] =	vst v10;
	v10 =	vadd.s32 $0x19, v6  }
0x161: {  	[tilespmem:s14+$0x2300] =	vst v11;
	v11 =	vld.idx.msk [tilespmem:v12+s3+$0x0], $0xffff;
	v12 =	vor.u32 $0x1, v2  }
0x162: {  	s19 =	simm.s32 $0x50;
	[tilespmem:s7+$0x280] =	vst v13;
	v13 =	vadd.s32 $0x14, v1;
	v8 =	vld.idx.msk [tilespmem:v8+s3+$0x0], $0xffff  }
0x163: {  	s2 =	sand.u32 $0x70, s19;
	v14 =	vld.idx.msk [tilespmem:v14+s3+$0x0], $0xffff;
	[tilespmem:s25+$0x2080] =	vst v9;
	v9 =	vadd.s32 $0x10, v3  }
0x164: {  	v17 =	vor.u32 $0x7, v4;
	s28 =	sadd.s32 s2, s16;
	v7 =	vld.idx.msk [tilespmem:v7+s3+$0x0], $0xffff;
	[tilespmem:s20+$0x6000] =	vst v5  }
0x165: {  	v5 =	vld.idx.msk [tilespmem:v10+s3+$0x0], $0xffff;
	[tilespmem:s28+$0x0] =	vst v16;
	v10 =	vadd.s32 $0xB, v0  }
0x166: {  	v12 =	vld.idx.msk [tilespmem:v12+s3+$0x0], $0xffff;
	[tilespmem:s26+$0x4180] =	vst v11;
	v11 =	vadd.s32 $0x1A, v6  }
0x167: {  	[tilespmem:s14+$0x2380] =	vst v8;
	v8 =	vld.idx.msk [tilespmem:v13+s3+$0x0], $0xffff;
	v13 =	vor.u32 $0x2, v2  }
0x168: {  	[tilespmem:s7+$0x300] =	vst v14;
	v14 =	vadd.s32 $0x15, v1;
	v9 =	vld.idx.msk [tilespmem:v9+s3+$0x0], $0xffff  }
0x169: {  	v16 =	vld.idx.msk [tilespmem:v17+s3+$0x0], $0xffff;
	[tilespmem:s25+$0x2100] =	vst v7;
	v7 =	vadd.s32 $0x11, v3  }
0x16a: {  	v17 =	vadd.s32 $0x8, v4;
	v10 =	vld.idx.msk [tilespmem:v10+s3+$0x0], $0xffff;
	[tilespmem:s20+$0x6080] =	vst v5  }
0x16b: {  	v11 =	vld.idx.msk [tilespmem:v11+s3+$0x0], $0xffff;
	[tilespmem:s28+$0x80] =	vst v12;
	v12 =	vadd.s32 $0xC, v0  }
0x16c: {  	v13 =	vld.idx.msk [tilespmem:v13+s3+$0x0], $0xffff;
	[tilespmem:s26+$0x4200] =	vst v8;
	v8 =	vadd.s32 $0x1B, v6  }
0x16d: {  	[tilespmem:s14+$0x4000] =	vst v9;
	v9 =	vld.idx.msk [tilespmem:v14+s3+$0x0], $0xffff;
	v14 =	vor.u32 $0x3, v2  }
0x16e: {  	v5 =	vmul.u32 $0x28, v15;
	[tilespmem:s7+$0x380] =	vst v16;
	v16 =	vadd.s32 $0x16, v1;
	v7 =	vld.idx.msk [tilespmem:v7+s3+$0x0], $0xffff  }
0x16f: {  	v17 =	vld.idx.msk [tilespmem:v17+s3+$0x0], $0xffff;
	[tilespmem:s25+$0x2180] =	vst v10  }
0x170: {  	v10 =	vadd.s32 $0x12, v3;
	v12 =	vld.idx.msk [tilespmem:v12+s3+$0x0], $0xffff;
	[tilespmem:s20+$0x6100] =	vst v11  }
0x171: {  	v11 =	vadd.s32 $0xD, v0;
	v8 =	vld.idx.msk [tilespmem:v8+s3+$0x0], $0xffff;
	[tilespmem:s28+$0x100] =	vst v13  }
0x172: {  	v13 =	vadd.s32 $0x9, v4;
	v14 =	vld.idx.msk [tilespmem:v14+s3+$0x0], $0xffff;
	[tilespmem:s26+$0x4280] =	vst v9  }
0x173: {  	[tilespmem:s14+$0x4080] =	vst v7;
	v7 =	vadd.s32 $0x1C, v6;
	v9 =	vld.idx.msk [tilespmem:v16+s3+$0x0], $0xffff  }
0x174: {  	v15 =	vor.u32 $0x4, v2;
	v16 =	vld.idx.msk [tilespmem:v5+s3+$0x0], $0xffff;
	[tilespmem:s7+$0x2000] =	vst v17  }
0x175: {  	s22 =	simm.s32 $0x600;
	v10 =	vld.idx.msk [tilespmem:v10+s3+$0x0], $0xffff;
	[tilespmem:s25+$0x2200] =	vst v12;
	v12 =	vadd.s32 $0x17, v1  }
0x176: {  	s23 =	simm.s32 $0xC0;
	s21 =	sand.u32 $0x1C00, s22;
	v17 =	vadd.s32 $0x13, v3;
	v11 =	vld.idx.msk [tilespmem:v11+s3+$0x0], $0xffff;
	[tilespmem:s20+$0x6180] =	vst v8  }
0x177: {  	s4 =	sand.u32 $0x60, s23;
	s16 =	sadd.s32 $0x9C40, s21;
	v18 =	vor.u32 $0x1, v5;
	v13 =	vld.idx.msk [tilespmem:v13+s3+$0x0], $0xffff;
	[tilespmem:s28+$0x180] =	vst v14  }
0x178: {  	s31 =	sadd.s32 s4, s16;
	v8 =	vadd.s32 $0xE, v0;
	v7 =	vld.idx.msk [tilespmem:v7+s3+$0x0], $0xffff;
	[tilespmem:s26+$0x4300] =	vst v9  }
0x179: {  	v14 =	vadd.s32 $0xA, v4;
	v15 =	vld.idx.msk [tilespmem:v15+s3+$0x0], $0xffff;
	[tilespmem:s31+$0x0] =	vst v16  }
0x17a: {  	v9 =	vadd.s32 $0x1D, v6;
	[tilespmem:s14+$0x4100] =	vst v10;
	v10 =	vld.idx.msk [tilespmem:v12+s3+$0x0], $0xffff  }
0x17b: {  	v16 =	vor.u32 $0x5, v2;
	v12 =	vld.idx.msk [tilespmem:v17+s3+$0x0], $0xffff;
	[tilespmem:s25+$0x2280] =	vst v11  }
0x17c: {  	v17 =	vld.idx.msk [tilespmem:v18+s3+$0x0], $0xffff;
	v11 =	vadd.s32 $0x18, v1;
	[tilespmem:s7+$0x2080] =	vst v13  }
0x17d: {  	v13 =	vadd.s32 $0x14, v3;
	v8 =	vld.idx.msk [tilespmem:v8+s3+$0x0], $0xffff;
	[tilespmem:s20+$0x6200] =	vst v7  }
0x17e: {  	v18 =	vor.u32 $0x2, v5;
	v14 =	vld.idx.msk [tilespmem:v14+s3+$0x0], $0xffff;
	[tilespmem:s28+$0x200] =	vst v15  }
0x17f: {  	v15 =	vadd.s32 $0xB, v4;
	v7 =	vld.idx.msk [tilespmem:v9+s3+$0x0], $0xffff;
	[tilespmem:s26+$0x4380] =	vst v10  }
0x180: {  	v9 =	vadd.s32 $0xF, v0;
	v16 =	vld.idx.msk [tilespmem:v16+s3+$0x0], $0xffff;
	[tilespmem:s14+$0x4180] =	vst v12  }
0x181: {  	v10 =	vadd.s32 $0x1E, v6;
	[tilespmem:s31+$0x80] =	vst v17;
	v11 =	vld.idx.msk [tilespmem:v11+s3+$0x0], $0xffff  }
0x182: {  	v12 =	vld.idx.msk [tilespmem:v13+s3+$0x0], $0xffff;
	v13 =	vor.u32 $0x6, v2;
	[tilespmem:s25+$0x2300] =	vst v8  }
0x183: {  	v17 =	vld.idx.msk [tilespmem:v18+s3+$0x0], $0xffff;
	v8 =	vadd.s32 $0x19, v1;
	[tilespmem:s7+$0x2100] =	vst v14  }
0x184: {  	v14 =	vadd.s32 $0x15, v3;
	v15 =	vld.idx.msk [tilespmem:v15+s3+$0x0], $0xffff;
	[tilespmem:s20+$0x6280] =	vst v7  }
0x185: {  	v18 =	vor.u32 $0x3, v5;
	v9 =	vld.idx.msk [tilespmem:v9+s3+$0x0], $0xffff;
	[tilespmem:s28+$0x280] =	vst v16  }
0x186: {  	v16 =	vadd.s32 $0xC, v4;
	v7 =	vld.idx.msk [tilespmem:v10+s3+$0x0], $0xffff;
	[tilespmem:s26+$0x6000] =	vst v11  }
0x187: {  	v10 =	vadd.s32 $0x10, v0;
	v13 =	vld.idx.msk [tilespmem:v13+s3+$0x0], $0xffff;
	[tilespmem:s14+$0x4200] =	vst v12  }
0x188: {  	v6 =	vadd.s32 $0x1F, v6;
	[tilespmem:s31+$0x100] =	vst v17;
	v8 =	vld.idx.msk [tilespmem:v8+s3+$0x0], $0xffff  }
0x189: {  	v12 =	vor.u32 $0x7, v2;
	v11 =	vld.idx.msk [tilespmem:v14+s3+$0x0], $0xffff;
	[tilespmem:s7+$0x2180] =	vst v15  }
0x18a: {  	v14 =	vld.idx.msk [tilespmem:v18+s3+$0x0], $0xffff;
	[tilespmem:s25+$0x2380] =	vst v9;
	v9 =	vadd.s32 $0x1A, v1  }
0x18b: {  	v15 =	vadd.s32 $0x16, v3;
	v16 =	vld.idx.msk [tilespmem:v16+s3+$0x0], $0xffff;
	[tilespmem:s20+$0x6300] =	vst v7  }
0x18c: {  	v17 =	vor.u32 $0x4, v5;
	v10 =	vld.idx.msk [tilespmem:v10+s3+$0x0], $0xffff;
	[tilespmem:s28+$0x300] =	vst v13  }
0x18d: {  	v18 =	vadd.s32 $0xD, v4;
	v6 =	vld.idx.msk [tilespmem:v6+s3+$0x0], $0xffff;
	[tilespmem:s26+$0x6080] =	vst v8  }
0x18e: {  	v13 =	vadd.s32 $0x11, v0;
	v12 =	vld.idx.msk [tilespmem:v12+s3+$0x0], $0xffff;
	[tilespmem:s14+$0x4280] =	vst v11  }
0x18f: {  	[tilespmem:s31+$0x180] =	vst v14;
	v9 =	vld.idx.msk [tilespmem:v9+s3+$0x0], $0xffff  }
0x190: {  	v11 =	vadd.s32 $0x8, v2;
	v15 =	vld.idx.msk [tilespmem:v15+s3+$0x0], $0xffff;
	[tilespmem:s7+$0x2200] =	vst v16  }
0x191: {  	v7 =	vld.idx.msk [tilespmem:v17+s3+$0x0], $0xffff;
	v17 =	vadd.s32 $0x17, v3;
	[tilespmem:s25+$0x4000] =	vst v10  }
0x192: {  	v10 =	vadd.s32 $0x1B, v1;
	v14 =	vld.idx.msk [tilespmem:v18+s3+$0x0], $0xffff;
	[tilespmem:s20+$0x6380] =	vst v6  }
0x193: {  	v8 =	vld.idx.msk [tilespmem:v13+s3+$0x0], $0xffff;
	[tilespmem:s28+$0x380] =	vst v12  }
0x194: {  	v6 =	vld [tilespmem:s12+$0x0];
	[tilespmem:s26+$0x6100] =	vst v9;
	v9 =	vadd.s32 $0x12, v0  }
0x195: {  	v11 =	vld.idx.msk [tilespmem:v11+s3+$0x0], $0xffff;
	[tilespmem:s14+$0x4300] =	vst v15;
	v15 =	vadd.s32 $0xE, v4  }
0x196: {  	s19 =	simm.s32 $0xB0;
	s21 =	simm.s32 $0x70;
	s2 =	simm.s32 $0xC;
	v16 =	vor.u32 $0x5, v5;
	v13 =	vld.idx.msk [tilespmem:v17+s3+$0x0], $0xffff  }
0x197: {  	s4 =	simm.s32 $0x19D30;
	s20 =	simm.s32 $0x90;
	s12 =	simm.s32 $0xD0;
	v12 =	vadd.s32 $0x9, v2;
	v10 =	vld.idx.msk [tilespmem:v10+s3+$0x0], $0xffff  }
.LBB2_10:
0x198: {  	v17 =	vld [tilespmem:s4+$0xFFFFFFF0];
	[tilespmem:s25+$0x4080] =	vst v8;
	v8 =	vadd.s32 $0x1C, v1  }
0x199: {  	[tilespmem:s7+$0x2280] =	vst v14;
	v14 =	vadd.s32 $0x18, v3;
	v6 =	vmul.u32 $0x28, v6;
	v9 =	vld.idx.msk [tilespmem:v9+s3+$0x0], $0xffff  }
0x19a: {  	[tilespmem:s31+$0x200] =	vst v7;
	v7 =	vld.idx.msk [tilespmem:v15+s3+$0x0], $0xffff  }
0x19b: {  	v15 =	vld.idx.msk [tilespmem:v16+s3+$0x0], $0xffff;
	[tilespmem:s28+$0x2000] =	vst v11;
	v11 =	vadd.s32 $0x13, v0  }
0x19c: {  	v16 =	vadd.s32 $0xF, v4;
	v12 =	vld.idx.msk [tilespmem:v12+s3+$0x0], $0xffff;
	[tilespmem:s26+$0x6180] =	vst v10  }
0x19d: {  	v10 =	vor.u32 $0x6, v5;
	[tilespmem:s14+$0x4380] =	vst v13;
	v8 =	vld.idx.msk [tilespmem:v8+s3+$0x0], $0xffff  }
0x19e: {  	v13 =	vld.idx.msk [tilespmem:v14+s3+$0x0], $0xffff;
	v14 =	vadd.s32 $0xA, v2  }
0x19f: {  	v18 =	vld.idx.msk [tilespmem:v6+s3+$0x0], $0xffff;
	[tilespmem:s25+$0x4100] =	vst v9;
	v9 =	vadd.s32 $0x1D, v1  }
0x1a0: {  	[tilespmem:s7+$0x2300] =	vst v7;
	v7 =	vadd.s32 $0x19, v3;
	v11 =	vld.idx.msk [tilespmem:v11+s3+$0x0], $0xffff  }
0x1a1: {  	[tilespmem:s31+$0x280] =	vst v15;
	v15 =	vld.idx.msk [tilespmem:v16+s3+$0x0], $0xffff;
	v16 =	vor.u32 $0x1, v6  }
0x1a2: {  	v10 =	vld.idx.msk [tilespmem:v10+s3+$0x0], $0xffff;
	[tilespmem:s28+$0x2080] =	vst v12;
	v12 =	vadd.s32 $0x14, v0  }
0x1a3: {  	v19 =	vadd.s32 $0x10, v4;
	s6 =	sand.u32 $0x70, s21;
	s21 =	smov.u32 s20;
	s20 =	smov.u32 s19;
	v14 =	vld.idx.msk [tilespmem:v14+s3+$0x0], $0xffff;
	[tilespmem:s26+$0x6200] =	vst v8  }
0x1a4: {  	s19 =	smov.u32 s12;
	s6 =	sadd.s32 s6, s29;
	s29 =	smov.u32 s1;
	v8 =	vor.u32 $0x7, v5;
	[tilespmem:s14+$0x6000] =	vst v13;
	v9 =	vld.idx.msk [tilespmem:v9+s3+$0x0], $0xffff  }
0x1a5: {  	s1 =	smov.u32 s5;
	s5 =	smov.u32 s16;
	v13 =	vadd.s32 $0xB, v2;
	v7 =	vld.idx.msk [tilespmem:v7+s3+$0x0], $0xffff;
	[tilespmem:s6+$0x0] =	vst v18  }
0x1a6: {  	v16 =	vld.idx.msk [tilespmem:v16+s3+$0x0], $0xffff;
	[tilespmem:s25+$0x4180] =	vst v11;
	v11 =	vadd.s32 $0x1E, v1  }
0x1a7: {  	[tilespmem:s7+$0x2380] =	vst v15;
	v15 =	vadd.s32 $0x1A, v3;
	v12 =	vld.idx.msk [tilespmem:v12+s3+$0x0], $0xffff  }
0x1a8: {  	v18 =	vor.u32 $0x2, v6;
	[tilespmem:s31+$0x300] =	vst v10;
	v10 =	vld.idx.msk [tilespmem:v19+s3+$0x0], $0xffff  }
0x1a9: {  	v8 =	vld.idx.msk [tilespmem:v8+s3+$0x0], $0xffff;
	[tilespmem:s28+$0x2100] =	vst v14;
	v14 =	vadd.s32 $0x15, v0  }
0x1aa: {  	v19 =	vadd.s32 $0x11, v4;
	v13 =	vld.idx.msk [tilespmem:v13+s3+$0x0], $0xffff;
	[tilespmem:s26+$0x6280] =	vst v9  }
0x1ab: {  	v9 =	vadd.s32 $0x8, v5;
	[tilespmem:s14+$0x6080] =	vst v7;
	v7 =	vld.idx.msk [tilespmem:v11+s3+$0x0], $0xffff  }
0x1ac: {  	v11 =	vld.idx.msk [tilespmem:v15+s3+$0x0], $0xffff;
	[tilespmem:s6+$0x80] =	vst v16;
	v15 =	vadd.s32 $0xC, v2  }
0x1ad: {  	v16 =	vld.idx.msk [tilespmem:v18+s3+$0x0], $0xffff;
	[tilespmem:s25+$0x4200] =	vst v12;
	v12 =	vadd.s32 $0x1F, v1;
	v1 =	vmovc v0;
	v0 =	vmov v2;
	v2 =	vmov v6  }
0x1ae: {  	v6 =	vadd.s32 $0x1B, v3;
	[tilespmem:s7+$0x4000] =	vst v10;
	v10 =	vld.idx.msk [tilespmem:v14+s3+$0x0], $0xffff  }
0x1af: {  	v14 =	vor.u32 $0x3, v2;
	[tilespmem:s31+$0x380] =	vst v8;
	v8 =	vld.idx.msk [tilespmem:v19+s3+$0x0], $0xffff  }
0x1b0: {  	v9 =	vld.idx.msk [tilespmem:v9+s3+$0x0], $0xffff;
	[tilespmem:s28+$0x2180] =	vst v13;
	v13 =	vadd.s32 $0x16, v1  }
0x1b1: {  	s2 =	sadd.s32 $0x2, s2;
	v17 =	vmul.u32 $0x28, v17;
	v18 =	vadd.s32 $0x12, v4;
	v15 =	vld.idx.msk [tilespmem:v15+s3+$0x0], $0xffff;
	[tilespmem:s26+$0x6300] =	vst v7  }
0x1b2: {  	p2 =	slt.u32 s2, $0x3E;
	[tilespmem:s14+$0x6100] =	vst v11;
	v7 =	vld.idx.msk [tilespmem:v12+s3+$0x0], $0xffff  }
0x1b3: {  	v11 =	vadd.s32 $0xD, v0;
	v6 =	vld.idx.msk [tilespmem:v6+s3+$0x0], $0xffff;
	[tilespmem:s6+$0x100] =	vst v16  }
0x1b4: {  	v12 =	vadd.s32 $0x9, v5;
	v14 =	vld.idx.msk [tilespmem:v14+s3+$0x0], $0xffff;
	[tilespmem:s25+$0x4280] =	vst v10  }
0x1b5: {  	[tilespmem:s7+$0x4080] =	vst v8;
	v8 =	vadd.s32 $0x1C, v3;
	v10 =	vld.idx.msk [tilespmem:v13+s3+$0x0], $0xffff  }
0x1b6: {  	v13 =	vor.u32 $0x4, v2;
	[tilespmem:s31+$0x2000] =	vst v9;
	v9 =	vld.idx.msk [tilespmem:v18+s3+$0x0], $0xffff  }
0x1b7: {  	v16 =	vld.idx.msk [tilespmem:v17+s3+$0x0], $0xffff;
	[tilespmem:s28+$0x2200] =	vst v15;
	v15 =	vadd.s32 $0x17, v1  }
0x1b8: {  	v18 =	vadd.s32 $0x13, v4;
	v11 =	vld.idx.msk [tilespmem:v11+s3+$0x0], $0xffff;
	[tilespmem:s26+$0x6380] =	vst v7;
	s26 =	smov.u32 s25;
	s25 =	smov.u32 s28;
	s28 =	smov.u32 s6  }
0x1b9: {  	s12 =	sadd.s32 $0x20, s12;
	s22 =	sadd.s32 $0x100, s22;
	v7 =	vor.u32 $0x1, v17;
	v12 =	vld.idx.msk [tilespmem:v12+s3+$0x0], $0xffff;
	[tilespmem:s14+$0x6180] =	vst v6  }
0x1ba: {  	s10 =	sadd.s32 $0xFFFFFFF0, s12;
	s6 =	sand.u32 $0x1C00, s22;
	v6 =	vld.idx.msk [tilespmem:v8+s3+$0x0], $0xffff;
	[tilespmem:s28+$0x180] =	vst v14;
	v8 =	vadd.s32 $0xE, v0  }
0x1bb: {  	s10 =	sand.u32 $0x60, s10;
	s16 =	sadd.s32 $0x9C40, s6;
	v14 =	vadd.s32 $0xA, v5;
	v13 =	vld.idx.msk [tilespmem:v13+s3+$0x0], $0xffff;
	[tilespmem:s26+$0x4300] =	vst v10  }
0x1bc: {  	s6 =	sadd.s32 s10, s16;
	[tilespmem:s7+$0x4100] =	vst v9;
	v9 =	vadd.s32 $0x1D, v3;
	v10 =	vld.idx.msk [tilespmem:v15+s3+$0x0], $0xffff  }
0x1bd: {  	[tilespmem:s6+$0x0] =	vst v16;
	v15 =	vld.idx.msk [tilespmem:v18+s3+$0x0], $0xffff;
	v16 =	vor.u32 $0x5, v2  }
0x1be: {  	v7 =	vld.idx.msk [tilespmem:v7+s3+$0x0], $0xffff;
	[tilespmem:s25+$0x2280] =	vst v11;
	v11 =	vadd.s32 $0x18, v1  }
0x1bf: {  	[tilespmem:s31+$0x2080] =	vst v12;
	v12 =	vadd.s32 $0x14, v4;
	v8 =	vld.idx.msk [tilespmem:v8+s3+$0x0], $0xffff  }
0x1c0: {  	v18 =	vor.u32 $0x2, v17;
	v14 =	vld.idx.msk [tilespmem:v14+s3+$0x0], $0xffff;
	[tilespmem:s14+$0x6200] =	vst v6  }
0x1c1: {  	v6 =	vld.idx.msk [tilespmem:v9+s3+$0x0], $0xffff;
	[tilespmem:s28+$0x200] =	vst v13;
	v9 =	vadd.s32 $0xF, v0  }
0x1c2: {  	v13 =	vadd.s32 $0xB, v5;
	v16 =	vld.idx.msk [tilespmem:v16+s3+$0x0], $0xffff;
	[tilespmem:s26+$0x4380] =	vst v10  }
0x1c3: {  	v10 =	vadd.s32 $0x1E, v3;
	[tilespmem:s7+$0x4180] =	vst v15;
	v11 =	vld.idx.msk [tilespmem:v11+s3+$0x0], $0xffff  }
0x1c4: {  	[tilespmem:s6+$0x80] =	vst v7;
	v7 =	vld.idx.msk [tilespmem:v12+s3+$0x0], $0xffff;
	v12 =	vor.u32 $0x6, v2  }
0x1c5: {  	v15 =	vld.idx.msk [tilespmem:v18+s3+$0x0], $0xffff;
	[tilespmem:s25+$0x2300] =	vst v8;
	v8 =	vadd.s32 $0x19, v1  }
0x1c6: {  	[tilespmem:s31+$0x2100] =	vst v14;
	v14 =	vadd.s32 $0x15, v4;
	v9 =	vld.idx.msk [tilespmem:v9+s3+$0x0], $0xffff  }
0x1c7: {  	v18 =	vor.u32 $0x3, v17;
	v13 =	vld.idx.msk [tilespmem:v13+s3+$0x0], $0xffff;
	[tilespmem:s14+$0x6280] =	vst v6  }
0x1c8: {  	v6 =	vld.idx.msk [tilespmem:v10+s3+$0x0], $0xffff;
	[tilespmem:s28+$0x280] =	vst v16;
	v10 =	vadd.s32 $0x10, v0  }
0x1c9: {  	v16 =	vadd.s32 $0xC, v5;
	v12 =	vld.idx.msk [tilespmem:v12+s3+$0x0], $0xffff;
	[tilespmem:s26+$0x6000] =	vst v11  }
0x1ca: {  	[tilespmem:s7+$0x4200] =	vst v7;
	v7 =	vadd.s32 $0x1F, v3;
	v8 =	vld.idx.msk [tilespmem:v8+s3+$0x0], $0xffff;
	v3 =	vmovc v4;
	v4 =	vmov v5;
	v5 =	vmov v17  }
0x1cb: {  	[tilespmem:s6+$0x100] =	vst v15;
	v11 =	vld.idx.msk [tilespmem:v14+s3+$0x0], $0xffff;
	v14 =	vor.u32 $0x7, v2  }
0x1cc: {  	v15 =	vld.idx.msk [tilespmem:v18+s3+$0x0], $0xffff;
	[tilespmem:s25+$0x2380] =	vst v9;
	v9 =	vadd.s32 $0x1A, v1  }
0x1cd: {  	[tilespmem:s31+$0x2180] =	vst v13;
	v13 =	vadd.s32 $0x16, v3;
	v10 =	vld.idx.msk [tilespmem:v10+s3+$0x0], $0xffff  }
0x1ce: {  	v17 =	vor.u32 $0x4, v5;
	v16 =	vld.idx.msk [tilespmem:v16+s3+$0x0], $0xffff;
	[tilespmem:s14+$0x6300] =	vst v6  }
0x1cf: {  	v6 =	vld.idx.msk [tilespmem:v7+s3+$0x0], $0xffff;
	[tilespmem:s28+$0x300] =	vst v12;
	v12 =	vadd.s32 $0x11, v0  }
0x1d0: {  	v18 =	vadd.s32 $0xD, v4;
	v19 =	vld.idx.msk [tilespmem:v14+s3+$0x0], $0xffff;
	[tilespmem:s26+$0x6080] =	vst v8  }
0x1d1: {  	[tilespmem:s7+$0x4280] =	vst v11;
	v20 =	vld.idx.msk [tilespmem:v9+s3+$0x0], $0xffff  }
0x1d2: {  	v11 =	vadd.s32 $0x8, v2;
	[tilespmem:s6+$0x180] =	vst v15;
	v13 =	vld.idx.msk [tilespmem:v13+s3+$0x0], $0xffff  }
0x1d3: {  	v7 =	vld.idx.msk [tilespmem:v17+s3+$0x0], $0xffff;
	[tilespmem:s25+$0x4000] =	vst v10;
	v10 =	vadd.s32 $0x1B, v1  }
0x1d4: {  	v17 =	vadd.s32 $0x17, v3;
	[tilespmem:s31+$0x2200] =	vst v16;
	v8 =	vld.idx.msk [tilespmem:v12+s3+$0x0], $0xffff  }
.Ltmp8:
0x1d5: {  	v14 =	vld.idx.msk [tilespmem:v18+s3+$0x0], $0xffff;
	[tilespmem:s14+$0x6380] =	vst v6;
	s14 =	smov.u32 s7;
	s7 =	smov.u32 s31;
	(pc) =	sbr.rel @p2 .LBB2_10-.Ltmp8, $4  }
0x1d6: {  	v9 =	vadd.s32 $0x12, v0;
	s31 =	smov.u32 s6;
	v6 =	vld [tilespmem:s0+$0x0];
	[tilespmem:s28+$0x380] =	vst v19;
	s0 =	smov.u32 s15;
	s15 =	smov.u32 s30  }
0x1d7: {  	v15 =	vadd.s32 $0xE, v4;
	s30 =	smov.u32 s4;
	v11 =	vld.idx.msk [tilespmem:v11+s3+$0x0], $0xffff;
	[tilespmem:s26+$0x6100] =	vst v20  }
0x1d8: {  	v16 =	vor.u32 $0x5, v5;
	[tilespmem:s14+$0x4300] =	vst v13;
	v10 =	vld.idx.msk [tilespmem:v10+s3+$0x0], $0xffff  }
0x1d9: {  	v12 =	vadd.s32 $0x9, v2;
	s4 =	sadd.s32 $0x20, s4;
	v13 =	vld.idx.msk [tilespmem:v17+s3+$0x0], $0xffff  }
0x1da: {  	_ =	sdelay $0x2  }
0x1db: {  	[tilespmem:s7+$0x2280] =	vst v14  }
0x1dc: {  	v14 =	vld.idx.msk [tilespmem:v15+s3+$0x0], $0xffff  }
0x1dd: {  	[tilespmem:s31+$0x200] =	vst v7;
	v7 =	vadd.s32 $0xF, v4  }
0x1de: {  	v15 =	vld.idx.msk [tilespmem:v16+s3+$0x0], $0xffff  }
0x1df: {  	v16 =	vor.u32 $0x6, v5;
	_ =	sdelay $0x1  }
0x1e0: {  	[tilespmem:s7+$0x2300] =	vst v14  }
0x1e1: {  	v7 =	vld.idx.msk [tilespmem:v7+s3+$0x0], $0xffff  }
0x1e2: {  	[tilespmem:s31+$0x280] =	vst v15;
	v14 =	vadd.s32 $0x10, v4  }
0x1e3: {  	v15 =	vld.idx.msk [tilespmem:v16+s3+$0x0], $0xffff  }
0x1e4: {  	v16 =	vor.u32 $0x7, v5;
	_ =	sdelay $0x1  }
0x1e5: {  	[tilespmem:s7+$0x2380] =	vst v7  }
0x1e6: {  	v7 =	vld.idx.msk [tilespmem:v14+s3+$0x0], $0xffff  }
0x1e7: {  	[tilespmem:s31+$0x300] =	vst v15;
	v14 =	vadd.s32 $0x11, v4  }
0x1e8: {  	v15 =	vld.idx.msk [tilespmem:v16+s3+$0x0], $0xffff  }
0x1e9: {  	v16 =	vadd.s32 $0x8, v5;
	_ =	sdelay $0x1  }
0x1ea: {  	[tilespmem:s7+$0x4000] =	vst v7  }
0x1eb: {  	v7 =	vld.idx.msk [tilespmem:v14+s3+$0x0], $0xffff  }
0x1ec: {  	[tilespmem:s31+$0x380] =	vst v15;
	v14 =	vadd.s32 $0x12, v4  }
0x1ed: {  	v15 =	vld.idx.msk [tilespmem:v16+s3+$0x0], $0xffff  }
0x1ee: {  	v16 =	vadd.s32 $0x9, v5;
	_ =	sdelay $0x1  }
0x1ef: {  	[tilespmem:s7+$0x4080] =	vst v7  }
0x1f0: {  	v7 =	vld.idx.msk [tilespmem:v14+s3+$0x0], $0xffff  }
0x1f1: {  	[tilespmem:s31+$0x2000] =	vst v15;
	v14 =	vadd.s32 $0x13, v4  }
0x1f2: {  	v15 =	vld.idx.msk [tilespmem:v16+s3+$0x0], $0xffff  }
0x1f3: {  	v16 =	vadd.s32 $0xA, v5;
	_ =	sdelay $0x1  }
0x1f4: {  	[tilespmem:s7+$0x4100] =	vst v7  }
0x1f5: {  	v7 =	vadd.s32 $0x18, v3;
	v14 =	vld.idx.msk [tilespmem:v14+s3+$0x0], $0xffff  }
0x1f6: {  	[tilespmem:s31+$0x2080] =	vst v15;
	v15 =	vadd.s32 $0x14, v4  }
0x1f7: {  	v16 =	vld.idx.msk [tilespmem:v16+s3+$0x0], $0xffff  }
0x1f8: {  	v17 =	vadd.s32 $0xB, v5  }
0x1f9: {  	[tilespmem:s14+$0x4380] =	vst v13  }
0x1fa: {  	v7 =	vld.idx.msk [tilespmem:v7+s3+$0x0], $0xffff;
	[tilespmem:s7+$0x4180] =	vst v14  }
0x1fb: {  	v13 =	vadd.s32 $0x19, v3;
	v14 =	vld.idx.msk [tilespmem:v15+s3+$0x0], $0xffff  }
0x1fc: {  	[tilespmem:s31+$0x2100] =	vst v16;
	v15 =	vadd.s32 $0x15, v4  }
0x1fd: {  	v16 =	vld.idx.msk [tilespmem:v17+s3+$0x0], $0xffff  }
0x1fe: {  	v17 =	vadd.s32 $0xC, v5  }
0x1ff: {  	[tilespmem:s14+$0x6000] =	vst v7  }
0x200: {  	v7 =	vld.idx.msk [tilespmem:v13+s3+$0x0], $0xffff;
	[tilespmem:s7+$0x4200] =	vst v14  }
0x201: {  	v13 =	vadd.s32 $0x1A, v3;
	v14 =	vld.idx.msk [tilespmem:v15+s3+$0x0], $0xffff  }
0x202: {  	[tilespmem:s31+$0x2180] =	vst v16;
	v15 =	vadd.s32 $0x16, v4  }
0x203: {  	v16 =	vld.idx.msk [tilespmem:v17+s3+$0x0], $0xffff  }
0x204: {  	v17 =	vadd.s32 $0xD, v5  }
0x205: {  	[tilespmem:s14+$0x6080] =	vst v7  }
0x206: {  	v7 =	vld.idx.msk [tilespmem:v13+s3+$0x0], $0xffff;
	[tilespmem:s7+$0x4280] =	vst v14  }
0x207: {  	v13 =	vadd.s32 $0x1B, v3;
	v14 =	vld.idx.msk [tilespmem:v15+s3+$0x0], $0xffff  }
0x208: {  	[tilespmem:s31+$0x2200] =	vst v16;
	v15 =	vadd.s32 $0x17, v4  }
0x209: {  	v16 =	vld.idx.msk [tilespmem:v17+s3+$0x0], $0xffff  }
0x20a: {  	v17 =	vadd.s32 $0xE, v5  }
0x20b: {  	[tilespmem:s14+$0x6100] =	vst v7  }
0x20c: {  	v7 =	vld.idx.msk [tilespmem:v13+s3+$0x0], $0xffff;
	[tilespmem:s7+$0x4300] =	vst v14  }
0x20d: {  	v13 =	vadd.s32 $0x1C, v3;
	v14 =	vld.idx.msk [tilespmem:v15+s3+$0x0], $0xffff  }
0x20e: {  	[tilespmem:s31+$0x2280] =	vst v16;
	v15 =	vadd.s32 $0x18, v4  }
0x20f: {  	v16 =	vld.idx.msk [tilespmem:v17+s3+$0x0], $0xffff  }
0x210: {  	v17 =	vadd.s32 $0xF, v5  }
0x211: {  	[tilespmem:s14+$0x6180] =	vst v7  }
0x212: {  	v7 =	vld.idx.msk [tilespmem:v13+s3+$0x0], $0xffff;
	[tilespmem:s7+$0x4380] =	vst v14  }
0x213: {  	v13 =	vadd.s32 $0x1D, v3;
	v14 =	vld.idx.msk [tilespmem:v15+s3+$0x0], $0xffff  }
0x214: {  	[tilespmem:s31+$0x2300] =	vst v16;
	v15 =	vadd.s32 $0x19, v4  }
0x215: {  	v16 =	vld.idx.msk [tilespmem:v17+s3+$0x0], $0xffff  }
0x216: {  	v17 =	vadd.s32 $0x10, v5  }
0x217: {  	[tilespmem:s14+$0x6200] =	vst v7  }
0x218: {  	v7 =	vld.idx.msk [tilespmem:v13+s3+$0x0], $0xffff;
	[tilespmem:s7+$0x6000] =	vst v14  }
0x219: {  	v13 =	vadd.s32 $0x1E, v3;
	v14 =	vld.idx.msk [tilespmem:v15+s3+$0x0], $0xffff  }
0x21a: {  	[tilespmem:s31+$0x2380] =	vst v16;
	v15 =	vadd.s32 $0x1A, v4  }
0x21b: {  	v16 =	vld.idx.msk [tilespmem:v17+s3+$0x0], $0xffff  }
0x21c: {  	v17 =	vadd.s32 $0x11, v5  }
0x21d: {  	[tilespmem:s14+$0x6280] =	vst v7  }
0x21e: {  	v7 =	vld.idx.msk [tilespmem:v13+s3+$0x0], $0xffff;
	[tilespmem:s7+$0x6080] =	vst v14  }
0x21f: {  	v3 =	vadd.s32 $0x1F, v3;
	v13 =	vld.idx.msk [tilespmem:v15+s3+$0x0], $0xffff  }
0x220: {  	[tilespmem:s31+$0x4000] =	vst v16;
	v14 =	vadd.s32 $0x1B, v4  }
0x221: {  	v15 =	vld.idx.msk [tilespmem:v17+s3+$0x0], $0xffff  }
0x222: {  	v16 =	vadd.s32 $0x12, v5  }
0x223: {  	[tilespmem:s14+$0x6300] =	vst v7  }
0x224: {  	v3 =	vld.idx.msk [tilespmem:v3+s3+$0x0], $0xffff;
	[tilespmem:s7+$0x6100] =	vst v13  }
0x225: {  	v7 =	vld.idx.msk [tilespmem:v14+s3+$0x0], $0xffff  }
0x226: {  	[tilespmem:s31+$0x4080] =	vst v15;
	v13 =	vadd.s32 $0x1C, v4  }
0x227: {  	v14 =	vld.idx.msk [tilespmem:v16+s3+$0x0], $0xffff  }
0x228: {  	v15 =	vadd.s32 $0x13, v5  }
0x229: {  	[tilespmem:s14+$0x6380] =	vst v3  }
0x22a: {  	v3 =	vld [tilespmem:s0+$0x0];
	[tilespmem:s7+$0x6180] =	vst v7  }
0x22b: {  	v13 =	vld.idx.msk [tilespmem:v13+s3+$0x0], $0xffff  }
0x22c: {  	[tilespmem:s31+$0x4100] =	vst v14;
	v14 =	vadd.s32 $0x1D, v4  }
0x22d: {  	v15 =	vld.idx.msk [tilespmem:v15+s3+$0x0], $0xffff  }
0x22e: {  	v16 =	vadd.s32 $0x14, v5  }
0x22f: {  	v7 =	vmul.u32 $0x28, v6  }
0x230: {  	v6 =	vmul.u32 $0x28, v3;
	[tilespmem:s7+$0x6200] =	vst v13  }
0x231: {  	v3 =	vld.idx.msk [tilespmem:v14+s3+$0x0], $0xffff  }
0x232: {  	[tilespmem:s31+$0x4180] =	vst v15;
	v13 =	vadd.s32 $0x1E, v4  }
0x233: {  	v14 =	vld.idx.msk [tilespmem:v16+s3+$0x0], $0xffff  }
0x234: {  	v15 =	vadd.s32 $0x15, v5  }
0x235: {  	v16 =	vld.idx.msk [tilespmem:v7+s3+$0x0], $0xffff  }
0x236: {  	v17 =	vor.u32 $0x1, v7;
	v18 =	vld.idx.msk [tilespmem:v6+s3+$0x0], $0xffff;
	[tilespmem:s7+$0x6280] =	vst v3  }
0x237: {  	v3 =	vor.u32 $0x1, v6;
	v13 =	vld.idx.msk [tilespmem:v13+s3+$0x0], $0xffff  }
0x238: {  	s21 =	sand.u32 $0x70, s21;
	v4 =	vadd.s32 $0x1F, v4;
	[tilespmem:s31+$0x4200] =	vst v14  }
0x239: {  	s23 =	sand.u32 $0x70, s20;
	s22 =	sadd.s32 s21, s29;
	v14 =	vld.idx.msk [tilespmem:v15+s3+$0x0], $0xffff  }
0x23a: {  	s1 =	sadd.s32 s23, s1;
	[tilespmem:s22+$0x0] =	vst v16;
	v15 =	vadd.s32 $0x16, v5  }
0x23b: {  	v16 =	vld.idx.msk [tilespmem:v17+s3+$0x0], $0xffff;
	[tilespmem:s1+$0x0] =	vst v18  }
0x23c: {  	v17 =	vor.u32 $0x2, v7;
	v3 =	vld.idx.msk [tilespmem:v3+s3+$0x0], $0xffff;
	[tilespmem:s7+$0x6300] =	vst v13  }
0x23d: {  	v13 =	vor.u32 $0x2, v6;
	v4 =	vld.idx.msk [tilespmem:v4+s3+$0x0], $0xffff  }
0x23e: {  	[tilespmem:s31+$0x4280] =	vst v14  }
0x23f: {  	v14 =	vld.idx.msk [tilespmem:v15+s3+$0x0], $0xffff  }
0x240: {  	[tilespmem:s22+$0x80] =	vst v16;
	v15 =	vadd.s32 $0x17, v5  }
0x241: {  	v16 =	vld.idx.msk [tilespmem:v17+s3+$0x0], $0xffff;
	[tilespmem:s1+$0x80] =	vst v3  }
0x242: {  	v3 =	vor.u32 $0x3, v7;
	v13 =	vld.idx.msk [tilespmem:v13+s3+$0x0], $0xffff;
	[tilespmem:s7+$0x6380] =	vst v4  }
0x243: {  	v4 =	vld [tilespmem:s15+$0x0]  }
0x244: {  	v17 =	vor.u32 $0x3, v6;
	[tilespmem:s31+$0x4300] =	vst v14  }
0x245: {  	v14 =	vld.idx.msk [tilespmem:v15+s3+$0x0], $0xffff  }
0x246: {  	[tilespmem:s22+$0x100] =	vst v16;
	v15 =	vadd.s32 $0x18, v5  }
0x247: {  	v16 =	vld.idx.msk [tilespmem:v3+s3+$0x0], $0xffff  }
0x248: {  	v18 =	vor.u32 $0x4, v7;
	[tilespmem:s1+$0x100] =	vst v13;
	v3 =	vmul.u32 $0x28, v4  }
0x249: {  	v4 =	vld.idx.msk [tilespmem:v17+s3+$0x0], $0xffff  }
0x24a: {  	v13 =	vor.u32 $0x4, v6;
	[tilespmem:s31+$0x4380] =	vst v14  }
0x24b: {  	v14 =	vld.idx.msk [tilespmem:v15+s3+$0x0], $0xffff  }
0x24c: {  	v15 =	vadd.s32 $0x19, v5;
	[tilespmem:s22+$0x180] =	vst v16  }
0x24d: {  	v16 =	vld.idx.msk [tilespmem:v18+s3+$0x0], $0xffff  }
0x24e: {  	v17 =	vor.u32 $0x5, v7;
	[tilespmem:s1+$0x180] =	vst v4;
	v4 =	vld.idx.msk [tilespmem:v3+s3+$0x0], $0xffff  }
0x24f: {  	v18 =	vor.u32 $0x1, v3;
	v13 =	vld.idx.msk [tilespmem:v13+s3+$0x0], $0xffff  }
0x250: {  	[tilespmem:s31+$0x6000] =	vst v14;
	v14 =	vor.u32 $0x5, v6  }
0x251: {  	s2 =	sand.u32 $0x70, s19;
	v15 =	vld.idx.msk [tilespmem:v15+s3+$0x0], $0xffff  }
0x252: {  	s0 =	sadd.s32 s2, s5;
	[tilespmem:s22+$0x200] =	vst v16;
	v16 =	vadd.s32 $0x1A, v5  }
0x253: {  	v17 =	vld.idx.msk [tilespmem:v17+s3+$0x0], $0xffff;
	[tilespmem:s0+$0x0] =	vst v4  }
0x254: {  	v4 =	vor.u32 $0x6, v7;
	[tilespmem:s1+$0x200] =	vst v13;
	v13 =	vld.idx.msk [tilespmem:v18+s3+$0x0], $0xffff  }
0x255: {  	v14 =	vld.idx.msk [tilespmem:v14+s3+$0x0], $0xffff;
	v18 =	vor.u32 $0x2, v3  }
0x256: {  	[tilespmem:s31+$0x6080] =	vst v15;
	v15 =	vor.u32 $0x6, v6  }
0x257: {  	v16 =	vld.idx.msk [tilespmem:v16+s3+$0x0], $0xffff  }
0x258: {  	[tilespmem:s22+$0x280] =	vst v17;
	v17 =	vadd.s32 $0x1B, v5  }
0x259: {  	v4 =	vld.idx.msk [tilespmem:v4+s3+$0x0], $0xffff;
	[tilespmem:s0+$0x80] =	vst v13  }
0x25a: {  	v13 =	vor.u32 $0x7, v7;
	[tilespmem:s1+$0x280] =	vst v14;
	v14 =	vld.idx.msk [tilespmem:v18+s3+$0x0], $0xffff  }
0x25b: {  	v15 =	vld.idx.msk [tilespmem:v15+s3+$0x0], $0xffff;
	v18 =	vor.u32 $0x3, v3  }
0x25c: {  	[tilespmem:s31+$0x6100] =	vst v16;
	v16 =	vor.u32 $0x7, v6  }
0x25d: {  	v17 =	vld.idx.msk [tilespmem:v17+s3+$0x0], $0xffff  }
0x25e: {  	[tilespmem:s22+$0x300] =	vst v4;
	v4 =	vadd.s32 $0x1C, v5  }
0x25f: {  	v13 =	vld.idx.msk [tilespmem:v13+s3+$0x0], $0xffff;
	[tilespmem:s0+$0x100] =	vst v14  }
0x260: {  	v14 =	vadd.s32 $0x8, v7;
	[tilespmem:s1+$0x300] =	vst v15;
	v15 =	vld.idx.msk [tilespmem:v18+s3+$0x0], $0xffff  }
0x261: {  	v16 =	vld.idx.msk [tilespmem:v16+s3+$0x0], $0xffff;
	v18 =	vor.u32 $0x4, v3  }
0x262: {  	[tilespmem:s31+$0x6180] =	vst v17;
	v17 =	vadd.s32 $0x8, v6  }
0x263: {  	v4 =	vld.idx.msk [tilespmem:v4+s3+$0x0], $0xffff  }
0x264: {  	[tilespmem:s22+$0x380] =	vst v13;
	v13 =	vadd.s32 $0x1D, v5  }
0x265: {  	v14 =	vld.idx.msk [tilespmem:v14+s3+$0x0], $0xffff;
	[tilespmem:s0+$0x180] =	vst v15  }
0x266: {  	v15 =	vadd.s32 $0x9, v7;
	[tilespmem:s1+$0x380] =	vst v16;
	v16 =	vld.idx.msk [tilespmem:v18+s3+$0x0], $0xffff  }
0x267: {  	v17 =	vld.idx.msk [tilespmem:v17+s3+$0x0], $0xffff;
	v18 =	vor.u32 $0x5, v3  }
0x268: {  	[tilespmem:s31+$0x6200] =	vst v4;
	v4 =	vadd.s32 $0x9, v6  }
0x269: {  	[tilespmem:s28+$0x2000] =	vst v11;
	v11 =	vld.idx.msk [tilespmem:v13+s3+$0x0], $0xffff  }
0x26a: {  	v12 =	vld.idx.msk [tilespmem:v12+s3+$0x0], $0xffff;
	v13 =	vadd.s32 $0x1E, v5;
	[tilespmem:s22+$0x2000] =	vst v14  }
0x26b: {  	v14 =	vadd.s32 $0xA, v2;
	v15 =	vld.idx.msk [tilespmem:v15+s3+$0x0], $0xffff;
	[tilespmem:s0+$0x200] =	vst v16  }
0x26c: {  	v16 =	vadd.s32 $0xA, v7;
	[tilespmem:s1+$0x2000] =	vst v17;
	v17 =	vld.idx.msk [tilespmem:v18+s3+$0x0], $0xffff  }
0x26d: {  	v4 =	vld.idx.msk [tilespmem:v4+s3+$0x0], $0xffff;
	v18 =	vor.u32 $0x6, v3  }
0x26e: {  	[tilespmem:s31+$0x6280] =	vst v11;
	v11 =	vadd.s32 $0xA, v6  }
0x26f: {  	[tilespmem:s28+$0x2080] =	vst v12;
	v12 =	vld.idx.msk [tilespmem:v13+s3+$0x0], $0xffff  }
0x270: {  	v5 =	vadd.s32 $0x1F, v5;
	v13 =	vld.idx.msk [tilespmem:v14+s3+$0x0], $0xffff;
	[tilespmem:s22+$0x2080] =	vst v15  }
0x271: {  	v14 =	vadd.s32 $0xB, v2;
	v15 =	vld.idx.msk [tilespmem:v16+s3+$0x0], $0xffff;
	[tilespmem:s0+$0x280] =	vst v17  }
0x272: {  	v16 =	vadd.s32 $0xB, v7;
	[tilespmem:s1+$0x2080] =	vst v4;
	v4 =	vld.idx.msk [tilespmem:v18+s3+$0x0], $0xffff  }
0x273: {  	v17 =	vor.u32 $0x7, v3;
	v11 =	vld.idx.msk [tilespmem:v11+s3+$0x0], $0xffff  }
0x274: {  	v18 =	vadd.s32 $0xB, v6;
	[tilespmem:s31+$0x6300] =	vst v12  }
0x275: {  	[tilespmem:s28+$0x2100] =	vst v13;
	v5 =	vld.idx.msk [tilespmem:v5+s3+$0x0], $0xffff  }
0x276: {  	v12 =	vld.idx.msk [tilespmem:v14+s3+$0x0], $0xffff;
	[tilespmem:s22+$0x2100] =	vst v15  }
0x277: {  	v13 =	vadd.s32 $0xC, v2;
	v14 =	vld.idx.msk [tilespmem:v16+s3+$0x0], $0xffff;
	[tilespmem:s0+$0x300] =	vst v4  }
0x278: {  	v4 =	vadd.s32 $0xC, v7;
	[tilespmem:s1+$0x2100] =	vst v11;
	v11 =	vld.idx.msk [tilespmem:v17+s3+$0x0], $0xffff  }
0x279: {  	v16 =	vadd.s32 $0x8, v3;
	v15 =	vld.idx.msk [tilespmem:v18+s3+$0x0], $0xffff  }
0x27a: {  	v17 =	vadd.s32 $0xC, v6;
	[tilespmem:s31+$0x6380] =	vst v5  }
0x27b: {  	[tilespmem:s28+$0x2180] =	vst v12;
	v5 =	vld [tilespmem:s30+$0x0]  }
0x27c: {  	v12 =	vld.idx.msk [tilespmem:v13+s3+$0x0], $0xffff;
	[tilespmem:s22+$0x2180] =	vst v14  }
0x27d: {  	v13 =	vadd.s32 $0xD, v2;
	v14 =	vld.idx.msk [tilespmem:v4+s3+$0x0], $0xffff;
	[tilespmem:s0+$0x380] =	vst v11  }
0x27e: {  	v11 =	vadd.s32 $0xD, v7;
	[tilespmem:s1+$0x2180] =	vst v15;
	v15 =	vld.idx.msk [tilespmem:v16+s3+$0x0], $0xffff  }
0x27f: {  	v16 =	vld.idx.msk [tilespmem:v17+s3+$0x0], $0xffff;
	v17 =	vadd.s32 $0x9, v3  }
0x280: {  	v18 =	vadd.s32 $0xD, v6;
	v4 =	vmul.u32 $0x28, v5  }
0x281: {  	[tilespmem:s28+$0x2200] =	vst v12  }
0x282: {  	v5 =	vld.idx.msk [tilespmem:v13+s3+$0x0], $0xffff;
	[tilespmem:s22+$0x2200] =	vst v14  }
0x283: {  	v12 =	vadd.s32 $0xE, v2;
	v11 =	vld.idx.msk [tilespmem:v11+s3+$0x0], $0xffff;
	[tilespmem:s0+$0x2000] =	vst v15  }
0x284: {  	v13 =	vadd.s32 $0xE, v7;
	[tilespmem:s1+$0x2200] =	vst v16;
	v14 =	vld.idx.msk [tilespmem:v17+s3+$0x0], $0xffff  }
0x285: {  	[tilespmem:s25+$0x4080] =	vst v8;
	v15 =	vadd.s32 $0xA, v3;
	v8 =	vld.idx.msk [tilespmem:v18+s3+$0x0], $0xffff  }
0x286: {  	[tilespmem:s26+$0x6180] =	vst v10;
	v10 =	vadd.s32 $0xE, v6;
	v16 =	vld.idx.msk [tilespmem:v4+s3+$0x0], $0xffff  }
0x287: {  	v9 =	vld.idx.msk [tilespmem:v9+s3+$0x0], $0xffff;
	[tilespmem:s28+$0x2280] =	vst v5;
	v5 =	vor.u32 $0x1, v4  }
0x288: {  	v17 =	vadd.s32 $0x1C, v1;
	v12 =	vld.idx.msk [tilespmem:v12+s3+$0x0], $0xffff;
	[tilespmem:s22+$0x2280] =	vst v11  }
0x289: {  	s2 =	sand.u32 $0x70, s12;
	v11 =	vadd.s32 $0xF, v2;
	v13 =	vld.idx.msk [tilespmem:v13+s3+$0x0], $0xffff;
	[tilespmem:s0+$0x2080] =	vst v14  }
0x28a: {  	s2 =	sadd.s32 s2, s16;
	v14 =	vadd.s32 $0xF, v7;
	[tilespmem:s1+$0x2280] =	vst v8;
	v8 =	vld.idx.msk [tilespmem:v15+s3+$0x0], $0xffff  }
0x28b: {  	v10 =	vld.idx.msk [tilespmem:v10+s3+$0x0], $0xffff;
	[tilespmem:s2+$0x0] =	vst v16;
	v15 =	vadd.s32 $0xB, v3  }
0x28c: {  	[tilespmem:s25+$0x4100] =	vst v9;
	v9 =	vadd.s32 $0xF, v6;
	v5 =	vld.idx.msk [tilespmem:v5+s3+$0x0], $0xffff  }
0x28d: {  	v16 =	vld.idx.msk [tilespmem:v17+s3+$0x0], $0xffff;
	[tilespmem:s28+$0x2300] =	vst v12;
	v12 =	vor.u32 $0x2, v4  }
0x28e: {  	v17 =	vadd.s32 $0x13, v0;
	v11 =	vld.idx.msk [tilespmem:v11+s3+$0x0], $0xffff;
	[tilespmem:s22+$0x2300] =	vst v13  }
0x28f: {  	v13 =	vadd.s32 $0x10, v2;
	v14 =	vld.idx.msk [tilespmem:v14+s3+$0x0], $0xffff;
	[tilespmem:s0+$0x2100] =	vst v8  }
0x290: {  	v8 =	vadd.s32 $0x10, v7;
	[tilespmem:s1+$0x2300] =	vst v10;
	v10 =	vld.idx.msk [tilespmem:v15+s3+$0x0], $0xffff  }
0x291: {  	v9 =	vld.idx.msk [tilespmem:v9+s3+$0x0], $0xffff;
	[tilespmem:s2+$0x80] =	vst v5;
	v5 =	vadd.s32 $0xC, v3  }
0x292: {  	[tilespmem:s26+$0x6200] =	vst v16;
	v15 =	vadd.s32 $0x10, v6;
	v12 =	vld.idx.msk [tilespmem:v12+s3+$0x0], $0xffff  }
0x293: {  	v16 =	vld.idx.msk [tilespmem:v17+s3+$0x0], $0xffff;
	[tilespmem:s28+$0x2380] =	vst v11;
	v11 =	vor.u32 $0x3, v4  }
0x294: {  	v17 =	vadd.s32 $0x1D, v1;
	v13 =	vld.idx.msk [tilespmem:v13+s3+$0x0], $0xffff;
	[tilespmem:s22+$0x2380] =	vst v14  }
0x295: {  	v14 =	vadd.s32 $0x11, v2;
	v8 =	vld.idx.msk [tilespmem:v8+s3+$0x0], $0xffff;
	[tilespmem:s0+$0x2180] =	vst v10  }
0x296: {  	v10 =	vadd.s32 $0x11, v7;
	[tilespmem:s1+$0x2380] =	vst v9;
	v5 =	vld.idx.msk [tilespmem:v5+s3+$0x0], $0xffff  }
0x297: {  	v9 =	vld.idx.msk [tilespmem:v15+s3+$0x0], $0xffff;
	[tilespmem:s2+$0x100] =	vst v12;
	v12 =	vadd.s32 $0xD, v3  }
0x298: {  	[tilespmem:s25+$0x4180] =	vst v16;
	v15 =	vadd.s32 $0x11, v6;
	v11 =	vld.idx.msk [tilespmem:v11+s3+$0x0], $0xffff  }
0x299: {  	v16 =	vld.idx.msk [tilespmem:v17+s3+$0x0], $0xffff;
	[tilespmem:s28+$0x4000] =	vst v13;
	v13 =	vor.u32 $0x4, v4  }
0x29a: {  	v17 =	vadd.s32 $0x14, v0;
	v14 =	vld.idx.msk [tilespmem:v14+s3+$0x0], $0xffff;
	[tilespmem:s22+$0x4000] =	vst v8  }
0x29b: {  	v8 =	vadd.s32 $0x12, v2;
	v10 =	vld.idx.msk [tilespmem:v10+s3+$0x0], $0xffff;
	[tilespmem:s0+$0x2200] =	vst v5  }
0x29c: {  	v5 =	vadd.s32 $0x12, v7;
	[tilespmem:s1+$0x4000] =	vst v9;
	v9 =	vld.idx.msk [tilespmem:v12+s3+$0x0], $0xffff  }
0x29d: {  	v12 =	vld.idx.msk [tilespmem:v15+s3+$0x0], $0xffff;
	[tilespmem:s2+$0x180] =	vst v11;
	v11 =	vadd.s32 $0xE, v3  }
0x29e: {  	[tilespmem:s26+$0x6280] =	vst v16;
	v15 =	vadd.s32 $0x12, v6;
	v13 =	vld.idx.msk [tilespmem:v13+s3+$0x0], $0xffff  }
0x29f: {  	v16 =	vld.idx.msk [tilespmem:v17+s3+$0x0], $0xffff;
	[tilespmem:s28+$0x4080] =	vst v14;
	v14 =	vor.u32 $0x5, v4  }
0x2a0: {  	v17 =	vadd.s32 $0x1E, v1;
	v8 =	vld.idx.msk [tilespmem:v8+s3+$0x0], $0xffff;
	[tilespmem:s22+$0x4080] =	vst v10  }
0x2a1: {  	v10 =	vadd.s32 $0x13, v2;
	v5 =	vld.idx.msk [tilespmem:v5+s3+$0x0], $0xffff;
	[tilespmem:s0+$0x2280] =	vst v9  }
0x2a2: {  	v9 =	vadd.s32 $0x13, v7;
	[tilespmem:s1+$0x4080] =	vst v12;
	v11 =	vld.idx.msk [tilespmem:v11+s3+$0x0], $0xffff  }
0x2a3: {  	v12 =	vld.idx.msk [tilespmem:v15+s3+$0x0], $0xffff;
	[tilespmem:s2+$0x200] =	vst v13;
	v13 =	vadd.s32 $0xF, v3  }
0x2a4: {  	[tilespmem:s25+$0x4200] =	vst v16;
	v15 =	vadd.s32 $0x13, v6;
	v14 =	vld.idx.msk [tilespmem:v14+s3+$0x0], $0xffff  }
0x2a5: {  	v16 =	vld.idx.msk [tilespmem:v17+s3+$0x0], $0xffff;
	[tilespmem:s28+$0x4100] =	vst v8;
	v8 =	vor.u32 $0x6, v4  }
0x2a6: {  	v17 =	vadd.s32 $0x15, v0;
	v10 =	vld.idx.msk [tilespmem:v10+s3+$0x0], $0xffff;
	[tilespmem:s22+$0x4100] =	vst v5  }
0x2a7: {  	v5 =	vadd.s32 $0x14, v2;
	v9 =	vld.idx.msk [tilespmem:v9+s3+$0x0], $0xffff;
	[tilespmem:s0+$0x2300] =	vst v11  }
0x2a8: {  	v11 =	vadd.s32 $0x14, v7;
	[tilespmem:s1+$0x4100] =	vst v12;
	v12 =	vld.idx.msk [tilespmem:v13+s3+$0x0], $0xffff  }
0x2a9: {  	v13 =	vld.idx.msk [tilespmem:v15+s3+$0x0], $0xffff;
	[tilespmem:s2+$0x280] =	vst v14;
	v14 =	vadd.s32 $0x10, v3  }
0x2aa: {  	[tilespmem:s26+$0x6300] =	vst v16;
	v15 =	vadd.s32 $0x14, v6;
	v8 =	vld.idx.msk [tilespmem:v8+s3+$0x0], $0xffff  }
0x2ab: {  	v16 =	vld.idx.msk [tilespmem:v17+s3+$0x0], $0xffff;
	[tilespmem:s28+$0x4180] =	vst v10;
	v10 =	vor.u32 $0x7, v4  }
0x2ac: {  	v1 =	vadd.s32 $0x1F, v1;
	v5 =	vld.idx.msk [tilespmem:v5+s3+$0x0], $0xffff;
	[tilespmem:s22+$0x4180] =	vst v9  }
0x2ad: {  	v9 =	vadd.s32 $0x15, v2;
	v11 =	vld.idx.msk [tilespmem:v11+s3+$0x0], $0xffff;
	[tilespmem:s0+$0x2380] =	vst v12  }
0x2ae: {  	v12 =	vadd.s32 $0x15, v7;
	[tilespmem:s1+$0x4180] =	vst v13;
	v13 =	vld.idx.msk [tilespmem:v14+s3+$0x0], $0xffff  }
0x2af: {  	v14 =	vld.idx.msk [tilespmem:v15+s3+$0x0], $0xffff;
	[tilespmem:s2+$0x300] =	vst v8;
	v8 =	vadd.s32 $0x11, v3  }
0x2b0: {  	[tilespmem:s25+$0x4280] =	vst v16;
	v15 =	vadd.s32 $0x15, v6;
	v10 =	vld.idx.msk [tilespmem:v10+s3+$0x0], $0xffff  }
0x2b1: {  	v1 =	vld.idx.msk [tilespmem:v1+s3+$0x0], $0xffff;
	[tilespmem:s28+$0x4200] =	vst v5;
	v5 =	vadd.s32 $0x8, v4  }
0x2b2: {  	v16 =	vadd.s32 $0x16, v0;
	v9 =	vld.idx.msk [tilespmem:v9+s3+$0x0], $0xffff;
	[tilespmem:s22+$0x4200] =	vst v11  }
0x2b3: {  	v11 =	vadd.s32 $0x16, v2;
	v12 =	vld.idx.msk [tilespmem:v12+s3+$0x0], $0xffff;
	[tilespmem:s0+$0x4000] =	vst v13  }
0x2b4: {  	v13 =	vadd.s32 $0x16, v7;
	[tilespmem:s1+$0x4200] =	vst v14;
	v8 =	vld.idx.msk [tilespmem:v8+s3+$0x0], $0xffff  }
0x2b5: {  	v14 =	vld.idx.msk [tilespmem:v15+s3+$0x0], $0xffff;
	[tilespmem:s2+$0x380] =	vst v10;
	v10 =	vadd.s32 $0x12, v3  }
0x2b6: {  	[tilespmem:s26+$0x6380] =	vst v1;
	v1 =	vadd.s32 $0x16, v6;
	v5 =	vld.idx.msk [tilespmem:v5+s3+$0x0], $0xffff  }
0x2b7: {  	v15 =	vld.idx.msk [tilespmem:v16+s3+$0x0], $0xffff;
	[tilespmem:s28+$0x4280] =	vst v9;
	v9 =	vadd.s32 $0x9, v4  }
0x2b8: {  	v16 =	vadd.s32 $0x17, v0;
	v11 =	vld.idx.msk [tilespmem:v11+s3+$0x0], $0xffff;
	[tilespmem:s22+$0x4280] =	vst v12  }
0x2b9: {  	v12 =	vadd.s32 $0x17, v2;
	v13 =	vld.idx.msk [tilespmem:v13+s3+$0x0], $0xffff;
	[tilespmem:s0+$0x4080] =	vst v8  }
0x2ba: {  	v8 =	vadd.s32 $0x17, v7;
	[tilespmem:s1+$0x4280] =	vst v14;
	v10 =	vld.idx.msk [tilespmem:v10+s3+$0x0], $0xffff  }
0x2bb: {  	v1 =	vld.idx.msk [tilespmem:v1+s3+$0x0], $0xffff;
	[tilespmem:s2+$0x2000] =	vst v5;
	v5 =	vadd.s32 $0x13, v3  }
0x2bc: {  	[tilespmem:s25+$0x4300] =	vst v15;
	v14 =	vadd.s32 $0x17, v6;
	v9 =	vld.idx.msk [tilespmem:v9+s3+$0x0], $0xffff  }
0x2bd: {  	v15 =	vld.idx.msk [tilespmem:v16+s3+$0x0], $0xffff;
	[tilespmem:s28+$0x4300] =	vst v11;
	v11 =	vadd.s32 $0xA, v4  }
0x2be: {  	v16 =	vadd.s32 $0x18, v0;
	v12 =	vld.idx.msk [tilespmem:v12+s3+$0x0], $0xffff;
	[tilespmem:s22+$0x4300] =	vst v13  }
0x2bf: {  	v13 =	vadd.s32 $0x18, v2;
	v8 =	vld.idx.msk [tilespmem:v8+s3+$0x0], $0xffff;
	[tilespmem:s0+$0x4100] =	vst v10  }
0x2c0: {  	v10 =	vadd.s32 $0x18, v7;
	[tilespmem:s1+$0x4300] =	vst v1;
	v1 =	vld.idx.msk [tilespmem:v5+s3+$0x0], $0xffff  }
0x2c1: {  	v5 =	vld.idx.msk [tilespmem:v14+s3+$0x0], $0xffff;
	[tilespmem:s2+$0x2080] =	vst v9;
	v9 =	vadd.s32 $0x14, v3  }
0x2c2: {  	[tilespmem:s25+$0x4380] =	vst v15;
	v14 =	vadd.s32 $0x18, v6;
	v11 =	vld.idx.msk [tilespmem:v11+s3+$0x0], $0xffff  }
0x2c3: {  	v15 =	vld.idx.msk [tilespmem:v16+s3+$0x0], $0xffff;
	[tilespmem:s28+$0x4380] =	vst v12;
	v12 =	vadd.s32 $0xB, v4  }
0x2c4: {  	v16 =	vadd.s32 $0x19, v0;
	v13 =	vld.idx.msk [tilespmem:v13+s3+$0x0], $0xffff;
	[tilespmem:s22+$0x4380] =	vst v8  }
0x2c5: {  	v8 =	vadd.s32 $0x19, v2;
	v10 =	vld.idx.msk [tilespmem:v10+s3+$0x0], $0xffff;
	[tilespmem:s0+$0x4180] =	vst v1  }
0x2c6: {  	v1 =	vadd.s32 $0x19, v7;
	[tilespmem:s1+$0x4380] =	vst v5;
	v5 =	vld.idx.msk [tilespmem:v9+s3+$0x0], $0xffff  }
0x2c7: {  	v9 =	vld.idx.msk [tilespmem:v14+s3+$0x0], $0xffff;
	[tilespmem:s2+$0x2100] =	vst v11;
	v11 =	vadd.s32 $0x15, v3  }
0x2c8: {  	[tilespmem:s25+$0x6000] =	vst v15;
	v14 =	vadd.s32 $0x19, v6;
	v12 =	vld.idx.msk [tilespmem:v12+s3+$0x0], $0xffff  }
0x2c9: {  	v15 =	vld.idx.msk [tilespmem:v16+s3+$0x0], $0xffff;
	[tilespmem:s28+$0x6000] =	vst v13;
	v13 =	vadd.s32 $0xC, v4  }
0x2ca: {  	v16 =	vadd.s32 $0x1A, v0;
	v8 =	vld.idx.msk [tilespmem:v8+s3+$0x0], $0xffff;
	[tilespmem:s22+$0x6000] =	vst v10  }
0x2cb: {  	v10 =	vadd.s32 $0x1A, v2;
	v1 =	vld.idx.msk [tilespmem:v1+s3+$0x0], $0xffff;
	[tilespmem:s0+$0x4200] =	vst v5  }
0x2cc: {  	[tilespmem:s1+$0x6000] =	vst v9;
	v9 =	vld.idx.msk [tilespmem:v11+s3+$0x0], $0xffff  }
0x2cd: {  	v5 =	vadd.s32 $0x1A, v7;
	v11 =	vld.idx.msk [tilespmem:v14+s3+$0x0], $0xffff;
	[tilespmem:s2+$0x2180] =	vst v12  }
0x2ce: {  	[tilespmem:s25+$0x6080] =	vst v15;
	v12 =	vadd.s32 $0x16, v3;
	v13 =	vld.idx.msk [tilespmem:v13+s3+$0x0], $0xffff  }
0x2cf: {  	v15 =	vld.idx.msk [tilespmem:v16+s3+$0x0], $0xffff;
	[tilespmem:s28+$0x6080] =	vst v8;
	v8 =	vadd.s32 $0xD, v4  }
0x2d0: {  	v16 =	vadd.s32 $0x1B, v0;
	v10 =	vld.idx.msk [tilespmem:v10+s3+$0x0], $0xffff;
	[tilespmem:s22+$0x6080] =	vst v1  }
0x2d1: {  	v1 =	vadd.s32 $0x1B, v2;
	[tilespmem:s0+$0x4280] =	vst v9  }
0x2d2: {  	v14 =	vadd.s32 $0x1A, v6;
	v5 =	vld.idx.msk [tilespmem:v5+s3+$0x0], $0xffff;
	[tilespmem:s1+$0x6080] =	vst v11  }
0x2d3: {  	v9 =	vadd.s32 $0x1B, v7;
	v11 =	vld.idx.msk [tilespmem:v12+s3+$0x0], $0xffff;
	[tilespmem:s2+$0x2200] =	vst v13  }
0x2d4: {  	[tilespmem:s25+$0x6100] =	vst v15;
	v8 =	vld.idx.msk [tilespmem:v8+s3+$0x0], $0xffff  }
0x2d5: {  	v15 =	vld.idx.msk [tilespmem:v16+s3+$0x0], $0xffff;
	[tilespmem:s28+$0x6100] =	vst v10;
	v10 =	vadd.s32 $0xE, v4  }
0x2d6: {  	v16 =	vadd.s32 $0x1C, v0;
	v1 =	vld.idx.msk [tilespmem:v1+s3+$0x0], $0xffff  }
0x2d7: {  	v12 =	vld.idx.msk [tilespmem:v14+s3+$0x0], $0xffff;
	[tilespmem:s22+$0x6100] =	vst v5;
	v5 =	vadd.s32 $0x1C, v2  }
0x2d8: {  	v13 =	vadd.s32 $0x17, v3;
	v9 =	vld.idx.msk [tilespmem:v9+s3+$0x0], $0xffff;
	[tilespmem:s0+$0x4300] =	vst v11  }
0x2d9: {  	v11 =	vadd.s32 $0x1C, v7;
	[tilespmem:s2+$0x2280] =	vst v8  }
0x2da: {  	v14 =	vadd.s32 $0x1B, v6;
	[tilespmem:s25+$0x6180] =	vst v15;
	v10 =	vld.idx.msk [tilespmem:v10+s3+$0x0], $0xffff  }
0x2db: {  	v15 =	vld.idx.msk [tilespmem:v16+s3+$0x0], $0xffff;
	[tilespmem:s28+$0x6180] =	vst v1;
	v1 =	vadd.s32 $0xF, v4  }
0x2dc: {  	[tilespmem:s1+$0x6100] =	vst v12;
	v16 =	vadd.s32 $0x1D, v0;
	v5 =	vld.idx.msk [tilespmem:v5+s3+$0x0], $0xffff  }
0x2dd: {  	v12 =	vld.idx.msk [tilespmem:v13+s3+$0x0], $0xffff;
	[tilespmem:s22+$0x6180] =	vst v9;
	v9 =	vadd.s32 $0x1D, v2  }
0x2de: {  	v11 =	vld.idx.msk [tilespmem:v11+s3+$0x0], $0xffff  }
0x2df: {  	v13 =	vld.idx.msk [tilespmem:v14+s3+$0x0], $0xffff;
	v8 =	vadd.s32 $0x18, v3;
	[tilespmem:s2+$0x2300] =	vst v10  }
0x2e0: {  	v14 =	vadd.s32 $0x1C, v6;
	[tilespmem:s25+$0x6200] =	vst v15;
	v1 =	vld.idx.msk [tilespmem:v1+s3+$0x0], $0xffff  }
0x2e1: {  	v15 =	vld.idx.msk [tilespmem:v16+s3+$0x0], $0xffff;
	[tilespmem:s28+$0x6200] =	vst v5;
	v5 =	vadd.s32 $0x10, v4  }
0x2e2: {  	[tilespmem:s0+$0x4380] =	vst v12;
	v16 =	vadd.s32 $0x1E, v0;
	v9 =	vld.idx.msk [tilespmem:v9+s3+$0x0], $0xffff  }
0x2e3: {  	[tilespmem:s22+$0x6200] =	vst v11;
	v11 =	vadd.s32 $0x1E, v2  }
0x2e4: {  	v12 =	vadd.s32 $0x1D, v7;
	[tilespmem:s1+$0x6180] =	vst v13;
	v8 =	vld.idx.msk [tilespmem:v8+s3+$0x0], $0xffff  }
0x2e5: {  	v13 =	vld.idx.msk [tilespmem:v14+s3+$0x0], $0xffff;
	v10 =	vadd.s32 $0x19, v3;
	[tilespmem:s2+$0x2380] =	vst v1  }
0x2e6: {  	v14 =	vadd.s32 $0x1D, v6;
	[tilespmem:s25+$0x6280] =	vst v15;
	v5 =	vld.idx.msk [tilespmem:v5+s3+$0x0], $0xffff  }
0x2e7: {  	v15 =	vld.idx.msk [tilespmem:v16+s3+$0x0], $0xffff;
	[tilespmem:s28+$0x6280] =	vst v9;
	v9 =	vadd.s32 $0x11, v4  }
0x2e8: {  	v0 =	vadd.s32 $0x1F, v0;
	v11 =	vld.idx.msk [tilespmem:v11+s3+$0x0], $0xffff  }
0x2e9: {  	v2 =	vadd.s32 $0x1F, v2;
	v12 =	vld.idx.msk [tilespmem:v12+s3+$0x0], $0xffff;
	[tilespmem:s0+$0x6000] =	vst v8  }
0x2ea: {  	v8 =	vadd.s32 $0x1E, v7;
	[tilespmem:s1+$0x6200] =	vst v13;
	v10 =	vld.idx.msk [tilespmem:v10+s3+$0x0], $0xffff  }
0x2eb: {  	v13 =	vld.idx.msk [tilespmem:v14+s3+$0x0], $0xffff;
	v1 =	vadd.s32 $0x1A, v3;
	[tilespmem:s2+$0x4000] =	vst v5  }
0x2ec: {  	v14 =	vadd.s32 $0x1E, v6;
	[tilespmem:s25+$0x6300] =	vst v15;
	v9 =	vld.idx.msk [tilespmem:v9+s3+$0x0], $0xffff  }
0x2ed: {  	v0 =	vld.idx.msk [tilespmem:v0+s3+$0x0], $0xffff;
	[tilespmem:s28+$0x6300] =	vst v11;
	v11 =	vadd.s32 $0x12, v4  }
0x2ee: {  	[tilespmem:s22+$0x6280] =	vst v12;
	v2 =	vld.idx.msk [tilespmem:v2+s3+$0x0], $0xffff  }
0x2ef: {  	v8 =	vld.idx.msk [tilespmem:v8+s3+$0x0], $0xffff;
	[tilespmem:s0+$0x6080] =	vst v10  }
0x2f0: {  	v7 =	vadd.s32 $0x1F, v7;
	[tilespmem:s1+$0x6280] =	vst v13;
	v1 =	vld.idx.msk [tilespmem:v1+s3+$0x0], $0xffff  }
0x2f1: {  	v10 =	vld.idx.msk [tilespmem:v14+s3+$0x0], $0xffff;
	v5 =	vadd.s32 $0x1B, v3;
	[tilespmem:s2+$0x4080] =	vst v9  }
0x2f2: {  	v6 =	vadd.s32 $0x1F, v6;
	[tilespmem:s25+$0x6380] =	vst v0;
	v0 =	vld.idx.msk [tilespmem:v11+s3+$0x0], $0xffff  }
0x2f3: {  	[tilespmem:s28+$0x6380] =	vst v2;
	v2 =	vadd.s32 $0x13, v4  }
0x2f4: {  	[tilespmem:s22+$0x6300] =	vst v8  }
0x2f5: {  	v7 =	vld.idx.msk [tilespmem:v7+s3+$0x0], $0xffff;
	[tilespmem:s0+$0x6100] =	vst v1  }
0x2f6: {  	[tilespmem:s1+$0x6300] =	vst v10;
	v1 =	vld.idx.msk [tilespmem:v5+s3+$0x0], $0xffff  }
0x2f7: {  	v5 =	vld.idx.msk [tilespmem:v6+s3+$0x0], $0xffff;
	[tilespmem:s2+$0x4100] =	vst v0  }
0x2f8: {  	v6 =	vadd.s32 $0x1C, v3;
	v0 =	vld.idx.msk [tilespmem:v2+s3+$0x0], $0xffff  }
0x2f9: {  	v2 =	vadd.s32 $0x14, v4  }
0x2fa: {  	[tilespmem:s22+$0x6380] =	vst v7  }
0x2fb: {  	[tilespmem:s0+$0x6180] =	vst v1  }
0x2fc: {  	[tilespmem:s1+$0x6380] =	vst v5  }
0x2fd: {  	v1 =	vld.idx.msk [tilespmem:v6+s3+$0x0], $0xffff;
	[tilespmem:s2+$0x4180] =	vst v0  }
0x2fe: {  	v0 =	vld.idx.msk [tilespmem:v2+s3+$0x0], $0xffff  }
0x2ff: {  	v2 =	vadd.s32 $0x15, v4;
	_ =	sdelay $0x3  }
0x300: {  	[tilespmem:s2+$0x4200] =	vst v0  }
0x301: {  	v0 =	vld.idx.msk [tilespmem:v2+s3+$0x0], $0xffff  }
0x302: {  	v2 =	vadd.s32 $0x16, v4;
	_ =	sdelay $0x3  }
0x303: {  	[tilespmem:s2+$0x4280] =	vst v0  }
0x304: {  	v0 =	vld.idx.msk [tilespmem:v2+s3+$0x0], $0xffff  }
0x305: {  	v2 =	vadd.s32 $0x17, v4;
	_ =	sdelay $0x3  }
0x306: {  	[tilespmem:s2+$0x4300] =	vst v0  }
0x307: {  	v0 =	vld.idx.msk [tilespmem:v2+s3+$0x0], $0xffff  }
0x308: {  	v2 =	vadd.s32 $0x18, v4;
	_ =	sdelay $0x3  }
0x309: {  	[tilespmem:s2+$0x4380] =	vst v0  }
0x30a: {  	v0 =	vld.idx.msk [tilespmem:v2+s3+$0x0], $0xffff  }
0x30b: {  	v2 =	vadd.s32 $0x19, v4;
	_ =	sdelay $0x3  }
0x30c: {  	[tilespmem:s2+$0x6000] =	vst v0  }
0x30d: {  	v0 =	vld.idx.msk [tilespmem:v2+s3+$0x0], $0xffff  }
0x30e: {  	v2 =	vadd.s32 $0x1A, v4;
	_ =	sdelay $0x3  }
0x30f: {  	[tilespmem:s2+$0x6080] =	vst v0  }
0x310: {  	v0 =	vld.idx.msk [tilespmem:v2+s3+$0x0], $0xffff  }
0x311: {  	v2 =	vadd.s32 $0x1B, v4;
	_ =	sdelay $0x3  }
0x312: {  	[tilespmem:s2+$0x6100] =	vst v0  }
0x313: {  	v0 =	vld.idx.msk [tilespmem:v2+s3+$0x0], $0xffff  }
0x314: {  	v2 =	vadd.s32 $0x1C, v4;
	_ =	sdelay $0x3  }
0x315: {  	[tilespmem:s2+$0x6180] =	vst v0;
	v0 =	vadd.s32 $0x1D, v3  }
0x316: {  	v2 =	vld.idx.msk [tilespmem:v2+s3+$0x0], $0xffff  }
0x317: {  	v5 =	vadd.s32 $0x1D, v4;
	_ =	sdelay $0x1  }
0x318: {  	[tilespmem:s0+$0x6200] =	vst v1  }
0x319: {  	v0 =	vld.idx.msk [tilespmem:v0+s3+$0x0], $0xffff  }
0x31a: {  	v1 =	vadd.s32 $0x1E, v3;
	[tilespmem:s2+$0x6200] =	vst v2  }
0x31b: {  	v2 =	vld.idx.msk [tilespmem:v5+s3+$0x0], $0xffff  }
0x31c: {  	v5 =	vadd.s32 $0x1E, v4;
	_ =	sdelay $0x1  }
0x31d: {  	[tilespmem:s0+$0x6280] =	vst v0  }
0x31e: {  	v0 =	vld.idx.msk [tilespmem:v1+s3+$0x0], $0xffff  }
0x31f: {  	v1 =	vadd.s32 $0x1F, v3;
	[tilespmem:s2+$0x6280] =	vst v2  }
0x320: {  	v2 =	vld.idx.msk [tilespmem:v5+s3+$0x0], $0xffff  }
0x321: {  	v3 =	vadd.s32 $0x1F, v4;
	_ =	sdelay $0x1  }
0x322: {  	[tilespmem:s0+$0x6300] =	vst v0  }
0x323: {  	v0 =	vld.idx.msk [tilespmem:v1+s3+$0x0], $0xffff  }
0x324: {  	[tilespmem:s2+$0x6300] =	vst v2  }
0x325: {  	v1 =	vld.idx.msk [tilespmem:v3+s3+$0x0], $0xffff;
	_ =	sdelay $0x2  }
0x326: {  	p2 =	seq.s32 s24, $0x18;
	[tilespmem:s0+$0x6380] =	vst v0  }
0x327: {  	s26 =	smul.u32 $0x1F4000, s24;
	s25 =	sshll.u32 @!p2 s24, $0x8;
	s0 =	rddreg [dreg:$0x7]  }
0x328: {  	s1 =	simm.s32 @!p2 $0x0;
	s0 =	sadd.s32 @!p2 s25, s0;
	[tilespmem:s2+$0x6380] =	vst v1;
	s2 =	simm.s32 @!p2 $0x19C40  }
0x329: {  	[tilespmem:s2], [sflag:$0x1] =	stream.linear.gather @!p2 [hbm4b:s0+s1], $0x400, $0x38;
	[tilespmem:$0x1A440] =	vst v63  }
0x32a: {  	s4 =	rddreg [dreg:$0x5]  }
0x32b: {  	s0 =	sadd.s32 s4, s26  }
0x32c: {  	s0 =	sshrl.u32 s0, $0x3  }
0x32d: {  	s1 =	simm.s32 @p0 $0x0;
	s2 =	simm.s32 @p0 $0x9C40;
	s0 =	sadd.s32 s11, s0  }
0x32e: {  	[hbm4b:s0+s1] =	stream.linear.scatter @p0 [tilespmem:s2], [sflag:$0x3], $0x6000, $0x38;
	[tilespmem:$0x1A440] =	vst v63  }
0x32f: {  	s1 =	simm.s32 @!p0 $0x0;
	s2 =	simm.s32 @!p0 $0x9C40  }
0x330: {  	[hbm4b:s0+s1] =	stream.linear.scatter @!p0 [tilespmem:s2], [sflag:$0x3], $0x8000, $0x38;
	[tilespmem:$0x1A440] =	vst v63  }
0x331: {  	_ =	swait.ge [sflag:s18], $0x400  }
0x332: {  	[sflag:s18] =	ssyncset.done $0x0  }
0x333: {  	s0 =	simm.s32 @!p3 $0x4;
	[sflag:s18] =	ssyncadd.s32 $0xFFFFFC00  }
0x334: {  	_ =	swait.ge @!p3 [sflag:s0], $0x6000  }
0x335: {  	[sflag:s0] =	ssyncset.done @!p3 $0x0  }
0x336: {  	[sflag:s0] =	ssyncadd.s32 @!p3 $0xFFFFA000;
	s0 =	simm.s32 @!p4 $0x4  }
0x337: {  	_ =	swait.ge @!p4 [sflag:s0], $0x8000  }
0x338: {  	[sflag:s0] =	ssyncset.done @!p4 $0x0  }
0x339: {  	s5 =	simm.s32 $0x1A050;
	[sflag:s0] =	ssyncadd.s32 @!p4 $0xFFFF8000  }
0x33a: {  	v0 =	vld [tilespmem:s5+$0xFFFFFFF0];
	_ =	sdelay $0x4  }
0x33b: {  	v1 =	vmul.u32 $0x28, v0;
	_ =	sdelay $0x5  }
0x33c: {  	v0 =	vld.idx.msk [tilespmem:v1+s3+$0x0], $0xffff  }
0x33d: {  	s7 =	simm.s32 $0x0;
	v2 =	vor.u32 $0x1, v1  }
0x33e: {  	s10 =	simm.s32 $0x0;
	s0 =	sand.u32 $0x1C00, s7  }
0x33f: {  	s2 =	sand.u32 $0x60, s10;
	s0 =	sadd.s32 $0x11C40, s0  }
0x340: {  	s4 =	sadd.s32 s2, s0  }
0x341: {  	[tilespmem:s4+$0x0] =	vst v0  }
0x342: {  	v0 =	vld.idx.msk [tilespmem:v2+s3+$0x0], $0xffff  }
0x343: {  	v2 =	vor.u32 $0x2, v1;
	_ =	sdelay $0x3  }
0x344: {  	[tilespmem:s4+$0x80] =	vst v0  }
0x345: {  	v0 =	vld.idx.msk [tilespmem:v2+s3+$0x0], $0xffff  }
0x346: {  	v2 =	vor.u32 $0x3, v1;
	_ =	sdelay $0x3  }
0x347: {  	[tilespmem:s4+$0x100] =	vst v0  }
0x348: {  	v0 =	vld.idx.msk [tilespmem:v2+s3+$0x0], $0xffff  }
0x349: {  	v2 =	vor.u32 $0x4, v1;
	_ =	sdelay $0x3  }
0x34a: {  	[tilespmem:s4+$0x180] =	vst v0  }
0x34b: {  	v0 =	vld.idx.msk [tilespmem:v2+s3+$0x0], $0xffff  }
0x34c: {  	v2 =	vor.u32 $0x5, v1;
	_ =	sdelay $0x3  }
0x34d: {  	[tilespmem:s4+$0x200] =	vst v0  }
0x34e: {  	v0 =	vld.idx.msk [tilespmem:v2+s3+$0x0], $0xffff  }
0x34f: {  	v2 =	vor.u32 $0x6, v1;
	_ =	sdelay $0x3  }
0x350: {  	[tilespmem:s4+$0x280] =	vst v0  }
0x351: {  	v0 =	vld.idx.msk [tilespmem:v2+s3+$0x0], $0xffff  }
0x352: {  	v2 =	vor.u32 $0x7, v1;
	_ =	sdelay $0x3  }
0x353: {  	[tilespmem:s4+$0x300] =	vst v0  }
0x354: {  	v0 =	vld.idx.msk [tilespmem:v2+s3+$0x0], $0xffff  }
0x355: {  	v2 =	vadd.s32 $0x8, v1;
	_ =	sdelay $0x2  }
0x356: {  	s13 =	smov.u32 s11;
	s11 =	simm.s32 $0x1A070  }
0x357: {  	v3 =	vld [tilespmem:s11+$0xFFFFFFF0];
	[tilespmem:s4+$0x380] =	vst v0  }
0x358: {  	v2 =	vld.idx.msk [tilespmem:v2+s3+$0x0], $0xffff  }
0x359: {  	v4 =	vadd.s32 $0x9, v1;
	_ =	sdelay $0x2  }
0x35a: {  	v0 =	vmul.u32 $0x28, v3  }
0x35b: {  	[tilespmem:s4+$0x2000] =	vst v2  }
0x35c: {  	v2 =	vld.idx.msk [tilespmem:v4+s3+$0x0], $0xffff  }
0x35d: {  	v3 =	vadd.s32 $0xA, v1;
	_ =	sdelay $0x2  }
0x35e: {  	v4 =	vld.idx.msk [tilespmem:v0+s3+$0x0], $0xffff  }
0x35f: {  	s14 =	simm.s32 $0x100;
	v5 =	vor.u32 $0x1, v0;
	[tilespmem:s4+$0x2080] =	vst v2  }
0x360: {  	s6 =	simm.s32 $0x20;
	s2 =	sand.u32 $0x1C00, s14;
	v2 =	vld.idx.msk [tilespmem:v3+s3+$0x0], $0xffff  }
0x361: {  	s6 =	sand.u32 $0x60, s6;
	s2 =	sadd.s32 $0x11C40, s2;
	v3 =	vadd.s32 $0xB, v1  }
0x362: {  	s15 =	sadd.s32 s6, s2  }
0x363: {  	[tilespmem:s15+$0x0] =	vst v4  }
0x364: {  	v4 =	vld.idx.msk [tilespmem:v5+s3+$0x0], $0xffff  }
0x365: {  	v5 =	vor.u32 $0x2, v0;
	[tilespmem:s4+$0x2100] =	vst v2  }
0x366: {  	v2 =	vld.idx.msk [tilespmem:v3+s3+$0x0], $0xffff  }
0x367: {  	v3 =	vadd.s32 $0xC, v1;
	_ =	sdelay $0x1  }
0x368: {  	[tilespmem:s15+$0x80] =	vst v4  }
0x369: {  	v4 =	vld.idx.msk [tilespmem:v5+s3+$0x0], $0xffff  }
0x36a: {  	v5 =	vor.u32 $0x3, v0;
	[tilespmem:s4+$0x2180] =	vst v2  }
0x36b: {  	v2 =	vld.idx.msk [tilespmem:v3+s3+$0x0], $0xffff  }
0x36c: {  	v3 =	vadd.s32 $0xD, v1;
	_ =	sdelay $0x1  }
0x36d: {  	[tilespmem:s15+$0x100] =	vst v4  }
0x36e: {  	v4 =	vld.idx.msk [tilespmem:v5+s3+$0x0], $0xffff  }
0x36f: {  	v5 =	vor.u32 $0x4, v0;
	[tilespmem:s4+$0x2200] =	vst v2  }
0x370: {  	v2 =	vld.idx.msk [tilespmem:v3+s3+$0x0], $0xffff  }
0x371: {  	v3 =	vadd.s32 $0xE, v1;
	_ =	sdelay $0x1  }
0x372: {  	[tilespmem:s15+$0x180] =	vst v4  }
0x373: {  	v4 =	vld.idx.msk [tilespmem:v5+s3+$0x0], $0xffff  }
0x374: {  	v5 =	vor.u32 $0x5, v0;
	[tilespmem:s4+$0x2280] =	vst v2  }
0x375: {  	v2 =	vld.idx.msk [tilespmem:v3+s3+$0x0], $0xffff  }
0x376: {  	v3 =	vadd.s32 $0xF, v1;
	_ =	sdelay $0x1  }
0x377: {  	[tilespmem:s15+$0x200] =	vst v4  }
0x378: {  	v4 =	vld.idx.msk [tilespmem:v5+s3+$0x0], $0xffff  }
0x379: {  	v5 =	vor.u32 $0x6, v0;
	[tilespmem:s4+$0x2300] =	vst v2  }
0x37a: {  	v2 =	vld.idx.msk [tilespmem:v3+s3+$0x0], $0xffff  }
0x37b: {  	v3 =	vadd.s32 $0x10, v1;
	_ =	sdelay $0x1  }
0x37c: {  	[tilespmem:s15+$0x280] =	vst v4  }
0x37d: {  	v4 =	vld.idx.msk [tilespmem:v5+s3+$0x0], $0xffff  }
0x37e: {  	v5 =	vor.u32 $0x7, v0;
	[tilespmem:s4+$0x2380] =	vst v2  }
0x37f: {  	v2 =	vld.idx.msk [tilespmem:v3+s3+$0x0], $0xffff  }
0x380: {  	v3 =	vadd.s32 $0x11, v1;
	_ =	sdelay $0x1  }
0x381: {  	[tilespmem:s15+$0x300] =	vst v4  }
0x382: {  	s12 =	simm.s32 $0x1A090;
	v4 =	vld.idx.msk [tilespmem:v5+s3+$0x0], $0xffff  }
0x383: {  	v6 =	vadd.s32 $0x8, v0;
	v5 =	vld [tilespmem:s12+$0xFFFFFFF0];
	[tilespmem:s4+$0x4000] =	vst v2  }
0x384: {  	v3 =	vld.idx.msk [tilespmem:v3+s3+$0x0], $0xffff  }
0x385: {  	v7 =	vadd.s32 $0x12, v1;
	_ =	sdelay $0x1  }
0x386: {  	[tilespmem:s15+$0x380] =	vst v4  }
0x387: {  	v4 =	vld.idx.msk [tilespmem:v6+s3+$0x0], $0xffff  }
0x388: {  	v2 =	vmul.u32 $0x28, v5;
	v5 =	vadd.s32 $0x9, v0;
	[tilespmem:s4+$0x4080] =	vst v3  }
0x389: {  	v3 =	vld.idx.msk [tilespmem:v7+s3+$0x0], $0xffff  }
0x38a: {  	v6 =	vadd.s32 $0x13, v1;
	_ =	sdelay $0x1  }
0x38b: {  	[tilespmem:s15+$0x2000] =	vst v4  }
0x38c: {  	v4 =	vld.idx.msk [tilespmem:v5+s3+$0x0], $0xffff  }
0x38d: {  	v5 =	vld.idx.msk [tilespmem:v2+s3+$0x0], $0xffff;
	v7 =	vadd.s32 $0xA, v0;
	[tilespmem:s4+$0x4100] =	vst v3  }
0x38e: {  	s20 =	simm.s32 $0x200;
	v3 =	vor.u32 $0x1, v2;
	v6 =	vld.idx.msk [tilespmem:v6+s3+$0x0], $0xffff  }
0x38f: {  	s10 =	simm.s32 $0x40;
	s6 =	sand.u32 $0x1C00, s20;
	v8 =	vadd.s32 $0x14, v1  }
0x390: {  	s10 =	sand.u32 $0x60, s10;
	s19 =	sadd.s32 $0x11C40, s6  }
0x391: {  	s20 =	sadd.s32 s10, s19;
	[tilespmem:s15+$0x2080] =	vst v4  }
0x392: {  	[tilespmem:s20+$0x0] =	vst v5;
	v4 =	vld.idx.msk [tilespmem:v7+s3+$0x0], $0xffff  }
0x393: {  	v5 =	vadd.s32 $0xB, v0;
	v3 =	vld.idx.msk [tilespmem:v3+s3+$0x0], $0xffff;
	[tilespmem:s4+$0x4180] =	vst v6  }
0x394: {  	v6 =	vor.u32 $0x2, v2;
	v7 =	vld.idx.msk [tilespmem:v8+s3+$0x0], $0xffff  }
0x395: {  	v8 =	vadd.s32 $0x15, v1;
	_ =	sdelay $0x1  }
0x396: {  	[tilespmem:s15+$0x2100] =	vst v4  }
0x397: {  	[tilespmem:s20+$0x80] =	vst v3;
	v3 =	vld.idx.msk [tilespmem:v5+s3+$0x0], $0xffff  }
0x398: {  	v5 =	vadd.s32 $0xC, v0;
	v4 =	vld.idx.msk [tilespmem:v6+s3+$0x0], $0xffff;
	[tilespmem:s4+$0x4200] =	vst v7  }
0x399: {  	v6 =	vor.u32 $0x3, v2;
	v7 =	vld.idx.msk [tilespmem:v8+s3+$0x0], $0xffff  }
0x39a: {  	v8 =	vadd.s32 $0x16, v1;
	_ =	sdelay $0x1  }
0x39b: {  	[tilespmem:s15+$0x2180] =	vst v3  }
0x39c: {  	[tilespmem:s20+$0x100] =	vst v4;
	v3 =	vld.idx.msk [tilespmem:v5+s3+$0x0], $0xffff  }
0x39d: {  	v5 =	vadd.s32 $0xD, v0;
	v4 =	vld.idx.msk [tilespmem:v6+s3+$0x0], $0xffff;
	[tilespmem:s4+$0x4280] =	vst v7  }
0x39e: {  	v6 =	vor.u32 $0x4, v2;
	v7 =	vld.idx.msk [tilespmem:v8+s3+$0x0], $0xffff  }
0x39f: {  	v8 =	vadd.s32 $0x17, v1;
	_ =	sdelay $0x1  }
0x3a0: {  	[tilespmem:s15+$0x2200] =	vst v3  }
0x3a1: {  	[tilespmem:s20+$0x180] =	vst v4;
	v3 =	vld.idx.msk [tilespmem:v5+s3+$0x0], $0xffff  }
0x3a2: {  	v5 =	vadd.s32 $0xE, v0;
	v4 =	vld.idx.msk [tilespmem:v6+s3+$0x0], $0xffff;
	[tilespmem:s4+$0x4300] =	vst v7  }
0x3a3: {  	v6 =	vor.u32 $0x5, v2;
	v7 =	vld.idx.msk [tilespmem:v8+s3+$0x0], $0xffff  }
0x3a4: {  	v8 =	vadd.s32 $0x18, v1;
	_ =	sdelay $0x1  }
0x3a5: {  	[tilespmem:s15+$0x2280] =	vst v3  }
0x3a6: {  	[tilespmem:s20+$0x200] =	vst v4;
	v3 =	vld.idx.msk [tilespmem:v5+s3+$0x0], $0xffff  }
0x3a7: {  	v5 =	vadd.s32 $0xF, v0;
	v4 =	vld.idx.msk [tilespmem:v6+s3+$0x0], $0xffff;
	[tilespmem:s4+$0x4380] =	vst v7  }
0x3a8: {  	v6 =	vor.u32 $0x6, v2;
	v7 =	vld.idx.msk [tilespmem:v8+s3+$0x0], $0xffff  }
0x3a9: {  	v8 =	vadd.s32 $0x19, v1;
	_ =	sdelay $0x1  }
0x3aa: {  	[tilespmem:s15+$0x2300] =	vst v3  }
0x3ab: {  	[tilespmem:s20+$0x280] =	vst v4;
	v3 =	vld.idx.msk [tilespmem:v5+s3+$0x0], $0xffff  }
0x3ac: {  	v5 =	vadd.s32 $0x10, v0;
	v4 =	vld.idx.msk [tilespmem:v6+s3+$0x0], $0xffff;
	[tilespmem:s4+$0x6000] =	vst v7  }
0x3ad: {  	v6 =	vor.u32 $0x7, v2;
	v7 =	vld.idx.msk [tilespmem:v8+s3+$0x0], $0xffff  }
0x3ae: {  	v8 =	vadd.s32 $0x1A, v1;
	_ =	sdelay $0x1  }
0x3af: {  	[tilespmem:s15+$0x2380] =	vst v3  }
0x3b0: {  	[tilespmem:s20+$0x300] =	vst v4;
	v3 =	vld.idx.msk [tilespmem:v5+s3+$0x0], $0xffff  }
0x3b1: {  	v5 =	vadd.s32 $0x11, v0;
	v4 =	vld.idx.msk [tilespmem:v6+s3+$0x0], $0xffff;
	[tilespmem:s4+$0x6080] =	vst v7  }
0x3b2: {  	v6 =	vadd.s32 $0x8, v2;
	v7 =	vld.idx.msk [tilespmem:v8+s3+$0x0], $0xffff  }
0x3b3: {  	v8 =	vadd.s32 $0x1B, v1  }
0x3b4: {  	s16 =	simm.s32 $0x1A0B0  }
0x3b5: {  	v9 =	vld [tilespmem:s16+$0xFFFFFFF0];
	[tilespmem:s15+$0x4000] =	vst v3  }
0x3b6: {  	[tilespmem:s20+$0x380] =	vst v4;
	v3 =	vld.idx.msk [tilespmem:v5+s3+$0x0], $0xffff  }
0x3b7: {  	v5 =	vadd.s32 $0x12, v0;
	v4 =	vld.idx.msk [tilespmem:v6+s3+$0x0], $0xffff;
	[tilespmem:s4+$0x6100] =	vst v7  }
0x3b8: {  	v7 =	vld.idx.msk [tilespmem:v8+s3+$0x0], $0xffff;
	v8 =	vadd.s32 $0x9, v2  }
0x3b9: {  	v10 =	vadd.s32 $0x1C, v1;
	_ =	sdelay $0x1  }
0x3ba: {  	v6 =	vmul.u32 $0x28, v9;
	[tilespmem:s15+$0x4080] =	vst v3  }
0x3bb: {  	[tilespmem:s20+$0x2000] =	vst v4;
	v3 =	vld.idx.msk [tilespmem:v5+s3+$0x0], $0xffff  }
0x3bc: {  	v4 =	vadd.s32 $0x13, v0;
	v5 =	vld.idx.msk [tilespmem:v8+s3+$0x0], $0xffff;
	[tilespmem:s4+$0x6180] =	vst v7  }
0x3bd: {  	v8 =	vadd.s32 $0xA, v2;
	v7 =	vld.idx.msk [tilespmem:v10+s3+$0x0], $0xffff  }
0x3be: {  	v9 =	vadd.s32 $0x1D, v1;
	_ =	sdelay $0x1  }
0x3bf: {  	v10 =	vld.idx.msk [tilespmem:v6+s3+$0x0], $0xffff;
	[tilespmem:s15+$0x4100] =	vst v3  }
0x3c0: {  	s21 =	simm.s32 $0x300;
	v3 =	vor.u32 $0x1, v6;
	v4 =	vld.idx.msk [tilespmem:v4+s3+$0x0], $0xffff;
	[tilespmem:s20+$0x2080] =	vst v5  }
0x3c1: {  	s22 =	simm.s32 $0x60;
	s6 =	sand.u32 $0x1C00, s21;
	v5 =	vadd.s32 $0x14, v0;
	v8 =	vld.idx.msk [tilespmem:v8+s3+$0x0], $0xffff;
	[tilespmem:s4+$0x6200] =	vst v7  }
0x3c2: {  	s10 =	sand.u32 $0x60, s22;
	s31 =	sadd.s32 $0x11C40, s6;
	v7 =	vld.idx.msk [tilespmem:v9+s3+$0x0], $0xffff;
	v9 =	vadd.s32 $0xB, v2  }
0x3c3: {  	s21 =	sadd.s32 s10, s31;
	v11 =	vadd.s32 $0x1E, v1  }
0x3c4: {  	[tilespmem:s21+$0x0] =	vst v10  }
0x3c5: {  	v3 =	vld.idx.msk [tilespmem:v3+s3+$0x0], $0xffff;
	[tilespmem:s15+$0x4180] =	vst v4  }
0x3c6: {  	v4 =	vor.u32 $0x2, v6;
	v5 =	vld.idx.msk [tilespmem:v5+s3+$0x0], $0xffff;
	[tilespmem:s20+$0x2100] =	vst v8  }
0x3c7: {  	v8 =	vadd.s32 $0x15, v0;
	v9 =	vld.idx.msk [tilespmem:v9+s3+$0x0], $0xffff;
	[tilespmem:s4+$0x6280] =	vst v7  }
0x3c8: {  	v10 =	vadd.s32 $0xC, v2;
	v7 =	vld.idx.msk [tilespmem:v11+s3+$0x0], $0xffff  }
0x3c9: {  	v1 =	vadd.s32 $0x1F, v1  }
0x3ca: {  	[tilespmem:s21+$0x80] =	vst v3  }
0x3cb: {  	v3 =	vld.idx.msk [tilespmem:v4+s3+$0x0], $0xffff;
	[tilespmem:s15+$0x4200] =	vst v5  }
0x3cc: {  	v4 =	vor.u32 $0x3, v6;
	v5 =	vld.idx.msk [tilespmem:v8+s3+$0x0], $0xffff;
	[tilespmem:s20+$0x2180] =	vst v9  }
0x3cd: {  	v8 =	vadd.s32 $0x16, v0;
	v9 =	vld.idx.msk [tilespmem:v10+s3+$0x0], $0xffff;
	[tilespmem:s4+$0x6300] =	vst v7  }
0x3ce: {  	v7 =	vadd.s32 $0xD, v2;
	v1 =	vld.idx.msk [tilespmem:v1+s3+$0x0], $0xffff;
	_ =	sdelay $0x1  }
0x3cf: {  	[tilespmem:s21+$0x100] =	vst v3  }
0x3d0: {  	v3 =	vld.idx.msk [tilespmem:v4+s3+$0x0], $0xffff;
	[tilespmem:s15+$0x4280] =	vst v5  }
0x3d1: {  	v4 =	vor.u32 $0x4, v6;
	v5 =	vld.idx.msk [tilespmem:v8+s3+$0x0], $0xffff;
	[tilespmem:s20+$0x2200] =	vst v9  }
0x3d2: {  	v8 =	vadd.s32 $0x17, v0;
	v7 =	vld.idx.msk [tilespmem:v7+s3+$0x0], $0xffff;
	[tilespmem:s4+$0x6380] =	vst v1  }
0x3d3: {  	v1 =	vld [tilespmem:s5+$0x0]  }
0x3d4: {  	v9 =	vadd.s32 $0xE, v2  }
0x3d5: {  	[tilespmem:s21+$0x180] =	vst v3  }
0x3d6: {  	v3 =	vld.idx.msk [tilespmem:v4+s3+$0x0], $0xffff;
	[tilespmem:s15+$0x4300] =	vst v5  }
0x3d7: {  	v4 =	vor.u32 $0x5, v6;
	v5 =	vld.idx.msk [tilespmem:v8+s3+$0x0], $0xffff  }
0x3d8: {  	[tilespmem:s20+$0x2280] =	vst v7;
	v7 =	vadd.s32 $0x18, v0;
	v1 =	vmul.u32 $0x28, v1  }
0x3d9: {  	v8 =	vld.idx.msk [tilespmem:v9+s3+$0x0], $0xffff  }
0x3da: {  	v9 =	vadd.s32 $0xF, v2  }
0x3db: {  	[tilespmem:s21+$0x200] =	vst v3  }
0x3dc: {  	v3 =	vld.idx.msk [tilespmem:v4+s3+$0x0], $0xffff;
	[tilespmem:s15+$0x4380] =	vst v5  }
0x3dd: {  	v4 =	vor.u32 $0x6, v6;
	v5 =	vld.idx.msk [tilespmem:v7+s3+$0x0], $0xffff  }
0x3de: {  	[tilespmem:s20+$0x2300] =	vst v8;
	v8 =	vadd.s32 $0x19, v0;
	v7 =	vld.idx.msk [tilespmem:v1+s3+$0x0], $0xffff  }
0x3df: {  	v10 =	vor.u32 $0x1, v1;
	v9 =	vld.idx.msk [tilespmem:v9+s3+$0x0], $0xffff  }
0x3e0: {  	s23 =	simm.s32 $0x10;
	v11 =	vadd.s32 $0x10, v2  }
0x3e1: {  	s1 =	sand.u32 $0x70, s23;
	[tilespmem:s21+$0x280] =	vst v3  }
0x3e2: {  	s29 =	sadd.s32 s1, s0;
	v3 =	vld.idx.msk [tilespmem:v4+s3+$0x0], $0xffff;
	[tilespmem:s15+$0x6000] =	vst v5  }
0x3e3: {  	v4 =	vor.u32 $0x7, v6;
	v5 =	vld.idx.msk [tilespmem:v8+s3+$0x0], $0xffff;
	[tilespmem:s29+$0x0] =	vst v7  }
0x3e4: {  	v8 =	vadd.s32 $0x1A, v0;
	[tilespmem:s20+$0x2380] =	vst v9;
	v7 =	vld.idx.msk [tilespmem:v10+s3+$0x0], $0xffff  }
0x3e5: {  	v9 =	vld.idx.msk [tilespmem:v11+s3+$0x0], $0xffff;
	v10 =	vor.u32 $0x2, v1  }
0x3e6: {  	v11 =	vadd.s32 $0x11, v2  }
0x3e7: {  	[tilespmem:s21+$0x300] =	vst v3  }
0x3e8: {  	v3 =	vld.idx.msk [tilespmem:v4+s3+$0x0], $0xffff;
	[tilespmem:s15+$0x6080] =	vst v5  }
0x3e9: {  	v4 =	vadd.s32 $0x8, v6;
	v5 =	vld.idx.msk [tilespmem:v8+s3+$0x0], $0xffff;
	[tilespmem:s29+$0x80] =	vst v7  }
0x3ea: {  	v8 =	vadd.s32 $0x1B, v0;
	[tilespmem:s20+$0x4000] =	vst v9;
	v7 =	vld.idx.msk [tilespmem:v10+s3+$0x0], $0xffff  }
0x3eb: {  	v9 =	vld.idx.msk [tilespmem:v11+s3+$0x0], $0xffff;
	v10 =	vor.u32 $0x3, v1  }
0x3ec: {  	s0 =	simm.s32 $0x1A0D0;
	v11 =	vadd.s32 $0x12, v2  }
0x3ed: {  	v12 =	vld [tilespmem:s0+$0xFFFFFFF0];
	[tilespmem:s21+$0x380] =	vst v3  }
0x3ee: {  	v4 =	vld.idx.msk [tilespmem:v4+s3+$0x0], $0xffff;
	[tilespmem:s15+$0x6100] =	vst v5  }
0x3ef: {  	v5 =	vld.idx.msk [tilespmem:v8+s3+$0x0], $0xffff;
	[tilespmem:s29+$0x100] =	vst v7;
	v7 =	vadd.s32 $0x9, v6  }
0x3f0: {  	[tilespmem:s20+$0x4080] =	vst v9;
	v9 =	vadd.s32 $0x1C, v0;
	v8 =	vld.idx.msk [tilespmem:v10+s3+$0x0], $0xffff  }
0x3f1: {  	v10 =	vld.idx.msk [tilespmem:v11+s3+$0x0], $0xffff;
	v11 =	vor.u32 $0x4, v1  }
0x3f2: {  	v3 =	vmul.u32 $0x28, v12;
	v12 =	vadd.s32 $0x13, v2  }
0x3f3: {  	[tilespmem:s21+$0x2000] =	vst v4  }
0x3f4: {  	[tilespmem:s15+$0x6180] =	vst v5;
	v4 =	vld.idx.msk [tilespmem:v7+s3+$0x0], $0xffff  }
0x3f5: {  	v5 =	vld.idx.msk [tilespmem:v9+s3+$0x0], $0xffff;
	v7 =	vadd.s32 $0xA, v6;
	[tilespmem:s29+$0x180] =	vst v8  }
0x3f6: {  	v9 =	vadd.s32 $0x1D, v0;
	[tilespmem:s20+$0x4100] =	vst v10;
	v8 =	vld.idx.msk [tilespmem:v11+s3+$0x0], $0xffff  }
0x3f7: {  	v10 =	vld.idx.msk [tilespmem:v12+s3+$0x0], $0xffff;
	v11 =	vor.u32 $0x5, v1  }
0x3f8: {  	v13 =	vadd.s32 $0x14, v2;
	v12 =	vld.idx.msk [tilespmem:v3+s3+$0x0], $0xffff  }
0x3f9: {  	s4 =	simm.s32 $0x400;
	v14 =	vor.u32 $0x1, v3;
	[tilespmem:s21+$0x2080] =	vst v4  }
0x3fa: {  	s6 =	simm.s32 $0x80;
	s1 =	sand.u32 $0x1C00, s4;
	[tilespmem:s15+$0x6200] =	vst v5;
	v4 =	vld.idx.msk [tilespmem:v7+s3+$0x0], $0xffff  }
0x3fb: {  	s4 =	sand.u32 $0x60, s6;
	s1 =	sadd.s32 $0x11C40, s1;
	v5 =	vld.idx.msk [tilespmem:v9+s3+$0x0], $0xffff;
	v7 =	vadd.s32 $0xB, v6;
	[tilespmem:s29+$0x200] =	vst v8  }
0x3fc: {  	s14 =	sadd.s32 s4, s1;
	v9 =	vadd.s32 $0x1E, v0;
	[tilespmem:s20+$0x4180] =	vst v10;
	v8 =	vld.idx.msk [tilespmem:v11+s3+$0x0], $0xffff  }
0x3fd: {  	[tilespmem:s14+$0x0] =	vst v12;
	v10 =	vld.idx.msk [tilespmem:v13+s3+$0x0], $0xffff;
	v11 =	vor.u32 $0x6, v1  }
0x3fe: {  	v12 =	vld.idx.msk [tilespmem:v14+s3+$0x0], $0xffff;
	v13 =	vadd.s32 $0x15, v2  }
0x3ff: {  	v14 =	vor.u32 $0x2, v3;
	[tilespmem:s21+$0x2100] =	vst v4  }
0x400: {  	[tilespmem:s15+$0x6280] =	vst v5;
	v4 =	vld.idx.msk [tilespmem:v7+s3+$0x0], $0xffff  }
0x401: {  	v5 =	vld.idx.msk [tilespmem:v9+s3+$0x0], $0xffff;
	v7 =	vadd.s32 $0xC, v6;
	[tilespmem:s29+$0x280] =	vst v8  }
0x402: {  	v0 =	vadd.s32 $0x1F, v0;
	[tilespmem:s20+$0x4200] =	vst v10;
	v8 =	vld.idx.msk [tilespmem:v11+s3+$0x0], $0xffff  }
0x403: {  	[tilespmem:s14+$0x80] =	vst v12;
	v10 =	vor.u32 $0x7, v1;
	v9 =	vld.idx.msk [tilespmem:v13+s3+$0x0], $0xffff  }
0x404: {  	v12 =	vadd.s32 $0x16, v2;
	v11 =	vld.idx.msk [tilespmem:v14+s3+$0x0], $0xffff  }
0x405: {  	v13 =	vor.u32 $0x3, v3;
	[tilespmem:s21+$0x2180] =	vst v4  }
0x406: {  	[tilespmem:s15+$0x6300] =	vst v5;
	v4 =	vld.idx.msk [tilespmem:v7+s3+$0x0], $0xffff  }
0x407: {  	v5 =	vadd.s32 $0xD, v6;
	v0 =	vld.idx.msk [tilespmem:v0+s3+$0x0], $0xffff;
	[tilespmem:s29+$0x300] =	vst v8  }
0x408: {  	[tilespmem:s20+$0x4280] =	vst v9;
	v7 =	vld.idx.msk [tilespmem:v10+s3+$0x0], $0xffff  }
0x409: {  	[tilespmem:s14+$0x100] =	vst v11;
	v9 =	vadd.s32 $0x8, v1;
	v8 =	vld.idx.msk [tilespmem:v12+s3+$0x0], $0xffff  }
0x40a: {  	v11 =	vadd.s32 $0x17, v2;
	v10 =	vld.idx.msk [tilespmem:v13+s3+$0x0], $0xffff  }
0x40b: {  	v12 =	vor.u32 $0x4, v3;
	[tilespmem:s21+$0x2200] =	vst v4  }
0x40c: {  	[tilespmem:s15+$0x6380] =	vst v0;
	v4 =	vld.idx.msk [tilespmem:v5+s3+$0x0], $0xffff  }
0x40d: {  	v0 =	vld [tilespmem:s11+$0x0];
	[tilespmem:s29+$0x380] =	vst v7  }
0x40e: {  	v5 =	vadd.s32 $0xE, v6;
	[tilespmem:s20+$0x4300] =	vst v8;
	v7 =	vld.idx.msk [tilespmem:v9+s3+$0x0], $0xffff  }
0x40f: {  	[tilespmem:s14+$0x180] =	vst v10;
	v8 =	vld.idx.msk [tilespmem:v11+s3+$0x0], $0xffff;
	v9 =	vadd.s32 $0x9, v1  }
0x410: {  	v10 =	vld.idx.msk [tilespmem:v12+s3+$0x0], $0xffff;
	v11 =	vadd.s32 $0x18, v2  }
0x411: {  	v12 =	vor.u32 $0x5, v3  }
0x412: {  	[tilespmem:s21+$0x2280] =	vst v4;
	v0 =	vmul.u32 $0x28, v0  }
0x413: {  	v4 =	vld.idx.msk [tilespmem:v5+s3+$0x0], $0xffff;
	[tilespmem:s29+$0x2000] =	vst v7  }
0x414: {  	v5 =	vadd.s32 $0xF, v6;
	[tilespmem:s20+$0x4380] =	vst v8;
	v7 =	vld.idx.msk [tilespmem:v9+s3+$0x0], $0xffff  }
0x415: {  	[tilespmem:s14+$0x200] =	vst v10;
	v8 =	vld.idx.msk [tilespmem:v11+s3+$0x0], $0xffff;
	v9 =	vadd.s32 $0xA, v1  }
0x416: {  	v10 =	vld.idx.msk [tilespmem:v12+s3+$0x0], $0xffff;
	v11 =	vadd.s32 $0x19, v2  }
0x417: {  	v12 =	vor.u32 $0x6, v3  }
0x418: {  	v13 =	vld.idx.msk [tilespmem:v0+s3+$0x0], $0xffff;
	[tilespmem:s21+$0x2300] =	vst v4  }
0x419: {  	v4 =	vld.idx.msk [tilespmem:v5+s3+$0x0], $0xffff;
	v5 =	vor.u32 $0x1, v0;
	[tilespmem:s29+$0x2080] =	vst v7  }
0x41a: {  	s7 =	simm.s32 $0x30;
	v7 =	vadd.s32 $0x10, v6;
	[tilespmem:s20+$0x6000] =	vst v8;
	v9 =	vld.idx.msk [tilespmem:v9+s3+$0x0], $0xffff  }
0x41b: {  	s4 =	sand.u32 $0x70, s7;
	[tilespmem:s14+$0x280] =	vst v10;
	v10 =	vadd.s32 $0xB, v1;
	v8 =	vld.idx.msk [tilespmem:v11+s3+$0x0], $0xffff  }
0x41c: {  	s28 =	sadd.s32 s4, s2;
	v11 =	vld.idx.msk [tilespmem:v12+s3+$0x0], $0xffff;
	v12 =	vadd.s32 $0x1A, v2  }
0x41d: {  	v14 =	vor.u32 $0x7, v3;
	[tilespmem:s28+$0x0] =	vst v13  }
0x41e: {  	v5 =	vld.idx.msk [tilespmem:v5+s3+$0x0], $0xffff;
	[tilespmem:s21+$0x2380] =	vst v4  }
0x41f: {  	v4 =	vld.idx.msk [tilespmem:v7+s3+$0x0], $0xffff;
	v7 =	vor.u32 $0x2, v0;
	[tilespmem:s29+$0x2100] =	vst v9  }
0x420: {  	v9 =	vadd.s32 $0x11, v6;
	[tilespmem:s20+$0x6080] =	vst v8;
	v10 =	vld.idx.msk [tilespmem:v10+s3+$0x0], $0xffff  }
0x421: {  	[tilespmem:s14+$0x300] =	vst v11;
	v11 =	vadd.s32 $0xC, v1;
	v8 =	vld.idx.msk [tilespmem:v12+s3+$0x0], $0xffff  }
0x422: {  	s15 =	simm.s32 $0x1A0F0;
	v13 =	vadd.s32 $0x1B, v2;
	v12 =	vld.idx.msk [tilespmem:v14+s3+$0x0], $0xffff  }
0x423: {  	v15 =	vadd.s32 $0x8, v3;
	v14 =	vld [tilespmem:s15+$0xFFFFFFF0];
	[tilespmem:s28+$0x80] =	vst v5  }
0x424: {  	v5 =	vld.idx.msk [tilespmem:v7+s3+$0x0], $0xffff;
	[tilespmem:s21+$0x4000] =	vst v4  }
0x425: {  	v7 =	vld.idx.msk [tilespmem:v9+s3+$0x0], $0xffff;
	v9 =	vor.u32 $0x3, v0;
	[tilespmem:s29+$0x2180] =	vst v10  }
0x426: {  	v10 =	vadd.s32 $0x12, v6;
	[tilespmem:s20+$0x6100] =	vst v8;
	v11 =	vld.idx.msk [tilespmem:v11+s3+$0x0], $0xffff  }
0x427: {  	[tilespmem:s14+$0x380] =	vst v12;
	v12 =	vadd.s32 $0xD, v1;
	v8 =	vld.idx.msk [tilespmem:v13+s3+$0x0], $0xffff  }
0x428: {  	v13 =	vld.idx.msk [tilespmem:v15+s3+$0x0], $0xffff;
	v15 =	vadd.s32 $0x1C, v2  }
0x429: {  	v4 =	vmul.u32 $0x28, v14;
	[tilespmem:s28+$0x100] =	vst v5;
	v5 =	vadd.s32 $0x9, v3  }
0x42a: {  	v9 =	vld.idx.msk [tilespmem:v9+s3+$0x0], $0xffff;
	[tilespmem:s21+$0x4080] =	vst v7  }
0x42b: {  	v7 =	vld.idx.msk [tilespmem:v10+s3+$0x0], $0xffff;
	v10 =	vor.u32 $0x4, v0;
	[tilespmem:s29+$0x2200] =	vst v11  }
0x42c: {  	v11 =	vadd.s32 $0x13, v6;
	[tilespmem:s20+$0x6180] =	vst v8;
	v12 =	vld.idx.msk [tilespmem:v12+s3+$0x0], $0xffff  }
0x42d: {  	[tilespmem:s14+$0x2000] =	vst v13;
	v13 =	vadd.s32 $0xE, v1;
	v8 =	vld.idx.msk [tilespmem:v15+s3+$0x0], $0xffff  }
0x42e: {  	v14 =	vadd.s32 $0x1D, v2;
	v5 =	vld.idx.msk [tilespmem:v5+s3+$0x0], $0xffff  }
0x42f: {  	v15 =	vld.idx.msk [tilespmem:v4+s3+$0x0], $0xffff;
	[tilespmem:s28+$0x180] =	vst v9;
	v9 =	vadd.s32 $0xA, v3  }
0x430: {  	s10 =	simm.s32 $0x500;
	v16 =	vor.u32 $0x1, v4;
	v10 =	vld.idx.msk [tilespmem:v10+s3+$0x0], $0xffff;
	[tilespmem:s21+$0x4100] =	vst v7  }
0x431: {  	s2 =	sand.u32 $0x1C00, s10;
	s11 =	simm.s32 $0xA0;
	v7 =	vld.idx.msk [tilespmem:v11+s3+$0x0], $0xffff;
	v11 =	vor.u32 $0x5, v0;
	[tilespmem:s29+$0x2280] =	vst v12  }
0x432: {  	s5 =	sadd.s32 $0x11C40, s2;
	s4 =	sand.u32 $0x60, s11;
	v12 =	vadd.s32 $0x14, v6;
	[tilespmem:s20+$0x6200] =	vst v8;
	v13 =	vld.idx.msk [tilespmem:v13+s3+$0x0], $0xffff  }
0x433: {  	s7 =	sadd.s32 s4, s5;
	v8 =	vadd.s32 $0xF, v1;
	[tilespmem:s14+$0x2080] =	vst v5;
	v5 =	vld.idx.msk [tilespmem:v14+s3+$0x0], $0xffff  }
0x434: {  	[tilespmem:s7+$0x0] =	vst v15;
	v14 =	vadd.s32 $0x1E, v2;
	v9 =	vld.idx.msk [tilespmem:v9+s3+$0x0], $0xffff  }
0x435: {  	v15 =	vld.idx.msk [tilespmem:v16+s3+$0x0], $0xffff;
	[tilespmem:s28+$0x200] =	vst v10;
	v10 =	vadd.s32 $0xB, v3  }
0x436: {  	v16 =	vor.u32 $0x2, v4;
	v11 =	vld.idx.msk [tilespmem:v11+s3+$0x0], $0xffff;
	[tilespmem:s21+$0x4180] =	vst v7  }
0x437: {  	v7 =	vld.idx.msk [tilespmem:v12+s3+$0x0], $0xffff;
	v12 =	vor.u32 $0x6, v0;
	[tilespmem:s29+$0x2300] =	vst v13  }
0x438: {  	v13 =	vadd.s32 $0x15, v6;
	[tilespmem:s20+$0x6280] =	vst v5;
	v8 =	vld.idx.msk [tilespmem:v8+s3+$0x0], $0xffff  }
0x439: {  	[tilespmem:s14+$0x2100] =	vst v9;
	v5 =	vld.idx.msk [tilespmem:v14+s3+$0x0], $0xffff;
	v9 =	vadd.s32 $0x10, v1  }
0x43a: {  	v2 =	vadd.s32 $0x1F, v2;
	[tilespmem:s7+$0x80] =	vst v15;
	v10 =	vld.idx.msk [tilespmem:v10+s3+$0x0], $0xffff  }
0x43b: {  	v14 =	vld.idx.msk [tilespmem:v16+s3+$0x0], $0xffff;
	[tilespmem:s28+$0x280] =	vst v11;
	v11 =	vadd.s32 $0xC, v3  }
0x43c: {  	v15 =	vor.u32 $0x3, v4;
	v12 =	vld.idx.msk [tilespmem:v12+s3+$0x0], $0xffff;
	[tilespmem:s21+$0x4200] =	vst v7  }
0x43d: {  	v7 =	vld.idx.msk [tilespmem:v13+s3+$0x0], $0xffff;
	v13 =	vor.u32 $0x7, v0;
	[tilespmem:s29+$0x2380] =	vst v8  }
0x43e: {  	v8 =	vadd.s32 $0x16, v6;
	[tilespmem:s20+$0x6300] =	vst v5;
	v9 =	vld.idx.msk [tilespmem:v9+s3+$0x0], $0xffff  }
0x43f: {  	v5 =	vadd.s32 $0x11, v1;
	[tilespmem:s14+$0x2180] =	vst v10;
	v2 =	vld.idx.msk [tilespmem:v2+s3+$0x0], $0xffff  }
0x440: {  	[tilespmem:s7+$0x100] =	vst v14;
	v10 =	vld.idx.msk [tilespmem:v11+s3+$0x0], $0xffff  }
0x441: {  	v11 =	vld.idx.msk [tilespmem:v15+s3+$0x0], $0xffff;
	[tilespmem:s28+$0x300] =	vst v12;
	v12 =	vadd.s32 $0xD, v3  }
0x442: {  	v14 =	vor.u32 $0x4, v4;
	v13 =	vld.idx.msk [tilespmem:v13+s3+$0x0], $0xffff;
	[tilespmem:s21+$0x4280] =	vst v7  }
0x443: {  	v7 =	vld.idx.msk [tilespmem:v8+s3+$0x0], $0xffff;
	v8 =	vadd.s32 $0x8, v0;
	[tilespmem:s29+$0x4000] =	vst v9  }
0x444: {  	v9 =	vadd.s32 $0x17, v6;
	[tilespmem:s20+$0x6380] =	vst v2;
	v5 =	vld.idx.msk [tilespmem:v5+s3+$0x0], $0xffff  }
0x445: {  	[tilespmem:s14+$0x2200] =	vst v10;
	v2 =	vld [tilespmem:s12+$0x0]  }
0x446: {  	[tilespmem:s7+$0x180] =	vst v11;
	v11 =	vadd.s32 $0x12, v1;
	v10 =	vld.idx.msk [tilespmem:v12+s3+$0x0], $0xffff  }
0x447: {  	v12 =	vld.idx.msk [tilespmem:v14+s3+$0x0], $0xffff;
	[tilespmem:s28+$0x380] =	vst v13;
	v13 =	vadd.s32 $0xE, v3  }
0x448: {  	v14 =	vor.u32 $0x5, v4;
	v8 =	vld.idx.msk [tilespmem:v8+s3+$0x0], $0xffff;
	[tilespmem:s21+$0x4300] =	vst v7  }
0x449: {  	s12 =	simm.s32 $0x1A110;
	v7 =	vld.idx.msk [tilespmem:v9+s3+$0x0], $0xffff;
	v9 =	vadd.s32 $0x9, v0  }
0x44a: {  	v15 =	vld [tilespmem:s12+$0xFFFFFFF0];
	[tilespmem:s29+$0x4080] =	vst v5;
	v5 =	vadd.s32 $0x18, v6;
	v2 =	vmul.u32 $0x28, v2  }
0x44b: {  	[tilespmem:s14+$0x2280] =	vst v10;
	v10 =	vld.idx.msk [tilespmem:v11+s3+$0x0], $0xffff  }
0x44c: {  	[tilespmem:s7+$0x200] =	vst v12;
	v12 =	vadd.s32 $0x13, v1;
	v11 =	vld.idx.msk [tilespmem:v13+s3+$0x0], $0xffff  }
0x44d: {  	v13 =	vld.idx.msk [tilespmem:v14+s3+$0x0], $0xffff;
	[tilespmem:s28+$0x2000] =	vst v8;
	v8 =	vadd.s32 $0xF, v3  }
0x44e: {  	v14 =	vor.u32 $0x6, v4;
	v9 =	vld.idx.msk [tilespmem:v9+s3+$0x0], $0xffff;
	[tilespmem:s21+$0x4380] =	vst v7  }
0x44f: {  	v7 =	vadd.s32 $0xA, v0;
	v5 =	vld.idx.msk [tilespmem:v5+s3+$0x0], $0xffff  }
0x450: {  	v16 =	vld.idx.msk [tilespmem:v2+s3+$0x0], $0xffff;
	[tilespmem:s29+$0x4100] =	vst v10;
	v10 =	vadd.s32 $0x19, v6  }
0x451: {  	[tilespmem:s14+$0x2300] =	vst v11;
	v11 =	vld.idx.msk [tilespmem:v12+s3+$0x0], $0xffff;
	v12 =	vor.u32 $0x1, v2  }
0x452: {  	s20 =	simm.s32 $0x50;
	[tilespmem:s7+$0x280] =	vst v13;
	v13 =	vadd.s32 $0x14, v1;
	v8 =	vld.idx.msk [tilespmem:v8+s3+$0x0], $0xffff  }
0x453: {  	s2 =	sand.u32 $0x70, s20;
	v14 =	vld.idx.msk [tilespmem:v14+s3+$0x0], $0xffff;
	[tilespmem:s28+$0x2080] =	vst v9;
	v9 =	vadd.s32 $0x10, v3  }
0x454: {  	v17 =	vor.u32 $0x7, v4;
	s30 =	sadd.s32 s2, s19;
	v7 =	vld.idx.msk [tilespmem:v7+s3+$0x0], $0xffff;
	[tilespmem:s21+$0x6000] =	vst v5  }
0x455: {  	v5 =	vld.idx.msk [tilespmem:v10+s3+$0x0], $0xffff;
	[tilespmem:s30+$0x0] =	vst v16;
	v10 =	vadd.s32 $0xB, v0  }
0x456: {  	v12 =	vld.idx.msk [tilespmem:v12+s3+$0x0], $0xffff;
	[tilespmem:s29+$0x4180] =	vst v11;
	v11 =	vadd.s32 $0x1A, v6  }
0x457: {  	[tilespmem:s14+$0x2380] =	vst v8;
	v8 =	vld.idx.msk [tilespmem:v13+s3+$0x0], $0xffff;
	v13 =	vor.u32 $0x2, v2  }
0x458: {  	[tilespmem:s7+$0x300] =	vst v14;
	v14 =	vadd.s32 $0x15, v1;
	v9 =	vld.idx.msk [tilespmem:v9+s3+$0x0], $0xffff  }
0x459: {  	v16 =	vld.idx.msk [tilespmem:v17+s3+$0x0], $0xffff;
	[tilespmem:s28+$0x2100] =	vst v7;
	v7 =	vadd.s32 $0x11, v3  }
0x45a: {  	v17 =	vadd.s32 $0x8, v4;
	v10 =	vld.idx.msk [tilespmem:v10+s3+$0x0], $0xffff;
	[tilespmem:s21+$0x6080] =	vst v5  }
0x45b: {  	v11 =	vld.idx.msk [tilespmem:v11+s3+$0x0], $0xffff;
	[tilespmem:s30+$0x80] =	vst v12;
	v12 =	vadd.s32 $0xC, v0  }
0x45c: {  	v13 =	vld.idx.msk [tilespmem:v13+s3+$0x0], $0xffff;
	[tilespmem:s29+$0x4200] =	vst v8;
	v8 =	vadd.s32 $0x1B, v6  }
0x45d: {  	[tilespmem:s14+$0x4000] =	vst v9;
	v9 =	vld.idx.msk [tilespmem:v14+s3+$0x0], $0xffff;
	v14 =	vor.u32 $0x3, v2  }
0x45e: {  	v5 =	vmul.u32 $0x28, v15;
	[tilespmem:s7+$0x380] =	vst v16;
	v16 =	vadd.s32 $0x16, v1;
	v7 =	vld.idx.msk [tilespmem:v7+s3+$0x0], $0xffff  }
0x45f: {  	v17 =	vld.idx.msk [tilespmem:v17+s3+$0x0], $0xffff;
	[tilespmem:s28+$0x2180] =	vst v10  }
0x460: {  	v10 =	vadd.s32 $0x12, v3;
	v12 =	vld.idx.msk [tilespmem:v12+s3+$0x0], $0xffff;
	[tilespmem:s21+$0x6100] =	vst v11  }
0x461: {  	v11 =	vadd.s32 $0xD, v0;
	v8 =	vld.idx.msk [tilespmem:v8+s3+$0x0], $0xffff;
	[tilespmem:s30+$0x100] =	vst v13  }
0x462: {  	v13 =	vadd.s32 $0x9, v4;
	v14 =	vld.idx.msk [tilespmem:v14+s3+$0x0], $0xffff;
	[tilespmem:s29+$0x4280] =	vst v9  }
0x463: {  	[tilespmem:s14+$0x4080] =	vst v7;
	v7 =	vadd.s32 $0x1C, v6;
	v9 =	vld.idx.msk [tilespmem:v16+s3+$0x0], $0xffff  }
0x464: {  	v15 =	vor.u32 $0x4, v2;
	v16 =	vld.idx.msk [tilespmem:v5+s3+$0x0], $0xffff;
	[tilespmem:s7+$0x2000] =	vst v17  }
0x465: {  	s2 =	simm.s32 $0x600;
	v10 =	vld.idx.msk [tilespmem:v10+s3+$0x0], $0xffff;
	[tilespmem:s28+$0x2200] =	vst v12;
	v12 =	vadd.s32 $0x17, v1  }
0x466: {  	s23 =	simm.s32 $0xC0;
	s22 =	sand.u32 $0x1C00, s2;
	v17 =	vadd.s32 $0x13, v3;
	v11 =	vld.idx.msk [tilespmem:v11+s3+$0x0], $0xffff;
	[tilespmem:s21+$0x6180] =	vst v8  }
0x467: {  	s6 =	sand.u32 $0x60, s23;
	s22 =	sadd.s32 $0x11C40, s22;
	v18 =	vor.u32 $0x1, v5;
	v13 =	vld.idx.msk [tilespmem:v13+s3+$0x0], $0xffff;
	[tilespmem:s30+$0x180] =	vst v14  }
0x468: {  	s20 =	sadd.s32 s6, s22;
	v8 =	vadd.s32 $0xE, v0;
	v7 =	vld.idx.msk [tilespmem:v7+s3+$0x0], $0xffff;
	[tilespmem:s29+$0x4300] =	vst v9  }
0x469: {  	v14 =	vadd.s32 $0xA, v4;
	v15 =	vld.idx.msk [tilespmem:v15+s3+$0x0], $0xffff;
	[tilespmem:s20+$0x0] =	vst v16  }
0x46a: {  	v9 =	vadd.s32 $0x1D, v6;
	[tilespmem:s14+$0x4100] =	vst v10;
	v10 =	vld.idx.msk [tilespmem:v12+s3+$0x0], $0xffff  }
0x46b: {  	v16 =	vor.u32 $0x5, v2;
	v12 =	vld.idx.msk [tilespmem:v17+s3+$0x0], $0xffff;
	[tilespmem:s28+$0x2280] =	vst v11  }
0x46c: {  	v17 =	vld.idx.msk [tilespmem:v18+s3+$0x0], $0xffff;
	v11 =	vadd.s32 $0x18, v1;
	[tilespmem:s7+$0x2080] =	vst v13  }
0x46d: {  	v13 =	vadd.s32 $0x14, v3;
	v8 =	vld.idx.msk [tilespmem:v8+s3+$0x0], $0xffff;
	[tilespmem:s21+$0x6200] =	vst v7  }
0x46e: {  	v18 =	vor.u32 $0x2, v5;
	v14 =	vld.idx.msk [tilespmem:v14+s3+$0x0], $0xffff;
	[tilespmem:s30+$0x200] =	vst v15  }
0x46f: {  	v15 =	vadd.s32 $0xB, v4;
	v7 =	vld.idx.msk [tilespmem:v9+s3+$0x0], $0xffff;
	[tilespmem:s29+$0x4380] =	vst v10  }
0x470: {  	v9 =	vadd.s32 $0xF, v0;
	v16 =	vld.idx.msk [tilespmem:v16+s3+$0x0], $0xffff;
	[tilespmem:s14+$0x4180] =	vst v12  }
0x471: {  	v10 =	vadd.s32 $0x1E, v6;
	[tilespmem:s20+$0x80] =	vst v17;
	v11 =	vld.idx.msk [tilespmem:v11+s3+$0x0], $0xffff  }
0x472: {  	v12 =	vld.idx.msk [tilespmem:v13+s3+$0x0], $0xffff;
	v13 =	vor.u32 $0x6, v2;
	[tilespmem:s28+$0x2300] =	vst v8  }
0x473: {  	v17 =	vld.idx.msk [tilespmem:v18+s3+$0x0], $0xffff;
	v8 =	vadd.s32 $0x19, v1;
	[tilespmem:s7+$0x2100] =	vst v14  }
0x474: {  	v14 =	vadd.s32 $0x15, v3;
	v15 =	vld.idx.msk [tilespmem:v15+s3+$0x0], $0xffff  }
0x475: {  	v18 =	vor.u32 $0x3, v5;
	v9 =	vld.idx.msk [tilespmem:v9+s3+$0x0], $0xffff;
	[tilespmem:s21+$0x6280] =	vst v7  }
0x476: {  	[tilespmem:s30+$0x280] =	vst v16;
	v16 =	vadd.s32 $0xC, v4;
	v7 =	vld.idx.msk [tilespmem:v10+s3+$0x0], $0xffff  }
0x477: {  	v10 =	vadd.s32 $0x10, v0;
	v13 =	vld.idx.msk [tilespmem:v13+s3+$0x0], $0xffff;
	[tilespmem:s29+$0x6000] =	vst v11  }
0x478: {  	v6 =	vadd.s32 $0x1F, v6;
	[tilespmem:s14+$0x4200] =	vst v12;
	v8 =	vld.idx.msk [tilespmem:v8+s3+$0x0], $0xffff  }
0x479: {  	[tilespmem:s20+$0x100] =	vst v17;
	v12 =	vor.u32 $0x7, v2;
	v11 =	vld.idx.msk [tilespmem:v14+s3+$0x0], $0xffff  }
0x47a: {  	v14 =	vld.idx.msk [tilespmem:v18+s3+$0x0], $0xffff;
	[tilespmem:s7+$0x2180] =	vst v15;
	v15 =	vadd.s32 $0x16, v3  }
0x47b: {  	v17 =	vor.u32 $0x4, v5;
	[tilespmem:s28+$0x2380] =	vst v9;
	v16 =	vld.idx.msk [tilespmem:v16+s3+$0x0], $0xffff  }
0x47c: {  	v9 =	vadd.s32 $0x1A, v1;
	v10 =	vld.idx.msk [tilespmem:v10+s3+$0x0], $0xffff;
	[tilespmem:s21+$0x6300] =	vst v7  }
0x47d: {  	v7 =	vadd.s32 $0x11, v0;
	v6 =	vld.idx.msk [tilespmem:v6+s3+$0x0], $0xffff;
	[tilespmem:s30+$0x300] =	vst v13  }
0x47e: {  	v13 =	vadd.s32 $0xD, v4;
	v12 =	vld.idx.msk [tilespmem:v12+s3+$0x0], $0xffff;
	[tilespmem:s14+$0x4280] =	vst v11  }
0x47f: {  	[tilespmem:s20+$0x180] =	vst v14;
	v11 =	vld.idx.msk [tilespmem:v15+s3+$0x0], $0xffff  }
0x480: {  	[tilespmem:s29+$0x6080] =	vst v8;
	v15 =	vadd.s32 $0x8, v2;
	v14 =	vld.idx.msk [tilespmem:v17+s3+$0x0], $0xffff  }
0x481: {  	v18 =	vadd.s32 $0x17, v3;
	v9 =	vld.idx.msk [tilespmem:v9+s3+$0x0], $0xffff;
	[tilespmem:s28+$0x4000] =	vst v10  }
0x482: {  	v17 =	vadd.s32 $0x1B, v1;
	[tilespmem:s7+$0x2200] =	vst v16;
	v8 =	vld.idx.msk [tilespmem:v7+s3+$0x0], $0xffff  }
0x483: {  	v13 =	vld.idx.msk [tilespmem:v13+s3+$0x0], $0xffff;
	[tilespmem:s21+$0x6380] =	vst v6  }
0x484: {  	v7 =	vadd.s32 $0x12, v0;
	v6 =	vld [tilespmem:s16+$0x0];
	[tilespmem:s30+$0x380] =	vst v12  }
0x485: {  	v10 =	vld.idx.msk [tilespmem:v15+s3+$0x0], $0xffff;
	[tilespmem:s14+$0x4300] =	vst v11;
	v15 =	vadd.s32 $0xE, v4  }
0x486: {  	s23 =	simm.s32 $0x70;
	s4 =	simm.s32 $0xC;
	s19 =	simm.s32 $0xB0;
	v16 =	vor.u32 $0x5, v5;
	[tilespmem:s29+$0x6100] =	vst v9;
	v12 =	vld.idx.msk [tilespmem:v18+s3+$0x0], $0xffff  }
0x487: {  	s6 =	simm.s32 $0x1A130;
	s21 =	simm.s32 $0x90;
	s16 =	simm.s32 $0xD0;
	v11 =	vadd.s32 $0x9, v2;
	v9 =	vld.idx.msk [tilespmem:v17+s3+$0x0], $0xffff  }
.LBB2_12:
0x488: {  	v17 =	vld [tilespmem:s6+$0xFFFFFFF0];
	[tilespmem:s28+$0x4080] =	vst v8;
	v8 =	vadd.s32 $0x1C, v1  }
0x489: {  	[tilespmem:s7+$0x2280] =	vst v13;
	v13 =	vadd.s32 $0x18, v3;
	v6 =	vmul.u32 $0x28, v6;
	v7 =	vld.idx.msk [tilespmem:v7+s3+$0x0], $0xffff  }
0x48a: {  	[tilespmem:s20+$0x200] =	vst v14;
	v14 =	vld.idx.msk [tilespmem:v15+s3+$0x0], $0xffff  }
0x48b: {  	v15 =	vld.idx.msk [tilespmem:v16+s3+$0x0], $0xffff;
	[tilespmem:s30+$0x2000] =	vst v10;
	v10 =	vadd.s32 $0x13, v0  }
0x48c: {  	v16 =	vadd.s32 $0xF, v4;
	v11 =	vld.idx.msk [tilespmem:v11+s3+$0x0], $0xffff;
	[tilespmem:s29+$0x6180] =	vst v9  }
0x48d: {  	v9 =	vor.u32 $0x6, v5;
	[tilespmem:s14+$0x4380] =	vst v12;
	v8 =	vld.idx.msk [tilespmem:v8+s3+$0x0], $0xffff  }
0x48e: {  	v12 =	vld.idx.msk [tilespmem:v13+s3+$0x0], $0xffff;
	v13 =	vadd.s32 $0xA, v2  }
0x48f: {  	v18 =	vld.idx.msk [tilespmem:v6+s3+$0x0], $0xffff;
	[tilespmem:s28+$0x4100] =	vst v7;
	v7 =	vadd.s32 $0x1D, v1  }
0x490: {  	[tilespmem:s7+$0x2300] =	vst v14;
	v14 =	vadd.s32 $0x19, v3;
	v10 =	vld.idx.msk [tilespmem:v10+s3+$0x0], $0xffff  }
0x491: {  	[tilespmem:s20+$0x280] =	vst v15;
	v15 =	vld.idx.msk [tilespmem:v16+s3+$0x0], $0xffff;
	v16 =	vor.u32 $0x1, v6  }
0x492: {  	v9 =	vld.idx.msk [tilespmem:v9+s3+$0x0], $0xffff;
	[tilespmem:s30+$0x2080] =	vst v11;
	v11 =	vadd.s32 $0x14, v0  }
0x493: {  	v19 =	vadd.s32 $0x10, v4;
	s10 =	sand.u32 $0x70, s23;
	s23 =	smov.u32 s21;
	s21 =	smov.u32 s19;
	v13 =	vld.idx.msk [tilespmem:v13+s3+$0x0], $0xffff;
	[tilespmem:s29+$0x6200] =	vst v8  }
0x494: {  	s19 =	smov.u32 s16;
	s10 =	sadd.s32 s10, s31;
	s31 =	smov.u32 s1;
	v8 =	vor.u32 $0x7, v5;
	[tilespmem:s14+$0x6000] =	vst v12;
	v7 =	vld.idx.msk [tilespmem:v7+s3+$0x0], $0xffff  }
0x495: {  	s1 =	smov.u32 s5;
	s5 =	smov.u32 s22;
	v12 =	vld.idx.msk [tilespmem:v14+s3+$0x0], $0xffff;
	[tilespmem:s10+$0x0] =	vst v18;
	v14 =	vadd.s32 $0xB, v2  }
0x496: {  	v16 =	vld.idx.msk [tilespmem:v16+s3+$0x0], $0xffff;
	[tilespmem:s28+$0x4180] =	vst v10;
	v10 =	vadd.s32 $0x1E, v1  }
0x497: {  	[tilespmem:s7+$0x2380] =	vst v15;
	v15 =	vadd.s32 $0x1A, v3;
	v11 =	vld.idx.msk [tilespmem:v11+s3+$0x0], $0xffff  }
0x498: {  	v18 =	vor.u32 $0x2, v6;
	[tilespmem:s20+$0x300] =	vst v9;
	v9 =	vld.idx.msk [tilespmem:v19+s3+$0x0], $0xffff  }
0x499: {  	v8 =	vld.idx.msk [tilespmem:v8+s3+$0x0], $0xffff;
	[tilespmem:s30+$0x2100] =	vst v13;
	v13 =	vadd.s32 $0x15, v0  }
0x49a: {  	v19 =	vadd.s32 $0x11, v4;
	v14 =	vld.idx.msk [tilespmem:v14+s3+$0x0], $0xffff;
	[tilespmem:s29+$0x6280] =	vst v7  }
0x49b: {  	v7 =	vadd.s32 $0x8, v5;
	[tilespmem:s14+$0x6080] =	vst v12;
	v10 =	vld.idx.msk [tilespmem:v10+s3+$0x0], $0xffff  }
0x49c: {  	v12 =	vld.idx.msk [tilespmem:v15+s3+$0x0], $0xffff;
	[tilespmem:s10+$0x80] =	vst v16;
	v15 =	vadd.s32 $0xC, v2  }
0x49d: {  	v16 =	vld.idx.msk [tilespmem:v18+s3+$0x0], $0xffff;
	[tilespmem:s28+$0x4200] =	vst v11;
	v11 =	vadd.s32 $0x1F, v1;
	v1 =	vmovc v0;
	v0 =	vmov v2;
	v2 =	vmov v6  }
0x49e: {  	v6 =	vadd.s32 $0x1B, v3;
	[tilespmem:s7+$0x4000] =	vst v9;
	v9 =	vld.idx.msk [tilespmem:v13+s3+$0x0], $0xffff  }
0x49f: {  	v13 =	vor.u32 $0x3, v2;
	[tilespmem:s20+$0x380] =	vst v8;
	v8 =	vld.idx.msk [tilespmem:v19+s3+$0x0], $0xffff  }
0x4a0: {  	v7 =	vld.idx.msk [tilespmem:v7+s3+$0x0], $0xffff;
	[tilespmem:s30+$0x2180] =	vst v14;
	v14 =	vadd.s32 $0x16, v1  }
0x4a1: {  	s4 =	sadd.s32 $0x2, s4;
	v17 =	vmul.u32 $0x28, v17;
	v18 =	vadd.s32 $0x12, v4;
	v15 =	vld.idx.msk [tilespmem:v15+s3+$0x0], $0xffff;
	[tilespmem:s29+$0x6300] =	vst v10  }
0x4a2: {  	p3 =	slt.u32 s4, $0x3E;
	[tilespmem:s14+$0x6100] =	vst v12;
	v10 =	vld.idx.msk [tilespmem:v11+s3+$0x0], $0xffff  }
0x4a3: {  	v11 =	vadd.s32 $0xD, v0;
	v6 =	vld.idx.msk [tilespmem:v6+s3+$0x0], $0xffff;
	[tilespmem:s10+$0x100] =	vst v16  }
0x4a4: {  	v12 =	vadd.s32 $0x9, v5;
	v13 =	vld.idx.msk [tilespmem:v13+s3+$0x0], $0xffff;
	[tilespmem:s28+$0x4280] =	vst v9  }
0x4a5: {  	[tilespmem:s7+$0x4080] =	vst v8;
	v8 =	vadd.s32 $0x1C, v3;
	v9 =	vld.idx.msk [tilespmem:v14+s3+$0x0], $0xffff  }
0x4a6: {  	v14 =	vor.u32 $0x4, v2;
	[tilespmem:s20+$0x2000] =	vst v7;
	v7 =	vld.idx.msk [tilespmem:v18+s3+$0x0], $0xffff  }
0x4a7: {  	v16 =	vld.idx.msk [tilespmem:v17+s3+$0x0], $0xffff;
	[tilespmem:s30+$0x2200] =	vst v15;
	v15 =	vadd.s32 $0x17, v1  }
0x4a8: {  	v18 =	vadd.s32 $0x13, v4;
	v11 =	vld.idx.msk [tilespmem:v11+s3+$0x0], $0xffff;
	[tilespmem:s29+$0x6380] =	vst v10;
	s29 =	smov.u32 s28;
	s28 =	smov.u32 s30;
	s30 =	smov.u32 s10  }
0x4a9: {  	s16 =	sadd.s32 $0x20, s16;
	s2 =	sadd.s32 $0x100, s2;
	v10 =	vor.u32 $0x1, v17;
	v12 =	vld.idx.msk [tilespmem:v12+s3+$0x0], $0xffff;
	[tilespmem:s14+$0x6180] =	vst v6  }
0x4aa: {  	s22 =	sadd.s32 $0xFFFFFFF0, s16;
	s10 =	sand.u32 $0x1C00, s2;
	v6 =	vld.idx.msk [tilespmem:v8+s3+$0x0], $0xffff;
	[tilespmem:s30+$0x180] =	vst v13;
	v8 =	vadd.s32 $0xE, v0  }
0x4ab: {  	s11 =	sand.u32 $0x60, s22;
	s22 =	sadd.s32 $0x11C40, s10;
	v13 =	vadd.s32 $0xA, v5;
	v14 =	vld.idx.msk [tilespmem:v14+s3+$0x0], $0xffff;
	[tilespmem:s29+$0x4300] =	vst v9  }
0x4ac: {  	s10 =	sadd.s32 s11, s22;
	[tilespmem:s7+$0x4100] =	vst v7;
	v7 =	vadd.s32 $0x1D, v3;
	v9 =	vld.idx.msk [tilespmem:v15+s3+$0x0], $0xffff  }
0x4ad: {  	[tilespmem:s10+$0x0] =	vst v16;
	v15 =	vld.idx.msk [tilespmem:v18+s3+$0x0], $0xffff;
	v16 =	vor.u32 $0x5, v2  }
0x4ae: {  	v10 =	vld.idx.msk [tilespmem:v10+s3+$0x0], $0xffff;
	[tilespmem:s28+$0x2280] =	vst v11;
	v11 =	vadd.s32 $0x18, v1  }
0x4af: {  	[tilespmem:s20+$0x2080] =	vst v12;
	v12 =	vadd.s32 $0x14, v4;
	v8 =	vld.idx.msk [tilespmem:v8+s3+$0x0], $0xffff  }
0x4b0: {  	v18 =	vor.u32 $0x2, v17;
	v13 =	vld.idx.msk [tilespmem:v13+s3+$0x0], $0xffff;
	[tilespmem:s14+$0x6200] =	vst v6  }
0x4b1: {  	v6 =	vld.idx.msk [tilespmem:v7+s3+$0x0], $0xffff;
	[tilespmem:s30+$0x200] =	vst v14;
	v7 =	vadd.s32 $0xF, v0  }
0x4b2: {  	v14 =	vadd.s32 $0xB, v5;
	v16 =	vld.idx.msk [tilespmem:v16+s3+$0x0], $0xffff;
	[tilespmem:s29+$0x4380] =	vst v9  }
0x4b3: {  	v9 =	vadd.s32 $0x1E, v3;
	[tilespmem:s7+$0x4180] =	vst v15;
	v11 =	vld.idx.msk [tilespmem:v11+s3+$0x0], $0xffff  }
0x4b4: {  	[tilespmem:s10+$0x80] =	vst v10;
	v10 =	vld.idx.msk [tilespmem:v12+s3+$0x0], $0xffff;
	v12 =	vor.u32 $0x6, v2  }
0x4b5: {  	v15 =	vld.idx.msk [tilespmem:v18+s3+$0x0], $0xffff;
	[tilespmem:s28+$0x2300] =	vst v8;
	v8 =	vadd.s32 $0x19, v1  }
0x4b6: {  	[tilespmem:s20+$0x2100] =	vst v13;
	v13 =	vadd.s32 $0x15, v4;
	v7 =	vld.idx.msk [tilespmem:v7+s3+$0x0], $0xffff  }
0x4b7: {  	v18 =	vor.u32 $0x3, v17;
	v14 =	vld.idx.msk [tilespmem:v14+s3+$0x0], $0xffff;
	[tilespmem:s14+$0x6280] =	vst v6  }
0x4b8: {  	v6 =	vld.idx.msk [tilespmem:v9+s3+$0x0], $0xffff;
	[tilespmem:s30+$0x280] =	vst v16;
	v9 =	vadd.s32 $0x10, v0  }
0x4b9: {  	v16 =	vadd.s32 $0xC, v5;
	v12 =	vld.idx.msk [tilespmem:v12+s3+$0x0], $0xffff;
	[tilespmem:s29+$0x6000] =	vst v11  }
0x4ba: {  	[tilespmem:s7+$0x4200] =	vst v10;
	v10 =	vadd.s32 $0x1F, v3;
	v8 =	vld.idx.msk [tilespmem:v8+s3+$0x0], $0xffff;
	v3 =	vmovc v4;
	v4 =	vmov v5;
	v5 =	vmov v17  }
0x4bb: {  	[tilespmem:s10+$0x100] =	vst v15;
	v11 =	vld.idx.msk [tilespmem:v13+s3+$0x0], $0xffff;
	v13 =	vor.u32 $0x7, v2  }
0x4bc: {  	v15 =	vld.idx.msk [tilespmem:v18+s3+$0x0], $0xffff;
	[tilespmem:s28+$0x2380] =	vst v7;
	v7 =	vadd.s32 $0x1A, v1  }
0x4bd: {  	[tilespmem:s20+$0x2180] =	vst v14;
	v14 =	vadd.s32 $0x16, v3;
	v9 =	vld.idx.msk [tilespmem:v9+s3+$0x0], $0xffff  }
0x4be: {  	v17 =	vor.u32 $0x4, v5;
	v16 =	vld.idx.msk [tilespmem:v16+s3+$0x0], $0xffff;
	[tilespmem:s14+$0x6300] =	vst v6  }
0x4bf: {  	v6 =	vld.idx.msk [tilespmem:v10+s3+$0x0], $0xffff;
	[tilespmem:s30+$0x300] =	vst v12;
	v10 =	vadd.s32 $0x11, v0  }
0x4c0: {  	v12 =	vadd.s32 $0xD, v4;
	v18 =	vld.idx.msk [tilespmem:v13+s3+$0x0], $0xffff;
	[tilespmem:s29+$0x6080] =	vst v8  }
0x4c1: {  	[tilespmem:s7+$0x4280] =	vst v11;
	v11 =	vld.idx.msk [tilespmem:v7+s3+$0x0], $0xffff  }
0x4c2: {  	v20 =	vadd.s32 $0x8, v2;
	[tilespmem:s10+$0x180] =	vst v15;
	v19 =	vld.idx.msk [tilespmem:v14+s3+$0x0], $0xffff  }
0x4c3: {  	v14 =	vld.idx.msk [tilespmem:v17+s3+$0x0], $0xffff;
	[tilespmem:s28+$0x4000] =	vst v9;
	v9 =	vadd.s32 $0x1B, v1  }
0x4c4: {  	v17 =	vadd.s32 $0x17, v3;
	[tilespmem:s20+$0x2200] =	vst v16;
	v8 =	vld.idx.msk [tilespmem:v10+s3+$0x0], $0xffff  }
.Ltmp9:
0x4c5: {  	v13 =	vld.idx.msk [tilespmem:v12+s3+$0x0], $0xffff;
	[tilespmem:s14+$0x6380] =	vst v6;
	s14 =	smov.u32 s7;
	s7 =	smov.u32 s20;
	(pc) =	sbr.rel @p3 .LBB2_12-.Ltmp9, $4  }
0x4c6: {  	v7 =	vadd.s32 $0x12, v0;
	s20 =	smov.u32 s10;
	v6 =	vld [tilespmem:s0+$0x0];
	[tilespmem:s30+$0x380] =	vst v18;
	s0 =	smov.u32 s15;
	s15 =	smov.u32 s12  }
0x4c7: {  	v15 =	vadd.s32 $0xE, v4;
	s12 =	smov.u32 s6;
	v10 =	vld.idx.msk [tilespmem:v20+s3+$0x0], $0xffff;
	[tilespmem:s29+$0x6100] =	vst v11  }
0x4c8: {  	v16 =	vor.u32 $0x5, v5;
	[tilespmem:s14+$0x4300] =	vst v19;
	v9 =	vld.idx.msk [tilespmem:v9+s3+$0x0], $0xffff  }
0x4c9: {  	s6 =	sadd.s32 $0x20, s6;
	v11 =	vadd.s32 $0x9, v2;
	v12 =	vld.idx.msk [tilespmem:v17+s3+$0x0], $0xffff  }
0x4ca: {  	_ =	sdelay $0x2  }
0x4cb: {  	[tilespmem:s20+$0x200] =	vst v14  }
0x4cc: {  	v14 =	vld.idx.msk [tilespmem:v16+s3+$0x0], $0xffff  }
0x4cd: {  	v45 =	vor.u32 $0x6, v5;
	_ =	sdelay $0x3  }
0x4ce: {  	[tilespmem:s20+$0x280] =	vst v14  }
0x4cf: {  	v14 =	vld.idx.msk [tilespmem:v45+s3+$0x0], $0xffff  }
0x4d0: {  	v46 =	vor.u32 $0x7, v5;
	_ =	sdelay $0x3  }
0x4d1: {  	[tilespmem:s20+$0x300] =	vst v14  }
0x4d2: {  	v14 =	vld.idx.msk [tilespmem:v46+s3+$0x0], $0xffff  }
0x4d3: {  	v47 =	vadd.s32 $0x8, v5;
	_ =	sdelay $0x3  }
0x4d4: {  	[tilespmem:s20+$0x380] =	vst v14  }
0x4d5: {  	v14 =	vld.idx.msk [tilespmem:v47+s3+$0x0], $0xffff  }
0x4d6: {  	v48 =	vadd.s32 $0x9, v5;
	_ =	sdelay $0x3  }
0x4d7: {  	[tilespmem:s20+$0x2000] =	vst v14  }
0x4d8: {  	v14 =	vld.idx.msk [tilespmem:v48+s3+$0x0], $0xffff  }
0x4d9: {  	v49 =	vadd.s32 $0xA, v5;
	_ =	sdelay $0x3  }
0x4da: {  	[tilespmem:s20+$0x2080] =	vst v14  }
0x4db: {  	v14 =	vld.idx.msk [tilespmem:v49+s3+$0x0], $0xffff  }
0x4dc: {  	v50 =	vadd.s32 $0xB, v5;
	_ =	sdelay $0x3  }
0x4dd: {  	[tilespmem:s20+$0x2100] =	vst v14  }
0x4de: {  	v14 =	vld.idx.msk [tilespmem:v50+s3+$0x0], $0xffff  }
0x4df: {  	v51 =	vadd.s32 $0xC, v5;
	_ =	sdelay $0x3  }
0x4e0: {  	[tilespmem:s20+$0x2180] =	vst v14  }
0x4e1: {  	v14 =	vld.idx.msk [tilespmem:v51+s3+$0x0], $0xffff  }
0x4e2: {  	v52 =	vadd.s32 $0xD, v5;
	_ =	sdelay $0x3  }
0x4e3: {  	[tilespmem:s20+$0x2200] =	vst v14  }
0x4e4: {  	v14 =	vld.idx.msk [tilespmem:v52+s3+$0x0], $0xffff  }
0x4e5: {  	v53 =	vadd.s32 $0xE, v5;
	_ =	sdelay $0x1  }
0x4e6: {  	[tilespmem:s7+$0x2280] =	vst v13  }
0x4e7: {  	v13 =	vld.idx.msk [tilespmem:v15+s3+$0x0], $0xffff  }
0x4e8: {  	v54 =	vadd.s32 $0xF, v4;
	[tilespmem:s20+$0x2280] =	vst v14  }
0x4e9: {  	v55 =	vld.idx.msk [tilespmem:v53+s3+$0x0], $0xffff  }
0x4ea: {  	v56 =	vadd.s32 $0xF, v5;
	_ =	sdelay $0x1  }
0x4eb: {  	[tilespmem:s7+$0x2300] =	vst v13  }
0x4ec: {  	v13 =	vld.idx.msk [tilespmem:v54+s3+$0x0], $0xffff  }
0x4ed: {  	v57 =	vadd.s32 $0x10, v4;
	[tilespmem:s20+$0x2300] =	vst v55  }
0x4ee: {  	v15 =	vld.idx.msk [tilespmem:v56+s3+$0x0], $0xffff  }
0x4ef: {  	v58 =	vadd.s32 $0x10, v5;
	_ =	sdelay $0x1  }
0x4f0: {  	[tilespmem:s7+$0x2380] =	vst v13  }
0x4f1: {  	v13 =	vld.idx.msk [tilespmem:v57+s3+$0x0], $0xffff  }
0x4f2: {  	v59 =	vadd.s32 $0x11, v4;
	[tilespmem:s20+$0x2380] =	vst v15  }
0x4f3: {  	v15 =	vld.idx.msk [tilespmem:v58+s3+$0x0], $0xffff  }
0x4f4: {  	v60 =	vadd.s32 $0x11, v5;
	_ =	sdelay $0x1  }
0x4f5: {  	[tilespmem:s7+$0x4000] =	vst v13  }
0x4f6: {  	v13 =	vld.idx.msk [tilespmem:v59+s3+$0x0], $0xffff  }
0x4f7: {  	v61 =	vadd.s32 $0x12, v4;
	[tilespmem:s20+$0x4000] =	vst v15  }
0x4f8: {  	v15 =	vld.idx.msk [tilespmem:v60+s3+$0x0], $0xffff  }
0x4f9: {  	v62 =	vadd.s32 $0x12, v5;
	_ =	sdelay $0x1  }
0x4fa: {  	[tilespmem:s7+$0x4080] =	vst v13  }
0x4fb: {  	v13 =	vld.idx.msk [tilespmem:v61+s3+$0x0], $0xffff  }
0x4fc: {  	v63 =	vadd.s32 $0x13, v4;
	[tilespmem:s20+$0x4080] =	vst v15  }
0x4fd: {  	v15 =	vld.idx.msk [tilespmem:v62+s3+$0x0], $0xffff  }
0x4fe: {  	v20 =	vadd.s32 $0x13, v5;
	_ =	sdelay $0x1  }
0x4ff: {  	[tilespmem:s7+$0x4100] =	vst v13  }
0x500: {  	v13 =	vld.idx.msk [tilespmem:v63+s3+$0x0], $0xffff  }
0x501: {  	v21 =	vadd.s32 $0x14, v4;
	[tilespmem:s20+$0x4100] =	vst v15  }
0x502: {  	v15 =	vld.idx.msk [tilespmem:v20+s3+$0x0], $0xffff  }
0x503: {  	v22 =	vadd.s32 $0x14, v5;
	_ =	sdelay $0x1  }
0x504: {  	[tilespmem:s7+$0x4180] =	vst v13  }
0x505: {  	v13 =	vld.idx.msk [tilespmem:v21+s3+$0x0], $0xffff  }
0x506: {  	v23 =	vadd.s32 $0x15, v4;
	[tilespmem:s20+$0x4180] =	vst v15  }
0x507: {  	v15 =	vld.idx.msk [tilespmem:v22+s3+$0x0], $0xffff  }
0x508: {  	v24 =	vadd.s32 $0x15, v5;
	_ =	sdelay $0x1  }
0x509: {  	[tilespmem:s7+$0x4200] =	vst v13  }
0x50a: {  	v13 =	vld.idx.msk [tilespmem:v23+s3+$0x0], $0xffff  }
0x50b: {  	v25 =	vadd.s32 $0x16, v4;
	[tilespmem:s20+$0x4200] =	vst v15  }
0x50c: {  	v15 =	vld.idx.msk [tilespmem:v24+s3+$0x0], $0xffff  }
0x50d: {  	v26 =	vadd.s32 $0x16, v5;
	_ =	sdelay $0x1  }
0x50e: {  	[tilespmem:s7+$0x4280] =	vst v13  }
0x50f: {  	v13 =	vld.idx.msk [tilespmem:v25+s3+$0x0], $0xffff  }
0x510: {  	v27 =	vadd.s32 $0x17, v4;
	[tilespmem:s20+$0x4280] =	vst v15  }
0x511: {  	v15 =	vld.idx.msk [tilespmem:v26+s3+$0x0], $0xffff  }
0x512: {  	v28 =	vadd.s32 $0x17, v5;
	_ =	sdelay $0x1  }
0x513: {  	[tilespmem:s7+$0x4300] =	vst v13  }
0x514: {  	v14 =	vld.idx.msk [tilespmem:v27+s3+$0x0], $0xffff  }
0x515: {  	v30 =	vadd.s32 $0x18, v4;
	[tilespmem:s20+$0x4300] =	vst v15  }
0x516: {  	v29 =	vadd.s32 $0x18, v3;
	v16 =	vld.idx.msk [tilespmem:v28+s3+$0x0], $0xffff  }
0x517: {  	v17 =	vadd.s32 $0x18, v5;
	_ =	sdelay $0x1  }
0x518: {  	[tilespmem:s7+$0x4380] =	vst v14  }
0x519: {  	[tilespmem:s14+$0x4380] =	vst v12;
	v14 =	vld.idx.msk [tilespmem:v30+s3+$0x0], $0xffff  }
0x51a: {  	v32 =	vadd.s32 $0x19, v4;
	v12 =	vld.idx.msk [tilespmem:v29+s3+$0x0], $0xffff;
	[tilespmem:s20+$0x4380] =	vst v16  }
0x51b: {  	v31 =	vadd.s32 $0x19, v3;
	v16 =	vld.idx.msk [tilespmem:v17+s3+$0x0], $0xffff  }
0x51c: {  	v33 =	vadd.s32 $0x19, v5;
	_ =	sdelay $0x1  }
0x51d: {  	[tilespmem:s7+$0x6000] =	vst v14  }
0x51e: {  	[tilespmem:s14+$0x6000] =	vst v12;
	v14 =	vld.idx.msk [tilespmem:v32+s3+$0x0], $0xffff  }
0x51f: {  	v35 =	vadd.s32 $0x1A, v4;
	v12 =	vld.idx.msk [tilespmem:v31+s3+$0x0], $0xffff;
	[tilespmem:s20+$0x6000] =	vst v16  }
0x520: {  	v34 =	vadd.s32 $0x1A, v3;
	v16 =	vld.idx.msk [tilespmem:v33+s3+$0x0], $0xffff  }
0x521: {  	v36 =	vadd.s32 $0x1A, v5;
	_ =	sdelay $0x1  }
0x522: {  	[tilespmem:s7+$0x6080] =	vst v14  }
0x523: {  	[tilespmem:s14+$0x6080] =	vst v12;
	v14 =	vld.idx.msk [tilespmem:v35+s3+$0x0], $0xffff  }
0x524: {  	v38 =	vadd.s32 $0x1B, v4;
	v12 =	vld.idx.msk [tilespmem:v34+s3+$0x0], $0xffff;
	[tilespmem:s20+$0x6080] =	vst v16  }
0x525: {  	v37 =	vadd.s32 $0x1B, v3;
	v16 =	vld.idx.msk [tilespmem:v36+s3+$0x0], $0xffff  }
0x526: {  	v39 =	vadd.s32 $0x1B, v5;
	_ =	sdelay $0x1  }
0x527: {  	[tilespmem:s7+$0x6100] =	vst v14  }
0x528: {  	[tilespmem:s14+$0x6100] =	vst v12;
	v14 =	vld.idx.msk [tilespmem:v38+s3+$0x0], $0xffff  }
0x529: {  	v41 =	vadd.s32 $0x1C, v4;
	v12 =	vld.idx.msk [tilespmem:v37+s3+$0x0], $0xffff;
	[tilespmem:s20+$0x6100] =	vst v16  }
0x52a: {  	v40 =	vadd.s32 $0x1C, v3;
	v16 =	vld.idx.msk [tilespmem:v39+s3+$0x0], $0xffff  }
0x52b: {  	v42 =	vadd.s32 $0x1C, v5;
	_ =	sdelay $0x1  }
0x52c: {  	[tilespmem:s7+$0x6180] =	vst v14  }
0x52d: {  	[tilespmem:s14+$0x6180] =	vst v12;
	v14 =	vld.idx.msk [tilespmem:v41+s3+$0x0], $0xffff  }
0x52e: {  	v44 =	vadd.s32 $0x1D, v4;
	v12 =	vld.idx.msk [tilespmem:v40+s3+$0x0], $0xffff;
	[tilespmem:s20+$0x6180] =	vst v16  }
0x52f: {  	v43 =	vadd.s32 $0x1D, v3;
	v16 =	vld.idx.msk [tilespmem:v42+s3+$0x0], $0xffff  }
0x530: {  	v45 =	vadd.s32 $0x1D, v5;
	_ =	sdelay $0x1  }
0x531: {  	[tilespmem:s7+$0x6200] =	vst v14  }
0x532: {  	[tilespmem:s14+$0x6200] =	vst v12;
	v14 =	vld.idx.msk [tilespmem:v44+s3+$0x0], $0xffff  }
0x533: {  	v47 =	vadd.s32 $0x1E, v4;
	v12 =	vld.idx.msk [tilespmem:v43+s3+$0x0], $0xffff;
	[tilespmem:s20+$0x6200] =	vst v16  }
0x534: {  	v46 =	vadd.s32 $0x1E, v3;
	v16 =	vld.idx.msk [tilespmem:v45+s3+$0x0], $0xffff  }
0x535: {  	v48 =	vadd.s32 $0x1E, v5;
	_ =	sdelay $0x1  }
0x536: {  	[tilespmem:s7+$0x6280] =	vst v14  }
0x537: {  	[tilespmem:s14+$0x6280] =	vst v12;
	v50 =	vld.idx.msk [tilespmem:v47+s3+$0x0], $0xffff  }
0x538: {  	v12 =	vld.idx.msk [tilespmem:v46+s3+$0x0], $0xffff;
	v51 =	vadd.s32 $0x1F, v4;
	[tilespmem:s20+$0x6280] =	vst v16  }
0x539: {  	v49 =	vadd.s32 $0x1F, v3;
	v52 =	vld.idx.msk [tilespmem:v48+s3+$0x0], $0xffff  }
0x53a: {  	v53 =	vadd.s32 $0x1F, v5;
	_ =	sdelay $0x1  }
0x53b: {  	[tilespmem:s7+$0x6300] =	vst v50  }
0x53c: {  	[tilespmem:s14+$0x6300] =	vst v12;
	v4 =	vld.idx.msk [tilespmem:v51+s3+$0x0], $0xffff  }
0x53d: {  	v3 =	vld.idx.msk [tilespmem:v49+s3+$0x0], $0xffff;
	[tilespmem:s20+$0x6300] =	vst v52  }
0x53e: {  	v5 =	vld.idx.msk [tilespmem:v53+s3+$0x0], $0xffff;
	_ =	sdelay $0x2  }
0x53f: {  	[tilespmem:s7+$0x6380] =	vst v4  }
0x540: {  	[tilespmem:s14+$0x6380] =	vst v3;
	v4 =	vld [tilespmem:s15+$0x0]  }
0x541: {  	v3 =	vld [tilespmem:s0+$0x0];
	[tilespmem:s20+$0x6380] =	vst v5  }
0x542: {  	v54 =	vld [tilespmem:s12+$0x0];
	_ =	sdelay $0x1  }
0x543: {  	v6 =	vmul.u32 $0x28, v6  }
0x544: {  	v4 =	vmul.u32 $0x28, v4  }
0x545: {  	v5 =	vmul.u32 $0x28, v3  }
0x546: {  	v3 =	vmul.u32 $0x28, v54;
	_ =	sdelay $0x2  }
0x547: {  	v55 =	vld.idx.msk [tilespmem:v6+s3+$0x0], $0xffff  }
0x548: {  	v56 =	vor.u32 $0x1, v6;
	v59 =	vld.idx.msk [tilespmem:v4+s3+$0x0], $0xffff  }
0x549: {  	v60 =	vor.u32 $0x1, v4;
	v57 =	vld.idx.msk [tilespmem:v5+s3+$0x0], $0xffff  }
0x54a: {  	s15 =	sand.u32 $0x70, s23;
	v58 =	vor.u32 $0x1, v5;
	v18 =	vld.idx.msk [tilespmem:v3+s3+$0x0], $0xffff  }
0x54b: {  	s0 =	sadd.s32 s15, s31;
	s20 =	sand.u32 $0x70, s19;
	v19 =	vor.u32 $0x1, v3  }
0x54c: {  	s2 =	sand.u32 $0x70, s21;
	[tilespmem:s0+$0x0] =	vst v55;
	s5 =	sadd.s32 s20, s5  }
0x54d: {  	s21 =	sand.u32 $0x70, s16;
	s1 =	sadd.s32 s2, s1;
	v12 =	vld.idx.msk [tilespmem:v56+s3+$0x0], $0xffff;
	[tilespmem:s5+$0x0] =	vst v59  }
0x54e: {  	v61 =	vor.u32 $0x2, v6;
	s23 =	sadd.s32 s21, s22;
	v16 =	vld.idx.msk [tilespmem:v60+s3+$0x0], $0xffff;
	[tilespmem:s1+$0x0] =	vst v57  }
0x54f: {  	v63 =	vor.u32 $0x2, v4;
	v14 =	vld.idx.msk [tilespmem:v58+s3+$0x0], $0xffff;
	[tilespmem:s23+$0x0] =	vst v18  }
0x550: {  	v62 =	vor.u32 $0x2, v5;
	v18 =	vld.idx.msk [tilespmem:v19+s3+$0x0], $0xffff  }
0x551: {  	v21 =	vor.u32 $0x2, v3  }
0x552: {  	[tilespmem:s0+$0x80] =	vst v12  }
0x553: {  	v12 =	vld.idx.msk [tilespmem:v61+s3+$0x0], $0xffff;
	[tilespmem:s5+$0x80] =	vst v16  }
0x554: {  	v22 =	vor.u32 $0x3, v6;
	v16 =	vld.idx.msk [tilespmem:v63+s3+$0x0], $0xffff;
	[tilespmem:s1+$0x80] =	vst v14  }
0x555: {  	v24 =	vor.u32 $0x3, v4;
	v14 =	vld.idx.msk [tilespmem:v62+s3+$0x0], $0xffff;
	[tilespmem:s23+$0x80] =	vst v18  }
0x556: {  	v23 =	vor.u32 $0x3, v5;
	v18 =	vld.idx.msk [tilespmem:v21+s3+$0x0], $0xffff  }
0x557: {  	v25 =	vor.u32 $0x3, v3  }
0x558: {  	[tilespmem:s0+$0x100] =	vst v12  }
0x559: {  	v12 =	vld.idx.msk [tilespmem:v22+s3+$0x0], $0xffff;
	[tilespmem:s5+$0x100] =	vst v16  }
0x55a: {  	v26 =	vor.u32 $0x4, v6;
	v16 =	vld.idx.msk [tilespmem:v24+s3+$0x0], $0xffff;
	[tilespmem:s1+$0x100] =	vst v14  }
0x55b: {  	v28 =	vor.u32 $0x4, v4;
	v14 =	vld.idx.msk [tilespmem:v23+s3+$0x0], $0xffff;
	[tilespmem:s23+$0x100] =	vst v18  }
0x55c: {  	v27 =	vor.u32 $0x4, v5;
	v18 =	vld.idx.msk [tilespmem:v25+s3+$0x0], $0xffff  }
0x55d: {  	v29 =	vor.u32 $0x4, v3  }
0x55e: {  	[tilespmem:s0+$0x180] =	vst v12  }
0x55f: {  	v12 =	vld.idx.msk [tilespmem:v26+s3+$0x0], $0xffff;
	[tilespmem:s5+$0x180] =	vst v16  }
0x560: {  	v30 =	vor.u32 $0x5, v6;
	v16 =	vld.idx.msk [tilespmem:v28+s3+$0x0], $0xffff;
	[tilespmem:s1+$0x180] =	vst v14  }
0x561: {  	v32 =	vor.u32 $0x5, v4;
	v14 =	vld.idx.msk [tilespmem:v27+s3+$0x0], $0xffff;
	[tilespmem:s23+$0x180] =	vst v18  }
0x562: {  	v31 =	vor.u32 $0x5, v5;
	v18 =	vld.idx.msk [tilespmem:v29+s3+$0x0], $0xffff  }
0x563: {  	v33 =	vor.u32 $0x5, v3  }
0x564: {  	[tilespmem:s0+$0x200] =	vst v12  }
0x565: {  	v12 =	vld.idx.msk [tilespmem:v30+s3+$0x0], $0xffff;
	[tilespmem:s5+$0x200] =	vst v16  }
0x566: {  	v34 =	vor.u32 $0x6, v6;
	v16 =	vld.idx.msk [tilespmem:v32+s3+$0x0], $0xffff;
	[tilespmem:s1+$0x200] =	vst v14  }
0x567: {  	v36 =	vor.u32 $0x6, v4;
	v14 =	vld.idx.msk [tilespmem:v31+s3+$0x0], $0xffff;
	[tilespmem:s23+$0x200] =	vst v18  }
0x568: {  	v35 =	vor.u32 $0x6, v5;
	v18 =	vld.idx.msk [tilespmem:v33+s3+$0x0], $0xffff  }
0x569: {  	v37 =	vor.u32 $0x6, v3  }
0x56a: {  	[tilespmem:s0+$0x280] =	vst v12  }
0x56b: {  	v12 =	vld.idx.msk [tilespmem:v34+s3+$0x0], $0xffff;
	[tilespmem:s5+$0x280] =	vst v16  }
0x56c: {  	v38 =	vor.u32 $0x7, v6;
	v16 =	vld.idx.msk [tilespmem:v36+s3+$0x0], $0xffff;
	[tilespmem:s1+$0x280] =	vst v14  }
0x56d: {  	v40 =	vor.u32 $0x7, v4;
	v14 =	vld.idx.msk [tilespmem:v35+s3+$0x0], $0xffff;
	[tilespmem:s23+$0x280] =	vst v18  }
0x56e: {  	v39 =	vor.u32 $0x7, v5;
	v18 =	vld.idx.msk [tilespmem:v37+s3+$0x0], $0xffff  }
0x56f: {  	v41 =	vor.u32 $0x7, v3  }
0x570: {  	[tilespmem:s0+$0x300] =	vst v12  }
0x571: {  	v12 =	vld.idx.msk [tilespmem:v38+s3+$0x0], $0xffff;
	[tilespmem:s5+$0x300] =	vst v16  }
0x572: {  	v42 =	vadd.s32 $0x8, v6;
	v16 =	vld.idx.msk [tilespmem:v40+s3+$0x0], $0xffff;
	[tilespmem:s1+$0x300] =	vst v14  }
0x573: {  	v44 =	vadd.s32 $0x8, v4;
	v14 =	vld.idx.msk [tilespmem:v39+s3+$0x0], $0xffff;
	[tilespmem:s23+$0x300] =	vst v18  }
0x574: {  	v43 =	vadd.s32 $0x8, v5;
	v18 =	vld.idx.msk [tilespmem:v41+s3+$0x0], $0xffff  }
0x575: {  	v45 =	vadd.s32 $0x8, v3  }
0x576: {  	[tilespmem:s0+$0x380] =	vst v12  }
0x577: {  	v12 =	vld.idx.msk [tilespmem:v42+s3+$0x0], $0xffff;
	[tilespmem:s5+$0x380] =	vst v16  }
0x578: {  	v46 =	vadd.s32 $0x9, v6;
	v16 =	vld.idx.msk [tilespmem:v44+s3+$0x0], $0xffff;
	[tilespmem:s1+$0x380] =	vst v14  }
0x579: {  	v48 =	vadd.s32 $0x9, v4;
	v14 =	vld.idx.msk [tilespmem:v43+s3+$0x0], $0xffff;
	[tilespmem:s23+$0x380] =	vst v18  }
0x57a: {  	v47 =	vadd.s32 $0x9, v5;
	v18 =	vld.idx.msk [tilespmem:v45+s3+$0x0], $0xffff  }
0x57b: {  	[tilespmem:s30+$0x2000] =	vst v10;
	v49 =	vadd.s32 $0x9, v3  }
0x57c: {  	v11 =	vld.idx.msk [tilespmem:v11+s3+$0x0], $0xffff;
	[tilespmem:s0+$0x2000] =	vst v12  }
0x57d: {  	v50 =	vadd.s32 $0xA, v2;
	v13 =	vld.idx.msk [tilespmem:v46+s3+$0x0], $0xffff;
	[tilespmem:s5+$0x2000] =	vst v16  }
0x57e: {  	v51 =	vadd.s32 $0xA, v6;
	v17 =	vld.idx.msk [tilespmem:v48+s3+$0x0], $0xffff;
	[tilespmem:s1+$0x2000] =	vst v14  }
0x57f: {  	v53 =	vadd.s32 $0xA, v4;
	v15 =	vld.idx.msk [tilespmem:v47+s3+$0x0], $0xffff;
	[tilespmem:s23+$0x2000] =	vst v18  }
0x580: {  	v52 =	vadd.s32 $0xA, v5;
	v10 =	vld.idx.msk [tilespmem:v49+s3+$0x0], $0xffff  }
0x581: {  	[tilespmem:s30+$0x2080] =	vst v11;
	v54 =	vadd.s32 $0xA, v3  }
0x582: {  	v12 =	vld.idx.msk [tilespmem:v50+s3+$0x0], $0xffff;
	[tilespmem:s0+$0x2080] =	vst v13  }
0x583: {  	v55 =	vadd.s32 $0xB, v2;
	[tilespmem:s5+$0x2080] =	vst v17;
	v14 =	vld.idx.msk [tilespmem:v51+s3+$0x0], $0xffff  }
0x584: {  	v56 =	vadd.s32 $0xB, v6;
	[tilespmem:s1+$0x2080] =	vst v15;
	v18 =	vld.idx.msk [tilespmem:v53+s3+$0x0], $0xffff  }
0x585: {  	v58 =	vadd.s32 $0xB, v4;
	v16 =	vld.idx.msk [tilespmem:v52+s3+$0x0], $0xffff;
	[tilespmem:s23+$0x2080] =	vst v10  }
0x586: {  	v57 =	vadd.s32 $0xB, v5;
	v11 =	vld.idx.msk [tilespmem:v54+s3+$0x0], $0xffff  }
0x587: {  	[tilespmem:s30+$0x2100] =	vst v12;
	v59 =	vadd.s32 $0xB, v3  }
0x588: {  	v13 =	vld.idx.msk [tilespmem:v55+s3+$0x0], $0xffff;
	[tilespmem:s0+$0x2100] =	vst v14  }
0x589: {  	v60 =	vadd.s32 $0xC, v2;
	v15 =	vld.idx.msk [tilespmem:v56+s3+$0x0], $0xffff;
	[tilespmem:s5+$0x2100] =	vst v18  }
0x58a: {  	v61 =	vadd.s32 $0xC, v6;
	[tilespmem:s1+$0x2100] =	vst v16;
	v10 =	vld.idx.msk [tilespmem:v58+s3+$0x0], $0xffff  }
0x58b: {  	v63 =	vadd.s32 $0xC, v4;
	v17 =	vld.idx.msk [tilespmem:v57+s3+$0x0], $0xffff;
	[tilespmem:s23+$0x2100] =	vst v11  }
0x58c: {  	v62 =	vadd.s32 $0xC, v5;
	v12 =	vld.idx.msk [tilespmem:v59+s3+$0x0], $0xffff  }
0x58d: {  	[tilespmem:s30+$0x2180] =	vst v13;
	v21 =	vadd.s32 $0xC, v3  }
0x58e: {  	v14 =	vld.idx.msk [tilespmem:v60+s3+$0x0], $0xffff;
	[tilespmem:s0+$0x2180] =	vst v15  }
0x58f: {  	v22 =	vadd.s32 $0xD, v2;
	v16 =	vld.idx.msk [tilespmem:v61+s3+$0x0], $0xffff;
	[tilespmem:s5+$0x2180] =	vst v10  }
0x590: {  	v23 =	vadd.s32 $0xD, v6;
	[tilespmem:s1+$0x2180] =	vst v17;
	v11 =	vld.idx.msk [tilespmem:v63+s3+$0x0], $0xffff  }
0x591: {  	v25 =	vadd.s32 $0xD, v4;
	v18 =	vld.idx.msk [tilespmem:v62+s3+$0x0], $0xffff;
	[tilespmem:s23+$0x2180] =	vst v12  }
0x592: {  	[tilespmem:s28+$0x4080] =	vst v8;
	v24 =	vadd.s32 $0xD, v5;
	v12 =	vld.idx.msk [tilespmem:v21+s3+$0x0], $0xffff  }
0x593: {  	v26 =	vadd.s32 $0xD, v3;
	[tilespmem:s30+$0x2200] =	vst v14  }
0x594: {  	v14 =	vld.idx.msk [tilespmem:v22+s3+$0x0], $0xffff;
	[tilespmem:s0+$0x2200] =	vst v16  }
0x595: {  	v27 =	vadd.s32 $0xE, v2;
	v16 =	vld.idx.msk [tilespmem:v23+s3+$0x0], $0xffff;
	[tilespmem:s5+$0x2200] =	vst v11  }
0x596: {  	v28 =	vadd.s32 $0xE, v6;
	[tilespmem:s1+$0x2200] =	vst v18;
	v8 =	vld.idx.msk [tilespmem:v25+s3+$0x0], $0xffff  }
0x597: {  	v30 =	vadd.s32 $0xE, v4;
	v10 =	vld.idx.msk [tilespmem:v24+s3+$0x0], $0xffff;
	[tilespmem:s23+$0x2200] =	vst v12  }
0x598: {  	[tilespmem:s29+$0x6180] =	vst v9;
	v29 =	vadd.s32 $0xE, v5;
	v12 =	vld.idx.msk [tilespmem:v26+s3+$0x0], $0xffff  }
0x599: {  	v7 =	vld.idx.msk [tilespmem:v7+s3+$0x0], $0xffff;
	v31 =	vadd.s32 $0xE, v3;
	[tilespmem:s30+$0x2280] =	vst v14  }
0x59a: {  	v32 =	vadd.s32 $0x1C, v1;
	v15 =	vld.idx.msk [tilespmem:v27+s3+$0x0], $0xffff;
	[tilespmem:s0+$0x2280] =	vst v16  }
0x59b: {  	v33 =	vadd.s32 $0xF, v2;
	v17 =	vld.idx.msk [tilespmem:v28+s3+$0x0], $0xffff;
	[tilespmem:s5+$0x2280] =	vst v8  }
0x59c: {  	v34 =	vadd.s32 $0xF, v6;
	[tilespmem:s1+$0x2280] =	vst v10;
	v9 =	vld.idx.msk [tilespmem:v30+s3+$0x0], $0xffff  }
0x59d: {  	v36 =	vadd.s32 $0xF, v4;
	v11 =	vld.idx.msk [tilespmem:v29+s3+$0x0], $0xffff;
	[tilespmem:s23+$0x2280] =	vst v12  }
0x59e: {  	[tilespmem:s28+$0x4100] =	vst v7;
	v35 =	vadd.s32 $0xF, v5;
	v12 =	vld.idx.msk [tilespmem:v31+s3+$0x0], $0xffff  }
0x59f: {  	v38 =	vadd.s32 $0xF, v3;
	v37 =	vld.idx.msk [tilespmem:v32+s3+$0x0], $0xffff;
	[tilespmem:s30+$0x2300] =	vst v15  }
0x5a0: {  	v39 =	vadd.s32 $0x13, v0;
	v16 =	vld.idx.msk [tilespmem:v33+s3+$0x0], $0xffff;
	[tilespmem:s0+$0x2300] =	vst v17  }
0x5a1: {  	v40 =	vadd.s32 $0x10, v2;
	v10 =	vld.idx.msk [tilespmem:v34+s3+$0x0], $0xffff;
	[tilespmem:s5+$0x2300] =	vst v9  }
0x5a2: {  	v41 =	vadd.s32 $0x10, v6;
	[tilespmem:s1+$0x2300] =	vst v11;
	v7 =	vld.idx.msk [tilespmem:v36+s3+$0x0], $0xffff  }
0x5a3: {  	v43 =	vadd.s32 $0x10, v4;
	v8 =	vld.idx.msk [tilespmem:v35+s3+$0x0], $0xffff;
	[tilespmem:s23+$0x2300] =	vst v12  }
0x5a4: {  	v42 =	vadd.s32 $0x10, v5;
	[tilespmem:s29+$0x6200] =	vst v37;
	v44 =	vld.idx.msk [tilespmem:v38+s3+$0x0], $0xffff  }
0x5a5: {  	v46 =	vadd.s32 $0x10, v3;
	v45 =	vld.idx.msk [tilespmem:v39+s3+$0x0], $0xffff;
	[tilespmem:s30+$0x2380] =	vst v16  }
0x5a6: {  	v47 =	vadd.s32 $0x1D, v1;
	v17 =	vld.idx.msk [tilespmem:v40+s3+$0x0], $0xffff;
	[tilespmem:s0+$0x2380] =	vst v10  }
0x5a7: {  	v48 =	vadd.s32 $0x11, v2;
	v11 =	vld.idx.msk [tilespmem:v41+s3+$0x0], $0xffff;
	[tilespmem:s5+$0x2380] =	vst v7  }
0x5a8: {  	v49 =	vadd.s32 $0x11, v6;
	[tilespmem:s1+$0x2380] =	vst v8;
	v12 =	vld.idx.msk [tilespmem:v43+s3+$0x0], $0xffff  }
0x5a9: {  	v51 =	vadd.s32 $0x11, v4;
	v9 =	vld.idx.msk [tilespmem:v42+s3+$0x0], $0xffff;
	[tilespmem:s23+$0x2380] =	vst v44  }
0x5aa: {  	v50 =	vadd.s32 $0x11, v5;
	[tilespmem:s28+$0x4180] =	vst v45;
	v52 =	vld.idx.msk [tilespmem:v46+s3+$0x0], $0xffff  }
0x5ab: {  	v53 =	vld.idx.msk [tilespmem:v47+s3+$0x0], $0xffff;
	v54 =	vadd.s32 $0x11, v3;
	[tilespmem:s30+$0x4000] =	vst v17  }
0x5ac: {  	v55 =	vadd.s32 $0x14, v0;
	v10 =	vld.idx.msk [tilespmem:v48+s3+$0x0], $0xffff;
	[tilespmem:s0+$0x4000] =	vst v11  }
0x5ad: {  	v56 =	vadd.s32 $0x12, v2;
	v8 =	vld.idx.msk [tilespmem:v49+s3+$0x0], $0xffff;
	[tilespmem:s5+$0x4000] =	vst v12  }
0x5ae: {  	v57 =	vadd.s32 $0x12, v6;
	[tilespmem:s1+$0x4000] =	vst v9;
	v13 =	vld.idx.msk [tilespmem:v51+s3+$0x0], $0xffff  }
0x5af: {  	v59 =	vadd.s32 $0x12, v4;
	v7 =	vld.idx.msk [tilespmem:v50+s3+$0x0], $0xffff;
	[tilespmem:s23+$0x4000] =	vst v52  }
0x5b0: {  	[tilespmem:s29+$0x6280] =	vst v53;
	v58 =	vadd.s32 $0x12, v5;
	v60 =	vld.idx.msk [tilespmem:v54+s3+$0x0], $0xffff  }
0x5b1: {  	v61 =	vld.idx.msk [tilespmem:v55+s3+$0x0], $0xffff;
	v62 =	vadd.s32 $0x12, v3;
	[tilespmem:s30+$0x4080] =	vst v10  }
0x5b2: {  	v63 =	vadd.s32 $0x1E, v1;
	v11 =	vld.idx.msk [tilespmem:v56+s3+$0x0], $0xffff;
	[tilespmem:s0+$0x4080] =	vst v8  }
0x5b3: {  	v20 =	vadd.s32 $0x13, v2;
	v9 =	vld.idx.msk [tilespmem:v57+s3+$0x0], $0xffff;
	[tilespmem:s5+$0x4080] =	vst v13  }
0x5b4: {  	v21 =	vadd.s32 $0x13, v6;
	[tilespmem:s1+$0x4080] =	vst v7;
	v14 =	vld.idx.msk [tilespmem:v59+s3+$0x0], $0xffff  }
0x5b5: {  	v23 =	vadd.s32 $0x13, v4;
	v12 =	vld.idx.msk [tilespmem:v58+s3+$0x0], $0xffff;
	[tilespmem:s23+$0x4080] =	vst v60  }
0x5b6: {  	v22 =	vadd.s32 $0x13, v5;
	[tilespmem:s28+$0x4200] =	vst v61;
	v10 =	vld.idx.msk [tilespmem:v62+s3+$0x0], $0xffff  }
0x5b7: {  	v25 =	vadd.s32 $0x13, v3;
	v24 =	vld.idx.msk [tilespmem:v63+s3+$0x0], $0xffff;
	[tilespmem:s30+$0x4100] =	vst v11  }
0x5b8: {  	v33 =	vadd.s32 $0x1F, v1;
	v8 =	vld.idx.msk [tilespmem:v20+s3+$0x0], $0xffff;
	[tilespmem:s0+$0x4100] =	vst v9  }
0x5b9: {  	v27 =	vadd.s32 $0x14, v2;
	v7 =	vld.idx.msk [tilespmem:v21+s3+$0x0], $0xffff;
	[tilespmem:s5+$0x4100] =	vst v14  }
0x5ba: {  	v28 =	vadd.s32 $0x14, v6;
	[tilespmem:s1+$0x4100] =	vst v12;
	v15 =	vld.idx.msk [tilespmem:v23+s3+$0x0], $0xffff  }
0x5bb: {  	v30 =	vadd.s32 $0x14, v4;
	v13 =	vld.idx.msk [tilespmem:v22+s3+$0x0], $0xffff;
	[tilespmem:s23+$0x4100] =	vst v10  }
0x5bc: {  	[tilespmem:s29+$0x6300] =	vst v24;
	v29 =	vadd.s32 $0x14, v5;
	v11 =	vld.idx.msk [tilespmem:v25+s3+$0x0], $0xffff  }
0x5bd: {  	v32 =	vadd.s32 $0x14, v3;
	v1 =	vld.idx.msk [tilespmem:v33+s3+$0x0], $0xffff;
	[tilespmem:s30+$0x4180] =	vst v8  }
0x5be: {  	v26 =	vadd.s32 $0x15, v0;
	v9 =	vld.idx.msk [tilespmem:v27+s3+$0x0], $0xffff;
	[tilespmem:s0+$0x4180] =	vst v7  }
0x5bf: {  	v34 =	vadd.s32 $0x15, v2;
	v12 =	vld.idx.msk [tilespmem:v28+s3+$0x0], $0xffff;
	[tilespmem:s5+$0x4180] =	vst v15  }
0x5c0: {  	v35 =	vadd.s32 $0x15, v6;
	[tilespmem:s1+$0x4180] =	vst v13;
	v10 =	vld.idx.msk [tilespmem:v30+s3+$0x0], $0xffff  }
0x5c1: {  	v37 =	vadd.s32 $0x15, v4;
	v14 =	vld.idx.msk [tilespmem:v29+s3+$0x0], $0xffff;
	[tilespmem:s23+$0x4180] =	vst v11  }
0x5c2: {  	v36 =	vadd.s32 $0x15, v5;
	[tilespmem:s29+$0x6380] =	vst v1;
	v8 =	vld.idx.msk [tilespmem:v32+s3+$0x0], $0xffff  }
0x5c3: {  	v31 =	vld.idx.msk [tilespmem:v26+s3+$0x0], $0xffff;
	v38 =	vadd.s32 $0x15, v3;
	[tilespmem:s30+$0x4200] =	vst v9  }
0x5c4: {  	v39 =	vadd.s32 $0x16, v0;
	v7 =	vld.idx.msk [tilespmem:v34+s3+$0x0], $0xffff;
	[tilespmem:s0+$0x4200] =	vst v12  }
0x5c5: {  	v40 =	vadd.s32 $0x16, v2;
	v13 =	vld.idx.msk [tilespmem:v35+s3+$0x0], $0xffff;
	[tilespmem:s5+$0x4200] =	vst v10  }
0x5c6: {  	v41 =	vadd.s32 $0x16, v6;
	[tilespmem:s1+$0x4200] =	vst v14;
	v11 =	vld.idx.msk [tilespmem:v37+s3+$0x0], $0xffff  }
0x5c7: {  	v43 =	vadd.s32 $0x16, v4;
	v15 =	vld.idx.msk [tilespmem:v36+s3+$0x0], $0xffff;
	[tilespmem:s23+$0x4200] =	vst v8  }
0x5c8: {  	[tilespmem:s28+$0x4280] =	vst v31;
	v42 =	vadd.s32 $0x16, v5;
	v8 =	vld.idx.msk [tilespmem:v38+s3+$0x0], $0xffff  }
0x5c9: {  	v45 =	vadd.s32 $0x16, v3;
	v44 =	vld.idx.msk [tilespmem:v39+s3+$0x0], $0xffff;
	[tilespmem:s30+$0x4280] =	vst v7  }
0x5ca: {  	v46 =	vadd.s32 $0x17, v0;
	v12 =	vld.idx.msk [tilespmem:v40+s3+$0x0], $0xffff;
	[tilespmem:s0+$0x4280] =	vst v13  }
0x5cb: {  	v47 =	vadd.s32 $0x17, v2;
	v14 =	vld.idx.msk [tilespmem:v41+s3+$0x0], $0xffff;
	[tilespmem:s5+$0x4280] =	vst v11  }
0x5cc: {  	v48 =	vadd.s32 $0x17, v6;
	[tilespmem:s1+$0x4280] =	vst v15;
	v1 =	vld.idx.msk [tilespmem:v43+s3+$0x0], $0xffff  }
0x5cd: {  	v50 =	vadd.s32 $0x17, v4;
	v10 =	vld.idx.msk [tilespmem:v42+s3+$0x0], $0xffff;
	[tilespmem:s23+$0x4280] =	vst v8  }
0x5ce: {  	v49 =	vadd.s32 $0x17, v5;
	[tilespmem:s28+$0x4300] =	vst v44;
	v7 =	vld.idx.msk [tilespmem:v45+s3+$0x0], $0xffff  }
0x5cf: {  	v51 =	vadd.s32 $0x17, v3;
	v9 =	vld.idx.msk [tilespmem:v46+s3+$0x0], $0xffff;
	[tilespmem:s30+$0x4300] =	vst v12  }
0x5d0: {  	v52 =	vadd.s32 $0x18, v0;
	v13 =	vld.idx.msk [tilespmem:v47+s3+$0x0], $0xffff;
	[tilespmem:s0+$0x4300] =	vst v14  }
0x5d1: {  	v53 =	vadd.s32 $0x18, v2;
	v15 =	vld.idx.msk [tilespmem:v48+s3+$0x0], $0xffff;
	[tilespmem:s5+$0x4300] =	vst v1  }
0x5d2: {  	v54 =	vadd.s32 $0x18, v6;
	[tilespmem:s1+$0x4300] =	vst v10;
	v8 =	vld.idx.msk [tilespmem:v50+s3+$0x0], $0xffff  }
0x5d3: {  	v56 =	vadd.s32 $0x18, v4;
	v11 =	vld.idx.msk [tilespmem:v49+s3+$0x0], $0xffff;
	[tilespmem:s23+$0x4300] =	vst v7  }
0x5d4: {  	v55 =	vadd.s32 $0x18, v5;
	[tilespmem:s28+$0x4380] =	vst v9;
	v57 =	vld.idx.msk [tilespmem:v51+s3+$0x0], $0xffff  }
0x5d5: {  	v59 =	vadd.s32 $0x18, v3;
	v58 =	vld.idx.msk [tilespmem:v52+s3+$0x0], $0xffff;
	[tilespmem:s30+$0x4380] =	vst v13  }
0x5d6: {  	v60 =	vadd.s32 $0x19, v0;
	v14 =	vld.idx.msk [tilespmem:v53+s3+$0x0], $0xffff;
	[tilespmem:s0+$0x4380] =	vst v15  }
0x5d7: {  	v61 =	vadd.s32 $0x19, v2;
	v10 =	vld.idx.msk [tilespmem:v54+s3+$0x0], $0xffff;
	[tilespmem:s5+$0x4380] =	vst v8  }
0x5d8: {  	v62 =	vadd.s32 $0x19, v6;
	[tilespmem:s1+$0x4380] =	vst v11;
	v7 =	vld.idx.msk [tilespmem:v56+s3+$0x0], $0xffff  }
0x5d9: {  	v20 =	vadd.s32 $0x19, v4;
	v1 =	vld.idx.msk [tilespmem:v55+s3+$0x0], $0xffff;
	[tilespmem:s23+$0x4380] =	vst v57  }
0x5da: {  	v63 =	vadd.s32 $0x19, v5;
	[tilespmem:s28+$0x6000] =	vst v58;
	v21 =	vld.idx.msk [tilespmem:v59+s3+$0x0], $0xffff  }
0x5db: {  	v23 =	vadd.s32 $0x19, v3;
	v22 =	vld.idx.msk [tilespmem:v60+s3+$0x0], $0xffff;
	[tilespmem:s30+$0x6000] =	vst v14  }
0x5dc: {  	v24 =	vadd.s32 $0x1A, v0;
	v15 =	vld.idx.msk [tilespmem:v61+s3+$0x0], $0xffff;
	[tilespmem:s0+$0x6000] =	vst v10  }
0x5dd: {  	v25 =	vadd.s32 $0x1A, v2;
	v11 =	vld.idx.msk [tilespmem:v62+s3+$0x0], $0xffff;
	[tilespmem:s5+$0x6000] =	vst v7  }
0x5de: {  	v26 =	vadd.s32 $0x1A, v6;
	[tilespmem:s1+$0x6000] =	vst v1;
	v9 =	vld.idx.msk [tilespmem:v20+s3+$0x0], $0xffff  }
0x5df: {  	v28 =	vadd.s32 $0x1A, v4;
	v8 =	vld.idx.msk [tilespmem:v63+s3+$0x0], $0xffff;
	[tilespmem:s23+$0x6000] =	vst v21  }
0x5e0: {  	v27 =	vadd.s32 $0x1A, v5;
	[tilespmem:s28+$0x6080] =	vst v22;
	v29 =	vld.idx.msk [tilespmem:v23+s3+$0x0], $0xffff  }
0x5e1: {  	v31 =	vadd.s32 $0x1A, v3;
	v30 =	vld.idx.msk [tilespmem:v24+s3+$0x0], $0xffff;
	[tilespmem:s30+$0x6080] =	vst v15  }
0x5e2: {  	v32 =	vadd.s32 $0x1B, v0;
	v10 =	vld.idx.msk [tilespmem:v25+s3+$0x0], $0xffff;
	[tilespmem:s0+$0x6080] =	vst v11  }
0x5e3: {  	v33 =	vadd.s32 $0x1B, v2;
	v1 =	vld.idx.msk [tilespmem:v26+s3+$0x0], $0xffff;
	[tilespmem:s5+$0x6080] =	vst v9  }
0x5e4: {  	v34 =	vadd.s32 $0x1B, v6;
	[tilespmem:s1+$0x6080] =	vst v8;
	v12 =	vld.idx.msk [tilespmem:v28+s3+$0x0], $0xffff  }
0x5e5: {  	v36 =	vadd.s32 $0x1B, v4;
	v7 =	vld.idx.msk [tilespmem:v27+s3+$0x0], $0xffff;
	[tilespmem:s23+$0x6080] =	vst v29  }
0x5e6: {  	v35 =	vadd.s32 $0x1B, v5;
	[tilespmem:s28+$0x6100] =	vst v30;
	v37 =	vld.idx.msk [tilespmem:v31+s3+$0x0], $0xffff  }
0x5e7: {  	v39 =	vadd.s32 $0x1B, v3;
	v38 =	vld.idx.msk [tilespmem:v32+s3+$0x0], $0xffff;
	[tilespmem:s30+$0x6100] =	vst v10  }
0x5e8: {  	v40 =	vadd.s32 $0x1C, v0;
	v11 =	vld.idx.msk [tilespmem:v33+s3+$0x0], $0xffff;
	[tilespmem:s0+$0x6100] =	vst v1  }
0x5e9: {  	v41 =	vadd.s32 $0x1C, v2;
	v8 =	vld.idx.msk [tilespmem:v34+s3+$0x0], $0xffff;
	[tilespmem:s5+$0x6100] =	vst v12  }
0x5ea: {  	v42 =	vadd.s32 $0x1C, v6;
	[tilespmem:s1+$0x6100] =	vst v7;
	v13 =	vld.idx.msk [tilespmem:v36+s3+$0x0], $0xffff  }
0x5eb: {  	v44 =	vadd.s32 $0x1C, v4;
	v9 =	vld.idx.msk [tilespmem:v35+s3+$0x0], $0xffff;
	[tilespmem:s23+$0x6100] =	vst v37  }
0x5ec: {  	v43 =	vadd.s32 $0x1C, v5;
	[tilespmem:s28+$0x6180] =	vst v38;
	v10 =	vld.idx.msk [tilespmem:v39+s3+$0x0], $0xffff  }
0x5ed: {  	v45 =	vadd.s32 $0x1C, v3;
	v15 =	vld.idx.msk [tilespmem:v40+s3+$0x0], $0xffff;
	[tilespmem:s30+$0x6180] =	vst v11  }
0x5ee: {  	v46 =	vadd.s32 $0x1D, v0;
	v1 =	vld.idx.msk [tilespmem:v41+s3+$0x0], $0xffff;
	[tilespmem:s0+$0x6180] =	vst v8  }
0x5ef: {  	v47 =	vadd.s32 $0x1D, v2;
	v7 =	vld.idx.msk [tilespmem:v42+s3+$0x0], $0xffff;
	[tilespmem:s5+$0x6180] =	vst v13  }
0x5f0: {  	v48 =	vadd.s32 $0x1D, v6;
	[tilespmem:s1+$0x6180] =	vst v9;
	v14 =	vld.idx.msk [tilespmem:v44+s3+$0x0], $0xffff  }
0x5f1: {  	v50 =	vadd.s32 $0x1D, v4;
	v12 =	vld.idx.msk [tilespmem:v43+s3+$0x0], $0xffff;
	[tilespmem:s23+$0x6180] =	vst v10  }
0x5f2: {  	v49 =	vadd.s32 $0x1D, v5;
	[tilespmem:s28+$0x6200] =	vst v15;
	v11 =	vld.idx.msk [tilespmem:v45+s3+$0x0], $0xffff  }
0x5f3: {  	v51 =	vadd.s32 $0x1D, v3;
	v15 =	vld.idx.msk [tilespmem:v46+s3+$0x0], $0xffff;
	[tilespmem:s30+$0x6200] =	vst v1  }
0x5f4: {  	v52 =	vadd.s32 $0x1E, v0;
	v8 =	vld.idx.msk [tilespmem:v47+s3+$0x0], $0xffff;
	[tilespmem:s0+$0x6200] =	vst v7  }
0x5f5: {  	v53 =	vadd.s32 $0x1E, v2;
	v9 =	vld.idx.msk [tilespmem:v48+s3+$0x0], $0xffff;
	[tilespmem:s5+$0x6200] =	vst v14  }
0x5f6: {  	v54 =	vadd.s32 $0x1E, v6;
	[tilespmem:s1+$0x6200] =	vst v12;
	v10 =	vld.idx.msk [tilespmem:v50+s3+$0x0], $0xffff  }
0x5f7: {  	v56 =	vadd.s32 $0x1E, v4;
	v13 =	vld.idx.msk [tilespmem:v49+s3+$0x0], $0xffff;
	[tilespmem:s23+$0x6200] =	vst v11  }
0x5f8: {  	v55 =	vadd.s32 $0x1E, v5;
	[tilespmem:s28+$0x6280] =	vst v15;
	v1 =	vld.idx.msk [tilespmem:v51+s3+$0x0], $0xffff  }
0x5f9: {  	v57 =	vadd.s32 $0x1E, v3;
	v15 =	vld.idx.msk [tilespmem:v52+s3+$0x0], $0xffff;
	[tilespmem:s30+$0x6280] =	vst v8  }
0x5fa: {  	v58 =	vadd.s32 $0x1F, v0;
	v7 =	vld.idx.msk [tilespmem:v53+s3+$0x0], $0xffff;
	[tilespmem:s0+$0x6280] =	vst v9  }
0x5fb: {  	v59 =	vadd.s32 $0x1F, v2;
	v9 =	vld.idx.msk [tilespmem:v54+s3+$0x0], $0xffff;
	[tilespmem:s5+$0x6280] =	vst v10  }
0x5fc: {  	v6 =	vadd.s32 $0x1F, v6;
	[tilespmem:s1+$0x6280] =	vst v13;
	v10 =	vld.idx.msk [tilespmem:v56+s3+$0x0], $0xffff  }
0x5fd: {  	v61 =	vadd.s32 $0x1F, v4;
	v60 =	vld.idx.msk [tilespmem:v55+s3+$0x0], $0xffff;
	[tilespmem:s23+$0x6280] =	vst v1  }
0x5fe: {  	v5 =	vadd.s32 $0x1F, v5;
	[tilespmem:s28+$0x6300] =	vst v15;
	v62 =	vld.idx.msk [tilespmem:v57+s3+$0x0], $0xffff  }
0x5ff: {  	v3 =	vadd.s32 $0x1F, v3;
	v0 =	vld.idx.msk [tilespmem:v58+s3+$0x0], $0xffff;
	[tilespmem:s30+$0x6300] =	vst v7  }
0x600: {  	v2 =	vld.idx.msk [tilespmem:v59+s3+$0x0], $0xffff;
	[tilespmem:s0+$0x6300] =	vst v9  }
0x601: {  	v6 =	vld.idx.msk [tilespmem:v6+s3+$0x0], $0xffff;
	[tilespmem:s5+$0x6300] =	vst v10  }
0x602: {  	[tilespmem:s1+$0x6300] =	vst v60;
	v1 =	vld.idx.msk [tilespmem:v61+s3+$0x0], $0xffff  }
0x603: {  	v5 =	vld.idx.msk [tilespmem:v5+s3+$0x0], $0xffff;
	[tilespmem:s23+$0x6300] =	vst v62  }
0x604: {  	[tilespmem:s28+$0x6380] =	vst v0;
	v63 =	vld.idx.msk [tilespmem:v3+s3+$0x0], $0xffff  }
0x605: {  	[tilespmem:s30+$0x6380] =	vst v2  }
0x606: {  	[tilespmem:s0+$0x6380] =	vst v6  }
0x607: {  	[tilespmem:s5+$0x6380] =	vst v1  }
0x608: {  	[tilespmem:s1+$0x6380] =	vst v5  }
0x609: {  	[tilespmem:s23+$0x6380] =	vst v63  }
0x60a: {  	s2 =	simm.s32 @!p2 $0x1A040;
	s1 =	simm.s32 @!p2 $0x0;
	s0 =	rddreg [dreg:$0x8]  }
.Ltmp10:
0x60b: {  	s31 =	rddreg [dreg:$0xa];
	s0 =	sadd.s32 @!p2 s25, s0;
	(pc) =	sbr.rel @p1 .LBB2_16-.Ltmp10, $4  }
0x60c: {  	[tilespmem:s2], [sflag:$0x2] =	stream.linear.gather @!p2 [hbm4b:s0+s1], $0x400, $0x38;
	[tilespmem:$0x1A440] =	vst v63  }
0x60d: {  	s0 =	sadd.s32 s31, s26  }
0x60e: {  	s11 =	smov.u32 s13;
	s0 =	sshrl.u32 s0, $0x3  }
0x60f: {  	s24 =	sadd.s32 $0x1, s24;
	s1 =	simm.s32 $0x11C40;
	s0 =	sadd.s32 s13, s0  }
0x610: {  	p2 =	seq.s32 s24, $0x19  }
.Ltmp11:
0x611: {  	_ = 	snop;
	(pc) =	sbr.rel @!p2 .LBB2_9-.Ltmp11, $2  }
0x612: {  	_ =	sdelay $0x2  }
0x613: {  	[hbm4b:s0+s3] =	stream.linear.scatter [tilespmem:s1], [sflag:$0x4], $0x6000, $0x38;
	[tilespmem:$0x1A440] =	vst v63  }
0x614: {  	s0 =	simm.s32 $0x3  }
0x615: {  	_ =	swait.ge [sflag:s0], $0x6000  }
.Ltmp12:
0x616: {  	[sflag:s0] =	ssyncset.done $0x0;
	(pc) =	sbr.rel .LBB2_18-.Ltmp12, $4  }
0x617: {  	s31 =	simm.s32 $0x4;
	[sflag:s0] =	ssyncadd.s32 $0xFFFFA000  }
0x618: {  	_ =	swait.ge [sflag:s31], $0x6000  }
0x619: {  	[sflag:s31] =	ssyncset.done $0x0  }
0x61a: {  	s1 =	rddreg [dreg:$0xb];
	[sflag:s31] =	ssyncadd.s32 $0xFFFFA000  }
.LBB2_19:
0x61b: {  	_ =	sfence.sel $0x180000  }
0x61c: {  	[bflag:$0x0] =	sbarrier.arrive $0xFFFF  }
0x61d: {  	_ =	strace $0x90000047  }
0x61e: {  	s0 =	stileid.u32;
	[bflag:$0x2] =	sbarrier.arrive $0xFFFF  }
0x61f: {  	p0 =	sne.s32 s0, $0x0;
	s0 =	rddreg [dreg:$0x2]  }
0x620: {  	s0 =	sadd.s32 @!p0 $0x100000, s0  }
0x621: {  	[sflag:s0] =	ssyncadd.tile.s32 @!p0 $0x1;
	_ =	shalt  }
.Lfunc_end2:
_tile_overlayer_lowered:
.L_overlay_start_2:
0x622: {  	(tag) =	ssettag $0x2  }
0x623: {  	s0 =	rddreg [dreg:$0x0];
	s2 =	stileid.u32  }
0x624: {  	s1 =	rddreg [dreg:$0x1];
	p0 =	sne.s32 s2, $0x0  }
0x625: {  	s3 =	rddreg [dreg:$0x2];
	[bflag:$0x3] =	sbarrier.arrive $0xFFFF;
	s2 =	simm.s32 @!p0 $0x1C05  }
0x626: {  	[timem:s3], [sflag:s2] =	dma.local @!p0 [hbm:s0], s1  }
0x627: {  	s0 =	simm.s32 @!p0 $0x5  }
0x628: {  	_ =	swait.ge @!p0 [sflag:s0], s1  }
0x629: {  	s1 =	ssub.s32 @!p0 $0x0, s1;
	[sflag:s0] =	ssyncset.done @!p0 $0x0  }
0x62a: {  	[sflag:s0] =	ssyncadd.s32 @!p0 s1  }
0x62b: {  	[bflag:$0x3] =	sbarrier.arrive $0xFFFF  }
0x62c: {  	_ =	shalt  }

</sc_bundles>
